<compile_context>
chip_gen: v7x
topology: tpu7x:2x2x1
jax: 0.10.2.dev20260603
libtpu: 0.0.44.dev20260713+nightly
codegen_flags: <defaults>
</compile_context>

<pallas_src>
import functools

import jax
import jax.numpy as jnp
from jax import lax
from jax.experimental import pallas as pl
from jax.experimental.pallas import tpu as pltpu
from jax.experimental.pallas import tpu_sc as plsc

M = 50000
M_PAD = 50176
C = 32
E = 800000
NC = 2
NS = 16
CH = 128
SUB = 25
NO = 16
EPT = CH * SUB * NO
E_PAD = EPT * NS
ROWS_PT = M_PAD // NS
FB = 112
NF = ROWS_PT // FB


def _sc_powers(x_t, sl, dl, vl, su, du, vu):
    mesh = plsc.VectorSubcoreMesh(core_axis_name="c", subcore_axis_name="s")

    @functools.partial(
        pl.kernel,
        out_type=tuple(jax.ShapeDtypeStruct((M_PAD, C), jnp.float32)
                       for _ in range(4)),
        mesh=mesh,
        compiler_params=pltpu.CompilerParams(use_tc_tiling_on_sc=False),
        scratch_types=dict(
            acc=pltpu.VMEM_SHARED((M_PAD, C), jnp.float32),
            src_v=pltpu.VMEM((SUB, CH), jnp.int32),
            dst_v=pltpu.VMEM((SUB, CH), jnp.int32),
            val_v=pltpu.VMEM((SUB, CH), jnp.float32),
            rows_v=pltpu.VMEM((CH, C), jnp.float32),
            zbuf=pltpu.VMEM((FB, C), jnp.float32),
            gsem=pltpu.SemaphoreType.DMA,
        ),
    )
    def run(x_hbm, sl_h, dl_h, vl_h, su_h, du_h, vu_h,
            y1l_h, y2l_h, y1u_h, y2u_h,
            acc, src_v, dst_v, val_v, rows_v, zbuf, gsem):
        cid = lax.axis_index("c")
        sid = lax.axis_index("s")
        base = sid * ROWS_PT
        zv = jnp.zeros((16,), jnp.float32)

        def zfill(i, carry):
            zbuf[i, pl.ds(0, 16)] = zv
            zbuf[i, pl.ds(16, 16)] = zv
            return carry
        lax.fori_loop(0, FB, zfill, 0)

        def zero_acc(i, carry):
            pltpu.sync_copy(zbuf, acc.at[pl.ds(base + i * FB, FB)])
            return carry
        lax.fori_loop(0, NF, zero_acc, 0)
        plsc.subcore_barrier()

        def spmv(xsrc_ref, s_h, d_h, v_h):
            def outer(o, carry):
                pltpu.sync_copy(s_h.at[sid, o], src_v)
                pltpu.sync_copy(d_h.at[sid, o], dst_v)
                pltpu.sync_copy(v_h.at[sid, o], val_v)

                def chunk(j, carry2):
                    pltpu.async_copy(xsrc_ref.at[src_v.at[j]], rows_v,
                                     gsem).wait()

                    def scale(g, carry3):
                        vv = val_v[j, pl.ds(g * 16, 16)]
                        eb = g * 16
                        for e16 in range(16):
                            v = vv[e16]
                            rows_v[eb + e16, pl.ds(0, 16)] = (
                                rows_v[eb + e16, pl.ds(0, 16)] * v)
                            rows_v[eb + e16, pl.ds(16, 16)] = (
                                rows_v[eb + e16, pl.ds(16, 16)] * v)
                        return carry3
                    lax.fori_loop(0, CH // 16, scale, 0)
                    pltpu.sync_copy(rows_v, acc.at[dst_v.at[j]], add=True)
                    return carry2
                lax.fori_loop(0, SUB, chunk, 0)
                return carry
            lax.fori_loop(0, NO, outer, 0)

        def flush(dst_view, rezero):
            pltpu.sync_copy(acc.at[pl.ds(base, ROWS_PT)],
                            dst_view.at[pl.ds(base, ROWS_PT)])
            if rezero:
                def fstep(i, carry):
                    pltpu.sync_copy(zbuf, acc.at[pl.ds(base + i * FB, FB)])
                    return carry
                lax.fori_loop(0, NF, fstep, 0)

        def chain(s_h, d_h, v_h, y1_h, y2_h):
            spmv(x_hbm, s_h, d_h, v_h)
            plsc.subcore_barrier()
            flush(y1_h, rezero=True)
            plsc.subcore_barrier()
            spmv(y1_h, s_h, d_h, v_h)
            plsc.subcore_barrier()
            flush(y2_h, rezero=False)

        @pl.when(cid == 0)
        def _():
            chain(sl_h, dl_h, vl_h, y1l_h, y2l_h)

        @pl.when(cid == 1)
        def _():
            chain(su_h, du_h, vu_h, y1u_h, y2u_h)

    return run(x_t, sl, dl, vl, su, du, vu)


MB = 7168
GRID_M = M_PAD // MB


def _tc_contract(W, x, feats, bias2):
    def body(w_ref, x_ref, f1, f2, f3, f4, b_ref, o_ref):
        acc = lax.dot_general(w_ref[0], x_ref[0], (((1,), (0,)), ((), ())),
                              preferred_element_type=jnp.float32)
        for k, fr in enumerate((f1, f2, f3, f4)):
            acc += lax.dot_general(w_ref[k + 1], fr[...],
                                   (((1,), (1,)), ((), ())),
                                   preferred_element_type=jnp.float32)
        o_ref[0] = acc + b_ref[...]

    fspec = pl.BlockSpec((MB, C), lambda i: (i, 0))
    return pl.pallas_call(
        body,
        grid=(GRID_M,),
        in_specs=[pl.BlockSpec((5, C, C), lambda i: (0, 0, 0)),
                  pl.BlockSpec((1, C, MB), lambda i: (0, 0, i)),
                  fspec, fspec, fspec, fspec,
                  pl.BlockSpec((C, 1), lambda i: (0, 0))],
        out_specs=pl.BlockSpec((1, C, MB), lambda i: (0, 0, i)),
        out_shape=jax.ShapeDtypeStruct((1, C, M), jnp.float32),
    )(W, x, *feats, bias2)


def kernel(Ll_indices, Ll_values, Lu_indices, Lu_values, x, theta, bias):
    x_t = jnp.pad(x[0].T, ((0, M_PAD - M), (0, 0)))

    def prep(ind, vals):
        pad = E_PAD - E
        s = jnp.pad(ind[1], (0, pad)).reshape(NS, NO, SUB, CH)
        d = jnp.pad(ind[0], (0, pad)).reshape(NS, NO, SUB, CH)
        v = jnp.pad(vals, (0, pad)).reshape(NS, NO, SUB, CH)
        return s, d, v

    sl, dl, vl = prep(Ll_indices, Ll_values)
    su, du, vu = prep(Lu_indices, Lu_values)

    y1l, y2l, y1u, y2u = _sc_powers(x_t, sl, dl, vl, su, du, vu)

    W = jnp.stack([theta[:, :, 0] + theta[:, :, 3], theta[:, :, 1],
                   theta[:, :, 2], theta[:, :, 4], theta[:, :, 5]])
    return _tc_contract(W, x, (y1l, y2l, y1u, y2u), bias[0])

# --- scband reference (transcript-rebuilt; emitter-appended) ---
"""Pipeline reference for scband-simplicial-convolution2-57432302682843 (READ-ONLY COPY).

The authoritative reference and input builder live on the scoring server;
editing this copy changes nothing except your own understanding.
"""

import jax, jax.numpy as jnp
import numpy as np

B = 1
C_IN = 32
C_OUT = 32
M = 50000
E = 800000
K1 = 3
K2 = 3


def spmv(indices, values, X):
    # sparse (M x M) @ X along last axis; X: (B, C, M)
    src = indices[1]
    dst = indices[0]
    gathered = jnp.take(X, src, axis=2) * values[None, None, :]
    return jnp.zeros(X.shape, X.dtype).at[:, :, dst].add(gathered)


def assemble_powers(K, indices, values, x):
    # stack [x, Lx, L^2 x, ..., L^{K-1} x] -> (B, C, M, K)
    Xs = [x]
    for _ in range(K - 1):
        Xs.append(spmv(indices, values, Xs[-1]))
    return jnp.stack(Xs, axis=3)


def setup_inputs(seed: int = 0):
    key = jax.random.key(seed)
    ks = jax.random.split(key, 6)
    Ll_indices = jax.random.randint(ks[0], (2, E), 0, M, dtype=jnp.int32)
    Ll_values = jax.random.normal(ks[1], (E,), dtype=jnp.float32) * 0.25
    Lu_indices = jax.random.randint(ks[2], (2, E), 0, M, dtype=jnp.int32)
    Lu_values = jax.random.normal(ks[3], (E,), dtype=jnp.float32) * 0.25
    x = jax.random.normal(ks[4], (B, C_IN, M), dtype=jnp.float32)
    theta = 1.0 * jax.random.normal(ks[5], (C_OUT, C_IN, K1 + K2), dtype=jnp.float32)
    bias = jnp.zeros((1, C_OUT, 1), dtype=jnp.float32)
    return {"Ll_indices": Ll_indices, "Ll_values": Ll_values, "Lu_indices": Lu_indices, "Lu_values": Lu_values, "x": x, "theta": theta, "bias": bias}


def reference(Ll_indices, Ll_values, Lu_indices, Lu_values, x, theta, bias):
    X1 = assemble_powers(K1, Ll_indices, Ll_values, x)
    X2 = assemble_powers(K2, Lu_indices, Lu_values, x)
    X = jnp.concatenate((X1, X2), axis=3)
    y = jnp.einsum('bimk,oik->bom', X, theta)
    return y + bias

if __name__ == "__main__":
    import jax
    _d = setup_inputs()
    print(jax.jit(kernel)(*tuple(_d.values())))

</pallas_src>

<mosaic_0001>
#map = affine_map<(d0, d1) -> (0, 0)>
#map1 = affine_map<(d0, d1) -> (0, 0, 0, 0)>
module attributes {stable_mosaic.version = 14 : i64} {
  func.func @run(%arg0: i32, %arg1: i32, %arg2: memref<50176x32xf32, #tpu.memory_space<hbm>>, %arg3: memref<16x16x25x128xi32, #tpu.memory_space<hbm>>, %arg4: memref<16x16x25x128xi32, #tpu.memory_space<hbm>>, %arg5: memref<16x16x25x128xf32, #tpu.memory_space<hbm>>, %arg6: memref<16x16x25x128xi32, #tpu.memory_space<hbm>>, %arg7: memref<16x16x25x128xi32, #tpu.memory_space<hbm>>, %arg8: memref<16x16x25x128xf32, #tpu.memory_space<hbm>>, %arg9: memref<50176x32xf32, #tpu.memory_space<hbm>>, %arg10: memref<50176x32xf32, #tpu.memory_space<hbm>>, %arg11: memref<50176x32xf32, #tpu.memory_space<hbm>>, %arg12: memref<50176x32xf32, #tpu.memory_space<hbm>>, %arg13: memref<50176x32xf32, #tpu.memory_space<vmem_shared>>, %arg14: memref<25x128xi32, #tpu.memory_space<vmem>>, %arg15: memref<!tpu.dma_semaphore, #tpu.memory_space<semaphore_mem>>, %arg16: memref<128x32xf32, #tpu.memory_space<vmem>>, %arg17: memref<25x128xi32, #tpu.memory_space<vmem>>, %arg18: memref<25x128xf32, #tpu.memory_space<vmem>>, %arg19: memref<112x32xf32, #tpu.memory_space<vmem>>) attributes {dimension_semantics = [#tpu.dimension_semantics<core_parallel>, #tpu.dimension_semantics<subcore_parallel>], iteration_bounds = array<i64: 2, 16>, scalar_prefetch = 0 : i64, scratch_operands = 7 : i64, tpu.core_type = #tpu.core_type<sc_vector_subcore>, window_params = [{transform_indices = #map}, {transform_indices = #map1}, {transform_indices = #map1}, {transform_indices = #map1}, {transform_indices = #map1}, {transform_indices = #map1}, {transform_indices = #map1}, {transform_indices = #map}, {transform_indices = #map}, {transform_indices = #map}, {transform_indices = #map}]} {
    %mul3A = arith.constant 3136 : i32
    %mul3A_0 = arith.muli %arg1, %mul3A : i32
    %broadcast_in_dim3A = arith.constant 0.000000e+00 : f32
    %broadcast_in_dim3A_1 = vector.broadcast %broadcast_in_dim3A : f32 to vector<16xf32>
    %scan3A = arith.constant 0 : i32
    %scan3A_2 = arith.constant 0 : i32
    %scan3A_3 = arith.constant 112 : i32
    %scan3A_4 = arith.addi %scan3A_2, %scan3A_3 : i32
    %scan3A_5 = arith.constant 1 : i32
    scf.for %scan3A_20 = %scan3A_2 to %scan3A_4 step %scan3A_5  : i32 {
      %swap3A = arith.index_cast %scan3A_20 : i32 to index
      %swap3A_21 = arith.constant 0 : index
      %swap3A_22 = tpu.vector_load %arg19[%swap3A, %swap3A_21] {strides = array<i32>} : memref<112x32xf32, #tpu.memory_space<vmem>>, vector<1x16xf32>,
      %swap3A_23 = vector.shape_cast %swap3A_22 : vector<1x16xf32> to vector<16xf32>
      %swap3A_24 = vector.shape_cast %broadcast_in_dim3A_1 : vector<16xf32> to vector<1x16xf32>
      tpu.vector_store %arg19[%swap3A, %swap3A_21], %swap3A_24 {strides = array<i32>} : memref<112x32xf32, #tpu.memory_space<vmem>>, vector<1x16xf32>,
      %swap3A_25 = arith.index_cast %scan3A_20 : i32 to index
      %swap3A_26 = arith.constant 16 : index
      %swap3A_27 = tpu.vector_load %arg19[%swap3A_25, %swap3A_26] {strides = array<i32>} : memref<112x32xf32, #tpu.memory_space<vmem>>, vector<1x16xf32>,
      %swap3A_28 = vector.shape_cast %swap3A_27 : vector<1x16xf32> to vector<16xf32>
      %swap3A_29 = vector.shape_cast %broadcast_in_dim3A_1 : vector<16xf32> to vector<1x16xf32>
      tpu.vector_store %arg19[%swap3A_25, %swap3A_26], %swap3A_29 {strides = array<i32>} : memref<112x32xf32, #tpu.memory_space<vmem>>, vector<1x16xf32>,
    }
    %scan3A_6 = arith.constant 112 : i32
    %scan3A_7 = arith.constant 0 : i32
    %scan3A_8 = arith.constant 0 : i32
    %scan3A_9 = arith.constant 28 : i32
    %scan3A_10 = arith.addi %scan3A_8, %scan3A_9 : i32
    %scan3A_11 = arith.constant 1 : i32
    scf.for %scan3A_20 = %scan3A_8 to %scan3A_10 step %scan3A_11  : i32 {
      %mul3A_21 = arith.constant 112 : i32
      %mul3A_22 = arith.muli %scan3A_20, %mul3A_21 : i32
      %add3A = arith.addi %mul3A_0, %mul3A_22 : i32
      "tpu.region"() ({
        %run_scoped3A = tpu.sem_alloc : memref<!tpu.dma_semaphore, #tpu.memory_space<semaphore_mem>>
        %dma_start3A = arith.constant 0 : i32
        %dma_start3A_23 = tpu.memref_slice %arg13[%add3A, %dma_start3A] : memref<50176x32xf32, #tpu.memory_space<vmem_shared>> -> memref<112x32xf32, #tpu.memory_space<vmem_shared>>
        %dma_start3A_24 = arith.constant 0 : i32
        %dma_start3A_25 = tpu.memref_slice %arg13[%add3A, %dma_start3A_24] : memref<50176x32xf32, #tpu.memory_space<vmem_shared>> -> memref<112x32xf32, #tpu.memory_space<vmem_shared>>
        tpu.enqueue_dma source(%arg19 : memref<112x32xf32, #tpu.memory_space<vmem>>) target(%dma_start3A_25 : memref<112x32xf32, #tpu.memory_space<vmem_shared>>) target_semaphore(%run_scoped3A : memref<!tpu.dma_semaphore, #tpu.memory_space<semaphore_mem>>)
        %dma_wait3A = arith.constant 0 : i32
        %dma_wait3A_26 = tpu.memref_slice %arg13[%add3A, %dma_wait3A] : memref<50176x32xf32, #tpu.memory_space<vmem_shared>> -> memref<112x32xf32, #tpu.memory_space<vmem_shared>>
        %dma_wait3A_27 = arith.constant 0 : i32
        %dma_wait3A_28 = tpu.memref_slice %arg13[%add3A, %dma_wait3A_27] : memref<50176x32xf32, #tpu.memory_space<vmem_shared>> -> memref<112x32xf32, #tpu.memory_space<vmem_shared>>
        tpu.wait_dma2 semaphore(%run_scoped3A : memref<!tpu.dma_semaphore, #tpu.memory_space<semaphore_mem>>) src(%arg19 : memref<112x32xf32, #tpu.memory_space<vmem>>) dst(%dma_wait3A_28 : memref<112x32xf32, #tpu.memory_space<vmem_shared>>)
        tpu.yield
      }) : () -> ()
    }
    %scan3A_12 = arith.constant 28 : i32
    %barrier3A = arith.constant 0 : index
    tpu.barrier barrier_id(%barrier3A)
    %eq3A = arith.constant 0 : i32
    %eq3A_13 = arith.cmpi eq, %arg0, %eq3A : i32
    %convert_element_type3A = arith.extui %eq3A_13 : i1 to i32
    %cond3A = arith.constant 0 : i32
    %cond3A_14 = arith.cmpi ne, %convert_element_type3A, %cond3A : i32
    scf.if %cond3A_14 {
      %scan3A_20 = arith.constant 0 : i32
      %scan3A_21 = arith.constant 0 : i32
      %scan3A_22 = arith.constant 16 : i32
      %scan3A_23 = arith.addi %scan3A_21, %scan3A_22 : i32
      %scan3A_24 = arith.constant 1 : i32
      scf.for %scan3A_41 = %scan3A_21 to %scan3A_23 step %scan3A_24  : i32 {
        "tpu.region"() ({
          %run_scoped3A = tpu.sem_alloc : memref<!tpu.dma_semaphore, #tpu.memory_space<semaphore_mem>>
          %dma_start3A = arith.constant 0 : i32
          %dma_start3A_48 = arith.constant 0 : i32
          %dma_start3A_49 = tpu.memref_slice %arg3[%arg1, %scan3A_41, %dma_start3A, %dma_start3A_48] : memref<16x16x25x128xi32, #tpu.memory_space<hbm>> -> memref<1x1x25x128xi32, #tpu.memory_space<hbm>>
          %dma_start3A_50 = tpu.memref_squeeze %dma_start3A_49 : memref<1x1x25x128xi32, #tpu.memory_space<hbm>> -> memref<25x128xi32, #tpu.memory_space<hbm>>
          %dma_start3A_51 = arith.constant 0 : i32
          %dma_start3A_52 = arith.constant 0 : i32
          %dma_start3A_53 = tpu.memref_slice %arg3[%arg1, %scan3A_41, %dma_start3A_51, %dma_start3A_52] : memref<16x16x25x128xi32, #tpu.memory_space<hbm>> -> memref<1x1x25x128xi32, #tpu.memory_space<hbm>>
          %dma_start3A_54 = tpu.memref_squeeze %dma_start3A_53 : memref<1x1x25x128xi32, #tpu.memory_space<hbm>> -> memref<25x128xi32, #tpu.memory_space<hbm>>
          tpu.enqueue_dma source(%dma_start3A_54 : memref<25x128xi32, #tpu.memory_space<hbm>>) target(%arg17 : memref<25x128xi32, #tpu.memory_space<vmem>>) target_semaphore(%run_scoped3A : memref<!tpu.dma_semaphore, #tpu.memory_space<semaphore_mem>>)
          %dma_wait3A = arith.constant 0 : i32
          %dma_wait3A_55 = arith.constant 0 : i32
          %dma_wait3A_56 = tpu.memref_slice %arg3[%arg1, %scan3A_41, %dma_wait3A, %dma_wait3A_55] : memref<16x16x25x128xi32, #tpu.memory_space<hbm>> -> memref<1x1x25x128xi32, #tpu.memory_space<hbm>>
          %dma_wait3A_57 = tpu.memref_squeeze %dma_wait3A_56 : memref<1x1x25x128xi32, #tpu.memory_space<hbm>> -> memref<25x128xi32, #tpu.memory_space<hbm>>
          %dma_wait3A_58 = arith.constant 0 : i32
          %dma_wait3A_59 = arith.constant 0 : i32
          %dma_wait3A_60 = tpu.memref_slice %arg3[%arg1, %scan3A_41, %dma_wait3A_58, %dma_wait3A_59] : memref<16x16x25x128xi32, #tpu.memory_space<hbm>> -> memref<1x1x25x128xi32, #tpu.memory_space<hbm>>
          %dma_wait3A_61 = tpu.memref_squeeze %dma_wait3A_60 : memref<1x1x25x128xi32, #tpu.memory_space<hbm>> -> memref<25x128xi32, #tpu.memory_space<hbm>>
          tpu.wait_dma2 semaphore(%run_scoped3A : memref<!tpu.dma_semaphore, #tpu.memory_space<semaphore_mem>>) src(%dma_wait3A_61 : memref<25x128xi32, #tpu.memory_space<hbm>>) dst(%arg17 : memref<25x128xi32, #tpu.memory_space<vmem>>)
          tpu.yield
        }) : () -> ()
        "tpu.region"() ({
          %run_scoped3A = tpu.sem_alloc : memref<!tpu.dma_semaphore, #tpu.memory_space<semaphore_mem>>
          %dma_start3A = arith.constant 0 : i32
          %dma_start3A_48 = arith.constant 0 : i32
          %dma_start3A_49 = tpu.memref_slice %arg4[%arg1, %scan3A_41, %dma_start3A, %dma_start3A_48] : memref<16x16x25x128xi32, #tpu.memory_space<hbm>> -> memref<1x1x25x128xi32, #tpu.memory_space<hbm>>
          %dma_start3A_50 = tpu.memref_squeeze %dma_start3A_49 : memref<1x1x25x128xi32, #tpu.memory_space<hbm>> -> memref<25x128xi32, #tpu.memory_space<hbm>>
          %dma_start3A_51 = arith.constant 0 : i32
          %dma_start3A_52 = arith.constant 0 : i32
          %dma_start3A_53 = tpu.memref_slice %arg4[%arg1, %scan3A_41, %dma_start3A_51, %dma_start3A_52] : memref<16x16x25x128xi32, #tpu.memory_space<hbm>> -> memref<1x1x25x128xi32, #tpu.memory_space<hbm>>
          %dma_start3A_54 = tpu.memref_squeeze %dma_start3A_53 : memref<1x1x25x128xi32, #tpu.memory_space<hbm>> -> memref<25x128xi32, #tpu.memory_space<hbm>>
          tpu.enqueue_dma source(%dma_start3A_54 : memref<25x128xi32, #tpu.memory_space<hbm>>) target(%arg14 : memref<25x128xi32, #tpu.memory_space<vmem>>) target_semaphore(%run_scoped3A : memref<!tpu.dma_semaphore, #tpu.memory_space<semaphore_mem>>)
          %dma_wait3A = arith.constant 0 : i32
          %dma_wait3A_55 = arith.constant 0 : i32
          %dma_wait3A_56 = tpu.memref_slice %arg4[%arg1, %scan3A_41, %dma_wait3A, %dma_wait3A_55] : memref<16x16x25x128xi32, #tpu.memory_space<hbm>> -> memref<1x1x25x128xi32, #tpu.memory_space<hbm>>
          %dma_wait3A_57 = tpu.memref_squeeze %dma_wait3A_56 : memref<1x1x25x128xi32, #tpu.memory_space<hbm>> -> memref<25x128xi32, #tpu.memory_space<hbm>>
          %dma_wait3A_58 = arith.constant 0 : i32
          %dma_wait3A_59 = arith.constant 0 : i32
          %dma_wait3A_60 = tpu.memref_slice %arg4[%arg1, %scan3A_41, %dma_wait3A_58, %dma_wait3A_59] : memref<16x16x25x128xi32, #tpu.memory_space<hbm>> -> memref<1x1x25x128xi32, #tpu.memory_space<hbm>>
          %dma_wait3A_61 = tpu.memref_squeeze %dma_wait3A_60 : memref<1x1x25x128xi32, #tpu.memory_space<hbm>> -> memref<25x128xi32, #tpu.memory_space<hbm>>
          tpu.wait_dma2 semaphore(%run_scoped3A : memref<!tpu.dma_semaphore, #tpu.memory_space<semaphore_mem>>) src(%dma_wait3A_61 : memref<25x128xi32, #tpu.memory_space<hbm>>) dst(%arg14 : memref<25x128xi32, #tpu.memory_space<vmem>>)
          tpu.yield
        }) : () -> ()
        "tpu.region"() ({
          %run_scoped3A = tpu.sem_alloc : memref<!tpu.dma_semaphore, #tpu.memory_space<semaphore_mem>>
          %dma_start3A = arith.constant 0 : i32
          %dma_start3A_48 = arith.constant 0 : i32
          %dma_start3A_49 = tpu.memref_slice %arg5[%arg1, %scan3A_41, %dma_start3A, %dma_start3A_48] : memref<16x16x25x128xf32, #tpu.memory_space<hbm>> -> memref<1x1x25x128xf32, #tpu.memory_space<hbm>>
          %dma_start3A_50 = tpu.memref_squeeze %dma_start3A_49 : memref<1x1x25x128xf32, #tpu.memory_space<hbm>> -> memref<25x128xf32, #tpu.memory_space<hbm>>
          %dma_start3A_51 = arith.constant 0 : i32
          %dma_start3A_52 = arith.constant 0 : i32
          %dma_start3A_53 = tpu.memref_slice %arg5[%arg1, %scan3A_41, %dma_start3A_51, %dma_start3A_52] : memref<16x16x25x128xf32, #tpu.memory_space<hbm>> -> memref<1x1x25x128xf32, #tpu.memory_space<hbm>>
          %dma_start3A_54 = tpu.memref_squeeze %dma_start3A_53 : memref<1x1x25x128xf32, #tpu.memory_space<hbm>> -> memref<25x128xf32, #tpu.memory_space<hbm>>
          tpu.enqueue_dma source(%dma_start3A_54 : memref<25x128xf32, #tpu.memory_space<hbm>>) target(%arg18 : memref<25x128xf32, #tpu.memory_space<vmem>>) target_semaphore(%run_scoped3A : memref<!tpu.dma_semaphore, #tpu.memory_space<semaphore_mem>>)
          %dma_wait3A = arith.constant 0 : i32
          %dma_wait3A_55 = arith.constant 0 : i32
          %dma_wait3A_56 = tpu.memref_slice %arg5[%arg1, %scan3A_41, %dma_wait3A, %dma_wait3A_55] : memref<16x16x25x128xf32, #tpu.memory_space<hbm>> -> memref<1x1x25x128xf32, #tpu.memory_space<hbm>>
          %dma_wait3A_57 = tpu.memref_squeeze %dma_wait3A_56 : memref<1x1x25x128xf32, #tpu.memory_space<hbm>> -> memref<25x128xf32, #tpu.memory_space<hbm>>
          %dma_wait3A_58 = arith.constant 0 : i32
          %dma_wait3A_59 = arith.constant 0 : i32
          %dma_wait3A_60 = tpu.memref_slice %arg5[%arg1, %scan3A_41, %dma_wait3A_58, %dma_wait3A_59] : memref<16x16x25x128xf32, #tpu.memory_space<hbm>> -> memref<1x1x25x128xf32, #tpu.memory_space<hbm>>
          %dma_wait3A_61 = tpu.memref_squeeze %dma_wait3A_60 : memref<1x1x25x128xf32, #tpu.memory_space<hbm>> -> memref<25x128xf32, #tpu.memory_space<hbm>>
          tpu.wait_dma2 semaphore(%run_scoped3A : memref<!tpu.dma_semaphore, #tpu.memory_space<semaphore_mem>>) src(%dma_wait3A_61 : memref<25x128xf32, #tpu.memory_space<hbm>>) dst(%arg18 : memref<25x128xf32, #tpu.memory_space<vmem>>)
          tpu.yield
        }) : () -> ()
        %scan3A_42 = arith.constant 0 : i32
        %scan3A_43 = arith.constant 0 : i32
        %scan3A_44 = arith.constant 25 : i32
        %scan3A_45 = arith.addi %scan3A_43, %scan3A_44 : i32
        %scan3A_46 = arith.constant 1 : i32
        scf.for %scan3A_48 = %scan3A_43 to %scan3A_45 step %scan3A_46  : i32 {
          %dma_start3A = arith.constant 0 : i32
          %dma_start3A_49 = tpu.memref_slice %arg17[%scan3A_48, %dma_start3A] : memref<25x128xi32, #tpu.memory_space<vmem>> -> memref<1x128xi32, #tpu.memory_space<vmem>>
          %dma_start3A_50 = tpu.memref_squeeze %dma_start3A_49 : memref<1x128xi32, #tpu.memory_space<vmem>> -> memref<128xi32, #tpu.memory_space<vmem>>
          %dma_start3A_51 = arith.constant 0 : i32
          %dma_start3A_52 = arith.constant 0 : i32
          %dma_start3A_53 = tpu.memref_slice %arg2[%dma_start3A_51, %dma_start3A_52] : memref<50176x32xf32, #tpu.memory_space<hbm>> -> memref<50176x32xf32, #tpu.memory_space<hbm>>
          tpu.enqueue_indirect_dma source(%dma_start3A_53 : memref<50176x32xf32, #tpu.memory_space<hbm>>) target(%arg16 : memref<128x32xf32, #tpu.memory_space<vmem>>) offsets(%dma_start3A_50 : memref<128xi32, #tpu.memory_space<vmem>>) semaphore(%arg15 : memref<!tpu.dma_semaphore, #tpu.memory_space<semaphore_mem>>)
          %dma_wait3A = arith.constant 0 : i32
          %dma_wait3A_54 = tpu.memref_slice %arg17[%scan3A_48, %dma_wait3A] : memref<25x128xi32, #tpu.memory_space<vmem>> -> memref<1x128xi32, #tpu.memory_space<vmem>>
          %dma_wait3A_55 = tpu.memref_squeeze %dma_wait3A_54 : memref<1x128xi32, #tpu.memory_space<vmem>> -> memref<128xi32, #tpu.memory_space<vmem>>
          %dma_wait3A_56 = arith.constant 0 : i32
          %dma_wait3A_57 = arith.constant 0 : i32
          %dma_wait3A_58 = tpu.memref_slice %arg2[%dma_wait3A_56, %dma_wait3A_57] : memref<50176x32xf32, #tpu.memory_space<hbm>> -> memref<50176x32xf32, #tpu.memory_space<hbm>>
          tpu.wait_indirect_dma semaphore(%arg15 : memref<!tpu.dma_semaphore, #tpu.memory_space<semaphore_mem>>) src(%dma_wait3A_58 : memref<50176x32xf32, #tpu.memory_space<hbm>>) dst(%arg16 : memref<128x32xf32, #tpu.memory_space<vmem>>)
          %scan3A_59 = arith.constant 0 : i32
          %scan3A_60 = arith.constant 0 : i32
          %scan3A_61 = arith.constant 8 : i32
          %scan3A_62 = arith.addi %scan3A_60, %scan3A_61 : i32
          %scan3A_63 = arith.constant 1 : i32
          scf.for %scan3A_65 = %scan3A_60 to %scan3A_62 step %scan3A_63  : i32 {
            %mul3A_66 = arith.constant 16 : i32
            %mul3A_67 = arith.muli %scan3A_65, %mul3A_66 : i32
            %get3A = arith.index_cast %scan3A_48 : i32 to index
            %get3A_68 = arith.index_cast %mul3A_67 : i32 to index
            %get3A_69 = tpu.vector_load %arg18[%get3A, %get3A_68] {strides = array<i32>} : memref<25x128xf32, #tpu.memory_space<vmem>>, vector<1x16xf32>,
            %get3A_70 = vector.shape_cast %get3A_69 : vector<1x16xf32> to vector<16xf32>
            %mul3A_71 = arith.constant 16 : i32
            %mul3A_72 = arith.muli %scan3A_65, %mul3A_71 : i32
            %slice3A = vector.extract_strided_slice %get3A_70 {offsets = [0], sizes = [1], strides = [1]} : vector<16xf32> to vector<1xf32>
            %squeeze3A = vector.extract %slice3A[0] : f32 from vector<1xf32>
            %add3A = arith.constant 0 : i32
            %add3A_73 = arith.addi %mul3A_72, %add3A : i32
            %get3A_74 = arith.index_cast %add3A_73 : i32 to index
            %get3A_75 = arith.constant 0 : index
            %get3A_76 = tpu.vector_load %arg16[%get3A_74, %get3A_75] {strides = array<i32>} : memref<128x32xf32, #tpu.memory_space<vmem>>, vector<1x16xf32>,
            %get3A_77 = vector.shape_cast %get3A_76 : vector<1x16xf32> to vector<16xf32>
            %mul3A_78 = vector.broadcast %squeeze3A : f32 to vector<16xf32>
            %mul3A_79 = arith.mulf %get3A_77, %mul3A_78 : vector<16xf32>
            %add3A_80 = arith.constant 0 : i32
            %add3A_81 = arith.addi %mul3A_72, %add3A_80 : i32
            %swap3A = arith.index_cast %add3A_81 : i32 to index
            %swap3A_82 = arith.constant 0 : index
            %swap3A_83 = tpu.vector_load %arg16[%swap3A, %swap3A_82] {strides = array<i32>} : memref<128x32xf32, #tpu.memory_space<vmem>>, vector<1x16xf32>,
            %swap3A_84 = vector.shape_cast %swap3A_83 : vector<1x16xf32> to vector<16xf32>
            %swap3A_85 = vector.shape_cast %mul3A_79 : vector<16xf32> to vector<1x16xf32>
            tpu.vector_store %arg16[%swap3A, %swap3A_82], %swap3A_85 {strides = array<i32>} : memref<128x32xf32, #tpu.memory_space<vmem>>, vector<1x16xf32>,
            %add3A_86 = arith.constant 0 : i32
            %add3A_87 = arith.addi %mul3A_72, %add3A_86 : i32
            %get3A_88 = arith.index_cast %add3A_87 : i32 to index
            %get3A_89 = arith.constant 16 : index
            %get3A_90 = tpu.vector_load %arg16[%get3A_88, %get3A_89] {strides = array<i32>} : memref<128x32xf32, #tpu.memory_space<vmem>>, vector<1x16xf32>,
            %get3A_91 = vector.shape_cast %get3A_90 : vector<1x16xf32> to vector<16xf32>
            %mul3A_92 = vector.broadcast %squeeze3A : f32 to vector<16xf32>
            %mul3A_93 = arith.mulf %get3A_91, %mul3A_92 : vector<16xf32>
            %add3A_94 = arith.constant 0 : i32
            %add3A_95 = arith.addi %mul3A_72, %add3A_94 : i32
            %swap3A_96 = arith.index_cast %add3A_95 : i32 to index
            %swap3A_97 = arith.constant 16 : index
            %swap3A_98 = tpu.vector_load %arg16[%swap3A_96, %swap3A_97] {strides = array<i32>} : memref<128x32xf32, #tpu.memory_space<vmem>>, vector<1x16xf32>,
            %swap3A_99 = vector.shape_cast %swap3A_98 : vector<1x16xf32> to vector<16xf32>
            %swap3A_100 = vector.shape_cast %mul3A_93 : vector<16xf32> to vector<1x16xf32>
            tpu.vector_store %arg16[%swap3A_96, %swap3A_97], %swap3A_100 {strides = array<i32>} : memref<128x32xf32, #tpu.memory_space<vmem>>, vector<1x16xf32>,
            %slice3A_101 = vector.extract_strided_slice %get3A_70 {offsets = [1], sizes = [1], strides = [1]} : vector<16xf32> to vector<1xf32>
            %squeeze3A_102 = vector.extract %slice3A_101[0] : f32 from vector<1xf32>
            %add3A_103 = arith.constant 1 : i32
            %add3A_104 = arith.addi %mul3A_72, %add3A_103 : i32
            %get3A_105 = arith.index_cast %add3A_104 : i32 to index
            %get3A_106 = arith.constant 0 : index
            %get3A_107 = tpu.vector_load %arg16[%get3A_105, %get3A_106] {strides = array<i32>} : memref<128x32xf32, #tpu.memory_space<vmem>>, vector<1x16xf32>,
            %get3A_108 = vector.shape_cast %get3A_107 : vector<1x16xf32> to vector<16xf32>
            %mul3A_109 = vector.broadcast %squeeze3A_102 : f32 to vector<16xf32>
            %mul3A_110 = arith.mulf %get3A_108, %mul3A_109 : vector<16xf32>
            %add3A_111 = arith.constant 1 : i32
            %add3A_112 = arith.addi %mul3A_72, %add3A_111 : i32
            %swap3A_113 = arith.index_cast %add3A_112 : i32 to index
            %swap3A_114 = arith.constant 0 : index
            %swap3A_115 = tpu.vector_load %arg16[%swap3A_113, %swap3A_114] {strides = array<i32>} : memref<128x32xf32, #tpu.memory_space<vmem>>, vector<1x16xf32>,
            %swap3A_116 = vector.shape_cast %swap3A_115 : vector<1x16xf32> to vector<16xf32>
            %swap3A_117 = vector.shape_cast %mul3A_110 : vector<16xf32> to vector<1x16xf32>
            tpu.vector_store %arg16[%swap3A_113, %swap3A_114], %swap3A_117 {strides = array<i32>} : memref<128x32xf32, #tpu.memory_space<vmem>>, vector<1x16xf32>,
            %add3A_118 = arith.constant 1 : i32
            %add3A_119 = arith.addi %mul3A_72, %add3A_118 : i32
            %get3A_120 = arith.index_cast %add3A_119 : i32 to index
            %get3A_121 = arith.constant 16 : index
            %get3A_122 = tpu.vector_load %arg16[%get3A_120, %get3A_121] {strides = array<i32>} : memref<128x32xf32, #tpu.memory_space<vmem>>, vector<1x16xf32>,
            %get3A_123 = vector.shape_cast %get3A_122 : vector<1x16xf32> to vector<16xf32>
            %mul3A_124 = vector.broadcast %squeeze3A_102 : f32 to vector<16xf32>
            %mul3A_125 = arith.mulf %get3A_123, %mul3A_124 : vector<16xf32>
            %add3A_126 = arith.constant 1 : i32
            %add3A_127 = arith.addi %mul3A_72, %add3A_126 : i32
            %swap3A_128 = arith.index_cast %add3A_127 : i32 to index
            %swap3A_129 = arith.constant 16 : index
            %swap3A_130 = tpu.vector_load %arg16[%swap3A_128, %swap3A_129] {strides = array<i32>} : memref<128x32xf32, #tpu.memory_space<vmem>>, vector<1x16xf32>,
            %swap3A_131 = vector.shape_cast %swap3A_130 : vector<1x16xf32> to vector<16xf32>
            %swap3A_132 = vector.shape_cast %mul3A_125 : vector<16xf32> to vector<1x16xf32>
            tpu.vector_store %arg16[%swap3A_128, %swap3A_129], %swap3A_132 {strides = array<i32>} : memref<128x32xf32, #tpu.memory_space<vmem>>, vector<1x16xf32>,
            %slice3A_133 = vector.extract_strided_slice %get3A_70 {offsets = [2], sizes = [1], strides = [1]} : vector<16xf32> to vector<1xf32>
            %squeeze3A_134 = vector.extract %slice3A_133[0] : f32 from vector<1xf32>
            %add3A_135 = arith.constant 2 : i32
            %add3A_136 = arith.addi %mul3A_72, %add3A_135 : i32
            %get3A_137 = arith.index_cast %add3A_136 : i32 to index
            %get3A_138 = arith.constant 0 : index
            %get3A_139 = tpu.vector_load %arg16[%get3A_137, %get3A_138] {strides = array<i32>} : memref<128x32xf32, #tpu.memory_space<vmem>>, vector<1x16xf32>,
            %get3A_140 = vector.shape_cast %get3A_139 : vector<1x16xf32> to vector<16xf32>
            %mul3A_141 = vector.broadcast %squeeze3A_134 : f32 to vector<16xf32>
            %mul3A_142 = arith.mulf %get3A_140, %mul3A_141 : vector<16xf32>
            %add3A_143 = arith.constant 2 : i32
            %add3A_144 = arith.addi %mul3A_72, %add3A_143 : i32
            %swap3A_145 = arith.index_cast %add3A_144 : i32 to index
            %swap3A_146 = arith.constant 0 : index
            %swap3A_147 = tpu.vector_load %arg16[%swap3A_145, %swap3A_146] {strides = array<i32>} : memref<128x32xf32, #tpu.memory_space<vmem>>, vector<1x16xf32>,
            %swap3A_148 = vector.shape_cast %swap3A_147 : vector<1x16xf32> to vector<16xf32>
            %swap3A_149 = vector.shape_cast %mul3A_142 : vector<16xf32> to vector<1x16xf32>
            tpu.vector_store %arg16[%swap3A_145, %swap3A_146], %swap3A_149 {strides = array<i32>} : memref<128x32xf32, #tpu.memory_space<vmem>>, vector<1x16xf32>,
            %add3A_150 = arith.constant 2 : i32
            %add3A_151 = arith.addi %mul3A_72, %add3A_150 : i32
            %get3A_152 = arith.index_cast %add3A_151 : i32 to index
            %get3A_153 = arith.constant 16 : index
            %get3A_154 = tpu.vector_load %arg16[%get3A_152, %get3A_153] {strides = array<i32>} : memref<128x32xf32, #tpu.memory_space<vmem>>, vector<1x16xf32>,
            %get3A_155 = vector.shape_cast %get3A_154 : vector<1x16xf32> to vector<16xf32>
            %mul3A_156 = vector.broadcast %squeeze3A_134 : f32 to vector<16xf32>
            %mul3A_157 = arith.mulf %get3A_155, %mul3A_156 : vector<16xf32>
            %add3A_158 = arith.constant 2 : i32
            %add3A_159 = arith.addi %mul3A_72, %add3A_158 : i32
            %swap3A_160 = arith.index_cast %add3A_159 : i32 to index
            %swap3A_161 = arith.constant 16 : index
            %swap3A_162 = tpu.vector_load %arg16[%swap3A_160, %swap3A_161] {strides = array<i32>} : memref<128x32xf32, #tpu.memory_space<vmem>>, vector<1x16xf32>,
            %swap3A_163 = vector.shape_cast %swap3A_162 : vector<1x16xf32> to vector<16xf32>
            %swap3A_164 = vector.shape_cast %mul3A_157 : vector<16xf32> to vector<1x16xf32>
            tpu.vector_store %arg16[%swap3A_160, %swap3A_161], %swap3A_164 {strides = array<i32>} : memref<128x32xf32, #tpu.memory_space<vmem>>, vector<1x16xf32>,
            %slice3A_165 = vector.extract_strided_slice %get3A_70 {offsets = [3], sizes = [1], strides = [1]} : vector<16xf32> to vector<1xf32>
            %squeeze3A_166 = vector.extract %slice3A_165[0] : f32 from vector<1xf32>
            %add3A_167 = arith.constant 3 : i32
            %add3A_168 = arith.addi %mul3A_72, %add3A_167 : i32
            %get3A_169 = arith.index_cast %add3A_168 : i32 to index
            %get3A_170 = arith.constant 0 : index
            %get3A_171 = tpu.vector_load %arg16[%get3A_169, %get3A_170] {strides = array<i32>} : memref<128x32xf32, #tpu.memory_space<vmem>>, vector<1x16xf32>,
            %get3A_172 = vector.shape_cast %get3A_171 : vector<1x16xf32> to vector<16xf32>
            %mul3A_173 = vector.broadcast %squeeze3A_166 : f32 to vector<16xf32>
            %mul3A_174 = arith.mulf %get3A_172, %mul3A_173 : vector<16xf32>
            %add3A_175 = arith.constant 3 : i32
            %add3A_176 = arith.addi %mul3A_72, %add3A_175 : i32
            %swap3A_177 = arith.index_cast %add3A_176 : i32 to index
            %swap3A_178 = arith.constant 0 : index
            %swap3A_179 = tpu.vector_load %arg16[%swap3A_177, %swap3A_178] {strides = array<i32>} : memref<128x32xf32, #tpu.memory_space<vmem>>, vector<1x16xf32>,
            %swap3A_180 = vector.shape_cast %swap3A_179 : vector<1x16xf32> to vector<16xf32>
            %swap3A_181 = vector.shape_cast %mul3A_174 : vector<16xf32> to vector<1x16xf32>
            tpu.vector_store %arg16[%swap3A_177, %swap3A_178], %swap3A_181 {strides = array<i32>} : memref<128x32xf32, #tpu.memory_space<vmem>>, vector<1x16xf32>,
            %add3A_182 = arith.constant 3 : i32
            %add3A_183 = arith.addi %mul3A_72, %add3A_182 : i32
            %get3A_184 = arith.index_cast %add3A_183 : i32 to index
            %get3A_185 = arith.constant 16 : index
            %get3A_186 = tpu.vector_load %arg16[%get3A_184, %get3A_185] {strides = array<i32>} : memref<128x32xf32, #tpu.memory_space<vmem>>, vector<1x16xf32>,
            %get3A_187 = vector.shape_cast %get3A_186 : vector<1x16xf32> to vector<16xf32>
            %mul3A_188 = vector.broadcast %squeeze3A_166 : f32 to vector<16xf32>
            %mul3A_189 = arith.mulf %get3A_187, %mul3A_188 : vector<16xf32>
            %add3A_190 = arith.constant 3 : i32
            %add3A_191 = arith.addi %mul3A_72, %add3A_190 : i32
            %swap3A_192 = arith.index_cast %add3A_191 : i32 to index
            %swap3A_193 = arith.constant 16 : index
            %swap3A_194 = tpu.vector_load %arg16[%swap3A_192, %swap3A_193] {strides = array<i32>} : memref<128x32xf32, #tpu.memory_space<vmem>>, vector<1x16xf32>,
            %swap3A_195 = vector.shape_cast %swap3A_194 : vector<1x16xf32> to vector<16xf32>
            %swap3A_196 = vector.shape_cast %mul3A_189 : vector<16xf32> to vector<1x16xf32>
            tpu.vector_store %arg16[%swap3A_192, %swap3A_193], %swap3A_196 {strides = array<i32>} : memref<128x32xf32, #tpu.memory_space<vmem>>, vector<1x16xf32>,
            %slice3A_197 = vector.extract_strided_slice %get3A_70 {offsets = [4], sizes = [1], strides = [1]} : vector<16xf32> to vector<1xf32>
            %squeeze3A_198 = vector.extract %slice3A_197[0] : f32 from vector<1xf32>
            %add3A_199 = arith.constant 4 : i32
            %add3A_200 = arith.addi %mul3A_72, %add3A_199 : i32
            %get3A_201 = arith.index_cast %add3A_200 : i32 to index
            %get3A_202 = arith.constant 0 : index
            %get3A_203 = tpu.vector_load %arg16[%get3A_201, %get3A_202] {strides = array<i32>} : memref<128x32xf32, #tpu.memory_space<vmem>>, vector<1x16xf32>,
            %get3A_204 = vector.shape_cast %get3A_203 : vector<1x16xf32> to vector<16xf32>
            %mul3A_205 = vector.broadcast %squeeze3A_198 : f32 to vector<16xf32>
            %mul3A_206 = arith.mulf %get3A_204, %mul3A_205 : vector<16xf32>
            %add3A_207 = arith.constant 4 : i32
            %add3A_208 = arith.addi %mul3A_72, %add3A_207 : i32
            %swap3A_209 = arith.index_cast %add3A_208 : i32 to index
            %swap3A_210 = arith.constant 0 : index
            %swap3A_211 = tpu.vector_load %arg16[%swap3A_209, %swap3A_210] {strides = array<i32>} : memref<128x32xf32, #tpu.memory_space<vmem>>, vector<1x16xf32>,
            %swap3A_212 = vector.shape_cast %swap3A_211 : vector<1x16xf32> to vector<16xf32>
            %swap3A_213 = vector.shape_cast %mul3A_206 : vector<16xf32> to vector<1x16xf32>
            tpu.vector_store %arg16[%swap3A_209, %swap3A_210], %swap3A_213 {strides = array<i32>} : memref<128x32xf32, #tpu.memory_space<vmem>>, vector<1x16xf32>,
            %add3A_214 = arith.constant 4 : i32
            %add3A_215 = arith.addi %mul3A_72, %add3A_214 : i32
            %get3A_216 = arith.index_cast %add3A_215 : i32 to index
            %get3A_217 = arith.constant 16 : index
            %get3A_218 = tpu.vector_load %arg16[%get3A_216, %get3A_217] {strides = array<i32>} : memref<128x32xf32, #tpu.memory_space<vmem>>, vector<1x16xf32>,
            %get3A_219 = vector.shape_cast %get3A_218 : vector<1x16xf32> to vector<16xf32>
            %mul3A_220 = vector.broadcast %squeeze3A_198 : f32 to vector<16xf32>
            %mul3A_221 = arith.mulf %get3A_219, %mul3A_220 : vector<16xf32>
            %add3A_222 = arith.constant 4 : i32
            %add3A_223 = arith.addi %mul3A_72, %add3A_222 : i32
            %swap3A_224 = arith.index_cast %add3A_223 : i32 to index
            %swap3A_225 = arith.constant 16 : index
            %swap3A_226 = tpu.vector_load %arg16[%swap3A_224, %swap3A_225] {strides = array<i32>} : memref<128x32xf32, #tpu.memory_space<vmem>>, vector<1x16xf32>,
            %swap3A_227 = vector.shape_cast %swap3A_226 : vector<1x16xf32> to vector<16xf32>
            %swap3A_228 = vector.shape_cast %mul3A_221 : vector<16xf32> to vector<1x16xf32>
            tpu.vector_store %arg16[%swap3A_224, %swap3A_225], %swap3A_228 {strides = array<i32>} : memref<128x32xf32, #tpu.memory_space<vmem>>, vector<1x16xf32>,
            %slice3A_229 = vector.extract_strided_slice %get3A_70 {offsets = [5], sizes = [1], strides = [1]} : vector<16xf32> to vector<1xf32>
            %squeeze3A_230 = vector.extract %slice3A_229[0] : f32 from vector<1xf32>
            %add3A_231 = arith.constant 5 : i32
            %add3A_232 = arith.addi %mul3A_72, %add3A_231 : i32
            %get3A_233 = arith.index_cast %add3A_232 : i32 to index
            %get3A_234 = arith.constant 0 : index
            %get3A_235 = tpu.vector_load %arg16[%get3A_233, %get3A_234] {strides = array<i32>} : memref<128x32xf32, #tpu.memory_space<vmem>>, vector<1x16xf32>,
            %get3A_236 = vector.shape_cast %get3A_235 : vector<1x16xf32> to vector<16xf32>
            %mul3A_237 = vector.broadcast %squeeze3A_230 : f32 to vector<16xf32>
            %mul3A_238 = arith.mulf %get3A_236, %mul3A_237 : vector<16xf32>
            %add3A_239 = arith.constant 5 : i32
            %add3A_240 = arith.addi %mul3A_72, %add3A_239 : i32
            %swap3A_241 = arith.index_cast %add3A_240 : i32 to index
            %swap3A_242 = arith.constant 0 : index
            %swap3A_243 = tpu.vector_load %arg16[%swap3A_241, %swap3A_242] {strides = array<i32>} : memref<128x32xf32, #tpu.memory_space<vmem>>, vector<1x16xf32>,
            %swap3A_244 = vector.shape_cast %swap3A_243 : vector<1x16xf32> to vector<16xf32>
            %swap3A_245 = vector.shape_cast %mul3A_238 : vector<16xf32> to vector<1x16xf32>
            tpu.vector_store %arg16[%swap3A_241, %swap3A_242], %swap3A_245 {strides = array<i32>} : memref<128x32xf32, #tpu.memory_space<vmem>>, vector<1x16xf32>,
            %add3A_246 = arith.constant 5 : i32
            %add3A_247 = arith.addi %mul3A_72, %add3A_246 : i32
            %get3A_248 = arith.index_cast %add3A_247 : i32 to index
            %get3A_249 = arith.constant 16 : index
            %get3A_250 = tpu.vector_load %arg16[%get3A_248, %get3A_249] {strides = array<i32>} : memref<128x32xf32, #tpu.memory_space<vmem>>, vector<1x16xf32>,
            %get3A_251 = vector.shape_cast %get3A_250 : vector<1x16xf32> to vector<16xf32>
            %mul3A_252 = vector.broadcast %squeeze3A_230 : f32 to vector<16xf32>
            %mul3A_253 = arith.mulf %get3A_251, %mul3A_252 : vector<16xf32>
            %add3A_254 = arith.constant 5 : i32
            %add3A_255 = arith.addi %mul3A_72, %add3A_254 : i32
            %swap3A_256 = arith.index_cast %add3A_255 : i32 to index
            %swap3A_257 = arith.constant 16 : index
            %swap3A_258 = tpu.vector_load %arg16[%swap3A_256, %swap3A_257] {strides = array<i32>} : memref<128x32xf32, #tpu.memory_space<vmem>>, vector<1x16xf32>,
            %swap3A_259 = vector.shape_cast %swap3A_258 : vector<1x16xf32> to vector<16xf32>
            %swap3A_260 = vector.shape_cast %mul3A_253 : vector<16xf32> to vector<1x16xf32>
            tpu.vector_store %arg16[%swap3A_256, %swap3A_257], %swap3A_260 {strides = array<i32>} : memref<128x32xf32, #tpu.memory_space<vmem>>, vector<1x16xf32>,
            %slice3A_261 = vector.extract_strided_slice %get3A_70 {offsets = [6], sizes = [1], strides = [1]} : vector<16xf32> to vector<1xf32>
            %squeeze3A_262 = vector.extract %slice3A_261[0] : f32 from vector<1xf32>
            %add3A_263 = arith.constant 6 : i32
            %add3A_264 = arith.addi %mul3A_72, %add3A_263 : i32
            %get3A_265 = arith.index_cast %add3A_264 : i32 to index
            %get3A_266 = arith.constant 0 : index
            %get3A_267 = tpu.vector_load %arg16[%get3A_265, %get3A_266] {strides = array<i32>} : memref<128x32xf32, #tpu.memory_space<vmem>>, vector<1x16xf32>,
            %get3A_268 = vector.shape_cast %get3A_267 : vector<1x16xf32> to vector<16xf32>
            %mul3A_269 = vector.broadcast %squeeze3A_262 : f32 to vector<16xf32>
            %mul3A_270 = arith.mulf %get3A_268, %mul3A_269 : vector<16xf32>
            %add3A_271 = arith.constant 6 : i32
            %add3A_272 = arith.addi %mul3A_72, %add3A_271 : i32
            %swap3A_273 = arith.index_cast %add3A_272 : i32 to index
            %swap3A_274 = arith.constant 0 : index
            %swap3A_275 = tpu.vector_load %arg16[%swap3A_273, %swap3A_274] {strides = array<i32>} : memref<128x32xf32, #tpu.memory_space<vmem>>, vector<1x16xf32>,
            %swap3A_276 = vector.shape_cast %swap3A_275 : vector<1x16xf32> to vector<16xf32>
            %swap3A_277 = vector.shape_cast %mul3A_270 : vector<16xf32> to vector<1x16xf32>
            tpu.vector_store %arg16[%swap3A_273, %swap3A_274], %swap3A_277 {strides = array<i32>} : memref<128x32xf32, #tpu.memory_space<vmem>>, vector<1x16xf32>,
            %add3A_278 = arith.constant 6 : i32
            %add3A_279 = arith.addi %mul3A_72, %add3A_278 : i32
            %get3A_280 = arith.index_cast %add3A_279 : i32 to index
            %get3A_281 = arith.constant 16 : index
            %get3A_282 = tpu.vector_load %arg16[%get3A_280, %get3A_281] {strides = array<i32>} : memref<128x32xf32, #tpu.memory_space<vmem>>, vector<1x16xf32>,
            %get3A_283 = vector.shape_cast %get3A_282 : vector<1x16xf32> to vector<16xf32>
            %mul3A_284 = vector.broadcast %squeeze3A_262 : f32 to vector<16xf32>
            %mul3A_285 = arith.mulf %get3A_283, %mul3A_284 : vector<16xf32>
            %add3A_286 = arith.constant 6 : i32
            %add3A_287 = arith.addi %mul3A_72, %add3A_286 : i32
            %swap3A_288 = arith.index_cast %add3A_287 : i32 to index
            %swap3A_289 = arith.constant 16 : index
            %swap3A_290 = tpu.vector_load %arg16[%swap3A_288, %swap3A_289] {strides = array<i32>} : memref<128x32xf32, #tpu.memory_space<vmem>>, vector<1x16xf32>,
            %swap3A_291 = vector.shape_cast %swap3A_290 : vector<1x16xf32> to vector<16xf32>
            %swap3A_292 = vector.shape_cast %mul3A_285 : vector<16xf32> to vector<1x16xf32>
            tpu.vector_store %arg16[%swap3A_288, %swap3A_289], %swap3A_292 {strides = array<i32>} : memref<128x32xf32, #tpu.memory_space<vmem>>, vector<1x16xf32>,
            %slice3A_293 = vector.extract_strided_slice %get3A_70 {offsets = [7], sizes = [1], strides = [1]} : vector<16xf32> to vector<1xf32>
            %squeeze3A_294 = vector.extract %slice3A_293[0] : f32 from vector<1xf32>
            %add3A_295 = arith.constant 7 : i32
            %add3A_296 = arith.addi %mul3A_72, %add3A_295 : i32
            %get3A_297 = arith.index_cast %add3A_296 : i32 to index
            %get3A_298 = arith.constant 0 : index
            %get3A_299 = tpu.vector_load %arg16[%get3A_297, %get3A_298] {strides = array<i32>} : memref<128x32xf32, #tpu.memory_space<vmem>>, vector<1x16xf32>,
            %get3A_300 = vector.shape_cast %get3A_299 : vector<1x16xf32> to vector<16xf32>
            %mul3A_301 = vector.broadcast %squeeze3A_294 : f32 to vector<16xf32>
            %mul3A_302 = arith.mulf %get3A_300, %mul3A_301 : vector<16xf32>
            %add3A_303 = arith.constant 7 : i32
            %add3A_304 = arith.addi %mul3A_72, %add3A_303 : i32
            %swap3A_305 = arith.index_cast %add3A_304 : i32 to index
            %swap3A_306 = arith.constant 0 : index
            %swap3A_307 = tpu.vector_load %arg16[%swap3A_305, %swap3A_306] {strides = array<i32>} : memref<128x32xf32, #tpu.memory_space<vmem>>, vector<1x16xf32>,
            %swap3A_308 = vector.shape_cast %swap3A_307 : vector<1x16xf32> to vector<16xf32>
            %swap3A_309 = vector.shape_cast %mul3A_302 : vector<16xf32> to vector<1x16xf32>
            tpu.vector_store %arg16[%swap3A_305, %swap3A_306], %swap3A_309 {strides = array<i32>} : memref<128x32xf32, #tpu.memory_space<vmem>>, vector<1x16xf32>,
            %add3A_310 = arith.constant 7 : i32
            %add3A_311 = arith.addi %mul3A_72, %add3A_310 : i32
            %get3A_312 = arith.index_cast %add3A_311 : i32 to index
            %get3A_313 = arith.constant 16 : index
            %get3A_314 = tpu.vector_load %arg16[%get3A_312, %get3A_313] {strides = array<i32>} : memref<128x32xf32, #tpu.memory_space<vmem>>, vector<1x16xf32>,
            %get3A_315 = vector.shape_cast %get3A_314 : vector<1x16xf32> to vector<16xf32>
            %mul3A_316 = vector.broadcast %squeeze3A_294 : f32 to vector<16xf32>
            %mul3A_317 = arith.mulf %get3A_315, %mul3A_316 : vector<16xf32>
            %add3A_318 = arith.constant 7 : i32
            %add3A_319 = arith.addi %mul3A_72, %add3A_318 : i32
            %swap3A_320 = arith.index_cast %add3A_319 : i32 to index
            %swap3A_321 = arith.constant 16 : index
            %swap3A_322 = tpu.vector_load %arg16[%swap3A_320, %swap3A_321] {strides = array<i32>} : memref<128x32xf32, #tpu.memory_space<vmem>>, vector<1x16xf32>,
            %swap3A_323 = vector.shape_cast %swap3A_322 : vector<1x16xf32> to vector<16xf32>
            %swap3A_324 = vector.shape_cast %mul3A_317 : vector<16xf32> to vector<1x16xf32>
            tpu.vector_store %arg16[%swap3A_320, %swap3A_321], %swap3A_324 {strides = array<i32>} : memref<128x32xf32, #tpu.memory_space<vmem>>, vector<1x16xf32>,
            %slice3A_325 = vector.extract_strided_slice %get3A_70 {offsets = [8], sizes = [1], strides = [1]} : vector<16xf32> to vector<1xf32>
            %squeeze3A_326 = vector.extract %slice3A_325[0] : f32 from vector<1xf32>
            %add3A_327 = arith.constant 8 : i32
            %add3A_328 = arith.addi %mul3A_72, %add3A_327 : i32
            %get3A_329 = arith.index_cast %add3A_328 : i32 to index
            %get3A_330 = arith.constant 0 : index
            %get3A_331 = tpu.vector_load %arg16[%get3A_329, %get3A_330] {strides = array<i32>} : memref<128x32xf32, #tpu.memory_space<vmem>>, vector<1x16xf32>,
            %get3A_332 = vector.shape_cast %get3A_331 : vector<1x16xf32> to vector<16xf32>
            %mul3A_333 = vector.broadcast %squeeze3A_326 : f32 to vector<16xf32>
            %mul3A_334 = arith.mulf %get3A_332, %mul3A_333 : vector<16xf32>
            %add3A_335 = arith.constant 8 : i32
            %add3A_336 = arith.addi %mul3A_72, %add3A_335 : i32
            %swap3A_337 = arith.index_cast %add3A_336 : i32 to index
            %swap3A_338 = arith.constant 0 : index
            %swap3A_339 = tpu.vector_load %arg16[%swap3A_337, %swap3A_338] {strides = array<i32>} : memref<128x32xf32, #tpu.memory_space<vmem>>, vector<1x16xf32>,
            %swap3A_340 = vector.shape_cast %swap3A_339 : vector<1x16xf32> to vector<16xf32>
            %swap3A_341 = vector.shape_cast %mul3A_334 : vector<16xf32> to vector<1x16xf32>
            tpu.vector_store %arg16[%swap3A_337, %swap3A_338], %swap3A_341 {strides = array<i32>} : memref<128x32xf32, #tpu.memory_space<vmem>>, vector<1x16xf32>,
            %add3A_342 = arith.constant 8 : i32
            %add3A_343 = arith.addi %mul3A_72, %add3A_342 : i32
            %get3A_344 = arith.index_cast %add3A_343 : i32 to index
            %get3A_345 = arith.constant 16 : index
            %get3A_346 = tpu.vector_load %arg16[%get3A_344, %get3A_345] {strides = array<i32>} : memref<128x32xf32, #tpu.memory_space<vmem>>, vector<1x16xf32>,
            %get3A_347 = vector.shape_cast %get3A_346 : vector<1x16xf32> to vector<16xf32>
            %mul3A_348 = vector.broadcast %squeeze3A_326 : f32 to vector<16xf32>
            %mul3A_349 = arith.mulf %get3A_347, %mul3A_348 : vector<16xf32>
            %add3A_350 = arith.constant 8 : i32
            %add3A_351 = arith.addi %mul3A_72, %add3A_350 : i32
            %swap3A_352 = arith.index_cast %add3A_351 : i32 to index
            %swap3A_353 = arith.constant 16 : index
            %swap3A_354 = tpu.vector_load %arg16[%swap3A_352, %swap3A_353] {strides = array<i32>} : memref<128x32xf32, #tpu.memory_space<vmem>>, vector<1x16xf32>,
            %swap3A_355 = vector.shape_cast %swap3A_354 : vector<1x16xf32> to vector<16xf32>
            %swap3A_356 = vector.shape_cast %mul3A_349 : vector<16xf32> to vector<1x16xf32>
            tpu.vector_store %arg16[%swap3A_352, %swap3A_353], %swap3A_356 {strides = array<i32>} : memref<128x32xf32, #tpu.memory_space<vmem>>, vector<1x16xf32>,
            %slice3A_357 = vector.extract_strided_slice %get3A_70 {offsets = [9], sizes = [1], strides = [1]} : vector<16xf32> to vector<1xf32>
            %squeeze3A_358 = vector.extract %slice3A_357[0] : f32 from vector<1xf32>
            %add3A_359 = arith.constant 9 : i32
            %add3A_360 = arith.addi %mul3A_72, %add3A_359 : i32
            %get3A_361 = arith.index_cast %add3A_360 : i32 to index
            %get3A_362 = arith.constant 0 : index
            %get3A_363 = tpu.vector_load %arg16[%get3A_361, %get3A_362] {strides = array<i32>} : memref<128x32xf32, #tpu.memory_space<vmem>>, vector<1x16xf32>,
            %get3A_364 = vector.shape_cast %get3A_363 : vector<1x16xf32> to vector<16xf32>
            %mul3A_365 = vector.broadcast %squeeze3A_358 : f32 to vector<16xf32>
            %mul3A_366 = arith.mulf %get3A_364, %mul3A_365 : vector<16xf32>
            %add3A_367 = arith.constant 9 : i32
            %add3A_368 = arith.addi %mul3A_72, %add3A_367 : i32
            %swap3A_369 = arith.index_cast %add3A_368 : i32 to index
            %swap3A_370 = arith.constant 0 : index
            %swap3A_371 = tpu.vector_load %arg16[%swap3A_369, %swap3A_370] {strides = array<i32>} : memref<128x32xf32, #tpu.memory_space<vmem>>, vector<1x16xf32>,
            %swap3A_372 = vector.shape_cast %swap3A_371 : vector<1x16xf32> to vector<16xf32>
            %swap3A_373 = vector.shape_cast %mul3A_366 : vector<16xf32> to vector<1x16xf32>
            tpu.vector_store %arg16[%swap3A_369, %swap3A_370], %swap3A_373 {strides = array<i32>} : memref<128x32xf32, #tpu.memory_space<vmem>>, vector<1x16xf32>,
            %add3A_374 = arith.constant 9 : i32
            %add3A_375 = arith.addi %mul3A_72, %add3A_374 : i32
            %get3A_376 = arith.index_cast %add3A_375 : i32 to index
            %get3A_377 = arith.constant 16 : index
            %get3A_378 = tpu.vector_load %arg16[%get3A_376, %get3A_377] {strides = array<i32>} : memref<128x32xf32, #tpu.memory_space<vmem>>, vector<1x16xf32>,
            %get3A_379 = vector.shape_cast %get3A_378 : vector<1x16xf32> to vector<16xf32>
            %mul3A_380 = vector.broadcast %squeeze3A_358 : f32 to vector<16xf32>
            %mul3A_381 = arith.mulf %get3A_379, %mul3A_380 : vector<16xf32>
            %add3A_382 = arith.constant 9 : i32
            %add3A_383 = arith.addi %mul3A_72, %add3A_382 : i32
            %swap3A_384 = arith.index_cast %add3A_383 : i32 to index
            %swap3A_385 = arith.constant 16 : index
            %swap3A_386 = tpu.vector_load %arg16[%swap3A_384, %swap3A_385] {strides = array<i32>} : memref<128x32xf32, #tpu.memory_space<vmem>>, vector<1x16xf32>,
            %swap3A_387 = vector.shape_cast %swap3A_386 : vector<1x16xf32> to vector<16xf32>
            %swap3A_388 = vector.shape_cast %mul3A_381 : vector<16xf32> to vector<1x16xf32>
            tpu.vector_store %arg16[%swap3A_384, %swap3A_385], %swap3A_388 {strides = array<i32>} : memref<128x32xf32, #tpu.memory_space<vmem>>, vector<1x16xf32>,
            %slice3A_389 = vector.extract_strided_slice %get3A_70 {offsets = [10], sizes = [1], strides = [1]} : vector<16xf32> to vector<1xf32>
            %squeeze3A_390 = vector.extract %slice3A_389[0] : f32 from vector<1xf32>
            %add3A_391 = arith.constant 10 : i32
            %add3A_392 = arith.addi %mul3A_72, %add3A_391 : i32
            %get3A_393 = arith.index_cast %add3A_392 : i32 to index
            %get3A_394 = arith.constant 0 : index
            %get3A_395 = tpu.vector_load %arg16[%get3A_393, %get3A_394] {strides = array<i32>} : memref<128x32xf32, #tpu.memory_space<vmem>>, vector<1x16xf32>,
            %get3A_396 = vector.shape_cast %get3A_395 : vector<1x16xf32> to vector<16xf32>
            %mul3A_397 = vector.broadcast %squeeze3A_390 : f32 to vector<16xf32>
            %mul3A_398 = arith.mulf %get3A_396, %mul3A_397 : vector<16xf32>
            %add3A_399 = arith.constant 10 : i32
            %add3A_400 = arith.addi %mul3A_72, %add3A_399 : i32
            %swap3A_401 = arith.index_cast %add3A_400 : i32 to index
            %swap3A_402 = arith.constant 0 : index
            %swap3A_403 = tpu.vector_load %arg16[%swap3A_401, %swap3A_402] {strides = array<i32>} : memref<128x32xf32, #tpu.memory_space<vmem>>, vector<1x16xf32>,
            %swap3A_404 = vector.shape_cast %swap3A_403 : vector<1x16xf32> to vector<16xf32>
            %swap3A_405 = vector.shape_cast %mul3A_398 : vector<16xf32> to vector<1x16xf32>
            tpu.vector_store %arg16[%swap3A_401, %swap3A_402], %swap3A_405 {strides = array<i32>} : memref<128x32xf32, #tpu.memory_space<vmem>>, vector<1x16xf32>,
            %add3A_406 = arith.constant 10 : i32
            %add3A_407 = arith.addi %mul3A_72, %add3A_406 : i32
            %get3A_408 = arith.index_cast %add3A_407 : i32 to index
            %get3A_409 = arith.constant 16 : index
            %get3A_410 = tpu.vector_load %arg16[%get3A_408, %get3A_409] {strides = array<i32>} : memref<128x32xf32, #tpu.memory_space<vmem>>, vector<1x16xf32>,
            %get3A_411 = vector.shape_cast %get3A_410 : vector<1x16xf32> to vector<16xf32>
            %mul3A_412 = vector.broadcast %squeeze3A_390 : f32 to vector<16xf32>
            %mul3A_413 = arith.mulf %get3A_411, %mul3A_412 : vector<16xf32>
            %add3A_414 = arith.constant 10 : i32
            %add3A_415 = arith.addi %mul3A_72, %add3A_414 : i32
            %swap3A_416 = arith.index_cast %add3A_415 : i32 to index
            %swap3A_417 = arith.constant 16 : index
            %swap3A_418 = tpu.vector_load %arg16[%swap3A_416, %swap3A_417] {strides = array<i32>} : memref<128x32xf32, #tpu.memory_space<vmem>>, vector<1x16xf32>,
            %swap3A_419 = vector.shape_cast %swap3A_418 : vector<1x16xf32> to vector<16xf32>
            %swap3A_420 = vector.shape_cast %mul3A_413 : vector<16xf32> to vector<1x16xf32>
            tpu.vector_store %arg16[%swap3A_416, %swap3A_417], %swap3A_420 {strides = array<i32>} : memref<128x32xf32, #tpu.memory_space<vmem>>, vector<1x16xf32>,
            %slice3A_421 = vector.extract_strided_slice %get3A_70 {offsets = [11], sizes = [1], strides = [1]} : vector<16xf32> to vector<1xf32>
            %squeeze3A_422 = vector.extract %slice3A_421[0] : f32 from vector<1xf32>
            %add3A_423 = arith.constant 11 : i32
            %add3A_424 = arith.addi %mul3A_72, %add3A_423 : i32
            %get3A_425 = arith.index_cast %add3A_424 : i32 to index
            %get3A_426 = arith.constant 0 : index
            %get3A_427 = tpu.vector_load %arg16[%get3A_425, %get3A_426] {strides = array<i32>} : memref<128x32xf32, #tpu.memory_space<vmem>>, vector<1x16xf32>,
            %get3A_428 = vector.shape_cast %get3A_427 : vector<1x16xf32> to vector<16xf32>
            %mul3A_429 = vector.broadcast %squeeze3A_422 : f32 to vector<16xf32>
            %mul3A_430 = arith.mulf %get3A_428, %mul3A_429 : vector<16xf32>
            %add3A_431 = arith.constant 11 : i32
            %add3A_432 = arith.addi %mul3A_72, %add3A_431 : i32
            %swap3A_433 = arith.index_cast %add3A_432 : i32 to index
            %swap3A_434 = arith.constant 0 : index
            %swap3A_435 = tpu.vector_load %arg16[%swap3A_433, %swap3A_434] {strides = array<i32>} : memref<128x32xf32, #tpu.memory_space<vmem>>, vector<1x16xf32>,
            %swap3A_436 = vector.shape_cast %swap3A_435 : vector<1x16xf32> to vector<16xf32>
            %swap3A_437 = vector.shape_cast %mul3A_430 : vector<16xf32> to vector<1x16xf32>
            tpu.vector_store %arg16[%swap3A_433, %swap3A_434], %swap3A_437 {strides = array<i32>} : memref<128x32xf32, #tpu.memory_space<vmem>>, vector<1x16xf32>,
            %add3A_438 = arith.constant 11 : i32
            %add3A_439 = arith.addi %mul3A_72, %add3A_438 : i32
            %get3A_440 = arith.index_cast %add3A_439 : i32 to index
            %get3A_441 = arith.constant 16 : index
            %get3A_442 = tpu.vector_load %arg16[%get3A_440, %get3A_441] {strides = array<i32>} : memref<128x32xf32, #tpu.memory_space<vmem>>, vector<1x16xf32>,
            %get3A_443 = vector.shape_cast %get3A_442 : vector<1x16xf32> to vector<16xf32>
            %mul3A_444 = vector.broadcast %squeeze3A_422 : f32 to vector<16xf32>
            %mul3A_445 = arith.mulf %get3A_443, %mul3A_444 : vector<16xf32>
            %add3A_446 = arith.constant 11 : i32
            %add3A_447 = arith.addi %mul3A_72, %add3A_446 : i32
            %swap3A_448 = arith.index_cast %add3A_447 : i32 to index
            %swap3A_449 = arith.constant 16 : index
            %swap3A_450 = tpu.vector_load %arg16[%swap3A_448, %swap3A_449] {strides = array<i32>} : memref<128x32xf32, #tpu.memory_space<vmem>>, vector<1x16xf32>,
            %swap3A_451 = vector.shape_cast %swap3A_450 : vector<1x16xf32> to vector<16xf32>
            %swap3A_452 = vector.shape_cast %mul3A_445 : vector<16xf32> to vector<1x16xf32>
            tpu.vector_store %arg16[%swap3A_448, %swap3A_449], %swap3A_452 {strides = array<i32>} : memref<128x32xf32, #tpu.memory_space<vmem>>, vector<1x16xf32>,
            %slice3A_453 = vector.extract_strided_slice %get3A_70 {offsets = [12], sizes = [1], strides = [1]} : vector<16xf32> to vector<1xf32>
            %squeeze3A_454 = vector.extract %slice3A_453[0] : f32 from vector<1xf32>
            %add3A_455 = arith.constant 12 : i32
            %add3A_456 = arith.addi %mul3A_72, %add3A_455 : i32
            %get3A_457 = arith.index_cast %add3A_456 : i32 to index
            %get3A_458 = arith.constant 0 : index
            %get3A_459 = tpu.vector_load %arg16[%get3A_457, %get3A_458] {strides = array<i32>} : memref<128x32xf32, #tpu.memory_space<vmem>>, vector<1x16xf32>,
            %get3A_460 = vector.shape_cast %get3A_459 : vector<1x16xf32> to vector<16xf32>
            %mul3A_461 = vector.broadcast %squeeze3A_454 : f32 to vector<16xf32>
            %mul3A_462 = arith.mulf %get3A_460, %mul3A_461 : vector<16xf32>
            %add3A_463 = arith.constant 12 : i32
            %add3A_464 = arith.addi %mul3A_72, %add3A_463 : i32
            %swap3A_465 = arith.index_cast %add3A_464 : i32 to index
            %swap3A_466 = arith.constant 0 : index
            %swap3A_467 = tpu.vector_load %arg16[%swap3A_465, %swap3A_466] {strides = array<i32>} : memref<128x32xf32, #tpu.memory_space<vmem>>, vector<1x16xf32>,
            %swap3A_468 = vector.shape_cast %swap3A_467 : vector<1x16xf32> to vector<16xf32>
            %swap3A_469 = vector.shape_cast %mul3A_462 : vector<16xf32> to vector<1x16xf32>
            tpu.vector_store %arg16[%swap3A_465, %swap3A_466], %swap3A_469 {strides = array<i32>} : memref<128x32xf32, #tpu.memory_space<vmem>>, vector<1x16xf32>,
            %add3A_470 = arith.constant 12 : i32
            %add3A_471 = arith.addi %mul3A_72, %add3A_470 : i32
            %get3A_472 = arith.index_cast %add3A_471 : i32 to index
            %get3A_473 = arith.constant 16 : index
            %get3A_474 = tpu.vector_load %arg16[%get3A_472, %get3A_473] {strides = array<i32>} : memref<128x32xf32, #tpu.memory_space<vmem>>, vector<1x16xf32>,
            %get3A_475 = vector.shape_cast %get3A_474 : vector<1x16xf32> to vector<16xf32>
            %mul3A_476 = vector.broadcast %squeeze3A_454 : f32 to vector<16xf32>
            %mul3A_477 = arith.mulf %get3A_475, %mul3A_476 : vector<16xf32>
            %add3A_478 = arith.constant 12 : i32
            %add3A_479 = arith.addi %mul3A_72, %add3A_478 : i32
            %swap3A_480 = arith.index_cast %add3A_479 : i32 to index
            %swap3A_481 = arith.constant 16 : index
            %swap3A_482 = tpu.vector_load %arg16[%swap3A_480, %swap3A_481] {strides = array<i32>} : memref<128x32xf32, #tpu.memory_space<vmem>>, vector<1x16xf32>,
            %swap3A_483 = vector.shape_cast %swap3A_482 : vector<1x16xf32> to vector<16xf32>
            %swap3A_484 = vector.shape_cast %mul3A_477 : vector<16xf32> to vector<1x16xf32>
            tpu.vector_store %arg16[%swap3A_480, %swap3A_481], %swap3A_484 {strides = array<i32>} : memref<128x32xf32, #tpu.memory_space<vmem>>, vector<1x16xf32>,
            %slice3A_485 = vector.extract_strided_slice %get3A_70 {offsets = [13], sizes = [1], strides = [1]} : vector<16xf32> to vector<1xf32>
            %squeeze3A_486 = vector.extract %slice3A_485[0] : f32 from vector<1xf32>
            %add3A_487 = arith.constant 13 : i32
            %add3A_488 = arith.addi %mul3A_72, %add3A_487 : i32
            %get3A_489 = arith.index_cast %add3A_488 : i32 to index
            %get3A_490 = arith.constant 0 : index
            %get3A_491 = tpu.vector_load %arg16[%get3A_489, %get3A_490] {strides = array<i32>} : memref<128x32xf32, #tpu.memory_space<vmem>>, vector<1x16xf32>,
            %get3A_492 = vector.shape_cast %get3A_491 : vector<1x16xf32> to vector<16xf32>
            %mul3A_493 = vector.broadcast %squeeze3A_486 : f32 to vector<16xf32>
            %mul3A_494 = arith.mulf %get3A_492, %mul3A_493 : vector<16xf32>
            %add3A_495 = arith.constant 13 : i32
            %add3A_496 = arith.addi %mul3A_72, %add3A_495 : i32
            %swap3A_497 = arith.index_cast %add3A_496 : i32 to index
            %swap3A_498 = arith.constant 0 : index
            %swap3A_499 = tpu.vector_load %arg16[%swap3A_497, %swap3A_498] {strides = array<i32>} : memref<128x32xf32, #tpu.memory_space<vmem>>, vector<1x16xf32>,
            %swap3A_500 = vector.shape_cast %swap3A_499 : vector<1x16xf32> to vector<16xf32>
            %swap3A_501 = vector.shape_cast %mul3A_494 : vector<16xf32> to vector<1x16xf32>
            tpu.vector_store %arg16[%swap3A_497, %swap3A_498], %swap3A_501 {strides = array<i32>} : memref<128x32xf32, #tpu.memory_space<vmem>>, vector<1x16xf32>,
            %add3A_502 = arith.constant 13 : i32
            %add3A_503 = arith.addi %mul3A_72, %add3A_502 : i32
            %get3A_504 = arith.index_cast %add3A_503 : i32 to index
            %get3A_505 = arith.constant 16 : index
            %get3A_506 = tpu.vector_load %arg16[%get3A_504, %get3A_505] {strides = array<i32>} : memref<128x32xf32, #tpu.memory_space<vmem>>, vector<1x16xf32>,
            %get3A_507 = vector.shape_cast %get3A_506 : vector<1x16xf32> to vector<16xf32>
            %mul3A_508 = vector.broadcast %squeeze3A_486 : f32 to vector<16xf32>
            %mul3A_509 = arith.mulf %get3A_507, %mul3A_508 : vector<16xf32>
            %add3A_510 = arith.constant 13 : i32
            %add3A_511 = arith.addi %mul3A_72, %add3A_510 : i32
            %swap3A_512 = arith.index_cast %add3A_511 : i32 to index
            %swap3A_513 = arith.constant 16 : index
            %swap3A_514 = tpu.vector_load %arg16[%swap3A_512, %swap3A_513] {strides = array<i32>} : memref<128x32xf32, #tpu.memory_space<vmem>>, vector<1x16xf32>,
            %swap3A_515 = vector.shape_cast %swap3A_514 : vector<1x16xf32> to vector<16xf32>
            %swap3A_516 = vector.shape_cast %mul3A_509 : vector<16xf32> to vector<1x16xf32>
            tpu.vector_store %arg16[%swap3A_512, %swap3A_513], %swap3A_516 {strides = array<i32>} : memref<128x32xf32, #tpu.memory_space<vmem>>, vector<1x16xf32>,
            %slice3A_517 = vector.extract_strided_slice %get3A_70 {offsets = [14], sizes = [1], strides = [1]} : vector<16xf32> to vector<1xf32>
            %squeeze3A_518 = vector.extract %slice3A_517[0] : f32 from vector<1xf32>
            %add3A_519 = arith.constant 14 : i32
            %add3A_520 = arith.addi %mul3A_72, %add3A_519 : i32
            %get3A_521 = arith.index_cast %add3A_520 : i32 to index
            %get3A_522 = arith.constant 0 : index
            %get3A_523 = tpu.vector_load %arg16[%get3A_521, %get3A_522] {strides = array<i32>} : memref<128x32xf32, #tpu.memory_space<vmem>>, vector<1x16xf32>,
            %get3A_524 = vector.shape_cast %get3A_523 : vector<1x16xf32> to vector<16xf32>
            %mul3A_525 = vector.broadcast %squeeze3A_518 : f32 to vector<16xf32>
            %mul3A_526 = arith.mulf %get3A_524, %mul3A_525 : vector<16xf32>
            %add3A_527 = arith.constant 14 : i32
            %add3A_528 = arith.addi %mul3A_72, %add3A_527 : i32
            %swap3A_529 = arith.index_cast %add3A_528 : i32 to index
            %swap3A_530 = arith.constant 0 : index
            %swap3A_531 = tpu.vector_load %arg16[%swap3A_529, %swap3A_530] {strides = array<i32>} : memref<128x32xf32, #tpu.memory_space<vmem>>, vector<1x16xf32>,
            %swap3A_532 = vector.shape_cast %swap3A_531 : vector<1x16xf32> to vector<16xf32>
            %swap3A_533 = vector.shape_cast %mul3A_526 : vector<16xf32> to vector<1x16xf32>
            tpu.vector_store %arg16[%swap3A_529, %swap3A_530], %swap3A_533 {strides = array<i32>} : memref<128x32xf32, #tpu.memory_space<vmem>>, vector<1x16xf32>,
            %add3A_534 = arith.constant 14 : i32
            %add3A_535 = arith.addi %mul3A_72, %add3A_534 : i32
            %get3A_536 = arith.index_cast %add3A_535 : i32 to index
            %get3A_537 = arith.constant 16 : index
            %get3A_538 = tpu.vector_load %arg16[%get3A_536, %get3A_537] {strides = array<i32>} : memref<128x32xf32, #tpu.memory_space<vmem>>, vector<1x16xf32>,
            %get3A_539 = vector.shape_cast %get3A_538 : vector<1x16xf32> to vector<16xf32>
            %mul3A_540 = vector.broadcast %squeeze3A_518 : f32 to vector<16xf32>
            %mul3A_541 = arith.mulf %get3A_539, %mul3A_540 : vector<16xf32>
            %add3A_542 = arith.constant 14 : i32
            %add3A_543 = arith.addi %mul3A_72, %add3A_542 : i32
            %swap3A_544 = arith.index_cast %add3A_543 : i32 to index
            %swap3A_545 = arith.constant 16 : index
            %swap3A_546 = tpu.vector_load %arg16[%swap3A_544, %swap3A_545] {strides = array<i32>} : memref<128x32xf32, #tpu.memory_space<vmem>>, vector<1x16xf32>,
            %swap3A_547 = vector.shape_cast %swap3A_546 : vector<1x16xf32> to vector<16xf32>
            %swap3A_548 = vector.shape_cast %mul3A_541 : vector<16xf32> to vector<1x16xf32>
            tpu.vector_store %arg16[%swap3A_544, %swap3A_545], %swap3A_548 {strides = array<i32>} : memref<128x32xf32, #tpu.memory_space<vmem>>, vector<1x16xf32>,
            %slice3A_549 = vector.extract_strided_slice %get3A_70 {offsets = [15], sizes = [1], strides = [1]} : vector<16xf32> to vector<1xf32>
            %squeeze3A_550 = vector.extract %slice3A_549[0] : f32 from vector<1xf32>
            %add3A_551 = arith.constant 15 : i32
            %add3A_552 = arith.addi %mul3A_72, %add3A_551 : i32
            %get3A_553 = arith.index_cast %add3A_552 : i32 to index
            %get3A_554 = arith.constant 0 : index
            %get3A_555 = tpu.vector_load %arg16[%get3A_553, %get3A_554] {strides = array<i32>} : memref<128x32xf32, #tpu.memory_space<vmem>>, vector<1x16xf32>,
            %get3A_556 = vector.shape_cast %get3A_555 : vector<1x16xf32> to vector<16xf32>
            %mul3A_557 = vector.broadcast %squeeze3A_550 : f32 to vector<16xf32>
            %mul3A_558 = arith.mulf %get3A_556, %mul3A_557 : vector<16xf32>
            %add3A_559 = arith.constant 15 : i32
            %add3A_560 = arith.addi %mul3A_72, %add3A_559 : i32
            %swap3A_561 = arith.index_cast %add3A_560 : i32 to index
            %swap3A_562 = arith.constant 0 : index
            %swap3A_563 = tpu.vector_load %arg16[%swap3A_561, %swap3A_562] {strides = array<i32>} : memref<128x32xf32, #tpu.memory_space<vmem>>, vector<1x16xf32>,
            %swap3A_564 = vector.shape_cast %swap3A_563 : vector<1x16xf32> to vector<16xf32>
            %swap3A_565 = vector.shape_cast %mul3A_558 : vector<16xf32> to vector<1x16xf32>
            tpu.vector_store %arg16[%swap3A_561, %swap3A_562], %swap3A_565 {strides = array<i32>} : memref<128x32xf32, #tpu.memory_space<vmem>>, vector<1x16xf32>,
            %add3A_566 = arith.constant 15 : i32
            %add3A_567 = arith.addi %mul3A_72, %add3A_566 : i32
            %get3A_568 = arith.index_cast %add3A_567 : i32 to index
            %get3A_569 = arith.constant 16 : index
            %get3A_570 = tpu.vector_load %arg16[%get3A_568, %get3A_569] {strides = array<i32>} : memref<128x32xf32, #tpu.memory_space<vmem>>, vector<1x16xf32>,
            %get3A_571 = vector.shape_cast %get3A_570 : vector<1x16xf32> to vector<16xf32>
            %mul3A_572 = vector.broadcast %squeeze3A_550 : f32 to vector<16xf32>
            %mul3A_573 = arith.mulf %get3A_571, %mul3A_572 : vector<16xf32>
            %add3A_574 = arith.constant 15 : i32
            %add3A_575 = arith.addi %mul3A_72, %add3A_574 : i32
            %swap3A_576 = arith.index_cast %add3A_575 : i32 to index
            %swap3A_577 = arith.constant 16 : index
            %swap3A_578 = tpu.vector_load %arg16[%swap3A_576, %swap3A_577] {strides = array<i32>} : memref<128x32xf32, #tpu.memory_space<vmem>>, vector<1x16xf32>,
            %swap3A_579 = vector.shape_cast %swap3A_578 : vector<1x16xf32> to vector<16xf32>
            %swap3A_580 = vector.shape_cast %mul3A_573 : vector<16xf32> to vector<1x16xf32>
            tpu.vector_store %arg16[%swap3A_576, %swap3A_577], %swap3A_580 {strides = array<i32>} : memref<128x32xf32, #tpu.memory_space<vmem>>, vector<1x16xf32>,
          }
          %scan3A_64 = arith.constant 8 : i32
          "tpu.region"() ({
            %run_scoped3A = tpu.sem_alloc : memref<!tpu.dma_semaphore, #tpu.memory_space<semaphore_mem>>
            %dma_start3A_65 = arith.constant 0 : i32
            %dma_start3A_66 = tpu.memref_slice %arg14[%scan3A_48, %dma_start3A_65] : memref<25x128xi32, #tpu.memory_space<vmem>> -> memref<1x128xi32, #tpu.memory_space<vmem>>
            %dma_start3A_67 = tpu.memref_squeeze %dma_start3A_66 : memref<1x128xi32, #tpu.memory_space<vmem>> -> memref<128xi32, #tpu.memory_space<vmem>>
            %dma_start3A_68 = arith.constant 0 : i32
            %dma_start3A_69 = arith.constant 0 : i32
            %dma_start3A_70 = tpu.memref_slice %arg13[%dma_start3A_68, %dma_start3A_69] : memref<50176x32xf32, #tpu.memory_space<vmem_shared>> -> memref<50176x32xf32, #tpu.memory_space<vmem_shared>>
            tpu.enqueue_indirect_dma source(%arg16 : memref<128x32xf32, #tpu.memory_space<vmem>>) target(%dma_start3A_70 : memref<50176x32xf32, #tpu.memory_space<vmem_shared>>) offsets(%dma_start3A_67 : memref<128xi32, #tpu.memory_space<vmem>>) semaphore(%run_scoped3A : memref<!tpu.dma_semaphore, #tpu.memory_space<semaphore_mem>>) {add = true}
            %dma_wait3A_71 = arith.constant 0 : i32
            %dma_wait3A_72 = tpu.memref_slice %arg14[%scan3A_48, %dma_wait3A_71] : memref<25x128xi32, #tpu.memory_space<vmem>> -> memref<1x128xi32, #tpu.memory_space<vmem>>
            %dma_wait3A_73 = tpu.memref_squeeze %dma_wait3A_72 : memref<1x128xi32, #tpu.memory_space<vmem>> -> memref<128xi32, #tpu.memory_space<vmem>>
            %dma_wait3A_74 = arith.constant 0 : i32
            %dma_wait3A_75 = arith.constant 0 : i32
            %dma_wait3A_76 = tpu.memref_slice %arg13[%dma_wait3A_74, %dma_wait3A_75] : memref<50176x32xf32, #tpu.memory_space<vmem_shared>> -> memref<50176x32xf32, #tpu.memory_space<vmem_shared>>
            tpu.wait_indirect_dma semaphore(%run_scoped3A : memref<!tpu.dma_semaphore, #tpu.memory_space<semaphore_mem>>) src(%arg16 : memref<128x32xf32, #tpu.memory_space<vmem>>) dst(%dma_wait3A_76 : memref<50176x32xf32, #tpu.memory_space<vmem_shared>>)
            tpu.yield
          }) : () -> ()
        }
        %scan3A_47 = arith.constant 25 : i32
      }
      %scan3A_25 = arith.constant 16 : i32
      %barrier3A_26 = arith.constant 0 : index
      tpu.barrier barrier_id(%barrier3A_26)
      "tpu.region"() ({
        %run_scoped3A = tpu.sem_alloc : memref<!tpu.dma_semaphore, #tpu.memory_space<semaphore_mem>>
        %dma_start3A = arith.constant 0 : i32
        %dma_start3A_41 = tpu.memref_slice %arg9[%mul3A_0, %dma_start3A] : memref<50176x32xf32, #tpu.memory_space<hbm>> -> memref<3136x32xf32, #tpu.memory_space<hbm>>
        %dma_start3A_42 = arith.constant 0 : i32
        %dma_start3A_43 = tpu.memref_slice %arg13[%mul3A_0, %dma_start3A_42] : memref<50176x32xf32, #tpu.memory_space<vmem_shared>> -> memref<3136x32xf32, #tpu.memory_space<vmem_shared>>
        tpu.enqueue_dma source(%dma_start3A_43 : memref<3136x32xf32, #tpu.memory_space<vmem_shared>>) target(%dma_start3A_41 : memref<3136x32xf32, #tpu.memory_space<hbm>>) target_semaphore(%run_scoped3A : memref<!tpu.dma_semaphore, #tpu.memory_space<semaphore_mem>>)
        %dma_wait3A = arith.constant 0 : i32
        %dma_wait3A_44 = tpu.memref_slice %arg9[%mul3A_0, %dma_wait3A] : memref<50176x32xf32, #tpu.memory_space<hbm>> -> memref<3136x32xf32, #tpu.memory_space<hbm>>
        %dma_wait3A_45 = arith.constant 0 : i32
        %dma_wait3A_46 = tpu.memref_slice %arg13[%mul3A_0, %dma_wait3A_45] : memref<50176x32xf32, #tpu.memory_space<vmem_shared>> -> memref<3136x32xf32, #tpu.memory_space<vmem_shared>>
        tpu.wait_dma2 semaphore(%run_scoped3A : memref<!tpu.dma_semaphore, #tpu.memory_space<semaphore_mem>>) src(%dma_wait3A_46 : memref<3136x32xf32, #tpu.memory_space<vmem_shared>>) dst(%dma_wait3A_44 : memref<3136x32xf32, #tpu.memory_space<hbm>>)
        tpu.yield
      }) : () -> ()
      %scan3A_27 = arith.constant 0 : i32
      %scan3A_28 = arith.constant 0 : i32
      %scan3A_29 = arith.constant 28 : i32
      %scan3A_30 = arith.addi %scan3A_28, %scan3A_29 : i32
      %scan3A_31 = arith.constant 1 : i32
      scf.for %scan3A_41 = %scan3A_28 to %scan3A_30 step %scan3A_31  : i32 {
        %mul3A_42 = arith.constant 112 : i32
        %mul3A_43 = arith.muli %scan3A_41, %mul3A_42 : i32
        %add3A = arith.addi %mul3A_0, %mul3A_43 : i32
        "tpu.region"() ({
          %run_scoped3A = tpu.sem_alloc : memref<!tpu.dma_semaphore, #tpu.memory_space<semaphore_mem>>
          %dma_start3A = arith.constant 0 : i32
          %dma_start3A_44 = tpu.memref_slice %arg13[%add3A, %dma_start3A] : memref<50176x32xf32, #tpu.memory_space<vmem_shared>> -> memref<112x32xf32, #tpu.memory_space<vmem_shared>>
          %dma_start3A_45 = arith.constant 0 : i32
          %dma_start3A_46 = tpu.memref_slice %arg13[%add3A, %dma_start3A_45] : memref<50176x32xf32, #tpu.memory_space<vmem_shared>> -> memref<112x32xf32, #tpu.memory_space<vmem_shared>>
          tpu.enqueue_dma source(%arg19 : memref<112x32xf32, #tpu.memory_space<vmem>>) target(%dma_start3A_46 : memref<112x32xf32, #tpu.memory_space<vmem_shared>>) target_semaphore(%run_scoped3A : memref<!tpu.dma_semaphore, #tpu.memory_space<semaphore_mem>>)
          %dma_wait3A = arith.constant 0 : i32
          %dma_wait3A_47 = tpu.memref_slice %arg13[%add3A, %dma_wait3A] : memref<50176x32xf32, #tpu.memory_space<vmem_shared>> -> memref<112x32xf32, #tpu.memory_space<vmem_shared>>
          %dma_wait3A_48 = arith.constant 0 : i32
          %dma_wait3A_49 = tpu.memref_slice %arg13[%add3A, %dma_wait3A_48] : memref<50176x32xf32, #tpu.memory_space<vmem_shared>> -> memref<112x32xf32, #tpu.memory_space<vmem_shared>>
          tpu.wait_dma2 semaphore(%run_scoped3A : memref<!tpu.dma_semaphore, #tpu.memory_space<semaphore_mem>>) src(%arg19 : memref<112x32xf32, #tpu.memory_space<vmem>>) dst(%dma_wait3A_49 : memref<112x32xf32, #tpu.memory_space<vmem_shared>>)
          tpu.yield
        }) : () -> ()
      }
      %scan3A_32 = arith.constant 28 : i32
      %barrier3A_33 = arith.constant 0 : index
      tpu.barrier barrier_id(%barrier3A_33)
      %scan3A_34 = arith.constant 0 : i32
      %scan3A_35 = arith.constant 0 : i32
      %scan3A_36 = arith.constant 16 : i32
      %scan3A_37 = arith.addi %scan3A_35, %scan3A_36 : i32
      %scan3A_38 = arith.constant 1 : i32
      scf.for %scan3A_41 = %scan3A_35 to %scan3A_37 step %scan3A_38  : i32 {
        "tpu.region"() ({
          %run_scoped3A = tpu.sem_alloc : memref<!tpu.dma_semaphore, #tpu.memory_space<semaphore_mem>>
          %dma_start3A = arith.constant 0 : i32
          %dma_start3A_48 = arith.constant 0 : i32
          %dma_start3A_49 = tpu.memref_slice %arg3[%arg1, %scan3A_41, %dma_start3A, %dma_start3A_48] : memref<16x16x25x128xi32, #tpu.memory_space<hbm>> -> memref<1x1x25x128xi32, #tpu.memory_space<hbm>>
          %dma_start3A_50 = tpu.memref_squeeze %dma_start3A_49 : memref<1x1x25x128xi32, #tpu.memory_space<hbm>> -> memref<25x128xi32, #tpu.memory_space<hbm>>
          %dma_start3A_51 = arith.constant 0 : i32
          %dma_start3A_52 = arith.constant 0 : i32
          %dma_start3A_53 = tpu.memref_slice %arg3[%arg1, %scan3A_41, %dma_start3A_51, %dma_start3A_52] : memref<16x16x25x128xi32, #tpu.memory_space<hbm>> -> memref<1x1x25x128xi32, #tpu.memory_space<hbm>>
          %dma_start3A_54 = tpu.memref_squeeze %dma_start3A_53 : memref<1x1x25x128xi32, #tpu.memory_space<hbm>> -> memref<25x128xi32, #tpu.memory_space<hbm>>
          tpu.enqueue_dma source(%dma_start3A_54 : memref<25x128xi32, #tpu.memory_space<hbm>>) target(%arg17 : memref<25x128xi32, #tpu.memory_space<vmem>>) target_semaphore(%run_scoped3A : memref<!tpu.dma_semaphore, #tpu.memory_space<semaphore_mem>>)
          %dma_wait3A = arith.constant 0 : i32
          %dma_wait3A_55 = arith.constant 0 : i32
          %dma_wait3A_56 = tpu.memref_slice %arg3[%arg1, %scan3A_41, %dma_wait3A, %dma_wait3A_55] : memref<16x16x25x128xi32, #tpu.memory_space<hbm>> -> memref<1x1x25x128xi32, #tpu.memory_space<hbm>>
          %dma_wait3A_57 = tpu.memref_squeeze %dma_wait3A_56 : memref<1x1x25x128xi32, #tpu.memory_space<hbm>> -> memref<25x128xi32, #tpu.memory_space<hbm>>
          %dma_wait3A_58 = arith.constant 0 : i32
          %dma_wait3A_59 = arith.constant 0 : i32
          %dma_wait3A_60 = tpu.memref_slice %arg3[%arg1, %scan3A_41, %dma_wait3A_58, %dma_wait3A_59] : memref<16x16x25x128xi32, #tpu.memory_space<hbm>> -> memref<1x1x25x128xi32, #tpu.memory_space<hbm>>
          %dma_wait3A_61 = tpu.memref_squeeze %dma_wait3A_60 : memref<1x1x25x128xi32, #tpu.memory_space<hbm>> -> memref<25x128xi32, #tpu.memory_space<hbm>>
          tpu.wait_dma2 semaphore(%run_scoped3A : memref<!tpu.dma_semaphore, #tpu.memory_space<semaphore_mem>>) src(%dma_wait3A_61 : memref<25x128xi32, #tpu.memory_space<hbm>>) dst(%arg17 : memref<25x128xi32, #tpu.memory_space<vmem>>)
          tpu.yield
        }) : () -> ()
        "tpu.region"() ({
          %run_scoped3A = tpu.sem_alloc : memref<!tpu.dma_semaphore, #tpu.memory_space<semaphore_mem>>
          %dma_start3A = arith.constant 0 : i32
          %dma_start3A_48 = arith.constant 0 : i32
          %dma_start3A_49 = tpu.memref_slice %arg4[%arg1, %scan3A_41, %dma_start3A, %dma_start3A_48] : memref<16x16x25x128xi32, #tpu.memory_space<hbm>> -> memref<1x1x25x128xi32, #tpu.memory_space<hbm>>
          %dma_start3A_50 = tpu.memref_squeeze %dma_start3A_49 : memref<1x1x25x128xi32, #tpu.memory_space<hbm>> -> memref<25x128xi32, #tpu.memory_space<hbm>>
          %dma_start3A_51 = arith.constant 0 : i32
          %dma_start3A_52 = arith.constant 0 : i32
          %dma_start3A_53 = tpu.memref_slice %arg4[%arg1, %scan3A_41, %dma_start3A_51, %dma_start3A_52] : memref<16x16x25x128xi32, #tpu.memory_space<hbm>> -> memref<1x1x25x128xi32, #tpu.memory_space<hbm>>
          %dma_start3A_54 = tpu.memref_squeeze %dma_start3A_53 : memref<1x1x25x128xi32, #tpu.memory_space<hbm>> -> memref<25x128xi32, #tpu.memory_space<hbm>>
          tpu.enqueue_dma source(%dma_start3A_54 : memref<25x128xi32, #tpu.memory_space<hbm>>) target(%arg14 : memref<25x128xi32, #tpu.memory_space<vmem>>) target_semaphore(%run_scoped3A : memref<!tpu.dma_semaphore, #tpu.memory_space<semaphore_mem>>)
          %dma_wait3A = arith.constant 0 : i32
          %dma_wait3A_55 = arith.constant 0 : i32
          %dma_wait3A_56 = tpu.memref_slice %arg4[%arg1, %scan3A_41, %dma_wait3A, %dma_wait3A_55] : memref<16x16x25x128xi32, #tpu.memory_space<hbm>> -> memref<1x1x25x128xi32, #tpu.memory_space<hbm>>
          %dma_wait3A_57 = tpu.memref_squeeze %dma_wait3A_56 : memref<1x1x25x128xi32, #tpu.memory_space<hbm>> -> memref<25x128xi32, #tpu.memory_space<hbm>>
          %dma_wait3A_58 = arith.constant 0 : i32
          %dma_wait3A_59 = arith.constant 0 : i32
          %dma_wait3A_60 = tpu.memref_slice %arg4[%arg1, %scan3A_41, %dma_wait3A_58, %dma_wait3A_59] : memref<16x16x25x128xi32, #tpu.memory_space<hbm>> -> memref<1x1x25x128xi32, #tpu.memory_space<hbm>>
          %dma_wait3A_61 = tpu.memref_squeeze %dma_wait3A_60 : memref<1x1x25x128xi32, #tpu.memory_space<hbm>> -> memref<25x128xi32, #tpu.memory_space<hbm>>
          tpu.wait_dma2 semaphore(%run_scoped3A : memref<!tpu.dma_semaphore, #tpu.memory_space<semaphore_mem>>) src(%dma_wait3A_61 : memref<25x128xi32, #tpu.memory_space<hbm>>) dst(%arg14 : memref<25x128xi32, #tpu.memory_space<vmem>>)
          tpu.yield
        }) : () -> ()
        "tpu.region"() ({
          %run_scoped3A = tpu.sem_alloc : memref<!tpu.dma_semaphore, #tpu.memory_space<semaphore_mem>>
          %dma_start3A = arith.constant 0 : i32
          %dma_start3A_48 = arith.constant 0 : i32
          %dma_start3A_49 = tpu.memref_slice %arg5[%arg1, %scan3A_41, %dma_start3A, %dma_start3A_48] : memref<16x16x25x128xf32, #tpu.memory_space<hbm>> -> memref<1x1x25x128xf32, #tpu.memory_space<hbm>>
          %dma_start3A_50 = tpu.memref_squeeze %dma_start3A_49 : memref<1x1x25x128xf32, #tpu.memory_space<hbm>> -> memref<25x128xf32, #tpu.memory_space<hbm>>
          %dma_start3A_51 = arith.constant 0 : i32
          %dma_start3A_52 = arith.constant 0 : i32
          %dma_start3A_53 = tpu.memref_slice %arg5[%arg1, %scan3A_41, %dma_start3A_51, %dma_start3A_52] : memref<16x16x25x128xf32, #tpu.memory_space<hbm>> -> memref<1x1x25x128xf32, #tpu.memory_space<hbm>>
          %dma_start3A_54 = tpu.memref_squeeze %dma_start3A_53 : memref<1x1x25x128xf32, #tpu.memory_space<hbm>> -> memref<25x128xf32, #tpu.memory_space<hbm>>
          tpu.enqueue_dma source(%dma_start3A_54 : memref<25x128xf32, #tpu.memory_space<hbm>>) target(%arg18 : memref<25x128xf32, #tpu.memory_space<vmem>>) target_semaphore(%run_scoped3A : memref<!tpu.dma_semaphore, #tpu.memory_space<semaphore_mem>>)
          %dma_wait3A = arith.constant 0 : i32
          %dma_wait3A_55 = arith.constant 0 : i32
          %dma_wait3A_56 = tpu.memref_slice %arg5[%arg1, %scan3A_41, %dma_wait3A, %dma_wait3A_55] : memref<16x16x25x128xf32, #tpu.memory_space<hbm>> -> memref<1x1x25x128xf32, #tpu.memory_space<hbm>>
          %dma_wait3A_57 = tpu.memref_squeeze %dma_wait3A_56 : memref<1x1x25x128xf32, #tpu.memory_space<hbm>> -> memref<25x128xf32, #tpu.memory_space<hbm>>
          %dma_wait3A_58 = arith.constant 0 : i32
          %dma_wait3A_59 = arith.constant 0 : i32
          %dma_wait3A_60 = tpu.memref_slice %arg5[%arg1, %scan3A_41, %dma_wait3A_58, %dma_wait3A_59] : memref<16x16x25x128xf32, #tpu.memory_space<hbm>> -> memref<1x1x25x128xf32, #tpu.memory_space<hbm>>
          %dma_wait3A_61 = tpu.memref_squeeze %dma_wait3A_60 : memref<1x1x25x128xf32, #tpu.memory_space<hbm>> -> memref<25x128xf32, #tpu.memory_space<hbm>>
          tpu.wait_dma2 semaphore(%run_scoped3A : memref<!tpu.dma_semaphore, #tpu.memory_space<semaphore_mem>>) src(%dma_wait3A_61 : memref<25x128xf32, #tpu.memory_space<hbm>>) dst(%arg18 : memref<25x128xf32, #tpu.memory_space<vmem>>)
          tpu.yield
        }) : () -> ()
        %scan3A_42 = arith.constant 0 : i32
        %scan3A_43 = arith.constant 0 : i32
        %scan3A_44 = arith.constant 25 : i32
        %scan3A_45 = arith.addi %scan3A_43, %scan3A_44 : i32
        %scan3A_46 = arith.constant 1 : i32
        scf.for %scan3A_48 = %scan3A_43 to %scan3A_45 step %scan3A_46  : i32 {
          %dma_start3A = arith.constant 0 : i32
          %dma_start3A_49 = tpu.memref_slice %arg17[%scan3A_48, %dma_start3A] : memref<25x128xi32, #tpu.memory_space<vmem>> -> memref<1x128xi32, #tpu.memory_space<vmem>>
          %dma_start3A_50 = tpu.memref_squeeze %dma_start3A_49 : memref<1x128xi32, #tpu.memory_space<vmem>> -> memref<128xi32, #tpu.memory_space<vmem>>
          %dma_start3A_51 = arith.constant 0 : i32
          %dma_start3A_52 = arith.constant 0 : i32
          %dma_start3A_53 = tpu.memref_slice %arg9[%dma_start3A_51, %dma_start3A_52] : memref<50176x32xf32, #tpu.memory_space<hbm>> -> memref<50176x32xf32, #tpu.memory_space<hbm>>
          tpu.enqueue_indirect_dma source(%dma_start3A_53 : memref<50176x32xf32, #tpu.memory_space<hbm>>) target(%arg16 : memref<128x32xf32, #tpu.memory_space<vmem>>) offsets(%dma_start3A_50 : memref<128xi32, #tpu.memory_space<vmem>>) semaphore(%arg15 : memref<!tpu.dma_semaphore, #tpu.memory_space<semaphore_mem>>)
          %dma_wait3A = arith.constant 0 : i32
          %dma_wait3A_54 = tpu.memref_slice %arg17[%scan3A_48, %dma_wait3A] : memref<25x128xi32, #tpu.memory_space<vmem>> -> memref<1x128xi32, #tpu.memory_space<vmem>>
          %dma_wait3A_55 = tpu.memref_squeeze %dma_wait3A_54 : memref<1x128xi32, #tpu.memory_space<vmem>> -> memref<128xi32, #tpu.memory_space<vmem>>
          %dma_wait3A_56 = arith.constant 0 : i32
          %dma_wait3A_57 = arith.constant 0 : i32
          %dma_wait3A_58 = tpu.memref_slice %arg9[%dma_wait3A_56, %dma_wait3A_57] : memref<50176x32xf32, #tpu.memory_space<hbm>> -> memref<50176x32xf32, #tpu.memory_space<hbm>>
          tpu.wait_indirect_dma semaphore(%arg15 : memref<!tpu.dma_semaphore, #tpu.memory_space<semaphore_mem>>) src(%dma_wait3A_58 : memref<50176x32xf32, #tpu.memory_space<hbm>>) dst(%arg16 : memref<128x32xf32, #tpu.memory_space<vmem>>)
          %scan3A_59 = arith.constant 0 : i32
          %scan3A_60 = arith.constant 0 : i32
          %scan3A_61 = arith.constant 8 : i32
          %scan3A_62 = arith.addi %scan3A_60, %scan3A_61 : i32
          %scan3A_63 = arith.constant 1 : i32
          scf.for %scan3A_65 = %scan3A_60 to %scan3A_62 step %scan3A_63  : i32 {
            %mul3A_66 = arith.constant 16 : i32
            %mul3A_67 = arith.muli %scan3A_65, %mul3A_66 : i32
            %get3A = arith.index_cast %scan3A_48 : i32 to index
            %get3A_68 = arith.index_cast %mul3A_67 : i32 to index
            %get3A_69 = tpu.vector_load %arg18[%get3A, %get3A_68] {strides = array<i32>} : memref<25x128xf32, #tpu.memory_space<vmem>>, vector<1x16xf32>,
            %get3A_70 = vector.shape_cast %get3A_69 : vector<1x16xf32> to vector<16xf32>
            %mul3A_71 = arith.constant 16 : i32
            %mul3A_72 = arith.muli %scan3A_65, %mul3A_71 : i32
            %slice3A = vector.extract_strided_slice %get3A_70 {offsets = [0], sizes = [1], strides = [1]} : vector<16xf32> to vector<1xf32>
            %squeeze3A = vector.extract %slice3A[0] : f32 from vector<1xf32>
            %add3A = arith.constant 0 : i32
            %add3A_73 = arith.addi %mul3A_72, %add3A : i32
            %get3A_74 = arith.index_cast %add3A_73 : i32 to index
            %get3A_75 = arith.constant 0 : index
            %get3A_76 = tpu.vector_load %arg16[%get3A_74, %get3A_75] {strides = array<i32>} : memref<128x32xf32, #tpu.memory_space<vmem>>, vector<1x16xf32>,
            %get3A_77 = vector.shape_cast %get3A_76 : vector<1x16xf32> to vector<16xf32>
            %mul3A_78 = vector.broadcast %squeeze3A : f32 to vector<16xf32>
            %mul3A_79 = arith.mulf %get3A_77, %mul3A_78 : vector<16xf32>
            %add3A_80 = arith.constant 0 : i32
            %add3A_81 = arith.addi %mul3A_72, %add3A_80 : i32
            %swap3A = arith.index_cast %add3A_81 : i32 to index
            %swap3A_82 = arith.constant 0 : index
            %swap3A_83 = tpu.vector_load %arg16[%swap3A, %swap3A_82] {strides = array<i32>} : memref<128x32xf32, #tpu.memory_space<vmem>>, vector<1x16xf32>,
            %swap3A_84 = vector.shape_cast %swap3A_83 : vector<1x16xf32> to vector<16xf32>
            %swap3A_85 = vector.shape_cast %mul3A_79 : vector<16xf32> to vector<1x16xf32>
            tpu.vector_store %arg16[%swap3A, %swap3A_82], %swap3A_85 {strides = array<i32>} : memref<128x32xf32, #tpu.memory_space<vmem>>, vector<1x16xf32>,
            %add3A_86 = arith.constant 0 : i32
            %add3A_87 = arith.addi %mul3A_72, %add3A_86 : i32
            %get3A_88 = arith.index_cast %add3A_87 : i32 to index
            %get3A_89 = arith.constant 16 : index
            %get3A_90 = tpu.vector_load %arg16[%get3A_88, %get3A_89] {strides = array<i32>} : memref<128x32xf32, #tpu.memory_space<vmem>>, vector<1x16xf32>,
            %get3A_91 = vector.shape_cast %get3A_90 : vector<1x16xf32> to vector<16xf32>
            %mul3A_92 = vector.broadcast %squeeze3A : f32 to vector<16xf32>
            %mul3A_93 = arith.mulf %get3A_91, %mul3A_92 : vector<16xf32>
            %add3A_94 = arith.constant 0 : i32
            %add3A_95 = arith.addi %mul3A_72, %add3A_94 : i32
            %swap3A_96 = arith.index_cast %add3A_95 : i32 to index
            %swap3A_97 = arith.constant 16 : index
            %swap3A_98 = tpu.vector_load %arg16[%swap3A_96, %swap3A_97] {strides = array<i32>} : memref<128x32xf32, #tpu.memory_space<vmem>>, vector<1x16xf32>,
            %swap3A_99 = vector.shape_cast %swap3A_98 : vector<1x16xf32> to vector<16xf32>
            %swap3A_100 = vector.shape_cast %mul3A_93 : vector<16xf32> to vector<1x16xf32>
            tpu.vector_store %arg16[%swap3A_96, %swap3A_97], %swap3A_100 {strides = array<i32>} : memref<128x32xf32, #tpu.memory_space<vmem>>, vector<1x16xf32>,
            %slice3A_101 = vector.extract_strided_slice %get3A_70 {offsets = [1], sizes = [1], strides = [1]} : vector<16xf32> to vector<1xf32>
            %squeeze3A_102 = vector.extract %slice3A_101[0] : f32 from vector<1xf32>
            %add3A_103 = arith.constant 1 : i32
            %add3A_104 = arith.addi %mul3A_72, %add3A_103 : i32
            %get3A_105 = arith.index_cast %add3A_104 : i32 to index
            %get3A_106 = arith.constant 0 : index
            %get3A_107 = tpu.vector_load %arg16[%get3A_105, %get3A_106] {strides = array<i32>} : memref<128x32xf32, #tpu.memory_space<vmem>>, vector<1x16xf32>,
            %get3A_108 = vector.shape_cast %get3A_107 : vector<1x16xf32> to vector<16xf32>
            %mul3A_109 = vector.broadcast %squeeze3A_102 : f32 to vector<16xf32>
            %mul3A_110 = arith.mulf %get3A_108, %mul3A_109 : vector<16xf32>
            %add3A_111 = arith.constant 1 : i32
            %add3A_112 = arith.addi %mul3A_72, %add3A_111 : i32
            %swap3A_113 = arith.index_cast %add3A_112 : i32 to index
            %swap3A_114 = arith.constant 0 : index
            %swap3A_115 = tpu.vector_load %arg16[%swap3A_113, %swap3A_114] {strides = array<i32>} : memref<128x32xf32, #tpu.memory_space<vmem>>, vector<1x16xf32>,
            %swap3A_116 = vector.shape_cast %swap3A_115 : vector<1x16xf32> to vector<16xf32>
            %swap3A_117 = vector.shape_cast %mul3A_110 : vector<16xf32> to vector<1x16xf32>
            tpu.vector_store %arg16[%swap3A_113, %swap3A_114], %swap3A_117 {strides = array<i32>} : memref<128x32xf32, #tpu.memory_space<vmem>>, vector<1x16xf32>,
            %add3A_118 = arith.constant 1 : i32
            %add3A_119 = arith.addi %mul3A_72, %add3A_118 : i32
            %get3A_120 = arith.index_cast %add3A_119 : i32 to index
            %get3A_121 = arith.constant 16 : index
            %get3A_122 = tpu.vector_load %arg16[%get3A_120, %get3A_121] {strides = array<i32>} : memref<128x32xf32, #tpu.memory_space<vmem>>, vector<1x16xf32>,
            %get3A_123 = vector.shape_cast %get3A_122 : vector<1x16xf32> to vector<16xf32>
            %mul3A_124 = vector.broadcast %squeeze3A_102 : f32 to vector<16xf32>
            %mul3A_125 = arith.mulf %get3A_123, %mul3A_124 : vector<16xf32>
            %add3A_126 = arith.constant 1 : i32
            %add3A_127 = arith.addi %mul3A_72, %add3A_126 : i32
            %swap3A_128 = arith.index_cast %add3A_127 : i32 to index
            %swap3A_129 = arith.constant 16 : index
            %swap3A_130 = tpu.vector_load %arg16[%swap3A_128, %swap3A_129] {strides = array<i32>} : memref<128x32xf32, #tpu.memory_space<vmem>>, vector<1x16xf32>,
            %swap3A_131 = vector.shape_cast %swap3A_130 : vector<1x16xf32> to vector<16xf32>
            %swap3A_132 = vector.shape_cast %mul3A_125 : vector<16xf32> to vector<1x16xf32>
            tpu.vector_store %arg16[%swap3A_128, %swap3A_129], %swap3A_132 {strides = array<i32>} : memref<128x32xf32, #tpu.memory_space<vmem>>, vector<1x16xf32>,
            %slice3A_133 = vector.extract_strided_slice %get3A_70 {offsets = [2], sizes = [1], strides = [1]} : vector<16xf32> to vector<1xf32>
            %squeeze3A_134 = vector.extract %slice3A_133[0] : f32 from vector<1xf32>
            %add3A_135 = arith.constant 2 : i32
            %add3A_136 = arith.addi %mul3A_72, %add3A_135 : i32
            %get3A_137 = arith.index_cast %add3A_136 : i32 to index
            %get3A_138 = arith.constant 0 : index
            %get3A_139 = tpu.vector_load %arg16[%get3A_137, %get3A_138] {strides = array<i32>} : memref<128x32xf32, #tpu.memory_space<vmem>>, vector<1x16xf32>,
            %get3A_140 = vector.shape_cast %get3A_139 : vector<1x16xf32> to vector<16xf32>
            %mul3A_141 = vector.broadcast %squeeze3A_134 : f32 to vector<16xf32>
            %mul3A_142 = arith.mulf %get3A_140, %mul3A_141 : vector<16xf32>
            %add3A_143 = arith.constant 2 : i32
            %add3A_144 = arith.addi %mul3A_72, %add3A_143 : i32
            %swap3A_145 = arith.index_cast %add3A_144 : i32 to index
            %swap3A_146 = arith.constant 0 : index
            %swap3A_147 = tpu.vector_load %arg16[%swap3A_145, %swap3A_146] {strides = array<i32>} : memref<128x32xf32, #tpu.memory_space<vmem>>, vector<1x16xf32>,
            %swap3A_148 = vector.shape_cast %swap3A_147 : vector<1x16xf32> to vector<16xf32>
            %swap3A_149 = vector.shape_cast %mul3A_142 : vector<16xf32> to vector<1x16xf32>
            tpu.vector_store %arg16[%swap3A_145, %swap3A_146], %swap3A_149 {strides = array<i32>} : memref<128x32xf32, #tpu.memory_space<vmem>>, vector<1x16xf32>,
            %add3A_150 = arith.constant 2 : i32
            %add3A_151 = arith.addi %mul3A_72, %add3A_150 : i32
            %get3A_152 = arith.index_cast %add3A_151 : i32 to index
            %get3A_153 = arith.constant 16 : index
            %get3A_154 = tpu.vector_load %arg16[%get3A_152, %get3A_153] {strides = array<i32>} : memref<128x32xf32, #tpu.memory_space<vmem>>, vector<1x16xf32>,
            %get3A_155 = vector.shape_cast %get3A_154 : vector<1x16xf32> to vector<16xf32>
            %mul3A_156 = vector.broadcast %squeeze3A_134 : f32 to vector<16xf32>
            %mul3A_157 = arith.mulf %get3A_155, %mul3A_156 : vector<16xf32>
            %add3A_158 = arith.constant 2 : i32
            %add3A_159 = arith.addi %mul3A_72, %add3A_158 : i32
            %swap3A_160 = arith.index_cast %add3A_159 : i32 to index
            %swap3A_161 = arith.constant 16 : index
            %swap3A_162 = tpu.vector_load %arg16[%swap3A_160, %swap3A_161] {strides = array<i32>} : memref<128x32xf32, #tpu.memory_space<vmem>>, vector<1x16xf32>,
            %swap3A_163 = vector.shape_cast %swap3A_162 : vector<1x16xf32> to vector<16xf32>
            %swap3A_164 = vector.shape_cast %mul3A_157 : vector<16xf32> to vector<1x16xf32>
            tpu.vector_store %arg16[%swap3A_160, %swap3A_161], %swap3A_164 {strides = array<i32>} : memref<128x32xf32, #tpu.memory_space<vmem>>, vector<1x16xf32>,
            %slice3A_165 = vector.extract_strided_slice %get3A_70 {offsets = [3], sizes = [1], strides = [1]} : vector<16xf32> to vector<1xf32>
            %squeeze3A_166 = vector.extract %slice3A_165[0] : f32 from vector<1xf32>
            %add3A_167 = arith.constant 3 : i32
            %add3A_168 = arith.addi %mul3A_72, %add3A_167 : i32
            %get3A_169 = arith.index_cast %add3A_168 : i32 to index
            %get3A_170 = arith.constant 0 : index
            %get3A_171 = tpu.vector_load %arg16[%get3A_169, %get3A_170] {strides = array<i32>} : memref<128x32xf32, #tpu.memory_space<vmem>>, vector<1x16xf32>,
            %get3A_172 = vector.shape_cast %get3A_171 : vector<1x16xf32> to vector<16xf32>
            %mul3A_173 = vector.broadcast %squeeze3A_166 : f32 to vector<16xf32>
            %mul3A_174 = arith.mulf %get3A_172, %mul3A_173 : vector<16xf32>
            %add3A_175 = arith.constant 3 : i32
            %add3A_176 = arith.addi %mul3A_72, %add3A_175 : i32
            %swap3A_177 = arith.index_cast %add3A_176 : i32 to index
            %swap3A_178 = arith.constant 0 : index
            %swap3A_179 = tpu.vector_load %arg16[%swap3A_177, %swap3A_178] {strides = array<i32>} : memref<128x32xf32, #tpu.memory_space<vmem>>, vector<1x16xf32>,
            %swap3A_180 = vector.shape_cast %swap3A_179 : vector<1x16xf32> to vector<16xf32>
            %swap3A_181 = vector.shape_cast %mul3A_174 : vector<16xf32> to vector<1x16xf32>
            tpu.vector_store %arg16[%swap3A_177, %swap3A_178], %swap3A_181 {strides = array<i32>} : memref<128x32xf32, #tpu.memory_space<vmem>>, vector<1x16xf32>,
            %add3A_182 = arith.constant 3 : i32
            %add3A_183 = arith.addi %mul3A_72, %add3A_182 : i32
            %get3A_184 = arith.index_cast %add3A_183 : i32 to index
            %get3A_185 = arith.constant 16 : index
            %get3A_186 = tpu.vector_load %arg16[%get3A_184, %get3A_185] {strides = array<i32>} : memref<128x32xf32, #tpu.memory_space<vmem>>, vector<1x16xf32>,
            %get3A_187 = vector.shape_cast %get3A_186 : vector<1x16xf32> to vector<16xf32>
            %mul3A_188 = vector.broadcast %squeeze3A_166 : f32 to vector<16xf32>
            %mul3A_189 = arith.mulf %get3A_187, %mul3A_188 : vector<16xf32>
            %add3A_190 = arith.constant 3 : i32
            %add3A_191 = arith.addi %mul3A_72, %add3A_190 : i32
            %swap3A_192 = arith.index_cast %add3A_191 : i32 to index
            %swap3A_193 = arith.constant 16 : index
            %swap3A_194 = tpu.vector_load %arg16[%swap3A_192, %swap3A_193] {strides = array<i32>} : memref<128x32xf32, #tpu.memory_space<vmem>>, vector<1x16xf32>,
            %swap3A_195 = vector.shape_cast %swap3A_194 : vector<1x16xf32> to vector<16xf32>
            %swap3A_196 = vector.shape_cast %mul3A_189 : vector<16xf32> to vector<1x16xf32>
            tpu.vector_store %arg16[%swap3A_192, %swap3A_193], %swap3A_196 {strides = array<i32>} : memref<128x32xf32, #tpu.memory_space<vmem>>, vector<1x16xf32>,
            %slice3A_197 = vector.extract_strided_slice %get3A_70 {offsets = [4], sizes = [1], strides = [1]} : vector<16xf32> to vector<1xf32>
            %squeeze3A_198 = vector.extract %slice3A_197[0] : f32 from vector<1xf32>
            %add3A_199 = arith.constant 4 : i32
            %add3A_200 = arith.addi %mul3A_72, %add3A_199 : i32
            %get3A_201 = arith.index_cast %add3A_200 : i32 to index
            %get3A_202 = arith.constant 0 : index
            %get3A_203 = tpu.vector_load %arg16[%get3A_201, %get3A_202] {strides = array<i32>} : memref<128x32xf32, #tpu.memory_space<vmem>>, vector<1x16xf32>,
            %get3A_204 = vector.shape_cast %get3A_203 : vector<1x16xf32> to vector<16xf32>
            %mul3A_205 = vector.broadcast %squeeze3A_198 : f32 to vector<16xf32>
            %mul3A_206 = arith.mulf %get3A_204, %mul3A_205 : vector<16xf32>
            %add3A_207 = arith.constant 4 : i32
            %add3A_208 = arith.addi %mul3A_72, %add3A_207 : i32
            %swap3A_209 = arith.index_cast %add3A_208 : i32 to index
            %swap3A_210 = arith.constant 0 : index
            %swap3A_211 = tpu.vector_load %arg16[%swap3A_209, %swap3A_210] {strides = array<i32>} : memref<128x32xf32, #tpu.memory_space<vmem>>, vector<1x16xf32>,
            %swap3A_212 = vector.shape_cast %swap3A_211 : vector<1x16xf32> to vector<16xf32>
            %swap3A_213 = vector.shape_cast %mul3A_206 : vector<16xf32> to vector<1x16xf32>
            tpu.vector_store %arg16[%swap3A_209, %swap3A_210], %swap3A_213 {strides = array<i32>} : memref<128x32xf32, #tpu.memory_space<vmem>>, vector<1x16xf32>,
            %add3A_214 = arith.constant 4 : i32
            %add3A_215 = arith.addi %mul3A_72, %add3A_214 : i32
            %get3A_216 = arith.index_cast %add3A_215 : i32 to index
            %get3A_217 = arith.constant 16 : index
            %get3A_218 = tpu.vector_load %arg16[%get3A_216, %get3A_217] {strides = array<i32>} : memref<128x32xf32, #tpu.memory_space<vmem>>, vector<1x16xf32>,
            %get3A_219 = vector.shape_cast %get3A_218 : vector<1x16xf32> to vector<16xf32>
            %mul3A_220 = vector.broadcast %squeeze3A_198 : f32 to vector<16xf32>
            %mul3A_221 = arith.mulf %get3A_219, %mul3A_220 : vector<16xf32>
            %add3A_222 = arith.constant 4 : i32
            %add3A_223 = arith.addi %mul3A_72, %add3A_222 : i32
            %swap3A_224 = arith.index_cast %add3A_223 : i32 to index
            %swap3A_225 = arith.constant 16 : index
            %swap3A_226 = tpu.vector_load %arg16[%swap3A_224, %swap3A_225] {strides = array<i32>} : memref<128x32xf32, #tpu.memory_space<vmem>>, vector<1x16xf32>,
            %swap3A_227 = vector.shape_cast %swap3A_226 : vector<1x16xf32> to vector<16xf32>
            %swap3A_228 = vector.shape_cast %mul3A_221 : vector<16xf32> to vector<1x16xf32>
            tpu.vector_store %arg16[%swap3A_224, %swap3A_225], %swap3A_228 {strides = array<i32>} : memref<128x32xf32, #tpu.memory_space<vmem>>, vector<1x16xf32>,
            %slice3A_229 = vector.extract_strided_slice %get3A_70 {offsets = [5], sizes = [1], strides = [1]} : vector<16xf32> to vector<1xf32>
            %squeeze3A_230 = vector.extract %slice3A_229[0] : f32 from vector<1xf32>
            %add3A_231 = arith.constant 5 : i32
            %add3A_232 = arith.addi %mul3A_72, %add3A_231 : i32
            %get3A_233 = arith.index_cast %add3A_232 : i32 to index
            %get3A_234 = arith.constant 0 : index
            %get3A_235 = tpu.vector_load %arg16[%get3A_233, %get3A_234] {strides = array<i32>} : memref<128x32xf32, #tpu.memory_space<vmem>>, vector<1x16xf32>,
            %get3A_236 = vector.shape_cast %get3A_235 : vector<1x16xf32> to vector<16xf32>
            %mul3A_237 = vector.broadcast %squeeze3A_230 : f32 to vector<16xf32>
            %mul3A_238 = arith.mulf %get3A_236, %mul3A_237 : vector<16xf32>
            %add3A_239 = arith.constant 5 : i32
            %add3A_240 = arith.addi %mul3A_72, %add3A_239 : i32
            %swap3A_241 = arith.index_cast %add3A_240 : i32 to index
            %swap3A_242 = arith.constant 0 : index
            %swap3A_243 = tpu.vector_load %arg16[%swap3A_241, %swap3A_242] {strides = array<i32>} : memref<128x32xf32, #tpu.memory_space<vmem>>, vector<1x16xf32>,
            %swap3A_244 = vector.shape_cast %swap3A_243 : vector<1x16xf32> to vector<16xf32>
            %swap3A_245 = vector.shape_cast %mul3A_238 : vector<16xf32> to vector<1x16xf32>
            tpu.vector_store %arg16[%swap3A_241, %swap3A_242], %swap3A_245 {strides = array<i32>} : memref<128x32xf32, #tpu.memory_space<vmem>>, vector<1x16xf32>,
            %add3A_246 = arith.constant 5 : i32
            %add3A_247 = arith.addi %mul3A_72, %add3A_246 : i32
            %get3A_248 = arith.index_cast %add3A_247 : i32 to index
            %get3A_249 = arith.constant 16 : index
            %get3A_250 = tpu.vector_load %arg16[%get3A_248, %get3A_249] {strides = array<i32>} : memref<128x32xf32, #tpu.memory_space<vmem>>, vector<1x16xf32>,
            %get3A_251 = vector.shape_cast %get3A_250 : vector<1x16xf32> to vector<16xf32>
            %mul3A_252 = vector.broadcast %squeeze3A_230 : f32 to vector<16xf32>
            %mul3A_253 = arith.mulf %get3A_251, %mul3A_252 : vector<16xf32>
            %add3A_254 = arith.constant 5 : i32
            %add3A_255 = arith.addi %mul3A_72, %add3A_254 : i32
            %swap3A_256 = arith.index_cast %add3A_255 : i32 to index
            %swap3A_257 = arith.constant 16 : index
            %swap3A_258 = tpu.vector_load %arg16[%swap3A_256, %swap3A_257] {strides = array<i32>} : memref<128x32xf32, #tpu.memory_space<vmem>>, vector<1x16xf32>,
            %swap3A_259 = vector.shape_cast %swap3A_258 : vector<1x16xf32> to vector<16xf32>
            %swap3A_260 = vector.shape_cast %mul3A_253 : vector<16xf32> to vector<1x16xf32>
            tpu.vector_store %arg16[%swap3A_256, %swap3A_257], %swap3A_260 {strides = array<i32>} : memref<128x32xf32, #tpu.memory_space<vmem>>, vector<1x16xf32>,
            %slice3A_261 = vector.extract_strided_slice %get3A_70 {offsets = [6], sizes = [1], strides = [1]} : vector<16xf32> to vector<1xf32>
            %squeeze3A_262 = vector.extract %slice3A_261[0] : f32 from vector<1xf32>
            %add3A_263 = arith.constant 6 : i32
            %add3A_264 = arith.addi %mul3A_72, %add3A_263 : i32
            %get3A_265 = arith.index_cast %add3A_264 : i32 to index
            %get3A_266 = arith.constant 0 : index
            %get3A_267 = tpu.vector_load %arg16[%get3A_265, %get3A_266] {strides = array<i32>} : memref<128x32xf32, #tpu.memory_space<vmem>>, vector<1x16xf32>,
            %get3A_268 = vector.shape_cast %get3A_267 : vector<1x16xf32> to vector<16xf32>
            %mul3A_269 = vector.broadcast %squeeze3A_262 : f32 to vector<16xf32>
            %mul3A_270 = arith.mulf %get3A_268, %mul3A_269 : vector<16xf32>
            %add3A_271 = arith.constant 6 : i32
            %add3A_272 = arith.addi %mul3A_72, %add3A_271 : i32
            %swap3A_273 = arith.index_cast %add3A_272 : i32 to index
            %swap3A_274 = arith.constant 0 : index
            %swap3A_275 = tpu.vector_load %arg16[%swap3A_273, %swap3A_274] {strides = array<i32>} : memref<128x32xf32, #tpu.memory_space<vmem>>, vector<1x16xf32>,
            %swap3A_276 = vector.shape_cast %swap3A_275 : vector<1x16xf32> to vector<16xf32>
            %swap3A_277 = vector.shape_cast %mul3A_270 : vector<16xf32> to vector<1x16xf32>
            tpu.vector_store %arg16[%swap3A_273, %swap3A_274], %swap3A_277 {strides = array<i32>} : memref<128x32xf32, #tpu.memory_space<vmem>>, vector<1x16xf32>,
            %add3A_278 = arith.constant 6 : i32
            %add3A_279 = arith.addi %mul3A_72, %add3A_278 : i32
            %get3A_280 = arith.index_cast %add3A_279 : i32 to index
            %get3A_281 = arith.constant 16 : index
            %get3A_282 = tpu.vector_load %arg16[%get3A_280, %get3A_281] {strides = array<i32>} : memref<128x32xf32, #tpu.memory_space<vmem>>, vector<1x16xf32>,
            %get3A_283 = vector.shape_cast %get3A_282 : vector<1x16xf32> to vector<16xf32>
            %mul3A_284 = vector.broadcast %squeeze3A_262 : f32 to vector<16xf32>
            %mul3A_285 = arith.mulf %get3A_283, %mul3A_284 : vector<16xf32>
            %add3A_286 = arith.constant 6 : i32
            %add3A_287 = arith.addi %mul3A_72, %add3A_286 : i32
            %swap3A_288 = arith.index_cast %add3A_287 : i32 to index
            %swap3A_289 = arith.constant 16 : index
            %swap3A_290 = tpu.vector_load %arg16[%swap3A_288, %swap3A_289] {strides = array<i32>} : memref<128x32xf32, #tpu.memory_space<vmem>>, vector<1x16xf32>,
            %swap3A_291 = vector.shape_cast %swap3A_290 : vector<1x16xf32> to vector<16xf32>
            %swap3A_292 = vector.shape_cast %mul3A_285 : vector<16xf32> to vector<1x16xf32>
            tpu.vector_store %arg16[%swap3A_288, %swap3A_289], %swap3A_292 {strides = array<i32>} : memref<128x32xf32, #tpu.memory_space<vmem>>, vector<1x16xf32>,
            %slice3A_293 = vector.extract_strided_slice %get3A_70 {offsets = [7], sizes = [1], strides = [1]} : vector<16xf32> to vector<1xf32>
            %squeeze3A_294 = vector.extract %slice3A_293[0] : f32 from vector<1xf32>
            %add3A_295 = arith.constant 7 : i32
            %add3A_296 = arith.addi %mul3A_72, %add3A_295 : i32
            %get3A_297 = arith.index_cast %add3A_296 : i32 to index
            %get3A_298 = arith.constant 0 : index
            %get3A_299 = tpu.vector_load %arg16[%get3A_297, %get3A_298] {strides = array<i32>} : memref<128x32xf32, #tpu.memory_space<vmem>>, vector<1x16xf32>,
            %get3A_300 = vector.shape_cast %get3A_299 : vector<1x16xf32> to vector<16xf32>
            %mul3A_301 = vector.broadcast %squeeze3A_294 : f32 to vector<16xf32>
            %mul3A_302 = arith.mulf %get3A_300, %mul3A_301 : vector<16xf32>
            %add3A_303 = arith.constant 7 : i32
            %add3A_304 = arith.addi %mul3A_72, %add3A_303 : i32
            %swap3A_305 = arith.index_cast %add3A_304 : i32 to index
            %swap3A_306 = arith.constant 0 : index
            %swap3A_307 = tpu.vector_load %arg16[%swap3A_305, %swap3A_306] {strides = array<i32>} : memref<128x32xf32, #tpu.memory_space<vmem>>, vector<1x16xf32>,
            %swap3A_308 = vector.shape_cast %swap3A_307 : vector<1x16xf32> to vector<16xf32>
            %swap3A_309 = vector.shape_cast %mul3A_302 : vector<16xf32> to vector<1x16xf32>
            tpu.vector_store %arg16[%swap3A_305, %swap3A_306], %swap3A_309 {strides = array<i32>} : memref<128x32xf32, #tpu.memory_space<vmem>>, vector<1x16xf32>,
            %add3A_310 = arith.constant 7 : i32
            %add3A_311 = arith.addi %mul3A_72, %add3A_310 : i32
            %get3A_312 = arith.index_cast %add3A_311 : i32 to index
            %get3A_313 = arith.constant 16 : index
            %get3A_314 = tpu.vector_load %arg16[%get3A_312, %get3A_313] {strides = array<i32>} : memref<128x32xf32, #tpu.memory_space<vmem>>, vector<1x16xf32>,
            %get3A_315 = vector.shape_cast %get3A_314 : vector<1x16xf32> to vector<16xf32>
            %mul3A_316 = vector.broadcast %squeeze3A_294 : f32 to vector<16xf32>
            %mul3A_317 = arith.mulf %get3A_315, %mul3A_316 : vector<16xf32>
            %add3A_318 = arith.constant 7 : i32
            %add3A_319 = arith.addi %mul3A_72, %add3A_318 : i32
            %swap3A_320 = arith.index_cast %add3A_319 : i32 to index
            %swap3A_321 = arith.constant 16 : index
            %swap3A_322 = tpu.vector_load %arg16[%swap3A_320, %swap3A_321] {strides = array<i32>} : memref<128x32xf32, #tpu.memory_space<vmem>>, vector<1x16xf32>,
            %swap3A_323 = vector.shape_cast %swap3A_322 : vector<1x16xf32> to vector<16xf32>
            %swap3A_324 = vector.shape_cast %mul3A_317 : vector<16xf32> to vector<1x16xf32>
            tpu.vector_store %arg16[%swap3A_320, %swap3A_321], %swap3A_324 {strides = array<i32>} : memref<128x32xf32, #tpu.memory_space<vmem>>, vector<1x16xf32>,
            %slice3A_325 = vector.extract_strided_slice %get3A_70 {offsets = [8], sizes = [1], strides = [1]} : vector<16xf32> to vector<1xf32>
            %squeeze3A_326 = vector.extract %slice3A_325[0] : f32 from vector<1xf32>
            %add3A_327 = arith.constant 8 : i32
            %add3A_328 = arith.addi %mul3A_72, %add3A_327 : i32
            %get3A_329 = arith.index_cast %add3A_328 : i32 to index
            %get3A_330 = arith.constant 0 : index
            %get3A_331 = tpu.vector_load %arg16[%get3A_329, %get3A_330] {strides = array<i32>} : memref<128x32xf32, #tpu.memory_space<vmem>>, vector<1x16xf32>,
            %get3A_332 = vector.shape_cast %get3A_331 : vector<1x16xf32> to vector<16xf32>
            %mul3A_333 = vector.broadcast %squeeze3A_326 : f32 to vector<16xf32>
            %mul3A_334 = arith.mulf %get3A_332, %mul3A_333 : vector<16xf32>
            %add3A_335 = arith.constant 8 : i32
            %add3A_336 = arith.addi %mul3A_72, %add3A_335 : i32
            %swap3A_337 = arith.index_cast %add3A_336 : i32 to index
            %swap3A_338 = arith.constant 0 : index
            %swap3A_339 = tpu.vector_load %arg16[%swap3A_337, %swap3A_338] {strides = array<i32>} : memref<128x32xf32, #tpu.memory_space<vmem>>, vector<1x16xf32>,
            %swap3A_340 = vector.shape_cast %swap3A_339 : vector<1x16xf32> to vector<16xf32>
            %swap3A_341 = vector.shape_cast %mul3A_334 : vector<16xf32> to vector<1x16xf32>
            tpu.vector_store %arg16[%swap3A_337, %swap3A_338], %swap3A_341 {strides = array<i32>} : memref<128x32xf32, #tpu.memory_space<vmem>>, vector<1x16xf32>,
            %add3A_342 = arith.constant 8 : i32
            %add3A_343 = arith.addi %mul3A_72, %add3A_342 : i32
            %get3A_344 = arith.index_cast %add3A_343 : i32 to index
            %get3A_345 = arith.constant 16 : index
            %get3A_346 = tpu.vector_load %arg16[%get3A_344, %get3A_345] {strides = array<i32>} : memref<128x32xf32, #tpu.memory_space<vmem>>, vector<1x16xf32>,
            %get3A_347 = vector.shape_cast %get3A_346 : vector<1x16xf32> to vector<16xf32>
            %mul3A_348 = vector.broadcast %squeeze3A_326 : f32 to vector<16xf32>
            %mul3A_349 = arith.mulf %get3A_347, %mul3A_348 : vector<16xf32>
            %add3A_350 = arith.constant 8 : i32
            %add3A_351 = arith.addi %mul3A_72, %add3A_350 : i32
            %swap3A_352 = arith.index_cast %add3A_351 : i32 to index
            %swap3A_353 = arith.constant 16 : index
            %swap3A_354 = tpu.vector_load %arg16[%swap3A_352, %swap3A_353] {strides = array<i32>} : memref<128x32xf32, #tpu.memory_space<vmem>>, vector<1x16xf32>,
            %swap3A_355 = vector.shape_cast %swap3A_354 : vector<1x16xf32> to vector<16xf32>
            %swap3A_356 = vector.shape_cast %mul3A_349 : vector<16xf32> to vector<1x16xf32>
            tpu.vector_store %arg16[%swap3A_352, %swap3A_353], %swap3A_356 {strides = array<i32>} : memref<128x32xf32, #tpu.memory_space<vmem>>, vector<1x16xf32>,
            %slice3A_357 = vector.extract_strided_slice %get3A_70 {offsets = [9], sizes = [1], strides = [1]} : vector<16xf32> to vector<1xf32>
            %squeeze3A_358 = vector.extract %slice3A_357[0] : f32 from vector<1xf32>
            %add3A_359 = arith.constant 9 : i32
            %add3A_360 = arith.addi %mul3A_72, %add3A_359 : i32
            %get3A_361 = arith.index_cast %add3A_360 : i32 to index
            %get3A_362 = arith.constant 0 : index
            %get3A_363 = tpu.vector_load %arg16[%get3A_361, %get3A_362] {strides = array<i32>} : memref<128x32xf32, #tpu.memory_space<vmem>>, vector<1x16xf32>,
            %get3A_364 = vector.shape_cast %get3A_363 : vector<1x16xf32> to vector<16xf32>
            %mul3A_365 = vector.broadcast %squeeze3A_358 : f32 to vector<16xf32>
            %mul3A_366 = arith.mulf %get3A_364, %mul3A_365 : vector<16xf32>
            %add3A_367 = arith.constant 9 : i32
            %add3A_368 = arith.addi %mul3A_72, %add3A_367 : i32
            %swap3A_369 = arith.index_cast %add3A_368 : i32 to index
            %swap3A_370 = arith.constant 0 : index
            %swap3A_371 = tpu.vector_load %arg16[%swap3A_369, %swap3A_370] {strides = array<i32>} : memref<128x32xf32, #tpu.memory_space<vmem>>, vector<1x16xf32>,
            %swap3A_372 = vector.shape_cast %swap3A_371 : vector<1x16xf32> to vector<16xf32>
            %swap3A_373 = vector.shape_cast %mul3A_366 : vector<16xf32> to vector<1x16xf32>
            tpu.vector_store %arg16[%swap3A_369, %swap3A_370], %swap3A_373 {strides = array<i32>} : memref<128x32xf32, #tpu.memory_space<vmem>>, vector<1x16xf32>,
            %add3A_374 = arith.constant 9 : i32
            %add3A_375 = arith.addi %mul3A_72, %add3A_374 : i32
            %get3A_376 = arith.index_cast %add3A_375 : i32 to index
            %get3A_377 = arith.constant 16 : index
            %get3A_378 = tpu.vector_load %arg16[%get3A_376, %get3A_377] {strides = array<i32>} : memref<128x32xf32, #tpu.memory_space<vmem>>, vector<1x16xf32>,
            %get3A_379 = vector.shape_cast %get3A_378 : vector<1x16xf32> to vector<16xf32>
            %mul3A_380 = vector.broadcast %squeeze3A_358 : f32 to vector<16xf32>
            %mul3A_381 = arith.mulf %get3A_379, %mul3A_380 : vector<16xf32>
            %add3A_382 = arith.constant 9 : i32
            %add3A_383 = arith.addi %mul3A_72, %add3A_382 : i32
            %swap3A_384 = arith.index_cast %add3A_383 : i32 to index
            %swap3A_385 = arith.constant 16 : index
            %swap3A_386 = tpu.vector_load %arg16[%swap3A_384, %swap3A_385] {strides = array<i32>} : memref<128x32xf32, #tpu.memory_space<vmem>>, vector<1x16xf32>,
            %swap3A_387 = vector.shape_cast %swap3A_386 : vector<1x16xf32> to vector<16xf32>
            %swap3A_388 = vector.shape_cast %mul3A_381 : vector<16xf32> to vector<1x16xf32>
            tpu.vector_store %arg16[%swap3A_384, %swap3A_385], %swap3A_388 {strides = array<i32>} : memref<128x32xf32, #tpu.memory_space<vmem>>, vector<1x16xf32>,
            %slice3A_389 = vector.extract_strided_slice %get3A_70 {offsets = [10], sizes = [1], strides = [1]} : vector<16xf32> to vector<1xf32>
            %squeeze3A_390 = vector.extract %slice3A_389[0] : f32 from vector<1xf32>
            %add3A_391 = arith.constant 10 : i32
            %add3A_392 = arith.addi %mul3A_72, %add3A_391 : i32
            %get3A_393 = arith.index_cast %add3A_392 : i32 to index
            %get3A_394 = arith.constant 0 : index
            %get3A_395 = tpu.vector_load %arg16[%get3A_393, %get3A_394] {strides = array<i32>} : memref<128x32xf32, #tpu.memory_space<vmem>>, vector<1x16xf32>,
            %get3A_396 = vector.shape_cast %get3A_395 : vector<1x16xf32> to vector<16xf32>
            %mul3A_397 = vector.broadcast %squeeze3A_390 : f32 to vector<16xf32>
            %mul3A_398 = arith.mulf %get3A_396, %mul3A_397 : vector<16xf32>
            %add3A_399 = arith.constant 10 : i32
            %add3A_400 = arith.addi %mul3A_72, %add3A_399 : i32
            %swap3A_401 = arith.index_cast %add3A_400 : i32 to index
            %swap3A_402 = arith.constant 0 : index
            %swap3A_403 = tpu.vector_load %arg16[%swap3A_401, %swap3A_402] {strides = array<i32>} : memref<128x32xf32, #tpu.memory_space<vmem>>, vector<1x16xf32>,
            %swap3A_404 = vector.shape_cast %swap3A_403 : vector<1x16xf32> to vector<16xf32>
            %swap3A_405 = vector.shape_cast %mul3A_398 : vector<16xf32> to vector<1x16xf32>
            tpu.vector_store %arg16[%swap3A_401, %swap3A_402], %swap3A_405 {strides = array<i32>} : memref<128x32xf32, #tpu.memory_space<vmem>>, vector<1x16xf32>,
            %add3A_406 = arith.constant 10 : i32
            %add3A_407 = arith.addi %mul3A_72, %add3A_406 : i32
            %get3A_408 = arith.index_cast %add3A_407 : i32 to index
            %get3A_409 = arith.constant 16 : index
            %get3A_410 = tpu.vector_load %arg16[%get3A_408, %get3A_409] {strides = array<i32>} : memref<128x32xf32, #tpu.memory_space<vmem>>, vector<1x16xf32>,
            %get3A_411 = vector.shape_cast %get3A_410 : vector<1x16xf32> to vector<16xf32>
            %mul3A_412 = vector.broadcast %squeeze3A_390 : f32 to vector<16xf32>
            %mul3A_413 = arith.mulf %get3A_411, %mul3A_412 : vector<16xf32>
            %add3A_414 = arith.constant 10 : i32
            %add3A_415 = arith.addi %mul3A_72, %add3A_414 : i32
            %swap3A_416 = arith.index_cast %add3A_415 : i32 to index
            %swap3A_417 = arith.constant 16 : index
            %swap3A_418 = tpu.vector_load %arg16[%swap3A_416, %swap3A_417] {strides = array<i32>} : memref<128x32xf32, #tpu.memory_space<vmem>>, vector<1x16xf32>,
            %swap3A_419 = vector.shape_cast %swap3A_418 : vector<1x16xf32> to vector<16xf32>
            %swap3A_420 = vector.shape_cast %mul3A_413 : vector<16xf32> to vector<1x16xf32>
            tpu.vector_store %arg16[%swap3A_416, %swap3A_417], %swap3A_420 {strides = array<i32>} : memref<128x32xf32, #tpu.memory_space<vmem>>, vector<1x16xf32>,
            %slice3A_421 = vector.extract_strided_slice %get3A_70 {offsets = [11], sizes = [1], strides = [1]} : vector<16xf32> to vector<1xf32>
            %squeeze3A_422 = vector.extract %slice3A_421[0] : f32 from vector<1xf32>
            %add3A_423 = arith.constant 11 : i32
            %add3A_424 = arith.addi %mul3A_72, %add3A_423 : i32
            %get3A_425 = arith.index_cast %add3A_424 : i32 to index
            %get3A_426 = arith.constant 0 : index
            %get3A_427 = tpu.vector_load %arg16[%get3A_425, %get3A_426] {strides = array<i32>} : memref<128x32xf32, #tpu.memory_space<vmem>>, vector<1x16xf32>,
            %get3A_428 = vector.shape_cast %get3A_427 : vector<1x16xf32> to vector<16xf32>
            %mul3A_429 = vector.broadcast %squeeze3A_422 : f32 to vector<16xf32>
            %mul3A_430 = arith.mulf %get3A_428, %mul3A_429 : vector<16xf32>
            %add3A_431 = arith.constant 11 : i32
            %add3A_432 = arith.addi %mul3A_72, %add3A_431 : i32
            %swap3A_433 = arith.index_cast %add3A_432 : i32 to index
            %swap3A_434 = arith.constant 0 : index
            %swap3A_435 = tpu.vector_load %arg16[%swap3A_433, %swap3A_434] {strides = array<i32>} : memref<128x32xf32, #tpu.memory_space<vmem>>, vector<1x16xf32>,
            %swap3A_436 = vector.shape_cast %swap3A_435 : vector<1x16xf32> to vector<16xf32>
            %swap3A_437 = vector.shape_cast %mul3A_430 : vector<16xf32> to vector<1x16xf32>
            tpu.vector_store %arg16[%swap3A_433, %swap3A_434], %swap3A_437 {strides = array<i32>} : memref<128x32xf32, #tpu.memory_space<vmem>>, vector<1x16xf32>,
            %add3A_438 = arith.constant 11 : i32
            %add3A_439 = arith.addi %mul3A_72, %add3A_438 : i32
            %get3A_440 = arith.index_cast %add3A_439 : i32 to index
            %get3A_441 = arith.constant 16 : index
            %get3A_442 = tpu.vector_load %arg16[%get3A_440, %get3A_441] {strides = array<i32>} : memref<128x32xf32, #tpu.memory_space<vmem>>, vector<1x16xf32>,
            %get3A_443 = vector.shape_cast %get3A_442 : vector<1x16xf32> to vector<16xf32>
            %mul3A_444 = vector.broadcast %squeeze3A_422 : f32 to vector<16xf32>
            %mul3A_445 = arith.mulf %get3A_443, %mul3A_444 : vector<16xf32>
            %add3A_446 = arith.constant 11 : i32
            %add3A_447 = arith.addi %mul3A_72, %add3A_446 : i32
            %swap3A_448 = arith.index_cast %add3A_447 : i32 to index
            %swap3A_449 = arith.constant 16 : index
            %swap3A_450 = tpu.vector_load %arg16[%swap3A_448, %swap3A_449] {strides = array<i32>} : memref<128x32xf32, #tpu.memory_space<vmem>>, vector<1x16xf32>,
            %swap3A_451 = vector.shape_cast %swap3A_450 : vector<1x16xf32> to vector<16xf32>
            %swap3A_452 = vector.shape_cast %mul3A_445 : vector<16xf32> to vector<1x16xf32>
            tpu.vector_store %arg16[%swap3A_448, %swap3A_449], %swap3A_452 {strides = array<i32>} : memref<128x32xf32, #tpu.memory_space<vmem>>, vector<1x16xf32>,
            %slice3A_453 = vector.extract_strided_slice %get3A_70 {offsets = [12], sizes = [1], strides = [1]} : vector<16xf32> to vector<1xf32>
            %squeeze3A_454 = vector.extract %slice3A_453[0] : f32 from vector<1xf32>
            %add3A_455 = arith.constant 12 : i32
            %add3A_456 = arith.addi %mul3A_72, %add3A_455 : i32
            %get3A_457 = arith.index_cast %add3A_456 : i32 to index
            %get3A_458 = arith.constant 0 : index
            %get3A_459 = tpu.vector_load %arg16[%get3A_457, %get3A_458] {strides = array<i32>} : memref<128x32xf32, #tpu.memory_space<vmem>>, vector<1x16xf32>,
            %get3A_460 = vector.shape_cast %get3A_459 : vector<1x16xf32> to vector<16xf32>
            %mul3A_461 = vector.broadcast %squeeze3A_454 : f32 to vector<16xf32>
            %mul3A_462 = arith.mulf %get3A_460, %mul3A_461 : vector<16xf32>
            %add3A_463 = arith.constant 12 : i32
            %add3A_464 = arith.addi %mul3A_72, %add3A_463 : i32
            %swap3A_465 = arith.index_cast %add3A_464 : i32 to index
            %swap3A_466 = arith.constant 0 : index
            %swap3A_467 = tpu.vector_load %arg16[%swap3A_465, %swap3A_466] {strides = array<i32>} : memref<128x32xf32, #tpu.memory_space<vmem>>, vector<1x16xf32>,
            %swap3A_468 = vector.shape_cast %swap3A_467 : vector<1x16xf32> to vector<16xf32>
            %swap3A_469 = vector.shape_cast %mul3A_462 : vector<16xf32> to vector<1x16xf32>
            tpu.vector_store %arg16[%swap3A_465, %swap3A_466], %swap3A_469 {strides = array<i32>} : memref<128x32xf32, #tpu.memory_space<vmem>>, vector<1x16xf32>,
            %add3A_470 = arith.constant 12 : i32
            %add3A_471 = arith.addi %mul3A_72, %add3A_470 : i32
            %get3A_472 = arith.index_cast %add3A_471 : i32 to index
            %get3A_473 = arith.constant 16 : index
            %get3A_474 = tpu.vector_load %arg16[%get3A_472, %get3A_473] {strides = array<i32>} : memref<128x32xf32, #tpu.memory_space<vmem>>, vector<1x16xf32>,
            %get3A_475 = vector.shape_cast %get3A_474 : vector<1x16xf32> to vector<16xf32>
            %mul3A_476 = vector.broadcast %squeeze3A_454 : f32 to vector<16xf32>
            %mul3A_477 = arith.mulf %get3A_475, %mul3A_476 : vector<16xf32>
            %add3A_478 = arith.constant 12 : i32
            %add3A_479 = arith.addi %mul3A_72, %add3A_478 : i32
            %swap3A_480 = arith.index_cast %add3A_479 : i32 to index
            %swap3A_481 = arith.constant 16 : index
            %swap3A_482 = tpu.vector_load %arg16[%swap3A_480, %swap3A_481] {strides = array<i32>} : memref<128x32xf32, #tpu.memory_space<vmem>>, vector<1x16xf32>,
            %swap3A_483 = vector.shape_cast %swap3A_482 : vector<1x16xf32> to vector<16xf32>
            %swap3A_484 = vector.shape_cast %mul3A_477 : vector<16xf32> to vector<1x16xf32>
            tpu.vector_store %arg16[%swap3A_480, %swap3A_481], %swap3A_484 {strides = array<i32>} : memref<128x32xf32, #tpu.memory_space<vmem>>, vector<1x16xf32>,
            %slice3A_485 = vector.extract_strided_slice %get3A_70 {offsets = [13], sizes = [1], strides = [1]} : vector<16xf32> to vector<1xf32>
            %squeeze3A_486 = vector.extract %slice3A_485[0] : f32 from vector<1xf32>
            %add3A_487 = arith.constant 13 : i32
            %add3A_488 = arith.addi %mul3A_72, %add3A_487 : i32
            %get3A_489 = arith.index_cast %add3A_488 : i32 to index
            %get3A_490 = arith.constant 0 : index
            %get3A_491 = tpu.vector_load %arg16[%get3A_489, %get3A_490] {strides = array<i32>} : memref<128x32xf32, #tpu.memory_space<vmem>>, vector<1x16xf32>,
            %get3A_492 = vector.shape_cast %get3A_491 : vector<1x16xf32> to vector<16xf32>
            %mul3A_493 = vector.broadcast %squeeze3A_486 : f32 to vector<16xf32>
            %mul3A_494 = arith.mulf %get3A_492, %mul3A_493 : vector<16xf32>
            %add3A_495 = arith.constant 13 : i32
            %add3A_496 = arith.addi %mul3A_72, %add3A_495 : i32
            %swap3A_497 = arith.index_cast %add3A_496 : i32 to index
            %swap3A_498 = arith.constant 0 : index
            %swap3A_499 = tpu.vector_load %arg16[%swap3A_497, %swap3A_498] {strides = array<i32>} : memref<128x32xf32, #tpu.memory_space<vmem>>, vector<1x16xf32>,
            %swap3A_500 = vector.shape_cast %swap3A_499 : vector<1x16xf32> to vector<16xf32>
            %swap3A_501 = vector.shape_cast %mul3A_494 : vector<16xf32> to vector<1x16xf32>
            tpu.vector_store %arg16[%swap3A_497, %swap3A_498], %swap3A_501 {strides = array<i32>} : memref<128x32xf32, #tpu.memory_space<vmem>>, vector<1x16xf32>,
            %add3A_502 = arith.constant 13 : i32
            %add3A_503 = arith.addi %mul3A_72, %add3A_502 : i32
            %get3A_504 = arith.index_cast %add3A_503 : i32 to index
            %get3A_505 = arith.constant 16 : index
            %get3A_506 = tpu.vector_load %arg16[%get3A_504, %get3A_505] {strides = array<i32>} : memref<128x32xf32, #tpu.memory_space<vmem>>, vector<1x16xf32>,
            %get3A_507 = vector.shape_cast %get3A_506 : vector<1x16xf32> to vector<16xf32>
            %mul3A_508 = vector.broadcast %squeeze3A_486 : f32 to vector<16xf32>
            %mul3A_509 = arith.mulf %get3A_507, %mul3A_508 : vector<16xf32>
            %add3A_510 = arith.constant 13 : i32
            %add3A_511 = arith.addi %mul3A_72, %add3A_510 : i32
            %swap3A_512 = arith.index_cast %add3A_511 : i32 to index
            %swap3A_513 = arith.constant 16 : index
            %swap3A_514 = tpu.vector_load %arg16[%swap3A_512, %swap3A_513] {strides = array<i32>} : memref<128x32xf32, #tpu.memory_space<vmem>>, vector<1x16xf32>,
            %swap3A_515 = vector.shape_cast %swap3A_514 : vector<1x16xf32> to vector<16xf32>
            %swap3A_516 = vector.shape_cast %mul3A_509 : vector<16xf32> to vector<1x16xf32>
            tpu.vector_store %arg16[%swap3A_512, %swap3A_513], %swap3A_516 {strides = array<i32>} : memref<128x32xf32, #tpu.memory_space<vmem>>, vector<1x16xf32>,
            %slice3A_517 = vector.extract_strided_slice %get3A_70 {offsets = [14], sizes = [1], strides = [1]} : vector<16xf32> to vector<1xf32>
            %squeeze3A_518 = vector.extract %slice3A_517[0] : f32 from vector<1xf32>
            %add3A_519 = arith.constant 14 : i32
            %add3A_520 = arith.addi %mul3A_72, %add3A_519 : i32
            %get3A_521 = arith.index_cast %add3A_520 : i32 to index
            %get3A_522 = arith.constant 0 : index
            %get3A_523 = tpu.vector_load %arg16[%get3A_521, %get3A_522] {strides = array<i32>} : memref<128x32xf32, #tpu.memory_space<vmem>>, vector<1x16xf32>,
            %get3A_524 = vector.shape_cast %get3A_523 : vector<1x16xf32> to vector<16xf32>
            %mul3A_525 = vector.broadcast %squeeze3A_518 : f32 to vector<16xf32>
            %mul3A_526 = arith.mulf %get3A_524, %mul3A_525 : vector<16xf32>
            %add3A_527 = arith.constant 14 : i32
            %add3A_528 = arith.addi %mul3A_72, %add3A_527 : i32
            %swap3A_529 = arith.index_cast %add3A_528 : i32 to index
            %swap3A_530 = arith.constant 0 : index
            %swap3A_531 = tpu.vector_load %arg16[%swap3A_529, %swap3A_530] {strides = array<i32>} : memref<128x32xf32, #tpu.memory_space<vmem>>, vector<1x16xf32>,
            %swap3A_532 = vector.shape_cast %swap3A_531 : vector<1x16xf32> to vector<16xf32>
            %swap3A_533 = vector.shape_cast %mul3A_526 : vector<16xf32> to vector<1x16xf32>
            tpu.vector_store %arg16[%swap3A_529, %swap3A_530], %swap3A_533 {strides = array<i32>} : memref<128x32xf32, #tpu.memory_space<vmem>>, vector<1x16xf32>,
            %add3A_534 = arith.constant 14 : i32
            %add3A_535 = arith.addi %mul3A_72, %add3A_534 : i32
            %get3A_536 = arith.index_cast %add3A_535 : i32 to index
            %get3A_537 = arith.constant 16 : index
            %get3A_538 = tpu.vector_load %arg16[%get3A_536, %get3A_537] {strides = array<i32>} : memref<128x32xf32, #tpu.memory_space<vmem>>, vector<1x16xf32>,
            %get3A_539 = vector.shape_cast %get3A_538 : vector<1x16xf32> to vector<16xf32>
            %mul3A_540 = vector.broadcast %squeeze3A_518 : f32 to vector<16xf32>
            %mul3A_541 = arith.mulf %get3A_539, %mul3A_540 : vector<16xf32>
            %add3A_542 = arith.constant 14 : i32
            %add3A_543 = arith.addi %mul3A_72, %add3A_542 : i32
            %swap3A_544 = arith.index_cast %add3A_543 : i32 to index
            %swap3A_545 = arith.constant 16 : index
            %swap3A_546 = tpu.vector_load %arg16[%swap3A_544, %swap3A_545] {strides = array<i32>} : memref<128x32xf32, #tpu.memory_space<vmem>>, vector<1x16xf32>,
            %swap3A_547 = vector.shape_cast %swap3A_546 : vector<1x16xf32> to vector<16xf32>
            %swap3A_548 = vector.shape_cast %mul3A_541 : vector<16xf32> to vector<1x16xf32>
            tpu.vector_store %arg16[%swap3A_544, %swap3A_545], %swap3A_548 {strides = array<i32>} : memref<128x32xf32, #tpu.memory_space<vmem>>, vector<1x16xf32>,
            %slice3A_549 = vector.extract_strided_slice %get3A_70 {offsets = [15], sizes = [1], strides = [1]} : vector<16xf32> to vector<1xf32>
            %squeeze3A_550 = vector.extract %slice3A_549[0] : f32 from vector<1xf32>
            %add3A_551 = arith.constant 15 : i32
            %add3A_552 = arith.addi %mul3A_72, %add3A_551 : i32
            %get3A_553 = arith.index_cast %add3A_552 : i32 to index
            %get3A_554 = arith.constant 0 : index
            %get3A_555 = tpu.vector_load %arg16[%get3A_553, %get3A_554] {strides = array<i32>} : memref<128x32xf32, #tpu.memory_space<vmem>>, vector<1x16xf32>,
            %get3A_556 = vector.shape_cast %get3A_555 : vector<1x16xf32> to vector<16xf32>
            %mul3A_557 = vector.broadcast %squeeze3A_550 : f32 to vector<16xf32>
            %mul3A_558 = arith.mulf %get3A_556, %mul3A_557 : vector<16xf32>
            %add3A_559 = arith.constant 15 : i32
            %add3A_560 = arith.addi %mul3A_72, %add3A_559 : i32
            %swap3A_561 = arith.index_cast %add3A_560 : i32 to index
            %swap3A_562 = arith.constant 0 : index
            %swap3A_563 = tpu.vector_load %arg16[%swap3A_561, %swap3A_562] {strides = array<i32>} : memref<128x32xf32, #tpu.memory_space<vmem>>, vector<1x16xf32>,
            %swap3A_564 = vector.shape_cast %swap3A_563 : vector<1x16xf32> to vector<16xf32>
            %swap3A_565 = vector.shape_cast %mul3A_558 : vector<16xf32> to vector<1x16xf32>
            tpu.vector_store %arg16[%swap3A_561, %swap3A_562], %swap3A_565 {strides = array<i32>} : memref<128x32xf32, #tpu.memory_space<vmem>>, vector<1x16xf32>,
            %add3A_566 = arith.constant 15 : i32
            %add3A_567 = arith.addi %mul3A_72, %add3A_566 : i32
            %get3A_568 = arith.index_cast %add3A_567 : i32 to index
            %get3A_569 = arith.constant 16 : index
            %get3A_570 = tpu.vector_load %arg16[%get3A_568, %get3A_569] {strides = array<i32>} : memref<128x32xf32, #tpu.memory_space<vmem>>, vector<1x16xf32>,
            %get3A_571 = vector.shape_cast %get3A_570 : vector<1x16xf32> to vector<16xf32>
            %mul3A_572 = vector.broadcast %squeeze3A_550 : f32 to vector<16xf32>
            %mul3A_573 = arith.mulf %get3A_571, %mul3A_572 : vector<16xf32>
            %add3A_574 = arith.constant 15 : i32
            %add3A_575 = arith.addi %mul3A_72, %add3A_574 : i32
            %swap3A_576 = arith.index_cast %add3A_575 : i32 to index
            %swap3A_577 = arith.constant 16 : index
            %swap3A_578 = tpu.vector_load %arg16[%swap3A_576, %swap3A_577] {strides = array<i32>} : memref<128x32xf32, #tpu.memory_space<vmem>>, vector<1x16xf32>,
            %swap3A_579 = vector.shape_cast %swap3A_578 : vector<1x16xf32> to vector<16xf32>
            %swap3A_580 = vector.shape_cast %mul3A_573 : vector<16xf32> to vector<1x16xf32>
            tpu.vector_store %arg16[%swap3A_576, %swap3A_577], %swap3A_580 {strides = array<i32>} : memref<128x32xf32, #tpu.memory_space<vmem>>, vector<1x16xf32>,
          }
          %scan3A_64 = arith.constant 8 : i32
          "tpu.region"() ({
            %run_scoped3A = tpu.sem_alloc : memref<!tpu.dma_semaphore, #tpu.memory_space<semaphore_mem>>
            %dma_start3A_65 = arith.constant 0 : i32
            %dma_start3A_66 = tpu.memref_slice %arg14[%scan3A_48, %dma_start3A_65] : memref<25x128xi32, #tpu.memory_space<vmem>> -> memref<1x128xi32, #tpu.memory_space<vmem>>
            %dma_start3A_67 = tpu.memref_squeeze %dma_start3A_66 : memref<1x128xi32, #tpu.memory_space<vmem>> -> memref<128xi32, #tpu.memory_space<vmem>>
            %dma_start3A_68 = arith.constant 0 : i32
            %dma_start3A_69 = arith.constant 0 : i32
            %dma_start3A_70 = tpu.memref_slice %arg13[%dma_start3A_68, %dma_start3A_69] : memref<50176x32xf32, #tpu.memory_space<vmem_shared>> -> memref<50176x32xf32, #tpu.memory_space<vmem_shared>>
            tpu.enqueue_indirect_dma source(%arg16 : memref<128x32xf32, #tpu.memory_space<vmem>>) target(%dma_start3A_70 : memref<50176x32xf32, #tpu.memory_space<vmem_shared>>) offsets(%dma_start3A_67 : memref<128xi32, #tpu.memory_space<vmem>>) semaphore(%run_scoped3A : memref<!tpu.dma_semaphore, #tpu.memory_space<semaphore_mem>>) {add = true}
            %dma_wait3A_71 = arith.constant 0 : i32
            %dma_wait3A_72 = tpu.memref_slice %arg14[%scan3A_48, %dma_wait3A_71] : memref<25x128xi32, #tpu.memory_space<vmem>> -> memref<1x128xi32, #tpu.memory_space<vmem>>
            %dma_wait3A_73 = tpu.memref_squeeze %dma_wait3A_72 : memref<1x128xi32, #tpu.memory_space<vmem>> -> memref<128xi32, #tpu.memory_space<vmem>>
            %dma_wait3A_74 = arith.constant 0 : i32
            %dma_wait3A_75 = arith.constant 0 : i32
            %dma_wait3A_76 = tpu.memref_slice %arg13[%dma_wait3A_74, %dma_wait3A_75] : memref<50176x32xf32, #tpu.memory_space<vmem_shared>> -> memref<50176x32xf32, #tpu.memory_space<vmem_shared>>
            tpu.wait_indirect_dma semaphore(%run_scoped3A : memref<!tpu.dma_semaphore, #tpu.memory_space<semaphore_mem>>) src(%arg16 : memref<128x32xf32, #tpu.memory_space<vmem>>) dst(%dma_wait3A_76 : memref<50176x32xf32, #tpu.memory_space<vmem_shared>>)
            tpu.yield
          }) : () -> ()
        }
        %scan3A_47 = arith.constant 25 : i32
      }
      %scan3A_39 = arith.constant 16 : i32
      %barrier3A_40 = arith.constant 0 : index
      tpu.barrier barrier_id(%barrier3A_40)
      "tpu.region"() ({
        %run_scoped3A = tpu.sem_alloc : memref<!tpu.dma_semaphore, #tpu.memory_space<semaphore_mem>>
        %dma_start3A = arith.constant 0 : i32
        %dma_start3A_41 = tpu.memref_slice %arg10[%mul3A_0, %dma_start3A] : memref<50176x32xf32, #tpu.memory_space<hbm>> -> memref<3136x32xf32, #tpu.memory_space<hbm>>
        %dma_start3A_42 = arith.constant 0 : i32
        %dma_start3A_43 = tpu.memref_slice %arg13[%mul3A_0, %dma_start3A_42] : memref<50176x32xf32, #tpu.memory_space<vmem_shared>> -> memref<3136x32xf32, #tpu.memory_space<vmem_shared>>
        tpu.enqueue_dma source(%dma_start3A_43 : memref<3136x32xf32, #tpu.memory_space<vmem_shared>>) target(%dma_start3A_41 : memref<3136x32xf32, #tpu.memory_space<hbm>>) target_semaphore(%run_scoped3A : memref<!tpu.dma_semaphore, #tpu.memory_space<semaphore_mem>>)
        %dma_wait3A = arith.constant 0 : i32
        %dma_wait3A_44 = tpu.memref_slice %arg10[%mul3A_0, %dma_wait3A] : memref<50176x32xf32, #tpu.memory_space<hbm>> -> memref<3136x32xf32, #tpu.memory_space<hbm>>
        %dma_wait3A_45 = arith.constant 0 : i32
        %dma_wait3A_46 = tpu.memref_slice %arg13[%mul3A_0, %dma_wait3A_45] : memref<50176x32xf32, #tpu.memory_space<vmem_shared>> -> memref<3136x32xf32, #tpu.memory_space<vmem_shared>>
        tpu.wait_dma2 semaphore(%run_scoped3A : memref<!tpu.dma_semaphore, #tpu.memory_space<semaphore_mem>>) src(%dma_wait3A_46 : memref<3136x32xf32, #tpu.memory_space<vmem_shared>>) dst(%dma_wait3A_44 : memref<3136x32xf32, #tpu.memory_space<hbm>>)
        tpu.yield
      }) : () -> ()
    } else {
    }
    %eq3A_15 = arith.constant 1 : i32
    %eq3A_16 = arith.cmpi eq, %arg0, %eq3A_15 : i32
    %convert_element_type3A_17 = arith.extui %eq3A_16 : i1 to i32
    %cond3A_18 = arith.constant 0 : i32
    %cond3A_19 = arith.cmpi ne, %convert_element_type3A_17, %cond3A_18 : i32
    scf.if %cond3A_19 {
      %scan3A_20 = arith.constant 0 : i32
      %scan3A_21 = arith.constant 0 : i32
      %scan3A_22 = arith.constant 16 : i32
      %scan3A_23 = arith.addi %scan3A_21, %scan3A_22 : i32
      %scan3A_24 = arith.constant 1 : i32
      scf.for %scan3A_41 = %scan3A_21 to %scan3A_23 step %scan3A_24  : i32 {
        "tpu.region"() ({
          %run_scoped3A = tpu.sem_alloc : memref<!tpu.dma_semaphore, #tpu.memory_space<semaphore_mem>>
          %dma_start3A = arith.constant 0 : i32
          %dma_start3A_48 = arith.constant 0 : i32
          %dma_start3A_49 = tpu.memref_slice %arg6[%arg1, %scan3A_41, %dma_start3A, %dma_start3A_48] : memref<16x16x25x128xi32, #tpu.memory_space<hbm>> -> memref<1x1x25x128xi32, #tpu.memory_space<hbm>>
          %dma_start3A_50 = tpu.memref_squeeze %dma_start3A_49 : memref<1x1x25x128xi32, #tpu.memory_space<hbm>> -> memref<25x128xi32, #tpu.memory_space<hbm>>
          %dma_start3A_51 = arith.constant 0 : i32
          %dma_start3A_52 = arith.constant 0 : i32
          %dma_start3A_53 = tpu.memref_slice %arg6[%arg1, %scan3A_41, %dma_start3A_51, %dma_start3A_52] : memref<16x16x25x128xi32, #tpu.memory_space<hbm>> -> memref<1x1x25x128xi32, #tpu.memory_space<hbm>>
          %dma_start3A_54 = tpu.memref_squeeze %dma_start3A_53 : memref<1x1x25x128xi32, #tpu.memory_space<hbm>> -> memref<25x128xi32, #tpu.memory_space<hbm>>
          tpu.enqueue_dma source(%dma_start3A_54 : memref<25x128xi32, #tpu.memory_space<hbm>>) target(%arg17 : memref<25x128xi32, #tpu.memory_space<vmem>>) target_semaphore(%run_scoped3A : memref<!tpu.dma_semaphore, #tpu.memory_space<semaphore_mem>>)
          %dma_wait3A = arith.constant 0 : i32
          %dma_wait3A_55 = arith.constant 0 : i32
          %dma_wait3A_56 = tpu.memref_slice %arg6[%arg1, %scan3A_41, %dma_wait3A, %dma_wait3A_55] : memref<16x16x25x128xi32, #tpu.memory_space<hbm>> -> memref<1x1x25x128xi32, #tpu.memory_space<hbm>>
          %dma_wait3A_57 = tpu.memref_squeeze %dma_wait3A_56 : memref<1x1x25x128xi32, #tpu.memory_space<hbm>> -> memref<25x128xi32, #tpu.memory_space<hbm>>
          %dma_wait3A_58 = arith.constant 0 : i32
          %dma_wait3A_59 = arith.constant 0 : i32
          %dma_wait3A_60 = tpu.memref_slice %arg6[%arg1, %scan3A_41, %dma_wait3A_58, %dma_wait3A_59] : memref<16x16x25x128xi32, #tpu.memory_space<hbm>> -> memref<1x1x25x128xi32, #tpu.memory_space<hbm>>
          %dma_wait3A_61 = tpu.memref_squeeze %dma_wait3A_60 : memref<1x1x25x128xi32, #tpu.memory_space<hbm>> -> memref<25x128xi32, #tpu.memory_space<hbm>>
          tpu.wait_dma2 semaphore(%run_scoped3A : memref<!tpu.dma_semaphore, #tpu.memory_space<semaphore_mem>>) src(%dma_wait3A_61 : memref<25x128xi32, #tpu.memory_space<hbm>>) dst(%arg17 : memref<25x128xi32, #tpu.memory_space<vmem>>)
          tpu.yield
        }) : () -> ()
        "tpu.region"() ({
          %run_scoped3A = tpu.sem_alloc : memref<!tpu.dma_semaphore, #tpu.memory_space<semaphore_mem>>
          %dma_start3A = arith.constant 0 : i32
          %dma_start3A_48 = arith.constant 0 : i32
          %dma_start3A_49 = tpu.memref_slice %arg7[%arg1, %scan3A_41, %dma_start3A, %dma_start3A_48] : memref<16x16x25x128xi32, #tpu.memory_space<hbm>> -> memref<1x1x25x128xi32, #tpu.memory_space<hbm>>
          %dma_start3A_50 = tpu.memref_squeeze %dma_start3A_49 : memref<1x1x25x128xi32, #tpu.memory_space<hbm>> -> memref<25x128xi32, #tpu.memory_space<hbm>>
          %dma_start3A_51 = arith.constant 0 : i32
          %dma_start3A_52 = arith.constant 0 : i32
          %dma_start3A_53 = tpu.memref_slice %arg7[%arg1, %scan3A_41, %dma_start3A_51, %dma_start3A_52] : memref<16x16x25x128xi32, #tpu.memory_space<hbm>> -> memref<1x1x25x128xi32, #tpu.memory_space<hbm>>
          %dma_start3A_54 = tpu.memref_squeeze %dma_start3A_53 : memref<1x1x25x128xi32, #tpu.memory_space<hbm>> -> memref<25x128xi32, #tpu.memory_space<hbm>>
          tpu.enqueue_dma source(%dma_start3A_54 : memref<25x128xi32, #tpu.memory_space<hbm>>) target(%arg14 : memref<25x128xi32, #tpu.memory_space<vmem>>) target_semaphore(%run_scoped3A : memref<!tpu.dma_semaphore, #tpu.memory_space<semaphore_mem>>)
          %dma_wait3A = arith.constant 0 : i32
          %dma_wait3A_55 = arith.constant 0 : i32
          %dma_wait3A_56 = tpu.memref_slice %arg7[%arg1, %scan3A_41, %dma_wait3A, %dma_wait3A_55] : memref<16x16x25x128xi32, #tpu.memory_space<hbm>> -> memref<1x1x25x128xi32, #tpu.memory_space<hbm>>
          %dma_wait3A_57 = tpu.memref_squeeze %dma_wait3A_56 : memref<1x1x25x128xi32, #tpu.memory_space<hbm>> -> memref<25x128xi32, #tpu.memory_space<hbm>>
          %dma_wait3A_58 = arith.constant 0 : i32
          %dma_wait3A_59 = arith.constant 0 : i32
          %dma_wait3A_60 = tpu.memref_slice %arg7[%arg1, %scan3A_41, %dma_wait3A_58, %dma_wait3A_59] : memref<16x16x25x128xi32, #tpu.memory_space<hbm>> -> memref<1x1x25x128xi32, #tpu.memory_space<hbm>>
          %dma_wait3A_61 = tpu.memref_squeeze %dma_wait3A_60 : memref<1x1x25x128xi32, #tpu.memory_space<hbm>> -> memref<25x128xi32, #tpu.memory_space<hbm>>
          tpu.wait_dma2 semaphore(%run_scoped3A : memref<!tpu.dma_semaphore, #tpu.memory_space<semaphore_mem>>) src(%dma_wait3A_61 : memref<25x128xi32, #tpu.memory_space<hbm>>) dst(%arg14 : memref<25x128xi32, #tpu.memory_space<vmem>>)
          tpu.yield
        }) : () -> ()
        "tpu.region"() ({
          %run_scoped3A = tpu.sem_alloc : memref<!tpu.dma_semaphore, #tpu.memory_space<semaphore_mem>>
          %dma_start3A = arith.constant 0 : i32
          %dma_start3A_48 = arith.constant 0 : i32
          %dma_start3A_49 = tpu.memref_slice %arg8[%arg1, %scan3A_41, %dma_start3A, %dma_start3A_48] : memref<16x16x25x128xf32, #tpu.memory_space<hbm>> -> memref<1x1x25x128xf32, #tpu.memory_space<hbm>>
          %dma_start3A_50 = tpu.memref_squeeze %dma_start3A_49 : memref<1x1x25x128xf32, #tpu.memory_space<hbm>> -> memref<25x128xf32, #tpu.memory_space<hbm>>
          %dma_start3A_51 = arith.constant 0 : i32
          %dma_start3A_52 = arith.constant 0 : i32
          %dma_start3A_53 = tpu.memref_slice %arg8[%arg1, %scan3A_41, %dma_start3A_51, %dma_start3A_52] : memref<16x16x25x128xf32, #tpu.memory_space<hbm>> -> memref<1x1x25x128xf32, #tpu.memory_space<hbm>>
          %dma_start3A_54 = tpu.memref_squeeze %dma_start3A_53 : memref<1x1x25x128xf32, #tpu.memory_space<hbm>> -> memref<25x128xf32, #tpu.memory_space<hbm>>
          tpu.enqueue_dma source(%dma_start3A_54 : memref<25x128xf32, #tpu.memory_space<hbm>>) target(%arg18 : memref<25x128xf32, #tpu.memory_space<vmem>>) target_semaphore(%run_scoped3A : memref<!tpu.dma_semaphore, #tpu.memory_space<semaphore_mem>>)
          %dma_wait3A = arith.constant 0 : i32
          %dma_wait3A_55 = arith.constant 0 : i32
          %dma_wait3A_56 = tpu.memref_slice %arg8[%arg1, %scan3A_41, %dma_wait3A, %dma_wait3A_55] : memref<16x16x25x128xf32, #tpu.memory_space<hbm>> -> memref<1x1x25x128xf32, #tpu.memory_space<hbm>>
          %dma_wait3A_57 = tpu.memref_squeeze %dma_wait3A_56 : memref<1x1x25x128xf32, #tpu.memory_space<hbm>> -> memref<25x128xf32, #tpu.memory_space<hbm>>
          %dma_wait3A_58 = arith.constant 0 : i32
          %dma_wait3A_59 = arith.constant 0 : i32
          %dma_wait3A_60 = tpu.memref_slice %arg8[%arg1, %scan3A_41, %dma_wait3A_58, %dma_wait3A_59] : memref<16x16x25x128xf32, #tpu.memory_space<hbm>> -> memref<1x1x25x128xf32, #tpu.memory_space<hbm>>
          %dma_wait3A_61 = tpu.memref_squeeze %dma_wait3A_60 : memref<1x1x25x128xf32, #tpu.memory_space<hbm>> -> memref<25x128xf32, #tpu.memory_space<hbm>>
          tpu.wait_dma2 semaphore(%run_scoped3A : memref<!tpu.dma_semaphore, #tpu.memory_space<semaphore_mem>>) src(%dma_wait3A_61 : memref<25x128xf32, #tpu.memory_space<hbm>>) dst(%arg18 : memref<25x128xf32, #tpu.memory_space<vmem>>)
          tpu.yield
        }) : () -> ()
        %scan3A_42 = arith.constant 0 : i32
        %scan3A_43 = arith.constant 0 : i32
        %scan3A_44 = arith.constant 25 : i32
        %scan3A_45 = arith.addi %scan3A_43, %scan3A_44 : i32
        %scan3A_46 = arith.constant 1 : i32
        scf.for %scan3A_48 = %scan3A_43 to %scan3A_45 step %scan3A_46  : i32 {
          %dma_start3A = arith.constant 0 : i32
          %dma_start3A_49 = tpu.memref_slice %arg17[%scan3A_48, %dma_start3A] : memref<25x128xi32, #tpu.memory_space<vmem>> -> memref<1x128xi32, #tpu.memory_space<vmem>>
          %dma_start3A_50 = tpu.memref_squeeze %dma_start3A_49 : memref<1x128xi32, #tpu.memory_space<vmem>> -> memref<128xi32, #tpu.memory_space<vmem>>
          %dma_start3A_51 = arith.constant 0 : i32
          %dma_start3A_52 = arith.constant 0 : i32
          %dma_start3A_53 = tpu.memref_slice %arg2[%dma_start3A_51, %dma_start3A_52] : memref<50176x32xf32, #tpu.memory_space<hbm>> -> memref<50176x32xf32, #tpu.memory_space<hbm>>
          tpu.enqueue_indirect_dma source(%dma_start3A_53 : memref<50176x32xf32, #tpu.memory_space<hbm>>) target(%arg16 : memref<128x32xf32, #tpu.memory_space<vmem>>) offsets(%dma_start3A_50 : memref<128xi32, #tpu.memory_space<vmem>>) semaphore(%arg15 : memref<!tpu.dma_semaphore, #tpu.memory_space<semaphore_mem>>)
          %dma_wait3A = arith.constant 0 : i32
          %dma_wait3A_54 = tpu.memref_slice %arg17[%scan3A_48, %dma_wait3A] : memref<25x128xi32, #tpu.memory_space<vmem>> -> memref<1x128xi32, #tpu.memory_space<vmem>>
          %dma_wait3A_55 = tpu.memref_squeeze %dma_wait3A_54 : memref<1x128xi32, #tpu.memory_space<vmem>> -> memref<128xi32, #tpu.memory_space<vmem>>
          %dma_wait3A_56 = arith.constant 0 : i32
          %dma_wait3A_57 = arith.constant 0 : i32
          %dma_wait3A_58 = tpu.memref_slice %arg2[%dma_wait3A_56, %dma_wait3A_57] : memref<50176x32xf32, #tpu.memory_space<hbm>> -> memref<50176x32xf32, #tpu.memory_space<hbm>>
          tpu.wait_indirect_dma semaphore(%arg15 : memref<!tpu.dma_semaphore, #tpu.memory_space<semaphore_mem>>) src(%dma_wait3A_58 : memref<50176x32xf32, #tpu.memory_space<hbm>>) dst(%arg16 : memref<128x32xf32, #tpu.memory_space<vmem>>)
          %scan3A_59 = arith.constant 0 : i32
          %scan3A_60 = arith.constant 0 : i32
          %scan3A_61 = arith.constant 8 : i32
          %scan3A_62 = arith.addi %scan3A_60, %scan3A_61 : i32
          %scan3A_63 = arith.constant 1 : i32
          scf.for %scan3A_65 = %scan3A_60 to %scan3A_62 step %scan3A_63  : i32 {
            %mul3A_66 = arith.constant 16 : i32
            %mul3A_67 = arith.muli %scan3A_65, %mul3A_66 : i32
            %get3A = arith.index_cast %scan3A_48 : i32 to index
            %get3A_68 = arith.index_cast %mul3A_67 : i32 to index
            %get3A_69 = tpu.vector_load %arg18[%get3A, %get3A_68] {strides = array<i32>} : memref<25x128xf32, #tpu.memory_space<vmem>>, vector<1x16xf32>,
            %get3A_70 = vector.shape_cast %get3A_69 : vector<1x16xf32> to vector<16xf32>
            %mul3A_71 = arith.constant 16 : i32
            %mul3A_72 = arith.muli %scan3A_65, %mul3A_71 : i32
            %slice3A = vector.extract_strided_slice %get3A_70 {offsets = [0], sizes = [1], strides = [1]} : vector<16xf32> to vector<1xf32>
            %squeeze3A = vector.extract %slice3A[0] : f32 from vector<1xf32>
            %add3A = arith.constant 0 : i32
            %add3A_73 = arith.addi %mul3A_72, %add3A : i32
            %get3A_74 = arith.index_cast %add3A_73 : i32 to index
            %get3A_75 = arith.constant 0 : index
            %get3A_76 = tpu.vector_load %arg16[%get3A_74, %get3A_75] {strides = array<i32>} : memref<128x32xf32, #tpu.memory_space<vmem>>, vector<1x16xf32>,
            %get3A_77 = vector.shape_cast %get3A_76 : vector<1x16xf32> to vector<16xf32>
            %mul3A_78 = vector.broadcast %squeeze3A : f32 to vector<16xf32>
            %mul3A_79 = arith.mulf %get3A_77, %mul3A_78 : vector<16xf32>
            %add3A_80 = arith.constant 0 : i32
            %add3A_81 = arith.addi %mul3A_72, %add3A_80 : i32
            %swap3A = arith.index_cast %add3A_81 : i32 to index
            %swap3A_82 = arith.constant 0 : index
            %swap3A_83 = tpu.vector_load %arg16[%swap3A, %swap3A_82] {strides = array<i32>} : memref<128x32xf32, #tpu.memory_space<vmem>>, vector<1x16xf32>,
            %swap3A_84 = vector.shape_cast %swap3A_83 : vector<1x16xf32> to vector<16xf32>
            %swap3A_85 = vector.shape_cast %mul3A_79 : vector<16xf32> to vector<1x16xf32>
            tpu.vector_store %arg16[%swap3A, %swap3A_82], %swap3A_85 {strides = array<i32>} : memref<128x32xf32, #tpu.memory_space<vmem>>, vector<1x16xf32>,
            %add3A_86 = arith.constant 0 : i32
            %add3A_87 = arith.addi %mul3A_72, %add3A_86 : i32
            %get3A_88 = arith.index_cast %add3A_87 : i32 to index
            %get3A_89 = arith.constant 16 : index
            %get3A_90 = tpu.vector_load %arg16[%get3A_88, %get3A_89] {strides = array<i32>} : memref<128x32xf32, #tpu.memory_space<vmem>>, vector<1x16xf32>,
            %get3A_91 = vector.shape_cast %get3A_90 : vector<1x16xf32> to vector<16xf32>
            %mul3A_92 = vector.broadcast %squeeze3A : f32 to vector<16xf32>
            %mul3A_93 = arith.mulf %get3A_91, %mul3A_92 : vector<16xf32>
            %add3A_94 = arith.constant 0 : i32
            %add3A_95 = arith.addi %mul3A_72, %add3A_94 : i32
            %swap3A_96 = arith.index_cast %add3A_95 : i32 to index
            %swap3A_97 = arith.constant 16 : index
            %swap3A_98 = tpu.vector_load %arg16[%swap3A_96, %swap3A_97] {strides = array<i32>} : memref<128x32xf32, #tpu.memory_space<vmem>>, vector<1x16xf32>,
            %swap3A_99 = vector.shape_cast %swap3A_98 : vector<1x16xf32> to vector<16xf32>
            %swap3A_100 = vector.shape_cast %mul3A_93 : vector<16xf32> to vector<1x16xf32>
            tpu.vector_store %arg16[%swap3A_96, %swap3A_97], %swap3A_100 {strides = array<i32>} : memref<128x32xf32, #tpu.memory_space<vmem>>, vector<1x16xf32>,
            %slice3A_101 = vector.extract_strided_slice %get3A_70 {offsets = [1], sizes = [1], strides = [1]} : vector<16xf32> to vector<1xf32>
            %squeeze3A_102 = vector.extract %slice3A_101[0] : f32 from vector<1xf32>
            %add3A_103 = arith.constant 1 : i32
            %add3A_104 = arith.addi %mul3A_72, %add3A_103 : i32
            %get3A_105 = arith.index_cast %add3A_104 : i32 to index
            %get3A_106 = arith.constant 0 : index
            %get3A_107 = tpu.vector_load %arg16[%get3A_105, %get3A_106] {strides = array<i32>} : memref<128x32xf32, #tpu.memory_space<vmem>>, vector<1x16xf32>,
            %get3A_108 = vector.shape_cast %get3A_107 : vector<1x16xf32> to vector<16xf32>
            %mul3A_109 = vector.broadcast %squeeze3A_102 : f32 to vector<16xf32>
            %mul3A_110 = arith.mulf %get3A_108, %mul3A_109 : vector<16xf32>
            %add3A_111 = arith.constant 1 : i32
            %add3A_112 = arith.addi %mul3A_72, %add3A_111 : i32
            %swap3A_113 = arith.index_cast %add3A_112 : i32 to index
            %swap3A_114 = arith.constant 0 : index
            %swap3A_115 = tpu.vector_load %arg16[%swap3A_113, %swap3A_114] {strides = array<i32>} : memref<128x32xf32, #tpu.memory_space<vmem>>, vector<1x16xf32>,
            %swap3A_116 = vector.shape_cast %swap3A_115 : vector<1x16xf32> to vector<16xf32>
            %swap3A_117 = vector.shape_cast %mul3A_110 : vector<16xf32> to vector<1x16xf32>
            tpu.vector_store %arg16[%swap3A_113, %swap3A_114], %swap3A_117 {strides = array<i32>} : memref<128x32xf32, #tpu.memory_space<vmem>>, vector<1x16xf32>,
            %add3A_118 = arith.constant 1 : i32
            %add3A_119 = arith.addi %mul3A_72, %add3A_118 : i32
            %get3A_120 = arith.index_cast %add3A_119 : i32 to index
            %get3A_121 = arith.constant 16 : index
            %get3A_122 = tpu.vector_load %arg16[%get3A_120, %get3A_121] {strides = array<i32>} : memref<128x32xf32, #tpu.memory_space<vmem>>, vector<1x16xf32>,
            %get3A_123 = vector.shape_cast %get3A_122 : vector<1x16xf32> to vector<16xf32>
            %mul3A_124 = vector.broadcast %squeeze3A_102 : f32 to vector<16xf32>
            %mul3A_125 = arith.mulf %get3A_123, %mul3A_124 : vector<16xf32>
            %add3A_126 = arith.constant 1 : i32
            %add3A_127 = arith.addi %mul3A_72, %add3A_126 : i32
            %swap3A_128 = arith.index_cast %add3A_127 : i32 to index
            %swap3A_129 = arith.constant 16 : index
            %swap3A_130 = tpu.vector_load %arg16[%swap3A_128, %swap3A_129] {strides = array<i32>} : memref<128x32xf32, #tpu.memory_space<vmem>>, vector<1x16xf32>,
            %swap3A_131 = vector.shape_cast %swap3A_130 : vector<1x16xf32> to vector<16xf32>
            %swap3A_132 = vector.shape_cast %mul3A_125 : vector<16xf32> to vector<1x16xf32>
            tpu.vector_store %arg16[%swap3A_128, %swap3A_129], %swap3A_132 {strides = array<i32>} : memref<128x32xf32, #tpu.memory_space<vmem>>, vector<1x16xf32>,
            %slice3A_133 = vector.extract_strided_slice %get3A_70 {offsets = [2], sizes = [1], strides = [1]} : vector<16xf32> to vector<1xf32>
            %squeeze3A_134 = vector.extract %slice3A_133[0] : f32 from vector<1xf32>
            %add3A_135 = arith.constant 2 : i32
            %add3A_136 = arith.addi %mul3A_72, %add3A_135 : i32
            %get3A_137 = arith.index_cast %add3A_136 : i32 to index
            %get3A_138 = arith.constant 0 : index
            %get3A_139 = tpu.vector_load %arg16[%get3A_137, %get3A_138] {strides = array<i32>} : memref<128x32xf32, #tpu.memory_space<vmem>>, vector<1x16xf32>,
            %get3A_140 = vector.shape_cast %get3A_139 : vector<1x16xf32> to vector<16xf32>
            %mul3A_141 = vector.broadcast %squeeze3A_134 : f32 to vector<16xf32>
            %mul3A_142 = arith.mulf %get3A_140, %mul3A_141 : vector<16xf32>
            %add3A_143 = arith.constant 2 : i32
            %add3A_144 = arith.addi %mul3A_72, %add3A_143 : i32
            %swap3A_145 = arith.index_cast %add3A_144 : i32 to index
            %swap3A_146 = arith.constant 0 : index
            %swap3A_147 = tpu.vector_load %arg16[%swap3A_145, %swap3A_146] {strides = array<i32>} : memref<128x32xf32, #tpu.memory_space<vmem>>, vector<1x16xf32>,
            %swap3A_148 = vector.shape_cast %swap3A_147 : vector<1x16xf32> to vector<16xf32>
            %swap3A_149 = vector.shape_cast %mul3A_142 : vector<16xf32> to vector<1x16xf32>
            tpu.vector_store %arg16[%swap3A_145, %swap3A_146], %swap3A_149 {strides = array<i32>} : memref<128x32xf32, #tpu.memory_space<vmem>>, vector<1x16xf32>,
            %add3A_150 = arith.constant 2 : i32
            %add3A_151 = arith.addi %mul3A_72, %add3A_150 : i32
            %get3A_152 = arith.index_cast %add3A_151 : i32 to index
            %get3A_153 = arith.constant 16 : index
            %get3A_154 = tpu.vector_load %arg16[%get3A_152, %get3A_153] {strides = array<i32>} : memref<128x32xf32, #tpu.memory_space<vmem>>, vector<1x16xf32>,
            %get3A_155 = vector.shape_cast %get3A_154 : vector<1x16xf32> to vector<16xf32>
            %mul3A_156 = vector.broadcast %squeeze3A_134 : f32 to vector<16xf32>
            %mul3A_157 = arith.mulf %get3A_155, %mul3A_156 : vector<16xf32>
            %add3A_158 = arith.constant 2 : i32
            %add3A_159 = arith.addi %mul3A_72, %add3A_158 : i32
            %swap3A_160 = arith.index_cast %add3A_159 : i32 to index
            %swap3A_161 = arith.constant 16 : index
            %swap3A_162 = tpu.vector_load %arg16[%swap3A_160, %swap3A_161] {strides = array<i32>} : memref<128x32xf32, #tpu.memory_space<vmem>>, vector<1x16xf32>,
            %swap3A_163 = vector.shape_cast %swap3A_162 : vector<1x16xf32> to vector<16xf32>
            %swap3A_164 = vector.shape_cast %mul3A_157 : vector<16xf32> to vector<1x16xf32>
            tpu.vector_store %arg16[%swap3A_160, %swap3A_161], %swap3A_164 {strides = array<i32>} : memref<128x32xf32, #tpu.memory_space<vmem>>, vector<1x16xf32>,
            %slice3A_165 = vector.extract_strided_slice %get3A_70 {offsets = [3], sizes = [1], strides = [1]} : vector<16xf32> to vector<1xf32>
            %squeeze3A_166 = vector.extract %slice3A_165[0] : f32 from vector<1xf32>
            %add3A_167 = arith.constant 3 : i32
            %add3A_168 = arith.addi %mul3A_72, %add3A_167 : i32
            %get3A_169 = arith.index_cast %add3A_168 : i32 to index
            %get3A_170 = arith.constant 0 : index
            %get3A_171 = tpu.vector_load %arg16[%get3A_169, %get3A_170] {strides = array<i32>} : memref<128x32xf32, #tpu.memory_space<vmem>>, vector<1x16xf32>,
            %get3A_172 = vector.shape_cast %get3A_171 : vector<1x16xf32> to vector<16xf32>
            %mul3A_173 = vector.broadcast %squeeze3A_166 : f32 to vector<16xf32>
            %mul3A_174 = arith.mulf %get3A_172, %mul3A_173 : vector<16xf32>
            %add3A_175 = arith.constant 3 : i32
            %add3A_176 = arith.addi %mul3A_72, %add3A_175 : i32
            %swap3A_177 = arith.index_cast %add3A_176 : i32 to index
            %swap3A_178 = arith.constant 0 : index
            %swap3A_179 = tpu.vector_load %arg16[%swap3A_177, %swap3A_178] {strides = array<i32>} : memref<128x32xf32, #tpu.memory_space<vmem>>, vector<1x16xf32>,
            %swap3A_180 = vector.shape_cast %swap3A_179 : vector<1x16xf32> to vector<16xf32>
            %swap3A_181 = vector.shape_cast %mul3A_174 : vector<16xf32> to vector<1x16xf32>
            tpu.vector_store %arg16[%swap3A_177, %swap3A_178], %swap3A_181 {strides = array<i32>} : memref<128x32xf32, #tpu.memory_space<vmem>>, vector<1x16xf32>,
            %add3A_182 = arith.constant 3 : i32
            %add3A_183 = arith.addi %mul3A_72, %add3A_182 : i32
            %get3A_184 = arith.index_cast %add3A_183 : i32 to index
            %get3A_185 = arith.constant 16 : index
            %get3A_186 = tpu.vector_load %arg16[%get3A_184, %get3A_185] {strides = array<i32>} : memref<128x32xf32, #tpu.memory_space<vmem>>, vector<1x16xf32>,
            %get3A_187 = vector.shape_cast %get3A_186 : vector<1x16xf32> to vector<16xf32>
            %mul3A_188 = vector.broadcast %squeeze3A_166 : f32 to vector<16xf32>
            %mul3A_189 = arith.mulf %get3A_187, %mul3A_188 : vector<16xf32>
            %add3A_190 = arith.constant 3 : i32
            %add3A_191 = arith.addi %mul3A_72, %add3A_190 : i32
            %swap3A_192 = arith.index_cast %add3A_191 : i32 to index
            %swap3A_193 = arith.constant 16 : index
            %swap3A_194 = tpu.vector_load %arg16[%swap3A_192, %swap3A_193] {strides = array<i32>} : memref<128x32xf32, #tpu.memory_space<vmem>>, vector<1x16xf32>,
            %swap3A_195 = vector.shape_cast %swap3A_194 : vector<1x16xf32> to vector<16xf32>
            %swap3A_196 = vector.shape_cast %mul3A_189 : vector<16xf32> to vector<1x16xf32>
            tpu.vector_store %arg16[%swap3A_192, %swap3A_193], %swap3A_196 {strides = array<i32>} : memref<128x32xf32, #tpu.memory_space<vmem>>, vector<1x16xf32>,
            %slice3A_197 = vector.extract_strided_slice %get3A_70 {offsets = [4], sizes = [1], strides = [1]} : vector<16xf32> to vector<1xf32>
            %squeeze3A_198 = vector.extract %slice3A_197[0] : f32 from vector<1xf32>
            %add3A_199 = arith.constant 4 : i32
            %add3A_200 = arith.addi %mul3A_72, %add3A_199 : i32
            %get3A_201 = arith.index_cast %add3A_200 : i32 to index
            %get3A_202 = arith.constant 0 : index
            %get3A_203 = tpu.vector_load %arg16[%get3A_201, %get3A_202] {strides = array<i32>} : memref<128x32xf32, #tpu.memory_space<vmem>>, vector<1x16xf32>,
            %get3A_204 = vector.shape_cast %get3A_203 : vector<1x16xf32> to vector<16xf32>
            %mul3A_205 = vector.broadcast %squeeze3A_198 : f32 to vector<16xf32>
            %mul3A_206 = arith.mulf %get3A_204, %mul3A_205 : vector<16xf32>
            %add3A_207 = arith.constant 4 : i32
            %add3A_208 = arith.addi %mul3A_72, %add3A_207 : i32
            %swap3A_209 = arith.index_cast %add3A_208 : i32 to index
            %swap3A_210 = arith.constant 0 : index
            %swap3A_211 = tpu.vector_load %arg16[%swap3A_209, %swap3A_210] {strides = array<i32>} : memref<128x32xf32, #tpu.memory_space<vmem>>, vector<1x16xf32>,
            %swap3A_212 = vector.shape_cast %swap3A_211 : vector<1x16xf32> to vector<16xf32>
            %swap3A_213 = vector.shape_cast %mul3A_206 : vector<16xf32> to vector<1x16xf32>
            tpu.vector_store %arg16[%swap3A_209, %swap3A_210], %swap3A_213 {strides = array<i32>} : memref<128x32xf32, #tpu.memory_space<vmem>>, vector<1x16xf32>,
            %add3A_214 = arith.constant 4 : i32
            %add3A_215 = arith.addi %mul3A_72, %add3A_214 : i32
            %get3A_216 = arith.index_cast %add3A_215 : i32 to index
            %get3A_217 = arith.constant 16 : index
            %get3A_218 = tpu.vector_load %arg16[%get3A_216, %get3A_217] {strides = array<i32>} : memref<128x32xf32, #tpu.memory_space<vmem>>, vector<1x16xf32>,
            %get3A_219 = vector.shape_cast %get3A_218 : vector<1x16xf32> to vector<16xf32>
            %mul3A_220 = vector.broadcast %squeeze3A_198 : f32 to vector<16xf32>
            %mul3A_221 = arith.mulf %get3A_219, %mul3A_220 : vector<16xf32>
            %add3A_222 = arith.constant 4 : i32
            %add3A_223 = arith.addi %mul3A_72, %add3A_222 : i32
            %swap3A_224 = arith.index_cast %add3A_223 : i32 to index
            %swap3A_225 = arith.constant 16 : index
            %swap3A_226 = tpu.vector_load %arg16[%swap3A_224, %swap3A_225] {strides = array<i32>} : memref<128x32xf32, #tpu.memory_space<vmem>>, vector<1x16xf32>,
            %swap3A_227 = vector.shape_cast %swap3A_226 : vector<1x16xf32> to vector<16xf32>
            %swap3A_228 = vector.shape_cast %mul3A_221 : vector<16xf32> to vector<1x16xf32>
            tpu.vector_store %arg16[%swap3A_224, %swap3A_225], %swap3A_228 {strides = array<i32>} : memref<128x32xf32, #tpu.memory_space<vmem>>, vector<1x16xf32>,
            %slice3A_229 = vector.extract_strided_slice %get3A_70 {offsets = [5], sizes = [1], strides = [1]} : vector<16xf32> to vector<1xf32>
            %squeeze3A_230 = vector.extract %slice3A_229[0] : f32 from vector<1xf32>
            %add3A_231 = arith.constant 5 : i32
            %add3A_232 = arith.addi %mul3A_72, %add3A_231 : i32
            %get3A_233 = arith.index_cast %add3A_232 : i32 to index
            %get3A_234 = arith.constant 0 : index
            %get3A_235 = tpu.vector_load %arg16[%get3A_233, %get3A_234] {strides = array<i32>} : memref<128x32xf32, #tpu.memory_space<vmem>>, vector<1x16xf32>,
            %get3A_236 = vector.shape_cast %get3A_235 : vector<1x16xf32> to vector<16xf32>
            %mul3A_237 = vector.broadcast %squeeze3A_230 : f32 to vector<16xf32>
            %mul3A_238 = arith.mulf %get3A_236, %mul3A_237 : vector<16xf32>
            %add3A_239 = arith.constant 5 : i32
            %add3A_240 = arith.addi %mul3A_72, %add3A_239 : i32
            %swap3A_241 = arith.index_cast %add3A_240 : i32 to index
            %swap3A_242 = arith.constant 0 : index
            %swap3A_243 = tpu.vector_load %arg16[%swap3A_241, %swap3A_242] {strides = array<i32>} : memref<128x32xf32, #tpu.memory_space<vmem>>, vector<1x16xf32>,
            %swap3A_244 = vector.shape_cast %swap3A_243 : vector<1x16xf32> to vector<16xf32>
            %swap3A_245 = vector.shape_cast %mul3A_238 : vector<16xf32> to vector<1x16xf32>
            tpu.vector_store %arg16[%swap3A_241, %swap3A_242], %swap3A_245 {strides = array<i32>} : memref<128x32xf32, #tpu.memory_space<vmem>>, vector<1x16xf32>,
            %add3A_246 = arith.constant 5 : i32
            %add3A_247 = arith.addi %mul3A_72, %add3A_246 : i32
            %get3A_248 = arith.index_cast %add3A_247 : i32 to index
            %get3A_249 = arith.constant 16 : index
            %get3A_250 = tpu.vector_load %arg16[%get3A_248, %get3A_249] {strides = array<i32>} : memref<128x32xf32, #tpu.memory_space<vmem>>, vector<1x16xf32>,
            %get3A_251 = vector.shape_cast %get3A_250 : vector<1x16xf32> to vector<16xf32>
            %mul3A_252 = vector.broadcast %squeeze3A_230 : f32 to vector<16xf32>
            %mul3A_253 = arith.mulf %get3A_251, %mul3A_252 : vector<16xf32>
            %add3A_254 = arith.constant 5 : i32
            %add3A_255 = arith.addi %mul3A_72, %add3A_254 : i32
            %swap3A_256 = arith.index_cast %add3A_255 : i32 to index
            %swap3A_257 = arith.constant 16 : index
            %swap3A_258 = tpu.vector_load %arg16[%swap3A_256, %swap3A_257] {strides = array<i32>} : memref<128x32xf32, #tpu.memory_space<vmem>>, vector<1x16xf32>,
            %swap3A_259 = vector.shape_cast %swap3A_258 : vector<1x16xf32> to vector<16xf32>
            %swap3A_260 = vector.shape_cast %mul3A_253 : vector<16xf32> to vector<1x16xf32>
            tpu.vector_store %arg16[%swap3A_256, %swap3A_257], %swap3A_260 {strides = array<i32>} : memref<128x32xf32, #tpu.memory_space<vmem>>, vector<1x16xf32>,
            %slice3A_261 = vector.extract_strided_slice %get3A_70 {offsets = [6], sizes = [1], strides = [1]} : vector<16xf32> to vector<1xf32>
            %squeeze3A_262 = vector.extract %slice3A_261[0] : f32 from vector<1xf32>
            %add3A_263 = arith.constant 6 : i32
            %add3A_264 = arith.addi %mul3A_72, %add3A_263 : i32
            %get3A_265 = arith.index_cast %add3A_264 : i32 to index
            %get3A_266 = arith.constant 0 : index
            %get3A_267 = tpu.vector_load %arg16[%get3A_265, %get3A_266] {strides = array<i32>} : memref<128x32xf32, #tpu.memory_space<vmem>>, vector<1x16xf32>,
            %get3A_268 = vector.shape_cast %get3A_267 : vector<1x16xf32> to vector<16xf32>
            %mul3A_269 = vector.broadcast %squeeze3A_262 : f32 to vector<16xf32>
            %mul3A_270 = arith.mulf %get3A_268, %mul3A_269 : vector<16xf32>
            %add3A_271 = arith.constant 6 : i32
            %add3A_272 = arith.addi %mul3A_72, %add3A_271 : i32
            %swap3A_273 = arith.index_cast %add3A_272 : i32 to index
            %swap3A_274 = arith.constant 0 : index
            %swap3A_275 = tpu.vector_load %arg16[%swap3A_273, %swap3A_274] {strides = array<i32>} : memref<128x32xf32, #tpu.memory_space<vmem>>, vector<1x16xf32>,
            %swap3A_276 = vector.shape_cast %swap3A_275 : vector<1x16xf32> to vector<16xf32>
            %swap3A_277 = vector.shape_cast %mul3A_270 : vector<16xf32> to vector<1x16xf32>
            tpu.vector_store %arg16[%swap3A_273, %swap3A_274], %swap3A_277 {strides = array<i32>} : memref<128x32xf32, #tpu.memory_space<vmem>>, vector<1x16xf32>,
            %add3A_278 = arith.constant 6 : i32
            %add3A_279 = arith.addi %mul3A_72, %add3A_278 : i32
            %get3A_280 = arith.index_cast %add3A_279 : i32 to index
            %get3A_281 = arith.constant 16 : index
            %get3A_282 = tpu.vector_load %arg16[%get3A_280, %get3A_281] {strides = array<i32>} : memref<128x32xf32, #tpu.memory_space<vmem>>, vector<1x16xf32>,
            %get3A_283 = vector.shape_cast %get3A_282 : vector<1x16xf32> to vector<16xf32>
            %mul3A_284 = vector.broadcast %squeeze3A_262 : f32 to vector<16xf32>
            %mul3A_285 = arith.mulf %get3A_283, %mul3A_284 : vector<16xf32>
            %add3A_286 = arith.constant 6 : i32
            %add3A_287 = arith.addi %mul3A_72, %add3A_286 : i32
            %swap3A_288 = arith.index_cast %add3A_287 : i32 to index
            %swap3A_289 = arith.constant 16 : index
            %swap3A_290 = tpu.vector_load %arg16[%swap3A_288, %swap3A_289] {strides = array<i32>} : memref<128x32xf32, #tpu.memory_space<vmem>>, vector<1x16xf32>,
            %swap3A_291 = vector.shape_cast %swap3A_290 : vector<1x16xf32> to vector<16xf32>
            %swap3A_292 = vector.shape_cast %mul3A_285 : vector<16xf32> to vector<1x16xf32>
            tpu.vector_store %arg16[%swap3A_288, %swap3A_289], %swap3A_292 {strides = array<i32>} : memref<128x32xf32, #tpu.memory_space<vmem>>, vector<1x16xf32>,
            %slice3A_293 = vector.extract_strided_slice %get3A_70 {offsets = [7], sizes = [1], strides = [1]} : vector<16xf32> to vector<1xf32>
            %squeeze3A_294 = vector.extract %slice3A_293[0] : f32 from vector<1xf32>
            %add3A_295 = arith.constant 7 : i32
            %add3A_296 = arith.addi %mul3A_72, %add3A_295 : i32
            %get3A_297 = arith.index_cast %add3A_296 : i32 to index
            %get3A_298 = arith.constant 0 : index
            %get3A_299 = tpu.vector_load %arg16[%get3A_297, %get3A_298] {strides = array<i32>} : memref<128x32xf32, #tpu.memory_space<vmem>>, vector<1x16xf32>,
            %get3A_300 = vector.shape_cast %get3A_299 : vector<1x16xf32> to vector<16xf32>
            %mul3A_301 = vector.broadcast %squeeze3A_294 : f32 to vector<16xf32>
            %mul3A_302 = arith.mulf %get3A_300, %mul3A_301 : vector<16xf32>
            %add3A_303 = arith.constant 7 : i32
            %add3A_304 = arith.addi %mul3A_72, %add3A_303 : i32
            %swap3A_305 = arith.index_cast %add3A_304 : i32 to index
            %swap3A_306 = arith.constant 0 : index
            %swap3A_307 = tpu.vector_load %arg16[%swap3A_305, %swap3A_306] {strides = array<i32>} : memref<128x32xf32, #tpu.memory_space<vmem>>, vector<1x16xf32>,
            %swap3A_308 = vector.shape_cast %swap3A_307 : vector<1x16xf32> to vector<16xf32>
            %swap3A_309 = vector.shape_cast %mul3A_302 : vector<16xf32> to vector<1x16xf32>
            tpu.vector_store %arg16[%swap3A_305, %swap3A_306], %swap3A_309 {strides = array<i32>} : memref<128x32xf32, #tpu.memory_space<vmem>>, vector<1x16xf32>,
            %add3A_310 = arith.constant 7 : i32
            %add3A_311 = arith.addi %mul3A_72, %add3A_310 : i32
            %get3A_312 = arith.index_cast %add3A_311 : i32 to index
            %get3A_313 = arith.constant 16 : index
            %get3A_314 = tpu.vector_load %arg16[%get3A_312, %get3A_313] {strides = array<i32>} : memref<128x32xf32, #tpu.memory_space<vmem>>, vector<1x16xf32>,
            %get3A_315 = vector.shape_cast %get3A_314 : vector<1x16xf32> to vector<16xf32>
            %mul3A_316 = vector.broadcast %squeeze3A_294 : f32 to vector<16xf32>
            %mul3A_317 = arith.mulf %get3A_315, %mul3A_316 : vector<16xf32>
            %add3A_318 = arith.constant 7 : i32
            %add3A_319 = arith.addi %mul3A_72, %add3A_318 : i32
            %swap3A_320 = arith.index_cast %add3A_319 : i32 to index
            %swap3A_321 = arith.constant 16 : index
            %swap3A_322 = tpu.vector_load %arg16[%swap3A_320, %swap3A_321] {strides = array<i32>} : memref<128x32xf32, #tpu.memory_space<vmem>>, vector<1x16xf32>,
            %swap3A_323 = vector.shape_cast %swap3A_322 : vector<1x16xf32> to vector<16xf32>
            %swap3A_324 = vector.shape_cast %mul3A_317 : vector<16xf32> to vector<1x16xf32>
            tpu.vector_store %arg16[%swap3A_320, %swap3A_321], %swap3A_324 {strides = array<i32>} : memref<128x32xf32, #tpu.memory_space<vmem>>, vector<1x16xf32>,
            %slice3A_325 = vector.extract_strided_slice %get3A_70 {offsets = [8], sizes = [1], strides = [1]} : vector<16xf32> to vector<1xf32>
            %squeeze3A_326 = vector.extract %slice3A_325[0] : f32 from vector<1xf32>
            %add3A_327 = arith.constant 8 : i32
            %add3A_328 = arith.addi %mul3A_72, %add3A_327 : i32
            %get3A_329 = arith.index_cast %add3A_328 : i32 to index
            %get3A_330 = arith.constant 0 : index
            %get3A_331 = tpu.vector_load %arg16[%get3A_329, %get3A_330] {strides = array<i32>} : memref<128x32xf32, #tpu.memory_space<vmem>>, vector<1x16xf32>,
            %get3A_332 = vector.shape_cast %get3A_331 : vector<1x16xf32> to vector<16xf32>
            %mul3A_333 = vector.broadcast %squeeze3A_326 : f32 to vector<16xf32>
            %mul3A_334 = arith.mulf %get3A_332, %mul3A_333 : vector<16xf32>
            %add3A_335 = arith.constant 8 : i32
            %add3A_336 = arith.addi %mul3A_72, %add3A_335 : i32
            %swap3A_337 = arith.index_cast %add3A_336 : i32 to index
            %swap3A_338 = arith.constant 0 : index
            %swap3A_339 = tpu.vector_load %arg16[%swap3A_337, %swap3A_338] {strides = array<i32>} : memref<128x32xf32, #tpu.memory_space<vmem>>, vector<1x16xf32>,
            %swap3A_340 = vector.shape_cast %swap3A_339 : vector<1x16xf32> to vector<16xf32>
            %swap3A_341 = vector.shape_cast %mul3A_334 : vector<16xf32> to vector<1x16xf32>
            tpu.vector_store %arg16[%swap3A_337, %swap3A_338], %swap3A_341 {strides = array<i32>} : memref<128x32xf32, #tpu.memory_space<vmem>>, vector<1x16xf32>,
            %add3A_342 = arith.constant 8 : i32
            %add3A_343 = arith.addi %mul3A_72, %add3A_342 : i32
            %get3A_344 = arith.index_cast %add3A_343 : i32 to index
            %get3A_345 = arith.constant 16 : index
            %get3A_346 = tpu.vector_load %arg16[%get3A_344, %get3A_345] {strides = array<i32>} : memref<128x32xf32, #tpu.memory_space<vmem>>, vector<1x16xf32>,
            %get3A_347 = vector.shape_cast %get3A_346 : vector<1x16xf32> to vector<16xf32>
            %mul3A_348 = vector.broadcast %squeeze3A_326 : f32 to vector<16xf32>
            %mul3A_349 = arith.mulf %get3A_347, %mul3A_348 : vector<16xf32>
            %add3A_350 = arith.constant 8 : i32
            %add3A_351 = arith.addi %mul3A_72, %add3A_350 : i32
            %swap3A_352 = arith.index_cast %add3A_351 : i32 to index
            %swap3A_353 = arith.constant 16 : index
            %swap3A_354 = tpu.vector_load %arg16[%swap3A_352, %swap3A_353] {strides = array<i32>} : memref<128x32xf32, #tpu.memory_space<vmem>>, vector<1x16xf32>,
            %swap3A_355 = vector.shape_cast %swap3A_354 : vector<1x16xf32> to vector<16xf32>
            %swap3A_356 = vector.shape_cast %mul3A_349 : vector<16xf32> to vector<1x16xf32>
            tpu.vector_store %arg16[%swap3A_352, %swap3A_353], %swap3A_356 {strides = array<i32>} : memref<128x32xf32, #tpu.memory_space<vmem>>, vector<1x16xf32>,
            %slice3A_357 = vector.extract_strided_slice %get3A_70 {offsets = [9], sizes = [1], strides = [1]} : vector<16xf32> to vector<1xf32>
            %squeeze3A_358 = vector.extract %slice3A_357[0] : f32 from vector<1xf32>
            %add3A_359 = arith.constant 9 : i32
            %add3A_360 = arith.addi %mul3A_72, %add3A_359 : i32
            %get3A_361 = arith.index_cast %add3A_360 : i32 to index
            %get3A_362 = arith.constant 0 : index
            %get3A_363 = tpu.vector_load %arg16[%get3A_361, %get3A_362] {strides = array<i32>} : memref<128x32xf32, #tpu.memory_space<vmem>>, vector<1x16xf32>,
            %get3A_364 = vector.shape_cast %get3A_363 : vector<1x16xf32> to vector<16xf32>
            %mul3A_365 = vector.broadcast %squeeze3A_358 : f32 to vector<16xf32>
            %mul3A_366 = arith.mulf %get3A_364, %mul3A_365 : vector<16xf32>
            %add3A_367 = arith.constant 9 : i32
            %add3A_368 = arith.addi %mul3A_72, %add3A_367 : i32
            %swap3A_369 = arith.index_cast %add3A_368 : i32 to index
            %swap3A_370 = arith.constant 0 : index
            %swap3A_371 = tpu.vector_load %arg16[%swap3A_369, %swap3A_370] {strides = array<i32>} : memref<128x32xf32, #tpu.memory_space<vmem>>, vector<1x16xf32>,
            %swap3A_372 = vector.shape_cast %swap3A_371 : vector<1x16xf32> to vector<16xf32>
            %swap3A_373 = vector.shape_cast %mul3A_366 : vector<16xf32> to vector<1x16xf32>
            tpu.vector_store %arg16[%swap3A_369, %swap3A_370], %swap3A_373 {strides = array<i32>} : memref<128x32xf32, #tpu.memory_space<vmem>>, vector<1x16xf32>,
            %add3A_374 = arith.constant 9 : i32
            %add3A_375 = arith.addi %mul3A_72, %add3A_374 : i32
            %get3A_376 = arith.index_cast %add3A_375 : i32 to index
            %get3A_377 = arith.constant 16 : index
            %get3A_378 = tpu.vector_load %arg16[%get3A_376, %get3A_377] {strides = array<i32>} : memref<128x32xf32, #tpu.memory_space<vmem>>, vector<1x16xf32>,
            %get3A_379 = vector.shape_cast %get3A_378 : vector<1x16xf32> to vector<16xf32>
            %mul3A_380 = vector.broadcast %squeeze3A_358 : f32 to vector<16xf32>
            %mul3A_381 = arith.mulf %get3A_379, %mul3A_380 : vector<16xf32>
            %add3A_382 = arith.constant 9 : i32
            %add3A_383 = arith.addi %mul3A_72, %add3A_382 : i32
            %swap3A_384 = arith.index_cast %add3A_383 : i32 to index
            %swap3A_385 = arith.constant 16 : index
            %swap3A_386 = tpu.vector_load %arg16[%swap3A_384, %swap3A_385] {strides = array<i32>} : memref<128x32xf32, #tpu.memory_space<vmem>>, vector<1x16xf32>,
            %swap3A_387 = vector.shape_cast %swap3A_386 : vector<1x16xf32> to vector<16xf32>
            %swap3A_388 = vector.shape_cast %mul3A_381 : vector<16xf32> to vector<1x16xf32>
            tpu.vector_store %arg16[%swap3A_384, %swap3A_385], %swap3A_388 {strides = array<i32>} : memref<128x32xf32, #tpu.memory_space<vmem>>, vector<1x16xf32>,
            %slice3A_389 = vector.extract_strided_slice %get3A_70 {offsets = [10], sizes = [1], strides = [1]} : vector<16xf32> to vector<1xf32>
            %squeeze3A_390 = vector.extract %slice3A_389[0] : f32 from vector<1xf32>
            %add3A_391 = arith.constant 10 : i32
            %add3A_392 = arith.addi %mul3A_72, %add3A_391 : i32
            %get3A_393 = arith.index_cast %add3A_392 : i32 to index
            %get3A_394 = arith.constant 0 : index
            %get3A_395 = tpu.vector_load %arg16[%get3A_393, %get3A_394] {strides = array<i32>} : memref<128x32xf32, #tpu.memory_space<vmem>>, vector<1x16xf32>,
            %get3A_396 = vector.shape_cast %get3A_395 : vector<1x16xf32> to vector<16xf32>
            %mul3A_397 = vector.broadcast %squeeze3A_390 : f32 to vector<16xf32>
            %mul3A_398 = arith.mulf %get3A_396, %mul3A_397 : vector<16xf32>
            %add3A_399 = arith.constant 10 : i32
            %add3A_400 = arith.addi %mul3A_72, %add3A_399 : i32
            %swap3A_401 = arith.index_cast %add3A_400 : i32 to index
            %swap3A_402 = arith.constant 0 : index
            %swap3A_403 = tpu.vector_load %arg16[%swap3A_401, %swap3A_402] {strides = array<i32>} : memref<128x32xf32, #tpu.memory_space<vmem>>, vector<1x16xf32>,
            %swap3A_404 = vector.shape_cast %swap3A_403 : vector<1x16xf32> to vector<16xf32>
            %swap3A_405 = vector.shape_cast %mul3A_398 : vector<16xf32> to vector<1x16xf32>
            tpu.vector_store %arg16[%swap3A_401, %swap3A_402], %swap3A_405 {strides = array<i32>} : memref<128x32xf32, #tpu.memory_space<vmem>>, vector<1x16xf32>,
            %add3A_406 = arith.constant 10 : i32
            %add3A_407 = arith.addi %mul3A_72, %add3A_406 : i32
            %get3A_408 = arith.index_cast %add3A_407 : i32 to index
            %get3A_409 = arith.constant 16 : index
            %get3A_410 = tpu.vector_load %arg16[%get3A_408, %get3A_409] {strides = array<i32>} : memref<128x32xf32, #tpu.memory_space<vmem>>, vector<1x16xf32>,
            %get3A_411 = vector.shape_cast %get3A_410 : vector<1x16xf32> to vector<16xf32>
            %mul3A_412 = vector.broadcast %squeeze3A_390 : f32 to vector<16xf32>
            %mul3A_413 = arith.mulf %get3A_411, %mul3A_412 : vector<16xf32>
            %add3A_414 = arith.constant 10 : i32
            %add3A_415 = arith.addi %mul3A_72, %add3A_414 : i32
            %swap3A_416 = arith.index_cast %add3A_415 : i32 to index
            %swap3A_417 = arith.constant 16 : index
            %swap3A_418 = tpu.vector_load %arg16[%swap3A_416, %swap3A_417] {strides = array<i32>} : memref<128x32xf32, #tpu.memory_space<vmem>>, vector<1x16xf32>,
            %swap3A_419 = vector.shape_cast %swap3A_418 : vector<1x16xf32> to vector<16xf32>
            %swap3A_420 = vector.shape_cast %mul3A_413 : vector<16xf32> to vector<1x16xf32>
            tpu.vector_store %arg16[%swap3A_416, %swap3A_417], %swap3A_420 {strides = array<i32>} : memref<128x32xf32, #tpu.memory_space<vmem>>, vector<1x16xf32>,
            %slice3A_421 = vector.extract_strided_slice %get3A_70 {offsets = [11], sizes = [1], strides = [1]} : vector<16xf32> to vector<1xf32>
            %squeeze3A_422 = vector.extract %slice3A_421[0] : f32 from vector<1xf32>
            %add3A_423 = arith.constant 11 : i32
            %add3A_424 = arith.addi %mul3A_72, %add3A_423 : i32
            %get3A_425 = arith.index_cast %add3A_424 : i32 to index
            %get3A_426 = arith.constant 0 : index
            %get3A_427 = tpu.vector_load %arg16[%get3A_425, %get3A_426] {strides = array<i32>} : memref<128x32xf32, #tpu.memory_space<vmem>>, vector<1x16xf32>,
            %get3A_428 = vector.shape_cast %get3A_427 : vector<1x16xf32> to vector<16xf32>
            %mul3A_429 = vector.broadcast %squeeze3A_422 : f32 to vector<16xf32>
            %mul3A_430 = arith.mulf %get3A_428, %mul3A_429 : vector<16xf32>
            %add3A_431 = arith.constant 11 : i32
            %add3A_432 = arith.addi %mul3A_72, %add3A_431 : i32
            %swap3A_433 = arith.index_cast %add3A_432 : i32 to index
            %swap3A_434 = arith.constant 0 : index
            %swap3A_435 = tpu.vector_load %arg16[%swap3A_433, %swap3A_434] {strides = array<i32>} : memref<128x32xf32, #tpu.memory_space<vmem>>, vector<1x16xf32>,
            %swap3A_436 = vector.shape_cast %swap3A_435 : vector<1x16xf32> to vector<16xf32>
            %swap3A_437 = vector.shape_cast %mul3A_430 : vector<16xf32> to vector<1x16xf32>
            tpu.vector_store %arg16[%swap3A_433, %swap3A_434], %swap3A_437 {strides = array<i32>} : memref<128x32xf32, #tpu.memory_space<vmem>>, vector<1x16xf32>,
            %add3A_438 = arith.constant 11 : i32
            %add3A_439 = arith.addi %mul3A_72, %add3A_438 : i32
            %get3A_440 = arith.index_cast %add3A_439 : i32 to index
            %get3A_441 = arith.constant 16 : index
            %get3A_442 = tpu.vector_load %arg16[%get3A_440, %get3A_441] {strides = array<i32>} : memref<128x32xf32, #tpu.memory_space<vmem>>, vector<1x16xf32>,
            %get3A_443 = vector.shape_cast %get3A_442 : vector<1x16xf32> to vector<16xf32>
            %mul3A_444 = vector.broadcast %squeeze3A_422 : f32 to vector<16xf32>
            %mul3A_445 = arith.mulf %get3A_443, %mul3A_444 : vector<16xf32>
            %add3A_446 = arith.constant 11 : i32
            %add3A_447 = arith.addi %mul3A_72, %add3A_446 : i32
            %swap3A_448 = arith.index_cast %add3A_447 : i32 to index
            %swap3A_449 = arith.constant 16 : index
            %swap3A_450 = tpu.vector_load %arg16[%swap3A_448, %swap3A_449] {strides = array<i32>} : memref<128x32xf32, #tpu.memory_space<vmem>>, vector<1x16xf32>,
            %swap3A_451 = vector.shape_cast %swap3A_450 : vector<1x16xf32> to vector<16xf32>
            %swap3A_452 = vector.shape_cast %mul3A_445 : vector<16xf32> to vector<1x16xf32>
            tpu.vector_store %arg16[%swap3A_448, %swap3A_449], %swap3A_452 {strides = array<i32>} : memref<128x32xf32, #tpu.memory_space<vmem>>, vector<1x16xf32>,
            %slice3A_453 = vector.extract_strided_slice %get3A_70 {offsets = [12], sizes = [1], strides = [1]} : vector<16xf32> to vector<1xf32>
            %squeeze3A_454 = vector.extract %slice3A_453[0] : f32 from vector<1xf32>
            %add3A_455 = arith.constant 12 : i32
            %add3A_456 = arith.addi %mul3A_72, %add3A_455 : i32
            %get3A_457 = arith.index_cast %add3A_456 : i32 to index
            %get3A_458 = arith.constant 0 : index
            %get3A_459 = tpu.vector_load %arg16[%get3A_457, %get3A_458] {strides = array<i32>} : memref<128x32xf32, #tpu.memory_space<vmem>>, vector<1x16xf32>,
            %get3A_460 = vector.shape_cast %get3A_459 : vector<1x16xf32> to vector<16xf32>
            %mul3A_461 = vector.broadcast %squeeze3A_454 : f32 to vector<16xf32>
            %mul3A_462 = arith.mulf %get3A_460, %mul3A_461 : vector<16xf32>
            %add3A_463 = arith.constant 12 : i32
            %add3A_464 = arith.addi %mul3A_72, %add3A_463 : i32
            %swap3A_465 = arith.index_cast %add3A_464 : i32 to index
            %swap3A_466 = arith.constant 0 : index
            %swap3A_467 = tpu.vector_load %arg16[%swap3A_465, %swap3A_466] {strides = array<i32>} : memref<128x32xf32, #tpu.memory_space<vmem>>, vector<1x16xf32>,
            %swap3A_468 = vector.shape_cast %swap3A_467 : vector<1x16xf32> to vector<16xf32>
            %swap3A_469 = vector.shape_cast %mul3A_462 : vector<16xf32> to vector<1x16xf32>
            tpu.vector_store %arg16[%swap3A_465, %swap3A_466], %swap3A_469 {strides = array<i32>} : memref<128x32xf32, #tpu.memory_space<vmem>>, vector<1x16xf32>,
            %add3A_470 = arith.constant 12 : i32
            %add3A_471 = arith.addi %mul3A_72, %add3A_470 : i32
            %get3A_472 = arith.index_cast %add3A_471 : i32 to index
            %get3A_473 = arith.constant 16 : index
            %get3A_474 = tpu.vector_load %arg16[%get3A_472, %get3A_473] {strides = array<i32>} : memref<128x32xf32, #tpu.memory_space<vmem>>, vector<1x16xf32>,
            %get3A_475 = vector.shape_cast %get3A_474 : vector<1x16xf32> to vector<16xf32>
            %mul3A_476 = vector.broadcast %squeeze3A_454 : f32 to vector<16xf32>
            %mul3A_477 = arith.mulf %get3A_475, %mul3A_476 : vector<16xf32>
            %add3A_478 = arith.constant 12 : i32
            %add3A_479 = arith.addi %mul3A_72, %add3A_478 : i32
            %swap3A_480 = arith.index_cast %add3A_479 : i32 to index
            %swap3A_481 = arith.constant 16 : index
            %swap3A_482 = tpu.vector_load %arg16[%swap3A_480, %swap3A_481] {strides = array<i32>} : memref<128x32xf32, #tpu.memory_space<vmem>>, vector<1x16xf32>,
            %swap3A_483 = vector.shape_cast %swap3A_482 : vector<1x16xf32> to vector<16xf32>
            %swap3A_484 = vector.shape_cast %mul3A_477 : vector<16xf32> to vector<1x16xf32>
            tpu.vector_store %arg16[%swap3A_480, %swap3A_481], %swap3A_484 {strides = array<i32>} : memref<128x32xf32, #tpu.memory_space<vmem>>, vector<1x16xf32>,
            %slice3A_485 = vector.extract_strided_slice %get3A_70 {offsets = [13], sizes = [1], strides = [1]} : vector<16xf32> to vector<1xf32>
            %squeeze3A_486 = vector.extract %slice3A_485[0] : f32 from vector<1xf32>
            %add3A_487 = arith.constant 13 : i32
            %add3A_488 = arith.addi %mul3A_72, %add3A_487 : i32
            %get3A_489 = arith.index_cast %add3A_488 : i32 to index
            %get3A_490 = arith.constant 0 : index
            %get3A_491 = tpu.vector_load %arg16[%get3A_489, %get3A_490] {strides = array<i32>} : memref<128x32xf32, #tpu.memory_space<vmem>>, vector<1x16xf32>,
            %get3A_492 = vector.shape_cast %get3A_491 : vector<1x16xf32> to vector<16xf32>
            %mul3A_493 = vector.broadcast %squeeze3A_486 : f32 to vector<16xf32>
            %mul3A_494 = arith.mulf %get3A_492, %mul3A_493 : vector<16xf32>
            %add3A_495 = arith.constant 13 : i32
            %add3A_496 = arith.addi %mul3A_72, %add3A_495 : i32
            %swap3A_497 = arith.index_cast %add3A_496 : i32 to index
            %swap3A_498 = arith.constant 0 : index
            %swap3A_499 = tpu.vector_load %arg16[%swap3A_497, %swap3A_498] {strides = array<i32>} : memref<128x32xf32, #tpu.memory_space<vmem>>, vector<1x16xf32>,
            %swap3A_500 = vector.shape_cast %swap3A_499 : vector<1x16xf32> to vector<16xf32>
            %swap3A_501 = vector.shape_cast %mul3A_494 : vector<16xf32> to vector<1x16xf32>
            tpu.vector_store %arg16[%swap3A_497, %swap3A_498], %swap3A_501 {strides = array<i32>} : memref<128x32xf32, #tpu.memory_space<vmem>>, vector<1x16xf32>,
            %add3A_502 = arith.constant 13 : i32
            %add3A_503 = arith.addi %mul3A_72, %add3A_502 : i32
            %get3A_504 = arith.index_cast %add3A_503 : i32 to index
            %get3A_505 = arith.constant 16 : index
            %get3A_506 = tpu.vector_load %arg16[%get3A_504, %get3A_505] {strides = array<i32>} : memref<128x32xf32, #tpu.memory_space<vmem>>, vector<1x16xf32>,
            %get3A_507 = vector.shape_cast %get3A_506 : vector<1x16xf32> to vector<16xf32>
            %mul3A_508 = vector.broadcast %squeeze3A_486 : f32 to vector<16xf32>
            %mul3A_509 = arith.mulf %get3A_507, %mul3A_508 : vector<16xf32>
            %add3A_510 = arith.constant 13 : i32
            %add3A_511 = arith.addi %mul3A_72, %add3A_510 : i32
            %swap3A_512 = arith.index_cast %add3A_511 : i32 to index
            %swap3A_513 = arith.constant 16 : index
            %swap3A_514 = tpu.vector_load %arg16[%swap3A_512, %swap3A_513] {strides = array<i32>} : memref<128x32xf32, #tpu.memory_space<vmem>>, vector<1x16xf32>,
            %swap3A_515 = vector.shape_cast %swap3A_514 : vector<1x16xf32> to vector<16xf32>
            %swap3A_516 = vector.shape_cast %mul3A_509 : vector<16xf32> to vector<1x16xf32>
            tpu.vector_store %arg16[%swap3A_512, %swap3A_513], %swap3A_516 {strides = array<i32>} : memref<128x32xf32, #tpu.memory_space<vmem>>, vector<1x16xf32>,
            %slice3A_517 = vector.extract_strided_slice %get3A_70 {offsets = [14], sizes = [1], strides = [1]} : vector<16xf32> to vector<1xf32>
            %squeeze3A_518 = vector.extract %slice3A_517[0] : f32 from vector<1xf32>
            %add3A_519 = arith.constant 14 : i32
            %add3A_520 = arith.addi %mul3A_72, %add3A_519 : i32
            %get3A_521 = arith.index_cast %add3A_520 : i32 to index
            %get3A_522 = arith.constant 0 : index
            %get3A_523 = tpu.vector_load %arg16[%get3A_521, %get3A_522] {strides = array<i32>} : memref<128x32xf32, #tpu.memory_space<vmem>>, vector<1x16xf32>,
            %get3A_524 = vector.shape_cast %get3A_523 : vector<1x16xf32> to vector<16xf32>
            %mul3A_525 = vector.broadcast %squeeze3A_518 : f32 to vector<16xf32>
            %mul3A_526 = arith.mulf %get3A_524, %mul3A_525 : vector<16xf32>
            %add3A_527 = arith.constant 14 : i32
            %add3A_528 = arith.addi %mul3A_72, %add3A_527 : i32
            %swap3A_529 = arith.index_cast %add3A_528 : i32 to index
            %swap3A_530 = arith.constant 0 : index
            %swap3A_531 = tpu.vector_load %arg16[%swap3A_529, %swap3A_530] {strides = array<i32>} : memref<128x32xf32, #tpu.memory_space<vmem>>, vector<1x16xf32>,
            %swap3A_532 = vector.shape_cast %swap3A_531 : vector<1x16xf32> to vector<16xf32>
            %swap3A_533 = vector.shape_cast %mul3A_526 : vector<16xf32> to vector<1x16xf32>
            tpu.vector_store %arg16[%swap3A_529, %swap3A_530], %swap3A_533 {strides = array<i32>} : memref<128x32xf32, #tpu.memory_space<vmem>>, vector<1x16xf32>,
            %add3A_534 = arith.constant 14 : i32
            %add3A_535 = arith.addi %mul3A_72, %add3A_534 : i32
            %get3A_536 = arith.index_cast %add3A_535 : i32 to index
            %get3A_537 = arith.constant 16 : index
            %get3A_538 = tpu.vector_load %arg16[%get3A_536, %get3A_537] {strides = array<i32>} : memref<128x32xf32, #tpu.memory_space<vmem>>, vector<1x16xf32>,
            %get3A_539 = vector.shape_cast %get3A_538 : vector<1x16xf32> to vector<16xf32>
            %mul3A_540 = vector.broadcast %squeeze3A_518 : f32 to vector<16xf32>
            %mul3A_541 = arith.mulf %get3A_539, %mul3A_540 : vector<16xf32>
            %add3A_542 = arith.constant 14 : i32
            %add3A_543 = arith.addi %mul3A_72, %add3A_542 : i32
            %swap3A_544 = arith.index_cast %add3A_543 : i32 to index
            %swap3A_545 = arith.constant 16 : index
            %swap3A_546 = tpu.vector_load %arg16[%swap3A_544, %swap3A_545] {strides = array<i32>} : memref<128x32xf32, #tpu.memory_space<vmem>>, vector<1x16xf32>,
            %swap3A_547 = vector.shape_cast %swap3A_546 : vector<1x16xf32> to vector<16xf32>
            %swap3A_548 = vector.shape_cast %mul3A_541 : vector<16xf32> to vector<1x16xf32>
            tpu.vector_store %arg16[%swap3A_544, %swap3A_545], %swap3A_548 {strides = array<i32>} : memref<128x32xf32, #tpu.memory_space<vmem>>, vector<1x16xf32>,
            %slice3A_549 = vector.extract_strided_slice %get3A_70 {offsets = [15], sizes = [1], strides = [1]} : vector<16xf32> to vector<1xf32>
            %squeeze3A_550 = vector.extract %slice3A_549[0] : f32 from vector<1xf32>
            %add3A_551 = arith.constant 15 : i32
            %add3A_552 = arith.addi %mul3A_72, %add3A_551 : i32
            %get3A_553 = arith.index_cast %add3A_552 : i32 to index
            %get3A_554 = arith.constant 0 : index
            %get3A_555 = tpu.vector_load %arg16[%get3A_553, %get3A_554] {strides = array<i32>} : memref<128x32xf32, #tpu.memory_space<vmem>>, vector<1x16xf32>,
            %get3A_556 = vector.shape_cast %get3A_555 : vector<1x16xf32> to vector<16xf32>
            %mul3A_557 = vector.broadcast %squeeze3A_550 : f32 to vector<16xf32>
            %mul3A_558 = arith.mulf %get3A_556, %mul3A_557 : vector<16xf32>
            %add3A_559 = arith.constant 15 : i32
            %add3A_560 = arith.addi %mul3A_72, %add3A_559 : i32
            %swap3A_561 = arith.index_cast %add3A_560 : i32 to index
            %swap3A_562 = arith.constant 0 : index
            %swap3A_563 = tpu.vector_load %arg16[%swap3A_561, %swap3A_562] {strides = array<i32>} : memref<128x32xf32, #tpu.memory_space<vmem>>, vector<1x16xf32>,
            %swap3A_564 = vector.shape_cast %swap3A_563 : vector<1x16xf32> to vector<16xf32>
            %swap3A_565 = vector.shape_cast %mul3A_558 : vector<16xf32> to vector<1x16xf32>
            tpu.vector_store %arg16[%swap3A_561, %swap3A_562], %swap3A_565 {strides = array<i32>} : memref<128x32xf32, #tpu.memory_space<vmem>>, vector<1x16xf32>,
            %add3A_566 = arith.constant 15 : i32
            %add3A_567 = arith.addi %mul3A_72, %add3A_566 : i32
            %get3A_568 = arith.index_cast %add3A_567 : i32 to index
            %get3A_569 = arith.constant 16 : index
            %get3A_570 = tpu.vector_load %arg16[%get3A_568, %get3A_569] {strides = array<i32>} : memref<128x32xf32, #tpu.memory_space<vmem>>, vector<1x16xf32>,
            %get3A_571 = vector.shape_cast %get3A_570 : vector<1x16xf32> to vector<16xf32>
            %mul3A_572 = vector.broadcast %squeeze3A_550 : f32 to vector<16xf32>
            %mul3A_573 = arith.mulf %get3A_571, %mul3A_572 : vector<16xf32>
            %add3A_574 = arith.constant 15 : i32
            %add3A_575 = arith.addi %mul3A_72, %add3A_574 : i32
            %swap3A_576 = arith.index_cast %add3A_575 : i32 to index
            %swap3A_577 = arith.constant 16 : index
            %swap3A_578 = tpu.vector_load %arg16[%swap3A_576, %swap3A_577] {strides = array<i32>} : memref<128x32xf32, #tpu.memory_space<vmem>>, vector<1x16xf32>,
            %swap3A_579 = vector.shape_cast %swap3A_578 : vector<1x16xf32> to vector<16xf32>
            %swap3A_580 = vector.shape_cast %mul3A_573 : vector<16xf32> to vector<1x16xf32>
            tpu.vector_store %arg16[%swap3A_576, %swap3A_577], %swap3A_580 {strides = array<i32>} : memref<128x32xf32, #tpu.memory_space<vmem>>, vector<1x16xf32>,
          }
          %scan3A_64 = arith.constant 8 : i32
          "tpu.region"() ({
            %run_scoped3A = tpu.sem_alloc : memref<!tpu.dma_semaphore, #tpu.memory_space<semaphore_mem>>
            %dma_start3A_65 = arith.constant 0 : i32
            %dma_start3A_66 = tpu.memref_slice %arg14[%scan3A_48, %dma_start3A_65] : memref<25x128xi32, #tpu.memory_space<vmem>> -> memref<1x128xi32, #tpu.memory_space<vmem>>
            %dma_start3A_67 = tpu.memref_squeeze %dma_start3A_66 : memref<1x128xi32, #tpu.memory_space<vmem>> -> memref<128xi32, #tpu.memory_space<vmem>>
            %dma_start3A_68 = arith.constant 0 : i32
            %dma_start3A_69 = arith.constant 0 : i32
            %dma_start3A_70 = tpu.memref_slice %arg13[%dma_start3A_68, %dma_start3A_69] : memref<50176x32xf32, #tpu.memory_space<vmem_shared>> -> memref<50176x32xf32, #tpu.memory_space<vmem_shared>>
            tpu.enqueue_indirect_dma source(%arg16 : memref<128x32xf32, #tpu.memory_space<vmem>>) target(%dma_start3A_70 : memref<50176x32xf32, #tpu.memory_space<vmem_shared>>) offsets(%dma_start3A_67 : memref<128xi32, #tpu.memory_space<vmem>>) semaphore(%run_scoped3A : memref<!tpu.dma_semaphore, #tpu.memory_space<semaphore_mem>>) {add = true}
            %dma_wait3A_71 = arith.constant 0 : i32
            %dma_wait3A_72 = tpu.memref_slice %arg14[%scan3A_48, %dma_wait3A_71] : memref<25x128xi32, #tpu.memory_space<vmem>> -> memref<1x128xi32, #tpu.memory_space<vmem>>
            %dma_wait3A_73 = tpu.memref_squeeze %dma_wait3A_72 : memref<1x128xi32, #tpu.memory_space<vmem>> -> memref<128xi32, #tpu.memory_space<vmem>>
            %dma_wait3A_74 = arith.constant 0 : i32
            %dma_wait3A_75 = arith.constant 0 : i32
            %dma_wait3A_76 = tpu.memref_slice %arg13[%dma_wait3A_74, %dma_wait3A_75] : memref<50176x32xf32, #tpu.memory_space<vmem_shared>> -> memref<50176x32xf32, #tpu.memory_space<vmem_shared>>
            tpu.wait_indirect_dma semaphore(%run_scoped3A : memref<!tpu.dma_semaphore, #tpu.memory_space<semaphore_mem>>) src(%arg16 : memref<128x32xf32, #tpu.memory_space<vmem>>) dst(%dma_wait3A_76 : memref<50176x32xf32, #tpu.memory_space<vmem_shared>>)
            tpu.yield
          }) : () -> ()
        }
        %scan3A_47 = arith.constant 25 : i32
      }
      %scan3A_25 = arith.constant 16 : i32
      %barrier3A_26 = arith.constant 0 : index
      tpu.barrier barrier_id(%barrier3A_26)
      "tpu.region"() ({
        %run_scoped3A = tpu.sem_alloc : memref<!tpu.dma_semaphore, #tpu.memory_space<semaphore_mem>>
        %dma_start3A = arith.constant 0 : i32
        %dma_start3A_41 = tpu.memref_slice %arg11[%mul3A_0, %dma_start3A] : memref<50176x32xf32, #tpu.memory_space<hbm>> -> memref<3136x32xf32, #tpu.memory_space<hbm>>
        %dma_start3A_42 = arith.constant 0 : i32
        %dma_start3A_43 = tpu.memref_slice %arg13[%mul3A_0, %dma_start3A_42] : memref<50176x32xf32, #tpu.memory_space<vmem_shared>> -> memref<3136x32xf32, #tpu.memory_space<vmem_shared>>
        tpu.enqueue_dma source(%dma_start3A_43 : memref<3136x32xf32, #tpu.memory_space<vmem_shared>>) target(%dma_start3A_41 : memref<3136x32xf32, #tpu.memory_space<hbm>>) target_semaphore(%run_scoped3A : memref<!tpu.dma_semaphore, #tpu.memory_space<semaphore_mem>>)
        %dma_wait3A = arith.constant 0 : i32
        %dma_wait3A_44 = tpu.memref_slice %arg11[%mul3A_0, %dma_wait3A] : memref<50176x32xf32, #tpu.memory_space<hbm>> -> memref<3136x32xf32, #tpu.memory_space<hbm>>
        %dma_wait3A_45 = arith.constant 0 : i32
        %dma_wait3A_46 = tpu.memref_slice %arg13[%mul3A_0, %dma_wait3A_45] : memref<50176x32xf32, #tpu.memory_space<vmem_shared>> -> memref<3136x32xf32, #tpu.memory_space<vmem_shared>>
        tpu.wait_dma2 semaphore(%run_scoped3A : memref<!tpu.dma_semaphore, #tpu.memory_space<semaphore_mem>>) src(%dma_wait3A_46 : memref<3136x32xf32, #tpu.memory_space<vmem_shared>>) dst(%dma_wait3A_44 : memref<3136x32xf32, #tpu.memory_space<hbm>>)
        tpu.yield
      }) : () -> ()
      %scan3A_27 = arith.constant 0 : i32
      %scan3A_28 = arith.constant 0 : i32
      %scan3A_29 = arith.constant 28 : i32
      %scan3A_30 = arith.addi %scan3A_28, %scan3A_29 : i32
      %scan3A_31 = arith.constant 1 : i32
      scf.for %scan3A_41 = %scan3A_28 to %scan3A_30 step %scan3A_31  : i32 {
        %mul3A_42 = arith.constant 112 : i32
        %mul3A_43 = arith.muli %scan3A_41, %mul3A_42 : i32
        %add3A = arith.addi %mul3A_0, %mul3A_43 : i32
        "tpu.region"() ({
          %run_scoped3A = tpu.sem_alloc : memref<!tpu.dma_semaphore, #tpu.memory_space<semaphore_mem>>
          %dma_start3A = arith.constant 0 : i32
          %dma_start3A_44 = tpu.memref_slice %arg13[%add3A, %dma_start3A] : memref<50176x32xf32, #tpu.memory_space<vmem_shared>> -> memref<112x32xf32, #tpu.memory_space<vmem_shared>>
          %dma_start3A_45 = arith.constant 0 : i32
          %dma_start3A_46 = tpu.memref_slice %arg13[%add3A, %dma_start3A_45] : memref<50176x32xf32, #tpu.memory_space<vmem_shared>> -> memref<112x32xf32, #tpu.memory_space<vmem_shared>>
          tpu.enqueue_dma source(%arg19 : memref<112x32xf32, #tpu.memory_space<vmem>>) target(%dma_start3A_46 : memref<112x32xf32, #tpu.memory_space<vmem_shared>>) target_semaphore(%run_scoped3A : memref<!tpu.dma_semaphore, #tpu.memory_space<semaphore_mem>>)
          %dma_wait3A = arith.constant 0 : i32
          %dma_wait3A_47 = tpu.memref_slice %arg13[%add3A, %dma_wait3A] : memref<50176x32xf32, #tpu.memory_space<vmem_shared>> -> memref<112x32xf32, #tpu.memory_space<vmem_shared>>
          %dma_wait3A_48 = arith.constant 0 : i32
          %dma_wait3A_49 = tpu.memref_slice %arg13[%add3A, %dma_wait3A_48] : memref<50176x32xf32, #tpu.memory_space<vmem_shared>> -> memref<112x32xf32, #tpu.memory_space<vmem_shared>>
          tpu.wait_dma2 semaphore(%run_scoped3A : memref<!tpu.dma_semaphore, #tpu.memory_space<semaphore_mem>>) src(%arg19 : memref<112x32xf32, #tpu.memory_space<vmem>>) dst(%dma_wait3A_49 : memref<112x32xf32, #tpu.memory_space<vmem_shared>>)
          tpu.yield
        }) : () -> ()
      }
      %scan3A_32 = arith.constant 28 : i32
      %barrier3A_33 = arith.constant 0 : index
      tpu.barrier barrier_id(%barrier3A_33)
      %scan3A_34 = arith.constant 0 : i32
      %scan3A_35 = arith.constant 0 : i32
      %scan3A_36 = arith.constant 16 : i32
      %scan3A_37 = arith.addi %scan3A_35, %scan3A_36 : i32
      %scan3A_38 = arith.constant 1 : i32
      scf.for %scan3A_41 = %scan3A_35 to %scan3A_37 step %scan3A_38  : i32 {
        "tpu.region"() ({
          %run_scoped3A = tpu.sem_alloc : memref<!tpu.dma_semaphore, #tpu.memory_space<semaphore_mem>>
          %dma_start3A = arith.constant 0 : i32
          %dma_start3A_48 = arith.constant 0 : i32
          %dma_start3A_49 = tpu.memref_slice %arg6[%arg1, %scan3A_41, %dma_start3A, %dma_start3A_48] : memref<16x16x25x128xi32, #tpu.memory_space<hbm>> -> memref<1x1x25x128xi32, #tpu.memory_space<hbm>>
          %dma_start3A_50 = tpu.memref_squeeze %dma_start3A_49 : memref<1x1x25x128xi32, #tpu.memory_space<hbm>> -> memref<25x128xi32, #tpu.memory_space<hbm>>
          %dma_start3A_51 = arith.constant 0 : i32
          %dma_start3A_52 = arith.constant 0 : i32
          %dma_start3A_53 = tpu.memref_slice %arg6[%arg1, %scan3A_41, %dma_start3A_51, %dma_start3A_52] : memref<16x16x25x128xi32, #tpu.memory_space<hbm>> -> memref<1x1x25x128xi32, #tpu.memory_space<hbm>>
          %dma_start3A_54 = tpu.memref_squeeze %dma_start3A_53 : memref<1x1x25x128xi32, #tpu.memory_space<hbm>> -> memref<25x128xi32, #tpu.memory_space<hbm>>
          tpu.enqueue_dma source(%dma_start3A_54 : memref<25x128xi32, #tpu.memory_space<hbm>>) target(%arg17 : memref<25x128xi32, #tpu.memory_space<vmem>>) target_semaphore(%run_scoped3A : memref<!tpu.dma_semaphore, #tpu.memory_space<semaphore_mem>>)
          %dma_wait3A = arith.constant 0 : i32
          %dma_wait3A_55 = arith.constant 0 : i32
          %dma_wait3A_56 = tpu.memref_slice %arg6[%arg1, %scan3A_41, %dma_wait3A, %dma_wait3A_55] : memref<16x16x25x128xi32, #tpu.memory_space<hbm>> -> memref<1x1x25x128xi32, #tpu.memory_space<hbm>>
          %dma_wait3A_57 = tpu.memref_squeeze %dma_wait3A_56 : memref<1x1x25x128xi32, #tpu.memory_space<hbm>> -> memref<25x128xi32, #tpu.memory_space<hbm>>
          %dma_wait3A_58 = arith.constant 0 : i32
          %dma_wait3A_59 = arith.constant 0 : i32
          %dma_wait3A_60 = tpu.memref_slice %arg6[%arg1, %scan3A_41, %dma_wait3A_58, %dma_wait3A_59] : memref<16x16x25x128xi32, #tpu.memory_space<hbm>> -> memref<1x1x25x128xi32, #tpu.memory_space<hbm>>
          %dma_wait3A_61 = tpu.memref_squeeze %dma_wait3A_60 : memref<1x1x25x128xi32, #tpu.memory_space<hbm>> -> memref<25x128xi32, #tpu.memory_space<hbm>>
          tpu.wait_dma2 semaphore(%run_scoped3A : memref<!tpu.dma_semaphore, #tpu.memory_space<semaphore_mem>>) src(%dma_wait3A_61 : memref<25x128xi32, #tpu.memory_space<hbm>>) dst(%arg17 : memref<25x128xi32, #tpu.memory_space<vmem>>)
          tpu.yield
        }) : () -> ()
        "tpu.region"() ({
          %run_scoped3A = tpu.sem_alloc : memref<!tpu.dma_semaphore, #tpu.memory_space<semaphore_mem>>
          %dma_start3A = arith.constant 0 : i32
          %dma_start3A_48 = arith.constant 0 : i32
          %dma_start3A_49 = tpu.memref_slice %arg7[%arg1, %scan3A_41, %dma_start3A, %dma_start3A_48] : memref<16x16x25x128xi32, #tpu.memory_space<hbm>> -> memref<1x1x25x128xi32, #tpu.memory_space<hbm>>
          %dma_start3A_50 = tpu.memref_squeeze %dma_start3A_49 : memref<1x1x25x128xi32, #tpu.memory_space<hbm>> -> memref<25x128xi32, #tpu.memory_space<hbm>>
          %dma_start3A_51 = arith.constant 0 : i32
          %dma_start3A_52 = arith.constant 0 : i32
          %dma_start3A_53 = tpu.memref_slice %arg7[%arg1, %scan3A_41, %dma_start3A_51, %dma_start3A_52] : memref<16x16x25x128xi32, #tpu.memory_space<hbm>> -> memref<1x1x25x128xi32, #tpu.memory_space<hbm>>
          %dma_start3A_54 = tpu.memref_squeeze %dma_start3A_53 : memref<1x1x25x128xi32, #tpu.memory_space<hbm>> -> memref<25x128xi32, #tpu.memory_space<hbm>>
          tpu.enqueue_dma source(%dma_start3A_54 : memref<25x128xi32, #tpu.memory_space<hbm>>) target(%arg14 : memref<25x128xi32, #tpu.memory_space<vmem>>) target_semaphore(%run_scoped3A : memref<!tpu.dma_semaphore, #tpu.memory_space<semaphore_mem>>)
          %dma_wait3A = arith.constant 0 : i32
          %dma_wait3A_55 = arith.constant 0 : i32
          %dma_wait3A_56 = tpu.memref_slice %arg7[%arg1, %scan3A_41, %dma_wait3A, %dma_wait3A_55] : memref<16x16x25x128xi32, #tpu.memory_space<hbm>> -> memref<1x1x25x128xi32, #tpu.memory_space<hbm>>
          %dma_wait3A_57 = tpu.memref_squeeze %dma_wait3A_56 : memref<1x1x25x128xi32, #tpu.memory_space<hbm>> -> memref<25x128xi32, #tpu.memory_space<hbm>>
          %dma_wait3A_58 = arith.constant 0 : i32
          %dma_wait3A_59 = arith.constant 0 : i32
          %dma_wait3A_60 = tpu.memref_slice %arg7[%arg1, %scan3A_41, %dma_wait3A_58, %dma_wait3A_59] : memref<16x16x25x128xi32, #tpu.memory_space<hbm>> -> memref<1x1x25x128xi32, #tpu.memory_space<hbm>>
          %dma_wait3A_61 = tpu.memref_squeeze %dma_wait3A_60 : memref<1x1x25x128xi32, #tpu.memory_space<hbm>> -> memref<25x128xi32, #tpu.memory_space<hbm>>
          tpu.wait_dma2 semaphore(%run_scoped3A : memref<!tpu.dma_semaphore, #tpu.memory_space<semaphore_mem>>) src(%dma_wait3A_61 : memref<25x128xi32, #tpu.memory_space<hbm>>) dst(%arg14 : memref<25x128xi32, #tpu.memory_space<vmem>>)
          tpu.yield
        }) : () -> ()
        "tpu.region"() ({
          %run_scoped3A = tpu.sem_alloc : memref<!tpu.dma_semaphore, #tpu.memory_space<semaphore_mem>>
          %dma_start3A = arith.constant 0 : i32
          %dma_start3A_48 = arith.constant 0 : i32
          %dma_start3A_49 = tpu.memref_slice %arg8[%arg1, %scan3A_41, %dma_start3A, %dma_start3A_48] : memref<16x16x25x128xf32, #tpu.memory_space<hbm>> -> memref<1x1x25x128xf32, #tpu.memory_space<hbm>>
          %dma_start3A_50 = tpu.memref_squeeze %dma_start3A_49 : memref<1x1x25x128xf32, #tpu.memory_space<hbm>> -> memref<25x128xf32, #tpu.memory_space<hbm>>
          %dma_start3A_51 = arith.constant 0 : i32
          %dma_start3A_52 = arith.constant 0 : i32
          %dma_start3A_53 = tpu.memref_slice %arg8[%arg1, %scan3A_41, %dma_start3A_51, %dma_start3A_52] : memref<16x16x25x128xf32, #tpu.memory_space<hbm>> -> memref<1x1x25x128xf32, #tpu.memory_space<hbm>>
          %dma_start3A_54 = tpu.memref_squeeze %dma_start3A_53 : memref<1x1x25x128xf32, #tpu.memory_space<hbm>> -> memref<25x128xf32, #tpu.memory_space<hbm>>
          tpu.enqueue_dma source(%dma_start3A_54 : memref<25x128xf32, #tpu.memory_space<hbm>>) target(%arg18 : memref<25x128xf32, #tpu.memory_space<vmem>>) target_semaphore(%run_scoped3A : memref<!tpu.dma_semaphore, #tpu.memory_space<semaphore_mem>>)
          %dma_wait3A = arith.constant 0 : i32
          %dma_wait3A_55 = arith.constant 0 : i32
          %dma_wait3A_56 = tpu.memref_slice %arg8[%arg1, %scan3A_41, %dma_wait3A, %dma_wait3A_55] : memref<16x16x25x128xf32, #tpu.memory_space<hbm>> -> memref<1x1x25x128xf32, #tpu.memory_space<hbm>>
          %dma_wait3A_57 = tpu.memref_squeeze %dma_wait3A_56 : memref<1x1x25x128xf32, #tpu.memory_space<hbm>> -> memref<25x128xf32, #tpu.memory_space<hbm>>
          %dma_wait3A_58 = arith.constant 0 : i32
          %dma_wait3A_59 = arith.constant 0 : i32
          %dma_wait3A_60 = tpu.memref_slice %arg8[%arg1, %scan3A_41, %dma_wait3A_58, %dma_wait3A_59] : memref<16x16x25x128xf32, #tpu.memory_space<hbm>> -> memref<1x1x25x128xf32, #tpu.memory_space<hbm>>
          %dma_wait3A_61 = tpu.memref_squeeze %dma_wait3A_60 : memref<1x1x25x128xf32, #tpu.memory_space<hbm>> -> memref<25x128xf32, #tpu.memory_space<hbm>>
          tpu.wait_dma2 semaphore(%run_scoped3A : memref<!tpu.dma_semaphore, #tpu.memory_space<semaphore_mem>>) src(%dma_wait3A_61 : memref<25x128xf32, #tpu.memory_space<hbm>>) dst(%arg18 : memref<25x128xf32, #tpu.memory_space<vmem>>)
          tpu.yield
        }) : () -> ()
        %scan3A_42 = arith.constant 0 : i32
        %scan3A_43 = arith.constant 0 : i32
        %scan3A_44 = arith.constant 25 : i32
        %scan3A_45 = arith.addi %scan3A_43, %scan3A_44 : i32
        %scan3A_46 = arith.constant 1 : i32
        scf.for %scan3A_48 = %scan3A_43 to %scan3A_45 step %scan3A_46  : i32 {
          %dma_start3A = arith.constant 0 : i32
          %dma_start3A_49 = tpu.memref_slice %arg17[%scan3A_48, %dma_start3A] : memref<25x128xi32, #tpu.memory_space<vmem>> -> memref<1x128xi32, #tpu.memory_space<vmem>>
          %dma_start3A_50 = tpu.memref_squeeze %dma_start3A_49 : memref<1x128xi32, #tpu.memory_space<vmem>> -> memref<128xi32, #tpu.memory_space<vmem>>
          %dma_start3A_51 = arith.constant 0 : i32
          %dma_start3A_52 = arith.constant 0 : i32
          %dma_start3A_53 = tpu.memref_slice %arg11[%dma_start3A_51, %dma_start3A_52] : memref<50176x32xf32, #tpu.memory_space<hbm>> -> memref<50176x32xf32, #tpu.memory_space<hbm>>
          tpu.enqueue_indirect_dma source(%dma_start3A_53 : memref<50176x32xf32, #tpu.memory_space<hbm>>) target(%arg16 : memref<128x32xf32, #tpu.memory_space<vmem>>) offsets(%dma_start3A_50 : memref<128xi32, #tpu.memory_space<vmem>>) semaphore(%arg15 : memref<!tpu.dma_semaphore, #tpu.memory_space<semaphore_mem>>)
          %dma_wait3A = arith.constant 0 : i32
          %dma_wait3A_54 = tpu.memref_slice %arg17[%scan3A_48, %dma_wait3A] : memref<25x128xi32, #tpu.memory_space<vmem>> -> memref<1x128xi32, #tpu.memory_space<vmem>>
          %dma_wait3A_55 = tpu.memref_squeeze %dma_wait3A_54 : memref<1x128xi32, #tpu.memory_space<vmem>> -> memref<128xi32, #tpu.memory_space<vmem>>
          %dma_wait3A_56 = arith.constant 0 : i32
          %dma_wait3A_57 = arith.constant 0 : i32
          %dma_wait3A_58 = tpu.memref_slice %arg11[%dma_wait3A_56, %dma_wait3A_57] : memref<50176x32xf32, #tpu.memory_space<hbm>> -> memref<50176x32xf32, #tpu.memory_space<hbm>>
          tpu.wait_indirect_dma semaphore(%arg15 : memref<!tpu.dma_semaphore, #tpu.memory_space<semaphore_mem>>) src(%dma_wait3A_58 : memref<50176x32xf32, #tpu.memory_space<hbm>>) dst(%arg16 : memref<128x32xf32, #tpu.memory_space<vmem>>)
          %scan3A_59 = arith.constant 0 : i32
          %scan3A_60 = arith.constant 0 : i32
          %scan3A_61 = arith.constant 8 : i32
          %scan3A_62 = arith.addi %scan3A_60, %scan3A_61 : i32
          %scan3A_63 = arith.constant 1 : i32
          scf.for %scan3A_65 = %scan3A_60 to %scan3A_62 step %scan3A_63  : i32 {
            %mul3A_66 = arith.constant 16 : i32
            %mul3A_67 = arith.muli %scan3A_65, %mul3A_66 : i32
            %get3A = arith.index_cast %scan3A_48 : i32 to index
            %get3A_68 = arith.index_cast %mul3A_67 : i32 to index
            %get3A_69 = tpu.vector_load %arg18[%get3A, %get3A_68] {strides = array<i32>} : memref<25x128xf32, #tpu.memory_space<vmem>>, vector<1x16xf32>,
            %get3A_70 = vector.shape_cast %get3A_69 : vector<1x16xf32> to vector<16xf32>
            %mul3A_71 = arith.constant 16 : i32
            %mul3A_72 = arith.muli %scan3A_65, %mul3A_71 : i32
            %slice3A = vector.extract_strided_slice %get3A_70 {offsets = [0], sizes = [1], strides = [1]} : vector<16xf32> to vector<1xf32>
            %squeeze3A = vector.extract %slice3A[0] : f32 from vector<1xf32>
            %add3A = arith.constant 0 : i32
            %add3A_73 = arith.addi %mul3A_72, %add3A : i32
            %get3A_74 = arith.index_cast %add3A_73 : i32 to index
            %get3A_75 = arith.constant 0 : index
            %get3A_76 = tpu.vector_load %arg16[%get3A_74, %get3A_75] {strides = array<i32>} : memref<128x32xf32, #tpu.memory_space<vmem>>, vector<1x16xf32>,
            %get3A_77 = vector.shape_cast %get3A_76 : vector<1x16xf32> to vector<16xf32>
            %mul3A_78 = vector.broadcast %squeeze3A : f32 to vector<16xf32>
            %mul3A_79 = arith.mulf %get3A_77, %mul3A_78 : vector<16xf32>
            %add3A_80 = arith.constant 0 : i32
            %add3A_81 = arith.addi %mul3A_72, %add3A_80 : i32
            %swap3A = arith.index_cast %add3A_81 : i32 to index
            %swap3A_82 = arith.constant 0 : index
            %swap3A_83 = tpu.vector_load %arg16[%swap3A, %swap3A_82] {strides = array<i32>} : memref<128x32xf32, #tpu.memory_space<vmem>>, vector<1x16xf32>,
            %swap3A_84 = vector.shape_cast %swap3A_83 : vector<1x16xf32> to vector<16xf32>
            %swap3A_85 = vector.shape_cast %mul3A_79 : vector<16xf32> to vector<1x16xf32>
            tpu.vector_store %arg16[%swap3A, %swap3A_82], %swap3A_85 {strides = array<i32>} : memref<128x32xf32, #tpu.memory_space<vmem>>, vector<1x16xf32>,
            %add3A_86 = arith.constant 0 : i32
            %add3A_87 = arith.addi %mul3A_72, %add3A_86 : i32
            %get3A_88 = arith.index_cast %add3A_87 : i32 to index
            %get3A_89 = arith.constant 16 : index
            %get3A_90 = tpu.vector_load %arg16[%get3A_88, %get3A_89] {strides = array<i32>} : memref<128x32xf32, #tpu.memory_space<vmem>>, vector<1x16xf32>,
            %get3A_91 = vector.shape_cast %get3A_90 : vector<1x16xf32> to vector<16xf32>
            %mul3A_92 = vector.broadcast %squeeze3A : f32 to vector<16xf32>
            %mul3A_93 = arith.mulf %get3A_91, %mul3A_92 : vector<16xf32>
            %add3A_94 = arith.constant 0 : i32
            %add3A_95 = arith.addi %mul3A_72, %add3A_94 : i32
            %swap3A_96 = arith.index_cast %add3A_95 : i32 to index
            %swap3A_97 = arith.constant 16 : index
            %swap3A_98 = tpu.vector_load %arg16[%swap3A_96, %swap3A_97] {strides = array<i32>} : memref<128x32xf32, #tpu.memory_space<vmem>>, vector<1x16xf32>,
            %swap3A_99 = vector.shape_cast %swap3A_98 : vector<1x16xf32> to vector<16xf32>
            %swap3A_100 = vector.shape_cast %mul3A_93 : vector<16xf32> to vector<1x16xf32>
            tpu.vector_store %arg16[%swap3A_96, %swap3A_97], %swap3A_100 {strides = array<i32>} : memref<128x32xf32, #tpu.memory_space<vmem>>, vector<1x16xf32>,
            %slice3A_101 = vector.extract_strided_slice %get3A_70 {offsets = [1], sizes = [1], strides = [1]} : vector<16xf32> to vector<1xf32>
            %squeeze3A_102 = vector.extract %slice3A_101[0] : f32 from vector<1xf32>
            %add3A_103 = arith.constant 1 : i32
            %add3A_104 = arith.addi %mul3A_72, %add3A_103 : i32
            %get3A_105 = arith.index_cast %add3A_104 : i32 to index
            %get3A_106 = arith.constant 0 : index
            %get3A_107 = tpu.vector_load %arg16[%get3A_105, %get3A_106] {strides = array<i32>} : memref<128x32xf32, #tpu.memory_space<vmem>>, vector<1x16xf32>,
            %get3A_108 = vector.shape_cast %get3A_107 : vector<1x16xf32> to vector<16xf32>
            %mul3A_109 = vector.broadcast %squeeze3A_102 : f32 to vector<16xf32>
            %mul3A_110 = arith.mulf %get3A_108, %mul3A_109 : vector<16xf32>
            %add3A_111 = arith.constant 1 : i32
            %add3A_112 = arith.addi %mul3A_72, %add3A_111 : i32
            %swap3A_113 = arith.index_cast %add3A_112 : i32 to index
            %swap3A_114 = arith.constant 0 : index
            %swap3A_115 = tpu.vector_load %arg16[%swap3A_113, %swap3A_114] {strides = array<i32>} : memref<128x32xf32, #tpu.memory_space<vmem>>, vector<1x16xf32>,
            %swap3A_116 = vector.shape_cast %swap3A_115 : vector<1x16xf32> to vector<16xf32>
            %swap3A_117 = vector.shape_cast %mul3A_110 : vector<16xf32> to vector<1x16xf32>
            tpu.vector_store %arg16[%swap3A_113, %swap3A_114], %swap3A_117 {strides = array<i32>} : memref<128x32xf32, #tpu.memory_space<vmem>>, vector<1x16xf32>,
            %add3A_118 = arith.constant 1 : i32
            %add3A_119 = arith.addi %mul3A_72, %add3A_118 : i32
            %get3A_120 = arith.index_cast %add3A_119 : i32 to index
            %get3A_121 = arith.constant 16 : index
            %get3A_122 = tpu.vector_load %arg16[%get3A_120, %get3A_121] {strides = array<i32>} : memref<128x32xf32, #tpu.memory_space<vmem>>, vector<1x16xf32>,
            %get3A_123 = vector.shape_cast %get3A_122 : vector<1x16xf32> to vector<16xf32>
            %mul3A_124 = vector.broadcast %squeeze3A_102 : f32 to vector<16xf32>
            %mul3A_125 = arith.mulf %get3A_123, %mul3A_124 : vector<16xf32>
            %add3A_126 = arith.constant 1 : i32
            %add3A_127 = arith.addi %mul3A_72, %add3A_126 : i32
            %swap3A_128 = arith.index_cast %add3A_127 : i32 to index
            %swap3A_129 = arith.constant 16 : index
            %swap3A_130 = tpu.vector_load %arg16[%swap3A_128, %swap3A_129] {strides = array<i32>} : memref<128x32xf32, #tpu.memory_space<vmem>>, vector<1x16xf32>,
            %swap3A_131 = vector.shape_cast %swap3A_130 : vector<1x16xf32> to vector<16xf32>
            %swap3A_132 = vector.shape_cast %mul3A_125 : vector<16xf32> to vector<1x16xf32>
            tpu.vector_store %arg16[%swap3A_128, %swap3A_129], %swap3A_132 {strides = array<i32>} : memref<128x32xf32, #tpu.memory_space<vmem>>, vector<1x16xf32>,
            %slice3A_133 = vector.extract_strided_slice %get3A_70 {offsets = [2], sizes = [1], strides = [1]} : vector<16xf32> to vector<1xf32>
            %squeeze3A_134 = vector.extract %slice3A_133[0] : f32 from vector<1xf32>
            %add3A_135 = arith.constant 2 : i32
            %add3A_136 = arith.addi %mul3A_72, %add3A_135 : i32
            %get3A_137 = arith.index_cast %add3A_136 : i32 to index
            %get3A_138 = arith.constant 0 : index
            %get3A_139 = tpu.vector_load %arg16[%get3A_137, %get3A_138] {strides = array<i32>} : memref<128x32xf32, #tpu.memory_space<vmem>>, vector<1x16xf32>,
            %get3A_140 = vector.shape_cast %get3A_139 : vector<1x16xf32> to vector<16xf32>
            %mul3A_141 = vector.broadcast %squeeze3A_134 : f32 to vector<16xf32>
            %mul3A_142 = arith.mulf %get3A_140, %mul3A_141 : vector<16xf32>
            %add3A_143 = arith.constant 2 : i32
            %add3A_144 = arith.addi %mul3A_72, %add3A_143 : i32
            %swap3A_145 = arith.index_cast %add3A_144 : i32 to index
            %swap3A_146 = arith.constant 0 : index
            %swap3A_147 = tpu.vector_load %arg16[%swap3A_145, %swap3A_146] {strides = array<i32>} : memref<128x32xf32, #tpu.memory_space<vmem>>, vector<1x16xf32>,
            %swap3A_148 = vector.shape_cast %swap3A_147 : vector<1x16xf32> to vector<16xf32>
            %swap3A_149 = vector.shape_cast %mul3A_142 : vector<16xf32> to vector<1x16xf32>
            tpu.vector_store %arg16[%swap3A_145, %swap3A_146], %swap3A_149 {strides = array<i32>} : memref<128x32xf32, #tpu.memory_space<vmem>>, vector<1x16xf32>,
            %add3A_150 = arith.constant 2 : i32
            %add3A_151 = arith.addi %mul3A_72, %add3A_150 : i32
            %get3A_152 = arith.index_cast %add3A_151 : i32 to index
            %get3A_153 = arith.constant 16 : index
            %get3A_154 = tpu.vector_load %arg16[%get3A_152, %get3A_153] {strides = array<i32>} : memref<128x32xf32, #tpu.memory_space<vmem>>, vector<1x16xf32>,
            %get3A_155 = vector.shape_cast %get3A_154 : vector<1x16xf32> to vector<16xf32>
            %mul3A_156 = vector.broadcast %squeeze3A_134 : f32 to vector<16xf32>
            %mul3A_157 = arith.mulf %get3A_155, %mul3A_156 : vector<16xf32>
            %add3A_158 = arith.constant 2 : i32
            %add3A_159 = arith.addi %mul3A_72, %add3A_158 : i32
            %swap3A_160 = arith.index_cast %add3A_159 : i32 to index
            %swap3A_161 = arith.constant 16 : index
            %swap3A_162 = tpu.vector_load %arg16[%swap3A_160, %swap3A_161] {strides = array<i32>} : memref<128x32xf32, #tpu.memory_space<vmem>>, vector<1x16xf32>,
            %swap3A_163 = vector.shape_cast %swap3A_162 : vector<1x16xf32> to vector<16xf32>
            %swap3A_164 = vector.shape_cast %mul3A_157 : vector<16xf32> to vector<1x16xf32>
            tpu.vector_store %arg16[%swap3A_160, %swap3A_161], %swap3A_164 {strides = array<i32>} : memref<128x32xf32, #tpu.memory_space<vmem>>, vector<1x16xf32>,
            %slice3A_165 = vector.extract_strided_slice %get3A_70 {offsets = [3], sizes = [1], strides = [1]} : vector<16xf32> to vector<1xf32>
            %squeeze3A_166 = vector.extract %slice3A_165[0] : f32 from vector<1xf32>
            %add3A_167 = arith.constant 3 : i32
            %add3A_168 = arith.addi %mul3A_72, %add3A_167 : i32
            %get3A_169 = arith.index_cast %add3A_168 : i32 to index
            %get3A_170 = arith.constant 0 : index
            %get3A_171 = tpu.vector_load %arg16[%get3A_169, %get3A_170] {strides = array<i32>} : memref<128x32xf32, #tpu.memory_space<vmem>>, vector<1x16xf32>,
            %get3A_172 = vector.shape_cast %get3A_171 : vector<1x16xf32> to vector<16xf32>
            %mul3A_173 = vector.broadcast %squeeze3A_166 : f32 to vector<16xf32>
            %mul3A_174 = arith.mulf %get3A_172, %mul3A_173 : vector<16xf32>
            %add3A_175 = arith.constant 3 : i32
            %add3A_176 = arith.addi %mul3A_72, %add3A_175 : i32
            %swap3A_177 = arith.index_cast %add3A_176 : i32 to index
            %swap3A_178 = arith.constant 0 : index
            %swap3A_179 = tpu.vector_load %arg16[%swap3A_177, %swap3A_178] {strides = array<i32>} : memref<128x32xf32, #tpu.memory_space<vmem>>, vector<1x16xf32>,
            %swap3A_180 = vector.shape_cast %swap3A_179 : vector<1x16xf32> to vector<16xf32>
            %swap3A_181 = vector.shape_cast %mul3A_174 : vector<16xf32> to vector<1x16xf32>
            tpu.vector_store %arg16[%swap3A_177, %swap3A_178], %swap3A_181 {strides = array<i32>} : memref<128x32xf32, #tpu.memory_space<vmem>>, vector<1x16xf32>,
            %add3A_182 = arith.constant 3 : i32
            %add3A_183 = arith.addi %mul3A_72, %add3A_182 : i32
            %get3A_184 = arith.index_cast %add3A_183 : i32 to index
            %get3A_185 = arith.constant 16 : index
            %get3A_186 = tpu.vector_load %arg16[%get3A_184, %get3A_185] {strides = array<i32>} : memref<128x32xf32, #tpu.memory_space<vmem>>, vector<1x16xf32>,
            %get3A_187 = vector.shape_cast %get3A_186 : vector<1x16xf32> to vector<16xf32>
            %mul3A_188 = vector.broadcast %squeeze3A_166 : f32 to vector<16xf32>
            %mul3A_189 = arith.mulf %get3A_187, %mul3A_188 : vector<16xf32>
            %add3A_190 = arith.constant 3 : i32
            %add3A_191 = arith.addi %mul3A_72, %add3A_190 : i32
            %swap3A_192 = arith.index_cast %add3A_191 : i32 to index
            %swap3A_193 = arith.constant 16 : index
            %swap3A_194 = tpu.vector_load %arg16[%swap3A_192, %swap3A_193] {strides = array<i32>} : memref<128x32xf32, #tpu.memory_space<vmem>>, vector<1x16xf32>,
            %swap3A_195 = vector.shape_cast %swap3A_194 : vector<1x16xf32> to vector<16xf32>
            %swap3A_196 = vector.shape_cast %mul3A_189 : vector<16xf32> to vector<1x16xf32>
            tpu.vector_store %arg16[%swap3A_192, %swap3A_193], %swap3A_196 {strides = array<i32>} : memref<128x32xf32, #tpu.memory_space<vmem>>, vector<1x16xf32>,
            %slice3A_197 = vector.extract_strided_slice %get3A_70 {offsets = [4], sizes = [1], strides = [1]} : vector<16xf32> to vector<1xf32>
            %squeeze3A_198 = vector.extract %slice3A_197[0] : f32 from vector<1xf32>
            %add3A_199 = arith.constant 4 : i32
            %add3A_200 = arith.addi %mul3A_72, %add3A_199 : i32
            %get3A_201 = arith.index_cast %add3A_200 : i32 to index
            %get3A_202 = arith.constant 0 : index
            %get3A_203 = tpu.vector_load %arg16[%get3A_201, %get3A_202] {strides = array<i32>} : memref<128x32xf32, #tpu.memory_space<vmem>>, vector<1x16xf32>,
            %get3A_204 = vector.shape_cast %get3A_203 : vector<1x16xf32> to vector<16xf32>
            %mul3A_205 = vector.broadcast %squeeze3A_198 : f32 to vector<16xf32>
            %mul3A_206 = arith.mulf %get3A_204, %mul3A_205 : vector<16xf32>
            %add3A_207 = arith.constant 4 : i32
            %add3A_208 = arith.addi %mul3A_72, %add3A_207 : i32
            %swap3A_209 = arith.index_cast %add3A_208 : i32 to index
            %swap3A_210 = arith.constant 0 : index
            %swap3A_211 = tpu.vector_load %arg16[%swap3A_209, %swap3A_210] {strides = array<i32>} : memref<128x32xf32, #tpu.memory_space<vmem>>, vector<1x16xf32>,
            %swap3A_212 = vector.shape_cast %swap3A_211 : vector<1x16xf32> to vector<16xf32>
            %swap3A_213 = vector.shape_cast %mul3A_206 : vector<16xf32> to vector<1x16xf32>
            tpu.vector_store %arg16[%swap3A_209, %swap3A_210], %swap3A_213 {strides = array<i32>} : memref<128x32xf32, #tpu.memory_space<vmem>>, vector<1x16xf32>,
            %add3A_214 = arith.constant 4 : i32
            %add3A_215 = arith.addi %mul3A_72, %add3A_214 : i32
            %get3A_216 = arith.index_cast %add3A_215 : i32 to index
            %get3A_217 = arith.constant 16 : index
            %get3A_218 = tpu.vector_load %arg16[%get3A_216, %get3A_217] {strides = array<i32>} : memref<128x32xf32, #tpu.memory_space<vmem>>, vector<1x16xf32>,
            %get3A_219 = vector.shape_cast %get3A_218 : vector<1x16xf32> to vector<16xf32>
            %mul3A_220 = vector.broadcast %squeeze3A_198 : f32 to vector<16xf32>
            %mul3A_221 = arith.mulf %get3A_219, %mul3A_220 : vector<16xf32>
            %add3A_222 = arith.constant 4 : i32
            %add3A_223 = arith.addi %mul3A_72, %add3A_222 : i32
            %swap3A_224 = arith.index_cast %add3A_223 : i32 to index
            %swap3A_225 = arith.constant 16 : index
            %swap3A_226 = tpu.vector_load %arg16[%swap3A_224, %swap3A_225] {strides = array<i32>} : memref<128x32xf32, #tpu.memory_space<vmem>>, vector<1x16xf32>,
            %swap3A_227 = vector.shape_cast %swap3A_226 : vector<1x16xf32> to vector<16xf32>
            %swap3A_228 = vector.shape_cast %mul3A_221 : vector<16xf32> to vector<1x16xf32>
            tpu.vector_store %arg16[%swap3A_224, %swap3A_225], %swap3A_228 {strides = array<i32>} : memref<128x32xf32, #tpu.memory_space<vmem>>, vector<1x16xf32>,
            %slice3A_229 = vector.extract_strided_slice %get3A_70 {offsets = [5], sizes = [1], strides = [1]} : vector<16xf32> to vector<1xf32>
            %squeeze3A_230 = vector.extract %slice3A_229[0] : f32 from vector<1xf32>
            %add3A_231 = arith.constant 5 : i32
            %add3A_232 = arith.addi %mul3A_72, %add3A_231 : i32
            %get3A_233 = arith.index_cast %add3A_232 : i32 to index
            %get3A_234 = arith.constant 0 : index
            %get3A_235 = tpu.vector_load %arg16[%get3A_233, %get3A_234] {strides = array<i32>} : memref<128x32xf32, #tpu.memory_space<vmem>>, vector<1x16xf32>,
            %get3A_236 = vector.shape_cast %get3A_235 : vector<1x16xf32> to vector<16xf32>
            %mul3A_237 = vector.broadcast %squeeze3A_230 : f32 to vector<16xf32>
            %mul3A_238 = arith.mulf %get3A_236, %mul3A_237 : vector<16xf32>
            %add3A_239 = arith.constant 5 : i32
            %add3A_240 = arith.addi %mul3A_72, %add3A_239 : i32
            %swap3A_241 = arith.index_cast %add3A_240 : i32 to index
            %swap3A_242 = arith.constant 0 : index
            %swap3A_243 = tpu.vector_load %arg16[%swap3A_241, %swap3A_242] {strides = array<i32>} : memref<128x32xf32, #tpu.memory_space<vmem>>, vector<1x16xf32>,
            %swap3A_244 = vector.shape_cast %swap3A_243 : vector<1x16xf32> to vector<16xf32>
            %swap3A_245 = vector.shape_cast %mul3A_238 : vector<16xf32> to vector<1x16xf32>
            tpu.vector_store %arg16[%swap3A_241, %swap3A_242], %swap3A_245 {strides = array<i32>} : memref<128x32xf32, #tpu.memory_space<vmem>>, vector<1x16xf32>,
            %add3A_246 = arith.constant 5 : i32
            %add3A_247 = arith.addi %mul3A_72, %add3A_246 : i32
            %get3A_248 = arith.index_cast %add3A_247 : i32 to index
            %get3A_249 = arith.constant 16 : index
            %get3A_250 = tpu.vector_load %arg16[%get3A_248, %get3A_249] {strides = array<i32>} : memref<128x32xf32, #tpu.memory_space<vmem>>, vector<1x16xf32>,
            %get3A_251 = vector.shape_cast %get3A_250 : vector<1x16xf32> to vector<16xf32>
            %mul3A_252 = vector.broadcast %squeeze3A_230 : f32 to vector<16xf32>
            %mul3A_253 = arith.mulf %get3A_251, %mul3A_252 : vector<16xf32>
            %add3A_254 = arith.constant 5 : i32
            %add3A_255 = arith.addi %mul3A_72, %add3A_254 : i32
            %swap3A_256 = arith.index_cast %add3A_255 : i32 to index
            %swap3A_257 = arith.constant 16 : index
            %swap3A_258 = tpu.vector_load %arg16[%swap3A_256, %swap3A_257] {strides = array<i32>} : memref<128x32xf32, #tpu.memory_space<vmem>>, vector<1x16xf32>,
            %swap3A_259 = vector.shape_cast %swap3A_258 : vector<1x16xf32> to vector<16xf32>
            %swap3A_260 = vector.shape_cast %mul3A_253 : vector<16xf32> to vector<1x16xf32>
            tpu.vector_store %arg16[%swap3A_256, %swap3A_257], %swap3A_260 {strides = array<i32>} : memref<128x32xf32, #tpu.memory_space<vmem>>, vector<1x16xf32>,
            %slice3A_261 = vector.extract_strided_slice %get3A_70 {offsets = [6], sizes = [1], strides = [1]} : vector<16xf32> to vector<1xf32>
            %squeeze3A_262 = vector.extract %slice3A_261[0] : f32 from vector<1xf32>
            %add3A_263 = arith.constant 6 : i32
            %add3A_264 = arith.addi %mul3A_72, %add3A_263 : i32
            %get3A_265 = arith.index_cast %add3A_264 : i32 to index
            %get3A_266 = arith.constant 0 : index
            %get3A_267 = tpu.vector_load %arg16[%get3A_265, %get3A_266] {strides = array<i32>} : memref<128x32xf32, #tpu.memory_space<vmem>>, vector<1x16xf32>,
            %get3A_268 = vector.shape_cast %get3A_267 : vector<1x16xf32> to vector<16xf32>
            %mul3A_269 = vector.broadcast %squeeze3A_262 : f32 to vector<16xf32>
            %mul3A_270 = arith.mulf %get3A_268, %mul3A_269 : vector<16xf32>
            %add3A_271 = arith.constant 6 : i32
            %add3A_272 = arith.addi %mul3A_72, %add3A_271 : i32
            %swap3A_273 = arith.index_cast %add3A_272 : i32 to index
            %swap3A_274 = arith.constant 0 : index
            %swap3A_275 = tpu.vector_load %arg16[%swap3A_273, %swap3A_274] {strides = array<i32>} : memref<128x32xf32, #tpu.memory_space<vmem>>, vector<1x16xf32>,
            %swap3A_276 = vector.shape_cast %swap3A_275 : vector<1x16xf32> to vector<16xf32>
            %swap3A_277 = vector.shape_cast %mul3A_270 : vector<16xf32> to vector<1x16xf32>
            tpu.vector_store %arg16[%swap3A_273, %swap3A_274], %swap3A_277 {strides = array<i32>} : memref<128x32xf32, #tpu.memory_space<vmem>>, vector<1x16xf32>,
            %add3A_278 = arith.constant 6 : i32
            %add3A_279 = arith.addi %mul3A_72, %add3A_278 : i32
            %get3A_280 = arith.index_cast %add3A_279 : i32 to index
            %get3A_281 = arith.constant 16 : index
            %get3A_282 = tpu.vector_load %arg16[%get3A_280, %get3A_281] {strides = array<i32>} : memref<128x32xf32, #tpu.memory_space<vmem>>, vector<1x16xf32>,
            %get3A_283 = vector.shape_cast %get3A_282 : vector<1x16xf32> to vector<16xf32>
            %mul3A_284 = vector.broadcast %squeeze3A_262 : f32 to vector<16xf32>
            %mul3A_285 = arith.mulf %get3A_283, %mul3A_284 : vector<16xf32>
            %add3A_286 = arith.constant 6 : i32
            %add3A_287 = arith.addi %mul3A_72, %add3A_286 : i32
            %swap3A_288 = arith.index_cast %add3A_287 : i32 to index
            %swap3A_289 = arith.constant 16 : index
            %swap3A_290 = tpu.vector_load %arg16[%swap3A_288, %swap3A_289] {strides = array<i32>} : memref<128x32xf32, #tpu.memory_space<vmem>>, vector<1x16xf32>,
            %swap3A_291 = vector.shape_cast %swap3A_290 : vector<1x16xf32> to vector<16xf32>
            %swap3A_292 = vector.shape_cast %mul3A_285 : vector<16xf32> to vector<1x16xf32>
            tpu.vector_store %arg16[%swap3A_288, %swap3A_289], %swap3A_292 {strides = array<i32>} : memref<128x32xf32, #tpu.memory_space<vmem>>, vector<1x16xf32>,
            %slice3A_293 = vector.extract_strided_slice %get3A_70 {offsets = [7], sizes = [1], strides = [1]} : vector<16xf32> to vector<1xf32>
            %squeeze3A_294 = vector.extract %slice3A_293[0] : f32 from vector<1xf32>
            %add3A_295 = arith.constant 7 : i32
            %add3A_296 = arith.addi %mul3A_72, %add3A_295 : i32
            %get3A_297 = arith.index_cast %add3A_296 : i32 to index
            %get3A_298 = arith.constant 0 : index
            %get3A_299 = tpu.vector_load %arg16[%get3A_297, %get3A_298] {strides = array<i32>} : memref<128x32xf32, #tpu.memory_space<vmem>>, vector<1x16xf32>,
            %get3A_300 = vector.shape_cast %get3A_299 : vector<1x16xf32> to vector<16xf32>
            %mul3A_301 = vector.broadcast %squeeze3A_294 : f32 to vector<16xf32>
            %mul3A_302 = arith.mulf %get3A_300, %mul3A_301 : vector<16xf32>
            %add3A_303 = arith.constant 7 : i32
            %add3A_304 = arith.addi %mul3A_72, %add3A_303 : i32
            %swap3A_305 = arith.index_cast %add3A_304 : i32 to index
            %swap3A_306 = arith.constant 0 : index
            %swap3A_307 = tpu.vector_load %arg16[%swap3A_305, %swap3A_306] {strides = array<i32>} : memref<128x32xf32, #tpu.memory_space<vmem>>, vector<1x16xf32>,
            %swap3A_308 = vector.shape_cast %swap3A_307 : vector<1x16xf32> to vector<16xf32>
            %swap3A_309 = vector.shape_cast %mul3A_302 : vector<16xf32> to vector<1x16xf32>
            tpu.vector_store %arg16[%swap3A_305, %swap3A_306], %swap3A_309 {strides = array<i32>} : memref<128x32xf32, #tpu.memory_space<vmem>>, vector<1x16xf32>,
            %add3A_310 = arith.constant 7 : i32
            %add3A_311 = arith.addi %mul3A_72, %add3A_310 : i32
            %get3A_312 = arith.index_cast %add3A_311 : i32 to index
            %get3A_313 = arith.constant 16 : index
            %get3A_314 = tpu.vector_load %arg16[%get3A_312, %get3A_313] {strides = array<i32>} : memref<128x32xf32, #tpu.memory_space<vmem>>, vector<1x16xf32>,
            %get3A_315 = vector.shape_cast %get3A_314 : vector<1x16xf32> to vector<16xf32>
            %mul3A_316 = vector.broadcast %squeeze3A_294 : f32 to vector<16xf32>
            %mul3A_317 = arith.mulf %get3A_315, %mul3A_316 : vector<16xf32>
            %add3A_318 = arith.constant 7 : i32
            %add3A_319 = arith.addi %mul3A_72, %add3A_318 : i32
            %swap3A_320 = arith.index_cast %add3A_319 : i32 to index
            %swap3A_321 = arith.constant 16 : index
            %swap3A_322 = tpu.vector_load %arg16[%swap3A_320, %swap3A_321] {strides = array<i32>} : memref<128x32xf32, #tpu.memory_space<vmem>>, vector<1x16xf32>,
            %swap3A_323 = vector.shape_cast %swap3A_322 : vector<1x16xf32> to vector<16xf32>
            %swap3A_324 = vector.shape_cast %mul3A_317 : vector<16xf32> to vector<1x16xf32>
            tpu.vector_store %arg16[%swap3A_320, %swap3A_321], %swap3A_324 {strides = array<i32>} : memref<128x32xf32, #tpu.memory_space<vmem>>, vector<1x16xf32>,
            %slice3A_325 = vector.extract_strided_slice %get3A_70 {offsets = [8], sizes = [1], strides = [1]} : vector<16xf32> to vector<1xf32>
            %squeeze3A_326 = vector.extract %slice3A_325[0] : f32 from vector<1xf32>
            %add3A_327 = arith.constant 8 : i32
            %add3A_328 = arith.addi %mul3A_72, %add3A_327 : i32
            %get3A_329 = arith.index_cast %add3A_328 : i32 to index
            %get3A_330 = arith.constant 0 : index
            %get3A_331 = tpu.vector_load %arg16[%get3A_329, %get3A_330] {strides = array<i32>} : memref<128x32xf32, #tpu.memory_space<vmem>>, vector<1x16xf32>,
            %get3A_332 = vector.shape_cast %get3A_331 : vector<1x16xf32> to vector<16xf32>
            %mul3A_333 = vector.broadcast %squeeze3A_326 : f32 to vector<16xf32>
            %mul3A_334 = arith.mulf %get3A_332, %mul3A_333 : vector<16xf32>
            %add3A_335 = arith.constant 8 : i32
            %add3A_336 = arith.addi %mul3A_72, %add3A_335 : i32
            %swap3A_337 = arith.index_cast %add3A_336 : i32 to index
            %swap3A_338 = arith.constant 0 : index
            %swap3A_339 = tpu.vector_load %arg16[%swap3A_337, %swap3A_338] {strides = array<i32>} : memref<128x32xf32, #tpu.memory_space<vmem>>, vector<1x16xf32>,
            %swap3A_340 = vector.shape_cast %swap3A_339 : vector<1x16xf32> to vector<16xf32>
            %swap3A_341 = vector.shape_cast %mul3A_334 : vector<16xf32> to vector<1x16xf32>
            tpu.vector_store %arg16[%swap3A_337, %swap3A_338], %swap3A_341 {strides = array<i32>} : memref<128x32xf32, #tpu.memory_space<vmem>>, vector<1x16xf32>,
            %add3A_342 = arith.constant 8 : i32
            %add3A_343 = arith.addi %mul3A_72, %add3A_342 : i32
            %get3A_344 = arith.index_cast %add3A_343 : i32 to index
            %get3A_345 = arith.constant 16 : index
            %get3A_346 = tpu.vector_load %arg16[%get3A_344, %get3A_345] {strides = array<i32>} : memref<128x32xf32, #tpu.memory_space<vmem>>, vector<1x16xf32>,
            %get3A_347 = vector.shape_cast %get3A_346 : vector<1x16xf32> to vector<16xf32>
            %mul3A_348 = vector.broadcast %squeeze3A_326 : f32 to vector<16xf32>
            %mul3A_349 = arith.mulf %get3A_347, %mul3A_348 : vector<16xf32>
            %add3A_350 = arith.constant 8 : i32
            %add3A_351 = arith.addi %mul3A_72, %add3A_350 : i32
            %swap3A_352 = arith.index_cast %add3A_351 : i32 to index
            %swap3A_353 = arith.constant 16 : index
            %swap3A_354 = tpu.vector_load %arg16[%swap3A_352, %swap3A_353] {strides = array<i32>} : memref<128x32xf32, #tpu.memory_space<vmem>>, vector<1x16xf32>,
            %swap3A_355 = vector.shape_cast %swap3A_354 : vector<1x16xf32> to vector<16xf32>
            %swap3A_356 = vector.shape_cast %mul3A_349 : vector<16xf32> to vector<1x16xf32>
            tpu.vector_store %arg16[%swap3A_352, %swap3A_353], %swap3A_356 {strides = array<i32>} : memref<128x32xf32, #tpu.memory_space<vmem>>, vector<1x16xf32>,
            %slice3A_357 = vector.extract_strided_slice %get3A_70 {offsets = [9], sizes = [1], strides = [1]} : vector<16xf32> to vector<1xf32>
            %squeeze3A_358 = vector.extract %slice3A_357[0] : f32 from vector<1xf32>
            %add3A_359 = arith.constant 9 : i32
            %add3A_360 = arith.addi %mul3A_72, %add3A_359 : i32
            %get3A_361 = arith.index_cast %add3A_360 : i32 to index
            %get3A_362 = arith.constant 0 : index
            %get3A_363 = tpu.vector_load %arg16[%get3A_361, %get3A_362] {strides = array<i32>} : memref<128x32xf32, #tpu.memory_space<vmem>>, vector<1x16xf32>,
            %get3A_364 = vector.shape_cast %get3A_363 : vector<1x16xf32> to vector<16xf32>
            %mul3A_365 = vector.broadcast %squeeze3A_358 : f32 to vector<16xf32>
            %mul3A_366 = arith.mulf %get3A_364, %mul3A_365 : vector<16xf32>
            %add3A_367 = arith.constant 9 : i32
            %add3A_368 = arith.addi %mul3A_72, %add3A_367 : i32
            %swap3A_369 = arith.index_cast %add3A_368 : i32 to index
            %swap3A_370 = arith.constant 0 : index
            %swap3A_371 = tpu.vector_load %arg16[%swap3A_369, %swap3A_370] {strides = array<i32>} : memref<128x32xf32, #tpu.memory_space<vmem>>, vector<1x16xf32>,
            %swap3A_372 = vector.shape_cast %swap3A_371 : vector<1x16xf32> to vector<16xf32>
            %swap3A_373 = vector.shape_cast %mul3A_366 : vector<16xf32> to vector<1x16xf32>
            tpu.vector_store %arg16[%swap3A_369, %swap3A_370], %swap3A_373 {strides = array<i32>} : memref<128x32xf32, #tpu.memory_space<vmem>>, vector<1x16xf32>,
            %add3A_374 = arith.constant 9 : i32
            %add3A_375 = arith.addi %mul3A_72, %add3A_374 : i32
            %get3A_376 = arith.index_cast %add3A_375 : i32 to index
            %get3A_377 = arith.constant 16 : index
            %get3A_378 = tpu.vector_load %arg16[%get3A_376, %get3A_377] {strides = array<i32>} : memref<128x32xf32, #tpu.memory_space<vmem>>, vector<1x16xf32>,
            %get3A_379 = vector.shape_cast %get3A_378 : vector<1x16xf32> to vector<16xf32>
            %mul3A_380 = vector.broadcast %squeeze3A_358 : f32 to vector<16xf32>
            %mul3A_381 = arith.mulf %get3A_379, %mul3A_380 : vector<16xf32>
            %add3A_382 = arith.constant 9 : i32
            %add3A_383 = arith.addi %mul3A_72, %add3A_382 : i32
            %swap3A_384 = arith.index_cast %add3A_383 : i32 to index
            %swap3A_385 = arith.constant 16 : index
            %swap3A_386 = tpu.vector_load %arg16[%swap3A_384, %swap3A_385] {strides = array<i32>} : memref<128x32xf32, #tpu.memory_space<vmem>>, vector<1x16xf32>,
            %swap3A_387 = vector.shape_cast %swap3A_386 : vector<1x16xf32> to vector<16xf32>
            %swap3A_388 = vector.shape_cast %mul3A_381 : vector<16xf32> to vector<1x16xf32>
            tpu.vector_store %arg16[%swap3A_384, %swap3A_385], %swap3A_388 {strides = array<i32>} : memref<128x32xf32, #tpu.memory_space<vmem>>, vector<1x16xf32>,
            %slice3A_389 = vector.extract_strided_slice %get3A_70 {offsets = [10], sizes = [1], strides = [1]} : vector<16xf32> to vector<1xf32>
            %squeeze3A_390 = vector.extract %slice3A_389[0] : f32 from vector<1xf32>
            %add3A_391 = arith.constant 10 : i32
            %add3A_392 = arith.addi %mul3A_72, %add3A_391 : i32
            %get3A_393 = arith.index_cast %add3A_392 : i32 to index
            %get3A_394 = arith.constant 0 : index
            %get3A_395 = tpu.vector_load %arg16[%get3A_393, %get3A_394] {strides = array<i32>} : memref<128x32xf32, #tpu.memory_space<vmem>>, vector<1x16xf32>,
            %get3A_396 = vector.shape_cast %get3A_395 : vector<1x16xf32> to vector<16xf32>
            %mul3A_397 = vector.broadcast %squeeze3A_390 : f32 to vector<16xf32>
            %mul3A_398 = arith.mulf %get3A_396, %mul3A_397 : vector<16xf32>
            %add3A_399 = arith.constant 10 : i32
            %add3A_400 = arith.addi %mul3A_72, %add3A_399 : i32
            %swap3A_401 = arith.index_cast %add3A_400 : i32 to index
            %swap3A_402 = arith.constant 0 : index
            %swap3A_403 = tpu.vector_load %arg16[%swap3A_401, %swap3A_402] {strides = array<i32>} : memref<128x32xf32, #tpu.memory_space<vmem>>, vector<1x16xf32>,
            %swap3A_404 = vector.shape_cast %swap3A_403 : vector<1x16xf32> to vector<16xf32>
            %swap3A_405 = vector.shape_cast %mul3A_398 : vector<16xf32> to vector<1x16xf32>
            tpu.vector_store %arg16[%swap3A_401, %swap3A_402], %swap3A_405 {strides = array<i32>} : memref<128x32xf32, #tpu.memory_space<vmem>>, vector<1x16xf32>,
            %add3A_406 = arith.constant 10 : i32
            %add3A_407 = arith.addi %mul3A_72, %add3A_406 : i32
            %get3A_408 = arith.index_cast %add3A_407 : i32 to index
            %get3A_409 = arith.constant 16 : index
            %get3A_410 = tpu.vector_load %arg16[%get3A_408, %get3A_409] {strides = array<i32>} : memref<128x32xf32, #tpu.memory_space<vmem>>, vector<1x16xf32>,
            %get3A_411 = vector.shape_cast %get3A_410 : vector<1x16xf32> to vector<16xf32>
            %mul3A_412 = vector.broadcast %squeeze3A_390 : f32 to vector<16xf32>
            %mul3A_413 = arith.mulf %get3A_411, %mul3A_412 : vector<16xf32>
            %add3A_414 = arith.constant 10 : i32
            %add3A_415 = arith.addi %mul3A_72, %add3A_414 : i32
            %swap3A_416 = arith.index_cast %add3A_415 : i32 to index
            %swap3A_417 = arith.constant 16 : index
            %swap3A_418 = tpu.vector_load %arg16[%swap3A_416, %swap3A_417] {strides = array<i32>} : memref<128x32xf32, #tpu.memory_space<vmem>>, vector<1x16xf32>,
            %swap3A_419 = vector.shape_cast %swap3A_418 : vector<1x16xf32> to vector<16xf32>
            %swap3A_420 = vector.shape_cast %mul3A_413 : vector<16xf32> to vector<1x16xf32>
            tpu.vector_store %arg16[%swap3A_416, %swap3A_417], %swap3A_420 {strides = array<i32>} : memref<128x32xf32, #tpu.memory_space<vmem>>, vector<1x16xf32>,
            %slice3A_421 = vector.extract_strided_slice %get3A_70 {offsets = [11], sizes = [1], strides = [1]} : vector<16xf32> to vector<1xf32>
            %squeeze3A_422 = vector.extract %slice3A_421[0] : f32 from vector<1xf32>
            %add3A_423 = arith.constant 11 : i32
            %add3A_424 = arith.addi %mul3A_72, %add3A_423 : i32
            %get3A_425 = arith.index_cast %add3A_424 : i32 to index
            %get3A_426 = arith.constant 0 : index
            %get3A_427 = tpu.vector_load %arg16[%get3A_425, %get3A_426] {strides = array<i32>} : memref<128x32xf32, #tpu.memory_space<vmem>>, vector<1x16xf32>,
            %get3A_428 = vector.shape_cast %get3A_427 : vector<1x16xf32> to vector<16xf32>
            %mul3A_429 = vector.broadcast %squeeze3A_422 : f32 to vector<16xf32>
            %mul3A_430 = arith.mulf %get3A_428, %mul3A_429 : vector<16xf32>
            %add3A_431 = arith.constant 11 : i32
            %add3A_432 = arith.addi %mul3A_72, %add3A_431 : i32
            %swap3A_433 = arith.index_cast %add3A_432 : i32 to index
            %swap3A_434 = arith.constant 0 : index
            %swap3A_435 = tpu.vector_load %arg16[%swap3A_433, %swap3A_434] {strides = array<i32>} : memref<128x32xf32, #tpu.memory_space<vmem>>, vector<1x16xf32>,
            %swap3A_436 = vector.shape_cast %swap3A_435 : vector<1x16xf32> to vector<16xf32>
            %swap3A_437 = vector.shape_cast %mul3A_430 : vector<16xf32> to vector<1x16xf32>
            tpu.vector_store %arg16[%swap3A_433, %swap3A_434], %swap3A_437 {strides = array<i32>} : memref<128x32xf32, #tpu.memory_space<vmem>>, vector<1x16xf32>,
            %add3A_438 = arith.constant 11 : i32
            %add3A_439 = arith.addi %mul3A_72, %add3A_438 : i32
            %get3A_440 = arith.index_cast %add3A_439 : i32 to index
            %get3A_441 = arith.constant 16 : index
            %get3A_442 = tpu.vector_load %arg16[%get3A_440, %get3A_441] {strides = array<i32>} : memref<128x32xf32, #tpu.memory_space<vmem>>, vector<1x16xf32>,
            %get3A_443 = vector.shape_cast %get3A_442 : vector<1x16xf32> to vector<16xf32>
            %mul3A_444 = vector.broadcast %squeeze3A_422 : f32 to vector<16xf32>
            %mul3A_445 = arith.mulf %get3A_443, %mul3A_444 : vector<16xf32>
            %add3A_446 = arith.constant 11 : i32
            %add3A_447 = arith.addi %mul3A_72, %add3A_446 : i32
            %swap3A_448 = arith.index_cast %add3A_447 : i32 to index
            %swap3A_449 = arith.constant 16 : index
            %swap3A_450 = tpu.vector_load %arg16[%swap3A_448, %swap3A_449] {strides = array<i32>} : memref<128x32xf32, #tpu.memory_space<vmem>>, vector<1x16xf32>,
            %swap3A_451 = vector.shape_cast %swap3A_450 : vector<1x16xf32> to vector<16xf32>
            %swap3A_452 = vector.shape_cast %mul3A_445 : vector<16xf32> to vector<1x16xf32>
            tpu.vector_store %arg16[%swap3A_448, %swap3A_449], %swap3A_452 {strides = array<i32>} : memref<128x32xf32, #tpu.memory_space<vmem>>, vector<1x16xf32>,
            %slice3A_453 = vector.extract_strided_slice %get3A_70 {offsets = [12], sizes = [1], strides = [1]} : vector<16xf32> to vector<1xf32>
            %squeeze3A_454 = vector.extract %slice3A_453[0] : f32 from vector<1xf32>
            %add3A_455 = arith.constant 12 : i32
            %add3A_456 = arith.addi %mul3A_72, %add3A_455 : i32
            %get3A_457 = arith.index_cast %add3A_456 : i32 to index
            %get3A_458 = arith.constant 0 : index
            %get3A_459 = tpu.vector_load %arg16[%get3A_457, %get3A_458] {strides = array<i32>} : memref<128x32xf32, #tpu.memory_space<vmem>>, vector<1x16xf32>,
            %get3A_460 = vector.shape_cast %get3A_459 : vector<1x16xf32> to vector<16xf32>
            %mul3A_461 = vector.broadcast %squeeze3A_454 : f32 to vector<16xf32>
            %mul3A_462 = arith.mulf %get3A_460, %mul3A_461 : vector<16xf32>
            %add3A_463 = arith.constant 12 : i32
            %add3A_464 = arith.addi %mul3A_72, %add3A_463 : i32
            %swap3A_465 = arith.index_cast %add3A_464 : i32 to index
            %swap3A_466 = arith.constant 0 : index
            %swap3A_467 = tpu.vector_load %arg16[%swap3A_465, %swap3A_466] {strides = array<i32>} : memref<128x32xf32, #tpu.memory_space<vmem>>, vector<1x16xf32>,
            %swap3A_468 = vector.shape_cast %swap3A_467 : vector<1x16xf32> to vector<16xf32>
            %swap3A_469 = vector.shape_cast %mul3A_462 : vector<16xf32> to vector<1x16xf32>
            tpu.vector_store %arg16[%swap3A_465, %swap3A_466], %swap3A_469 {strides = array<i32>} : memref<128x32xf32, #tpu.memory_space<vmem>>, vector<1x16xf32>,
            %add3A_470 = arith.constant 12 : i32
            %add3A_471 = arith.addi %mul3A_72, %add3A_470 : i32
            %get3A_472 = arith.index_cast %add3A_471 : i32 to index
            %get3A_473 = arith.constant 16 : index
            %get3A_474 = tpu.vector_load %arg16[%get3A_472, %get3A_473] {strides = array<i32>} : memref<128x32xf32, #tpu.memory_space<vmem>>, vector<1x16xf32>,
            %get3A_475 = vector.shape_cast %get3A_474 : vector<1x16xf32> to vector<16xf32>
            %mul3A_476 = vector.broadcast %squeeze3A_454 : f32 to vector<16xf32>
            %mul3A_477 = arith.mulf %get3A_475, %mul3A_476 : vector<16xf32>
            %add3A_478 = arith.constant 12 : i32
            %add3A_479 = arith.addi %mul3A_72, %add3A_478 : i32
            %swap3A_480 = arith.index_cast %add3A_479 : i32 to index
            %swap3A_481 = arith.constant 16 : index
            %swap3A_482 = tpu.vector_load %arg16[%swap3A_480, %swap3A_481] {strides = array<i32>} : memref<128x32xf32, #tpu.memory_space<vmem>>, vector<1x16xf32>,
            %swap3A_483 = vector.shape_cast %swap3A_482 : vector<1x16xf32> to vector<16xf32>
            %swap3A_484 = vector.shape_cast %mul3A_477 : vector<16xf32> to vector<1x16xf32>
            tpu.vector_store %arg16[%swap3A_480, %swap3A_481], %swap3A_484 {strides = array<i32>} : memref<128x32xf32, #tpu.memory_space<vmem>>, vector<1x16xf32>,
            %slice3A_485 = vector.extract_strided_slice %get3A_70 {offsets = [13], sizes = [1], strides = [1]} : vector<16xf32> to vector<1xf32>
            %squeeze3A_486 = vector.extract %slice3A_485[0] : f32 from vector<1xf32>
            %add3A_487 = arith.constant 13 : i32
            %add3A_488 = arith.addi %mul3A_72, %add3A_487 : i32
            %get3A_489 = arith.index_cast %add3A_488 : i32 to index
            %get3A_490 = arith.constant 0 : index
            %get3A_491 = tpu.vector_load %arg16[%get3A_489, %get3A_490] {strides = array<i32>} : memref<128x32xf32, #tpu.memory_space<vmem>>, vector<1x16xf32>,
            %get3A_492 = vector.shape_cast %get3A_491 : vector<1x16xf32> to vector<16xf32>
            %mul3A_493 = vector.broadcast %squeeze3A_486 : f32 to vector<16xf32>
            %mul3A_494 = arith.mulf %get3A_492, %mul3A_493 : vector<16xf32>
            %add3A_495 = arith.constant 13 : i32
            %add3A_496 = arith.addi %mul3A_72, %add3A_495 : i32
            %swap3A_497 = arith.index_cast %add3A_496 : i32 to index
            %swap3A_498 = arith.constant 0 : index
            %swap3A_499 = tpu.vector_load %arg16[%swap3A_497, %swap3A_498] {strides = array<i32>} : memref<128x32xf32, #tpu.memory_space<vmem>>, vector<1x16xf32>,
            %swap3A_500 = vector.shape_cast %swap3A_499 : vector<1x16xf32> to vector<16xf32>
            %swap3A_501 = vector.shape_cast %mul3A_494 : vector<16xf32> to vector<1x16xf32>
            tpu.vector_store %arg16[%swap3A_497, %swap3A_498], %swap3A_501 {strides = array<i32>} : memref<128x32xf32, #tpu.memory_space<vmem>>, vector<1x16xf32>,
            %add3A_502 = arith.constant 13 : i32
            %add3A_503 = arith.addi %mul3A_72, %add3A_502 : i32
            %get3A_504 = arith.index_cast %add3A_503 : i32 to index
            %get3A_505 = arith.constant 16 : index
            %get3A_506 = tpu.vector_load %arg16[%get3A_504, %get3A_505] {strides = array<i32>} : memref<128x32xf32, #tpu.memory_space<vmem>>, vector<1x16xf32>,
            %get3A_507 = vector.shape_cast %get3A_506 : vector<1x16xf32> to vector<16xf32>
            %mul3A_508 = vector.broadcast %squeeze3A_486 : f32 to vector<16xf32>
            %mul3A_509 = arith.mulf %get3A_507, %mul3A_508 : vector<16xf32>
            %add3A_510 = arith.constant 13 : i32
            %add3A_511 = arith.addi %mul3A_72, %add3A_510 : i32
            %swap3A_512 = arith.index_cast %add3A_511 : i32 to index
            %swap3A_513 = arith.constant 16 : index
            %swap3A_514 = tpu.vector_load %arg16[%swap3A_512, %swap3A_513] {strides = array<i32>} : memref<128x32xf32, #tpu.memory_space<vmem>>, vector<1x16xf32>,
            %swap3A_515 = vector.shape_cast %swap3A_514 : vector<1x16xf32> to vector<16xf32>
            %swap3A_516 = vector.shape_cast %mul3A_509 : vector<16xf32> to vector<1x16xf32>
            tpu.vector_store %arg16[%swap3A_512, %swap3A_513], %swap3A_516 {strides = array<i32>} : memref<128x32xf32, #tpu.memory_space<vmem>>, vector<1x16xf32>,
            %slice3A_517 = vector.extract_strided_slice %get3A_70 {offsets = [14], sizes = [1], strides = [1]} : vector<16xf32> to vector<1xf32>
            %squeeze3A_518 = vector.extract %slice3A_517[0] : f32 from vector<1xf32>
            %add3A_519 = arith.constant 14 : i32
            %add3A_520 = arith.addi %mul3A_72, %add3A_519 : i32
            %get3A_521 = arith.index_cast %add3A_520 : i32 to index
            %get3A_522 = arith.constant 0 : index
            %get3A_523 = tpu.vector_load %arg16[%get3A_521, %get3A_522] {strides = array<i32>} : memref<128x32xf32, #tpu.memory_space<vmem>>, vector<1x16xf32>,
            %get3A_524 = vector.shape_cast %get3A_523 : vector<1x16xf32> to vector<16xf32>
            %mul3A_525 = vector.broadcast %squeeze3A_518 : f32 to vector<16xf32>
            %mul3A_526 = arith.mulf %get3A_524, %mul3A_525 : vector<16xf32>
            %add3A_527 = arith.constant 14 : i32
            %add3A_528 = arith.addi %mul3A_72, %add3A_527 : i32
            %swap3A_529 = arith.index_cast %add3A_528 : i32 to index
            %swap3A_530 = arith.constant 0 : index
            %swap3A_531 = tpu.vector_load %arg16[%swap3A_529, %swap3A_530] {strides = array<i32>} : memref<128x32xf32, #tpu.memory_space<vmem>>, vector<1x16xf32>,
            %swap3A_532 = vector.shape_cast %swap3A_531 : vector<1x16xf32> to vector<16xf32>
            %swap3A_533 = vector.shape_cast %mul3A_526 : vector<16xf32> to vector<1x16xf32>
            tpu.vector_store %arg16[%swap3A_529, %swap3A_530], %swap3A_533 {strides = array<i32>} : memref<128x32xf32, #tpu.memory_space<vmem>>, vector<1x16xf32>,
            %add3A_534 = arith.constant 14 : i32
            %add3A_535 = arith.addi %mul3A_72, %add3A_534 : i32
            %get3A_536 = arith.index_cast %add3A_535 : i32 to index
            %get3A_537 = arith.constant 16 : index
            %get3A_538 = tpu.vector_load %arg16[%get3A_536, %get3A_537] {strides = array<i32>} : memref<128x32xf32, #tpu.memory_space<vmem>>, vector<1x16xf32>,
            %get3A_539 = vector.shape_cast %get3A_538 : vector<1x16xf32> to vector<16xf32>
            %mul3A_540 = vector.broadcast %squeeze3A_518 : f32 to vector<16xf32>
            %mul3A_541 = arith.mulf %get3A_539, %mul3A_540 : vector<16xf32>
            %add3A_542 = arith.constant 14 : i32
            %add3A_543 = arith.addi %mul3A_72, %add3A_542 : i32
            %swap3A_544 = arith.index_cast %add3A_543 : i32 to index
            %swap3A_545 = arith.constant 16 : index
            %swap3A_546 = tpu.vector_load %arg16[%swap3A_544, %swap3A_545] {strides = array<i32>} : memref<128x32xf32, #tpu.memory_space<vmem>>, vector<1x16xf32>,
            %swap3A_547 = vector.shape_cast %swap3A_546 : vector<1x16xf32> to vector<16xf32>
            %swap3A_548 = vector.shape_cast %mul3A_541 : vector<16xf32> to vector<1x16xf32>
            tpu.vector_store %arg16[%swap3A_544, %swap3A_545], %swap3A_548 {strides = array<i32>} : memref<128x32xf32, #tpu.memory_space<vmem>>, vector<1x16xf32>,
            %slice3A_549 = vector.extract_strided_slice %get3A_70 {offsets = [15], sizes = [1], strides = [1]} : vector<16xf32> to vector<1xf32>
            %squeeze3A_550 = vector.extract %slice3A_549[0] : f32 from vector<1xf32>
            %add3A_551 = arith.constant 15 : i32
            %add3A_552 = arith.addi %mul3A_72, %add3A_551 : i32
            %get3A_553 = arith.index_cast %add3A_552 : i32 to index
            %get3A_554 = arith.constant 0 : index
            %get3A_555 = tpu.vector_load %arg16[%get3A_553, %get3A_554] {strides = array<i32>} : memref<128x32xf32, #tpu.memory_space<vmem>>, vector<1x16xf32>,
            %get3A_556 = vector.shape_cast %get3A_555 : vector<1x16xf32> to vector<16xf32>
            %mul3A_557 = vector.broadcast %squeeze3A_550 : f32 to vector<16xf32>
            %mul3A_558 = arith.mulf %get3A_556, %mul3A_557 : vector<16xf32>
            %add3A_559 = arith.constant 15 : i32
            %add3A_560 = arith.addi %mul3A_72, %add3A_559 : i32
            %swap3A_561 = arith.index_cast %add3A_560 : i32 to index
            %swap3A_562 = arith.constant 0 : index
            %swap3A_563 = tpu.vector_load %arg16[%swap3A_561, %swap3A_562] {strides = array<i32>} : memref<128x32xf32, #tpu.memory_space<vmem>>, vector<1x16xf32>,
            %swap3A_564 = vector.shape_cast %swap3A_563 : vector<1x16xf32> to vector<16xf32>
            %swap3A_565 = vector.shape_cast %mul3A_558 : vector<16xf32> to vector<1x16xf32>
            tpu.vector_store %arg16[%swap3A_561, %swap3A_562], %swap3A_565 {strides = array<i32>} : memref<128x32xf32, #tpu.memory_space<vmem>>, vector<1x16xf32>,
            %add3A_566 = arith.constant 15 : i32
            %add3A_567 = arith.addi %mul3A_72, %add3A_566 : i32
            %get3A_568 = arith.index_cast %add3A_567 : i32 to index
            %get3A_569 = arith.constant 16 : index
            %get3A_570 = tpu.vector_load %arg16[%get3A_568, %get3A_569] {strides = array<i32>} : memref<128x32xf32, #tpu.memory_space<vmem>>, vector<1x16xf32>,
            %get3A_571 = vector.shape_cast %get3A_570 : vector<1x16xf32> to vector<16xf32>
            %mul3A_572 = vector.broadcast %squeeze3A_550 : f32 to vector<16xf32>
            %mul3A_573 = arith.mulf %get3A_571, %mul3A_572 : vector<16xf32>
            %add3A_574 = arith.constant 15 : i32
            %add3A_575 = arith.addi %mul3A_72, %add3A_574 : i32
            %swap3A_576 = arith.index_cast %add3A_575 : i32 to index
            %swap3A_577 = arith.constant 16 : index
            %swap3A_578 = tpu.vector_load %arg16[%swap3A_576, %swap3A_577] {strides = array<i32>} : memref<128x32xf32, #tpu.memory_space<vmem>>, vector<1x16xf32>,
            %swap3A_579 = vector.shape_cast %swap3A_578 : vector<1x16xf32> to vector<16xf32>
            %swap3A_580 = vector.shape_cast %mul3A_573 : vector<16xf32> to vector<1x16xf32>
            tpu.vector_store %arg16[%swap3A_576, %swap3A_577], %swap3A_580 {strides = array<i32>} : memref<128x32xf32, #tpu.memory_space<vmem>>, vector<1x16xf32>,
          }
          %scan3A_64 = arith.constant 8 : i32
          "tpu.region"() ({
            %run_scoped3A = tpu.sem_alloc : memref<!tpu.dma_semaphore, #tpu.memory_space<semaphore_mem>>
            %dma_start3A_65 = arith.constant 0 : i32
            %dma_start3A_66 = tpu.memref_slice %arg14[%scan3A_48, %dma_start3A_65] : memref<25x128xi32, #tpu.memory_space<vmem>> -> memref<1x128xi32, #tpu.memory_space<vmem>>
            %dma_start3A_67 = tpu.memref_squeeze %dma_start3A_66 : memref<1x128xi32, #tpu.memory_space<vmem>> -> memref<128xi32, #tpu.memory_space<vmem>>
            %dma_start3A_68 = arith.constant 0 : i32
            %dma_start3A_69 = arith.constant 0 : i32
            %dma_start3A_70 = tpu.memref_slice %arg13[%dma_start3A_68, %dma_start3A_69] : memref<50176x32xf32, #tpu.memory_space<vmem_shared>> -> memref<50176x32xf32, #tpu.memory_space<vmem_shared>>
            tpu.enqueue_indirect_dma source(%arg16 : memref<128x32xf32, #tpu.memory_space<vmem>>) target(%dma_start3A_70 : memref<50176x32xf32, #tpu.memory_space<vmem_shared>>) offsets(%dma_start3A_67 : memref<128xi32, #tpu.memory_space<vmem>>) semaphore(%run_scoped3A : memref<!tpu.dma_semaphore, #tpu.memory_space<semaphore_mem>>) {add = true}
            %dma_wait3A_71 = arith.constant 0 : i32
            %dma_wait3A_72 = tpu.memref_slice %arg14[%scan3A_48, %dma_wait3A_71] : memref<25x128xi32, #tpu.memory_space<vmem>> -> memref<1x128xi32, #tpu.memory_space<vmem>>
            %dma_wait3A_73 = tpu.memref_squeeze %dma_wait3A_72 : memref<1x128xi32, #tpu.memory_space<vmem>> -> memref<128xi32, #tpu.memory_space<vmem>>
            %dma_wait3A_74 = arith.constant 0 : i32
            %dma_wait3A_75 = arith.constant 0 : i32
            %dma_wait3A_76 = tpu.memref_slice %arg13[%dma_wait3A_74, %dma_wait3A_75] : memref<50176x32xf32, #tpu.memory_space<vmem_shared>> -> memref<50176x32xf32, #tpu.memory_space<vmem_shared>>
            tpu.wait_indirect_dma semaphore(%run_scoped3A : memref<!tpu.dma_semaphore, #tpu.memory_space<semaphore_mem>>) src(%arg16 : memref<128x32xf32, #tpu.memory_space<vmem>>) dst(%dma_wait3A_76 : memref<50176x32xf32, #tpu.memory_space<vmem_shared>>)
            tpu.yield
          }) : () -> ()
        }
        %scan3A_47 = arith.constant 25 : i32
      }
      %scan3A_39 = arith.constant 16 : i32
      %barrier3A_40 = arith.constant 0 : index
      tpu.barrier barrier_id(%barrier3A_40)
      "tpu.region"() ({
        %run_scoped3A = tpu.sem_alloc : memref<!tpu.dma_semaphore, #tpu.memory_space<semaphore_mem>>
        %dma_start3A = arith.constant 0 : i32
        %dma_start3A_41 = tpu.memref_slice %arg12[%mul3A_0, %dma_start3A] : memref<50176x32xf32, #tpu.memory_space<hbm>> -> memref<3136x32xf32, #tpu.memory_space<hbm>>
        %dma_start3A_42 = arith.constant 0 : i32
        %dma_start3A_43 = tpu.memref_slice %arg13[%mul3A_0, %dma_start3A_42] : memref<50176x32xf32, #tpu.memory_space<vmem_shared>> -> memref<3136x32xf32, #tpu.memory_space<vmem_shared>>
        tpu.enqueue_dma source(%dma_start3A_43 : memref<3136x32xf32, #tpu.memory_space<vmem_shared>>) target(%dma_start3A_41 : memref<3136x32xf32, #tpu.memory_space<hbm>>) target_semaphore(%run_scoped3A : memref<!tpu.dma_semaphore, #tpu.memory_space<semaphore_mem>>)
        %dma_wait3A = arith.constant 0 : i32
        %dma_wait3A_44 = tpu.memref_slice %arg12[%mul3A_0, %dma_wait3A] : memref<50176x32xf32, #tpu.memory_space<hbm>> -> memref<3136x32xf32, #tpu.memory_space<hbm>>
        %dma_wait3A_45 = arith.constant 0 : i32
        %dma_wait3A_46 = tpu.memref_slice %arg13[%mul3A_0, %dma_wait3A_45] : memref<50176x32xf32, #tpu.memory_space<vmem_shared>> -> memref<3136x32xf32, #tpu.memory_space<vmem_shared>>
        tpu.wait_dma2 semaphore(%run_scoped3A : memref<!tpu.dma_semaphore, #tpu.memory_space<semaphore_mem>>) src(%dma_wait3A_46 : memref<3136x32xf32, #tpu.memory_space<vmem_shared>>) dst(%dma_wait3A_44 : memref<3136x32xf32, #tpu.memory_space<hbm>>)
        tpu.yield
      }) : () -> ()
    } else {
    }
    return
  }
}

module attributes {stable_mosaic.version = 14 : i64} {
  func.func @body(%arg0: i32, %arg1: memref<5x32x32xf32, #tpu.memory_space<vmem>>, %arg2: memref<1x32x7168xf32, #tpu.memory_space<vmem>>, %arg3: memref<7168x32xf32, #tpu.memory_space<vmem>>, %arg4: memref<7168x32xf32, #tpu.memory_space<vmem>>, %arg5: memref<7168x32xf32, #tpu.memory_space<vmem>>, %arg6: memref<7168x32xf32, #tpu.memory_space<vmem>>, %arg7: memref<32x1xf32, #tpu.memory_space<vmem>>, %arg8: memref<1x32x7168xf32, #tpu.memory_space<vmem>>) attributes {dimension_semantics = [#tpu.dimension_semantics<arbitrary>], iteration_bounds = array<i64: 7>, scalar_prefetch = 0 : i64, scratch_operands = 0 : i64, tpu.core_type = #tpu.core_type<tc>, window_params = [{pipeline_mode = #tpu.pipeline_mode<synchronous>, transform_indices = @transform_0, window_bounds = array<i64: 5, 32, 32>}, {transform_indices = @transform_1, window_bounds = array<i64: 1, 32, 7168>}, {transform_indices = @transform_2, window_bounds = array<i64: 7168, 32>}, {transform_indices = @transform_3, window_bounds = array<i64: 7168, 32>}, {transform_indices = @transform_4, window_bounds = array<i64: 7168, 32>}, {transform_indices = @transform_5, window_bounds = array<i64: 7168, 32>}, {pipeline_mode = #tpu.pipeline_mode<synchronous>, transform_indices = @transform_6, window_bounds = array<i64: 32, 1>}, {transform_indices = @transform_7, window_bounds = array<i64: 1, 32, 7168>}]} {
    %get3A = arith.constant 0 : index
    %get3A_0 = arith.constant 0 : index
    %get3A_1 = arith.constant 0 : index
    %get3A_2 = vector.load %arg1[%get3A, %get3A_0, %get3A_1] : memref<5x32x32xf32, #tpu.memory_space<vmem>>, vector<1x32x32xf32>
    %get3A_3 = vector.shape_cast %get3A_2 : vector<1x32x32xf32> to vector<32x32xf32>
    %get3A_4 = arith.constant 0 : index
    %get3A_5 = arith.constant 0 : index
    %get3A_6 = arith.constant 0 : index
    %get3A_7 = vector.load %arg2[%get3A_4, %get3A_5, %get3A_6] : memref<1x32x7168xf32, #tpu.memory_space<vmem>>, vector<1x32x7168xf32>
    %get3A_8 = vector.shape_cast %get3A_7 : vector<1x32x7168xf32> to vector<32x7168xf32>
    %dot_general3A = arith.constant dense<0.000000e+00> : vector<32x7168xf32>
    %dot_general3A_9 = tpu.matmul %get3A_3, %get3A_8, %dot_general3A {dimension_numbers = #tpu.dot_dimension_numbers<[1], [0], [0], [1], [0, 0, 1, 1], [], []>, transpose_lhs_hint = false} : vector<32x32xf32>, vector<32x7168xf32>, vector<32x7168xf32> -> vector<32x7168xf32>
    %get3A_10 = arith.constant 1 : index
    %get3A_11 = arith.constant 0 : index
    %get3A_12 = arith.constant 0 : index
    %get3A_13 = vector.load %arg1[%get3A_10, %get3A_11, %get3A_12] : memref<5x32x32xf32, #tpu.memory_space<vmem>>, vector<1x32x32xf32>
    %get3A_14 = vector.shape_cast %get3A_13 : vector<1x32x32xf32> to vector<32x32xf32>
    %get3A_15 = arith.constant 0 : index
    %get3A_16 = arith.constant 0 : index
    %get3A_17 = vector.load %arg3[%get3A_15, %get3A_16] : memref<7168x32xf32, #tpu.memory_space<vmem>>, vector<7168x32xf32>
    %dot_general3A_18 = arith.constant dense<0.000000e+00> : vector<32x7168xf32>
    %dot_general3A_19 = tpu.matmul %get3A_14, %get3A_17, %dot_general3A_18 {dimension_numbers = #tpu.dot_dimension_numbers<[1], [1], [0], [0], [0, 0, 1, 0], [], []>, transpose_lhs_hint = false} : vector<32x32xf32>, vector<7168x32xf32>, vector<32x7168xf32> -> vector<32x7168xf32>
    %add3A = arith.addf %dot_general3A_9, %dot_general3A_19 : vector<32x7168xf32>
    %get3A_20 = arith.constant 2 : index
    %get3A_21 = arith.constant 0 : index
    %get3A_22 = arith.constant 0 : index
    %get3A_23 = vector.load %arg1[%get3A_20, %get3A_21, %get3A_22] : memref<5x32x32xf32, #tpu.memory_space<vmem>>, vector<1x32x32xf32>
    %get3A_24 = vector.shape_cast %get3A_23 : vector<1x32x32xf32> to vector<32x32xf32>
    %get3A_25 = arith.constant 0 : index
    %get3A_26 = arith.constant 0 : index
    %get3A_27 = vector.load %arg4[%get3A_25, %get3A_26] : memref<7168x32xf32, #tpu.memory_space<vmem>>, vector<7168x32xf32>
    %dot_general3A_28 = arith.constant dense<0.000000e+00> : vector<32x7168xf32>
    %dot_general3A_29 = tpu.matmul %get3A_24, %get3A_27, %dot_general3A_28 {dimension_numbers = #tpu.dot_dimension_numbers<[1], [1], [0], [0], [0, 0, 1, 0], [], []>, transpose_lhs_hint = false} : vector<32x32xf32>, vector<7168x32xf32>, vector<32x7168xf32> -> vector<32x7168xf32>
    %add3A_30 = arith.addf %add3A, %dot_general3A_29 : vector<32x7168xf32>
    %get3A_31 = arith.constant 3 : index
    %get3A_32 = arith.constant 0 : index
    %get3A_33 = arith.constant 0 : index
    %get3A_34 = vector.load %arg1[%get3A_31, %get3A_32, %get3A_33] : memref<5x32x32xf32, #tpu.memory_space<vmem>>, vector<1x32x32xf32>
    %get3A_35 = vector.shape_cast %get3A_34 : vector<1x32x32xf32> to vector<32x32xf32>
    %get3A_36 = arith.constant 0 : index
    %get3A_37 = arith.constant 0 : index
    %get3A_38 = vector.load %arg5[%get3A_36, %get3A_37] : memref<7168x32xf32, #tpu.memory_space<vmem>>, vector<7168x32xf32>
    %dot_general3A_39 = arith.constant dense<0.000000e+00> : vector<32x7168xf32>
    %dot_general3A_40 = tpu.matmul %get3A_35, %get3A_38, %dot_general3A_39 {dimension_numbers = #tpu.dot_dimension_numbers<[1], [1], [0], [0], [0, 0, 1, 0], [], []>, transpose_lhs_hint = false} : vector<32x32xf32>, vector<7168x32xf32>, vector<32x7168xf32> -> vector<32x7168xf32>
    %add3A_41 = arith.addf %add3A_30, %dot_general3A_40 : vector<32x7168xf32>
    %get3A_42 = arith.constant 4 : index
    %get3A_43 = arith.constant 0 : index
    %get3A_44 = arith.constant 0 : index
    %get3A_45 = vector.load %arg1[%get3A_42, %get3A_43, %get3A_44] : memref<5x32x32xf32, #tpu.memory_space<vmem>>, vector<1x32x32xf32>
    %get3A_46 = vector.shape_cast %get3A_45 : vector<1x32x32xf32> to vector<32x32xf32>
    %get3A_47 = arith.constant 0 : index
    %get3A_48 = arith.constant 0 : index
    %get3A_49 = vector.load %arg6[%get3A_47, %get3A_48] : memref<7168x32xf32, #tpu.memory_space<vmem>>, vector<7168x32xf32>
    %dot_general3A_50 = arith.constant dense<0.000000e+00> : vector<32x7168xf32>
    %dot_general3A_51 = tpu.matmul %get3A_46, %get3A_49, %dot_general3A_50 {dimension_numbers = #tpu.dot_dimension_numbers<[1], [1], [0], [0], [0, 0, 1, 0], [], []>, transpose_lhs_hint = false} : vector<32x32xf32>, vector<7168x32xf32>, vector<32x7168xf32> -> vector<32x7168xf32>
    %add3A_52 = arith.addf %add3A_41, %dot_general3A_51 : vector<32x7168xf32>
    %get3A_53 = arith.constant 0 : index
    %get3A_54 = arith.constant 0 : index
    %get3A_55 = vector.load %arg7[%get3A_53, %get3A_54] : memref<32x1xf32, #tpu.memory_space<vmem>>, vector<32x1xf32>
    %add3A_56 = vector.broadcast %get3A_55 : vector<32x1xf32> to vector<32x7168xf32>
    %add3A_57 = arith.addf %add3A_52, %add3A_56 : vector<32x7168xf32>
    %swap3A = arith.constant 0 : index
    %swap3A_58 = arith.constant 0 : index
    %swap3A_59 = arith.constant 0 : index
    %swap3A_60 = vector.load %arg8[%swap3A, %swap3A_58, %swap3A_59] : memref<1x32x7168xf32, #tpu.memory_space<vmem>>, vector<1x32x7168xf32>
    %swap3A_61 = vector.shape_cast %swap3A_60 : vector<1x32x7168xf32> to vector<32x7168xf32>
    %swap3A_62 = vector.shape_cast %add3A_57 : vector<32x7168xf32> to vector<1x32x7168xf32>
    tpu.vector_store %arg8[%swap3A, %swap3A_58, %swap3A_59], %swap3A_62 {strides = array<i32>} : memref<1x32x7168xf32, #tpu.memory_space<vmem>>, vector<1x32x7168xf32>,
    return
  }
  func.func @transform_0(%arg0: i32) -> (i32, i32, i32) {
    %c0_i32 = arith.constant 0 : i32
    %c0_i32_0 = arith.constant 0 : i32
    %c0_i32_1 = arith.constant 0 : i32
    %c0_i32_2 = arith.constant 0 : i32
    return %c0_i32, %c0_i32_0, %c0_i32_1 : i32, i32, i32
  }
  func.func @transform_1(%arg0: i32) -> (i32, i32, i32) {
    %c0_i32 = arith.constant 0 : i32
    %c0_i32_0 = arith.constant 0 : i32
    %c0_i32_1 = arith.constant 0 : i32
    return %c0_i32, %c0_i32_0, %arg0 : i32, i32, i32
  }
  func.func @transform_2(%arg0: i32) -> (i32, i32) {
    %c0_i32 = arith.constant 0 : i32
    %c0_i32_0 = arith.constant 0 : i32
    return %arg0, %c0_i32 : i32, i32
  }
  func.func @transform_3(%arg0: i32) -> (i32, i32) {
    %c0_i32 = arith.constant 0 : i32
    %c0_i32_0 = arith.constant 0 : i32
    return %arg0, %c0_i32 : i32, i32
  }
  func.func @transform_4(%arg0: i32) -> (i32, i32) {
    %c0_i32 = arith.constant 0 : i32
    %c0_i32_0 = arith.constant 0 : i32
    return %arg0, %c0_i32 : i32, i32
  }
  func.func @transform_5(%arg0: i32) -> (i32, i32) {
    %c0_i32 = arith.constant 0 : i32
    %c0_i32_0 = arith.constant 0 : i32
    return %arg0, %c0_i32 : i32, i32
  }
  func.func @transform_6(%arg0: i32) -> (i32, i32) {
    %c0_i32 = arith.constant 0 : i32
    %c0_i32_0 = arith.constant 0 : i32
    %c0_i32_1 = arith.constant 0 : i32
    return %c0_i32, %c0_i32_0 : i32, i32
  }
  func.func @transform_7(%arg0: i32) -> (i32, i32, i32) {
    %c0_i32 = arith.constant 0 : i32
    %c0_i32_0 = arith.constant 0 : i32
    %c0_i32_1 = arith.constant 0 : i32
    return %c0_i32, %c0_i32_0, %arg0 : i32, i32, i32
  }
}

</mosaic_0001>

<sc_bundles>
// kernel: kernel.4.cloned.1.call-start
scs
__scs_entry_jumppad:
0x0: {  	(pc) =	sbr.rel $0x88, $3  }
0x1: {  	(tag) =	ssettag $0x0;
	lr =	simm.s32 $0x1  }
0x2: {  	[smem:$0x3F9A] =	sst lr;
	_ =	strace $0xD0000000  }
0x3: {  	_ = 	snop  }
0x4: {  	_ = 	snop  }
0x5: {  	_ = 	snop  }
0x6: {  	_ = 	snop  }
0x7: {  	_ = 	snop  }
__scs_overlays_trampoline_lowered:
0x8: {  	[smem:$0x3FA9] =	sst s0  }
0x9: {  	[smem:$0x3FAA] =	sst s1  }
0xa: {  	[smem:$0x3FAB] =	sst s2  }
0xb: {  	[smem:$0x3FAC] =	sst s3  }
0xc: {  	[smem:$0x3FAD] =	sst s4  }
0xd: {  	[smem:$0x3FAE] =	sst s5  }
0xe: {  	[smem:$0x3FAF] =	sst s6  }
0xf: {  	[smem:$0x3FB0] =	sst s7  }
0x10: {  	[smem:$0x3FB1] =	sst s8  }
0x11: {  	[smem:$0x3FB2] =	sst s9;
	s0 =	simm.s32 @!p0 $0x0  }
0x12: {  	s1 =	sld [smem:$0x3F98];
	s0 =	simm.s32 @p0 $0x1  }
0x13: {  	[smem:$0x3FB3] =	sst s0;
	s0 =	simm.s32 @!p1 $0x0  }
0x14: {  	s2 =	sld [smem:$0x3F97];
	s0 =	simm.s32 @p1 $0x1  }
0x15: {  	[smem:$0x3FB4] =	sst s0;
	s0 =	simm.s32 @!p2 $0x0  }
0x16: {  	s3 =	sld [smem:$0x3FDB];
	s0 =	simm.s32 @p2 $0x1  }
0x17: {  	s4 =	simm.s32 $0x1BF5;
	[smem:$0x3FB6] =	sst s0  }
0x18: {  	s0 =	sld [smem:$0x3F99];
	_ =	swait.ge [sflag:s4], $0x0  }
0x19: {  	s7 =	sld [smem:$0x3F9A]  }
0x1a: {  	s8 =	sadd.s32 $0xFFFFE003, lr  }
0x1b: {  	s9 =	sadd.s32 $0xFFFFFEF7, lr;
	s5 =	simm.s32 $0xFFFFFFFF;
	p2 =	slt.u32 s8, $0xFFFFF086  }
0x1c: {  	p1 =	slt.u32 s9, $0xF7A;
	s5 =	simm.s32 @!p2 $0x0  }
0x1d: {  	s5 =	simm.s32 @p1 $0x1;
	p0 =	seq.s32 s7, s2  }
0x1e: {  	s7 =	smul.u32 @!p0 $0xF7A, s2;
	p2 =	seq.s32 @!p0 s5, $0x0  }
0x1f: {  	s9 =	smul.u32 $0xF7A, s1;
	s8 =	simm.s32 @!p0 $0x1BF5;
	p2 =	por !p2, p0  }
0x20: {  	[sflag:s8] =	ssyncset.s32 @!p0 $0xFFFFF086;
	s6 =	sadd.s32 @!p0 s3, s7;
	s7 =	simm.s32 @!p0 $0x108  }
0x21: {  	s3 =	sadd.s32 s3, s9;
	s6 =	sadd.s32 @!p0 $0x88, s6;
	s7 =	simm.s32 @p2 $0x1082  }
0x22: {  	[simem:s7], [sflag:s8] =	dma.local @!p0 [hbm:s6], $0xF7A  }
0x23: {  	s9 =	sor.u32 $0xD0000000, s2;
	s6 =	simm.s32 $0x108;
	_ =	swait.ge @!p0 [sflag:s8], $0x0  }
0x24: {  	s3 =	sadd.s32 $0x88, s3;
	s6 =	simm.s32 @!p1 $0x1082;
	[sflag:s4] =	ssyncset.s32 $0xFFFFF086  }
0x25: {  	[simem:s6], [sflag:s4] =	dma.local [hbm:s3], $0xF7A  }
0x26: {  	[smem:$0x3F9A] =	sst s1;
	(tag) =	ssettag s2;
	_ =	strace s9  }
0x27: {  	s1 =	sld [smem:$0x3FAA]  }
0x28: {  	s2 =	sld [smem:$0x3FAB]  }
0x29: {  	s4 =	sld [smem:$0x3FAD]  }
0x2a: {  	p0 =	seq.s32 s5, $0x0;
	s5 =	sld [smem:$0x3FAE]  }
0x2b: {  	s6 =	sld [smem:$0x3FAF]  }
0x2c: {  	s7 =	sld [smem:$0x3FB0]  }
0x2d: {  	s3 =	simm.s32 $0x108;
	s8 =	sld [smem:$0x3FB1]  }
0x2e: {  	s3 =	simm.s32 @!p0 $0x1082;
	s9 =	sld [smem:$0x3FB2]  }
0x2f: {  	lr =	sadd.s32 s0, s3;
	s0 =	sld [smem:$0x3FA9]  }
0x30: {  	s3 =	sld [smem:$0x3FAC]  }
0x31: {  	[smem:$0x3FB5] =	sst s10  }
0x32: {  	s10 =	sld [smem:$0x3FB3];
	_ =	sdelay $0x3  }
0x33: {  	p0 =	seq.s32 s10, $0x1;
	s10 =	sld [smem:$0x3FB5];
	_ =	sdelay $0x3  }
0x34: {  	[smem:$0x3FB5] =	sst s10  }
0x35: {  	s10 =	sld [smem:$0x3FB4];
	_ =	sdelay $0x3  }
0x36: {  	p1 =	seq.s32 s10, $0x1;
	s10 =	sld [smem:$0x3FB5];
	_ =	sdelay $0x3  }
0x37: {  	[smem:$0x3FB5] =	sst s10  }
0x38: {  	s10 =	sld [smem:$0x3FB6]  }
0x39: {  	_ = 	snop;
	(pc) =	sbr.ind lr, $3  }
0x3a: {  	_ = 	snop  }
0x3b: {  	_ = 	snop  }
0x3c: {  	p2 =	seq.s32 s10, $0x1;
	s10 =	sld [smem:$0x3FB5]  }
0x3d: {  	_ =	shalt  }
0x3e: {  	_ =	shalt  }
0x3f: {  	_ =	shalt  }
0x40: {  	_ =	shalt  }
0x41: {  	_ =	shalt  }
0x42: {  	_ =	shalt  }
0x43: {  	_ =	shalt  }
0x44: {  	_ =	shalt  }
0x45: {  	_ =	shalt  }
0x46: {  	_ =	shalt  }
0x47: {  	_ =	shalt  }
0x48: {  	_ =	shalt  }
0x49: {  	_ =	shalt  }
0x4a: {  	_ =	shalt  }
0x4b: {  	_ =	shalt  }
0x4c: {  	_ =	shalt  }
0x4d: {  	_ =	shalt  }
0x4e: {  	_ =	shalt  }
0x4f: {  	_ =	shalt  }
0x50: {  	_ =	shalt  }
0x51: {  	_ =	shalt  }
0x52: {  	_ =	shalt  }
0x53: {  	_ =	shalt  }
0x54: {  	_ =	shalt  }
0x55: {  	_ =	shalt  }
0x56: {  	_ =	shalt  }
0x57: {  	_ =	shalt  }
0x58: {  	_ =	shalt  }
0x59: {  	_ =	shalt  }
0x5a: {  	_ =	shalt  }
0x5b: {  	_ =	shalt  }
0x5c: {  	_ =	shalt  }
0x5d: {  	_ =	shalt  }
0x5e: {  	_ =	shalt  }
0x5f: {  	_ =	shalt  }
0x60: {  	_ =	shalt  }
0x61: {  	_ =	shalt  }
0x62: {  	_ =	shalt  }
0x63: {  	_ =	shalt  }
0x64: {  	_ =	shalt  }
0x65: {  	_ =	shalt  }
0x66: {  	_ =	shalt  }
0x67: {  	_ =	shalt  }
0x68: {  	_ =	shalt  }
0x69: {  	_ =	shalt  }
0x6a: {  	_ =	shalt  }
0x6b: {  	_ =	shalt  }
0x6c: {  	_ =	shalt  }
0x6d: {  	_ =	shalt  }
0x6e: {  	_ =	shalt  }
0x6f: {  	_ =	shalt  }
0x70: {  	_ =	shalt  }
0x71: {  	_ =	shalt  }
0x72: {  	_ =	shalt  }
0x73: {  	_ =	shalt  }
0x74: {  	_ =	shalt  }
0x75: {  	_ =	shalt  }
0x76: {  	_ =	shalt  }
0x77: {  	_ =	shalt  }
0x78: {  	_ =	shalt  }
0x79: {  	_ =	shalt  }
0x7a: {  	_ =	shalt  }
0x7b: {  	_ =	shalt  }
0x7c: {  	_ =	shalt  }
0x7d: {  	_ =	shalt  }
0x7e: {  	_ =	shalt  }
0x7f: {  	_ =	shalt  }
0x80: {  	_ =	shalt  }
0x81: {  	_ =	shalt  }
0x82: {  	_ =	shalt  }
0x83: {  	_ =	shalt  }
0x84: {  	_ =	shalt  }
0x85: {  	_ =	shalt  }
0x86: {  	_ =	shalt  }
0x87: {  	_ =	shalt  }
.Lfunc_end0:
.L_simem_size_0:
called_computation_lowered:
.L_overlay_start_0:
0x88: {  	s2 =	sld [smem:$0x3FD9]  }
0x89: {  	s3 =	sld [smem:$0x3FFE];
	_ =	sdelay $0x1  }
0x8a: {  	s1 =	srdreg.scid  }
0x8b: {  	s0 =	sand.u32 $0x1, s1  }
0x8c: {  	s17 =	sshll.u32 s0, $0xA;
	s2 =	sadd.s32 s3, s2  }
0x8d: {  	s2 =	sadd.s32 s2, s17  }
0x8e: {  	[smem:$0x3FC1] =	sst s2  }
0x8f: {  	_ = 	snop  }
0x90: {  	s2 =	sld [smem:$0x3FD0];
	(tm) =	ssettm $0x1  }
0x91: {  	s18 =	sld [smem:$0x3FFB];
	_ =	sdelay $0x3  }
0x92: {  	_ =	strace s18  }
0x93: {  	s3 =	sld [smem:$0x3FFC];
	_ =	sdelay $0x3  }
0x94: {  	_ =	strace s3  }
0x95: {  	s3 =	sld [smem:$0x3FFD];
	_ =	sdelay $0x3  }
0x96: {  	_ =	strace s3  }
0x97: {  	_ =	strace $0x8FFFFFFF  }
0x98: {  	s19 =	sld [smem:$0x3FDB];
	_ =	sdelay $0x1  }
0x99: {  	s4 =	simm.s32 $_scs_section_size  }
0x9a: {  	s5 =	simm.s32 $_size__tile_overlayer_lowered;
	s6 =	simm.s32 $_tile_overlayer_lowered  }
0x9b: {  	s22 =	simm.s32 $0x1BFF;
	s21 =	sshll.u32 s6, $0x1;
	s3 =	sadd.s32 s4, s19  }
0x9c: {  	s7 =	simm.s32 $0x0;
	s20 =	sshll.u32 s5, $0x1;
	s5 =	sadd.s32 s21, s3  }
0x9d: {  	[timem:s7], [sflag:s22] =	dma.local [hbm:s5], s20  }
0x9e: {  	_ =	swait.ge [sflag:s22], s20  }
0x9f: {  	s4 =	ssub.s32 $0x0, s20;
	[sflag:s22] =	ssyncset.done $0x0  }
0xa0: {  	[sflag:s22] =	ssyncadd.s32 s4;
	_ =	sdelay $0x1  }
0xa1: {  	s23 =	simm.s32 $0x1B8B  }
0xa2: {  	_ =	swait.ge [sflag:s23], $0x1  }
0xa3: {  	[sflag:s23] =	ssyncset.done $0x0  }
0xa4: {  	s25 =	simm.s32 $0x1B8E;
	s24 =	sld [smem:$0x3FFE];
	[sflag:s23] =	ssyncadd.s32 $0xFFFFFFFF  }
0xa5: {  	s26 =	simm.s32 $execute0_lowered;
	[smem:$0x3FD2] =	sst s25  }
0xa6: {  	s5 =	sshll.u32 s26, $0x1;
	_ =	strace $0x80000046;
	[dreg:$0x1] =	wrdreg $0xFFFFFFFF  }
0xa7: {  	s28 =	simm.s32 $_size_execute0_lowered;
	s3 =	sadd.s32 s3, s5;
	[dreg:$0x0] =	wrdreg $0x0  }
0xa8: {  	s5 =	sshll.u32 s28, $0x1;
	[dreg:$0x2] =	wrdreg s3  }
0xa9: {  	[dreg:$0x3] =	wrdreg s5  }
0xaa: {  	[dreg:$0x4] =	wrdreg $0xC0  }
0xab: {  	_ =	task [dreg:s7], $0x5FFFF  }
0xac: {  	[dreg:$0x1] =	wrdreg $0xFFFFFFFF  }
0xad: {  	[dreg:$0x0] =	wrdreg $0x60  }
0xae: {  	[dreg:$0x2] =	wrdreg s24  }
0xaf: {  	[dreg:$0x3] =	wrdreg s2  }
0xb0: {  	[dreg:$0x4] =	wrdreg $0x0  }
0xb1: {  	[dreg:$0x5] =	wrdreg $0x9  }
0xb2: {  	_ =	task.clear_ibuf [dreg:s7], $0x6FFFF;
	_ =	strace $0x90000046  }
0xb3: {  	s29 =	simm.s32 $0x9;
	_ =	strace $0x80000048  }
0xb4: {  	_ =	swait.ge [sflag:s29], $0x1  }
0xb5: {  	[sflag:s29] =	ssyncadd.s32 $0xFFFFFFFF  }
0xb6: {  	_ =	strace $0x90000048  }
0xb7: {  	_ =	sfence  }
0xb8: {  	s30 =	sld [smem:$0x0];
	_ =	sdelay $0x2  }
0xb9: {  	s31 =	sshll.u32 s1, $0xD;
	s1 =	sshrl.u32 s1, $0x2  }
0xba: {  	s3 =	sand.u32 $0x4000, s31;
	s1 =	sadd.s32 s1, s30  }
0xbb: {  	s0 =	sor.u32 s3, s0;
	s1 =	sshll.u32 s1, $0x11  }
0xbc: {  	s0 =	sor.u32 s1, s0  }
0xbd: {  	s0 =	sadd.s32 $0x8F2B, s0  }
0xbe: {  	[sflag:s0] =	ssyncadd.remote.s32 $0x1  }
0xbf: {  	_ =	sfence.sel $0xFFFF  }
0xc0: {  	[dreg:$0x0] =	wrdreg $0xFFFFFFFF;
	(pc) =	sbr.abs _section_cstart, $3  }
0xc1: {  	[dreg:$0x1] =	wrdreg $0xFFFFFFFF  }
0xc2: {  	_ =	task.clear_ibuf [dreg:s7], $0x2FFFF;
	_ =	strace $0x9FFFFFFF  }
0xc3: {  	(tm) =	ssettm $0x7FFFFFFF  }
tec
execute0_lowered:
.L_overlay_start_1:
0x0: {  	(tag) =	ssettag $0x1  }
0x1: {  	s0 =	rddreg [dreg:$0x0]  }
0x2: {  	s1 =	rddreg [dreg:$0x1]  }
0x3: {  	s2 =	rddreg [dreg:$0x2];
	s3 =	simm.s32 $0x0;
	s8 =	srdreg.scid  }
0x4: {  	s15 =	stileid.u32;
	s22 =	simm.s32 $0x1BD80;
	s28 =	simm.s32 $0x19480  }
0x5: {  	s29 =	simm.s32 $0x1;
	[smem:$0x7FF] =	sst s3;
	s4 =	sadd.s32 $0x4C200, s0  }
0x6: {  	s5 =	sadd.s32 $0x33200, s0;
	s6 =	sadd.s32 $0x96200, s0;
	s7 =	sadd.s32 $0x1A200, s0  }
0x7: {  	s9 =	sadd.s32 $0x1200, s0;
	s10 =	sadd.s32 $0x7D200, s0;
	s11 =	sadd.s32 $0x142200, s0  }
0x8: {  	s8 =	sand.u32 $0x1, s8;
	s12 =	sadd.s32 $0x111200, s0;
	s14 =	smul.u32 $0x18800, s15  }
0x9: {  	s13 =	sadd.s32 $0xE0200, s0;
	s0 =	sadd.s32 $0xAF200, s0;
	s25 =	smul.u32 $0x62000, s15  }
0xa: {  	s16 =	smul.u32 $0xC800, s15;
	_ =	strace $0x80000047;
	[dreg:$0x4] =	wrdreg s12  }
0xb: {  	s23 =	ssub.s32 $0x2, s8;
	[dreg:$0x5] =	wrdreg s0;
	p0 =	seq.s32 s8, $0x1  }
0xc: {  	s24 =	sshrl.u32 s23, $0x1;
	s17 =	sshrl.u32 s14, $0x3;
	s18 =	sadd.s32 s14, s2  }
.Ltmp0:
0xd: {  	s31 =	sshrl.u32 s25, $0x2;
	s25 =	simm.s32 $0x18800;
	(pc) =	sbr.rel .LBB2_1-.Ltmp0, $4  }
0xe: {  	s0 =	ssub.s32 s23, s24;
	s26 =	sadd.s32 s11, s17;
	[dreg:$0x6] =	wrdreg s17  }
0xf: {  	s30 =	sadd.s32 s13, s17;
	s21 =	sadd.s32 s31, s2;
	[dreg:$0x7] =	wrdreg s26  }
0x10: {  	s23 =	simm.s32 $0x2;
	[dreg:$0x8] =	wrdreg s30;
	s0 =	smax.u32 s0, $0x1  }
0x11: {  	v0 =	vimm.f32 $0.0e+00;
	s24 =	simm.s32 $0x1A480;
	s26 =	simm.s32 $0x80;
	[dreg:$0x9] =	wrdreg s0  }
.LBB2_34:
0x12: {  	s8 =	rddreg [dreg:$0x6]  }
0x13: {  	[bflag:$0x0] =	sbarrier.arrive $0xFFFF;
	s20 =	sshrl.u32 s18, $0x3;
	s0 =	sadd.s32 s0, s8  }
0x14: {  	[hbm:s0], [sflag:s30] =	dma.local [spmem:s20], $0x3100  }
0x15: {  	_ =	swait.ge [sflag:s23], $0x3100  }
0x16: {  	s3 =	sadd.s32 $0x1, s3;
	s31 =	rddreg [dreg:$0x9]  }
0x17: {  	p1 =	sne.s32 s3, s31  }
.Ltmp1:
0x18: {  	_ = 	snop;
	(pc) =	sbr.rel @!p1 .LBB2_35-.Ltmp1, $3  }
0x19: {  	_ =	sdelay $0x1  }
0x1a: {  	[sflag:s23] =	ssyncset.done $0x0  }
0x1b: {  	[sflag:s23] =	ssyncadd.s32 $0xFFFFCF00  }
.LBB2_1:
0x1c: {  	s0 =	simm.s32 $0x0  }
.LBB2_2:
0x1d: {  	p1 =	sne.s32 s0, $0x3780  }
.Ltmp2:
0x1e: {  	_ = 	snop;
	(pc) =	sbr.rel @p1 .LBB2_2-.Ltmp2, $4  }
0x1f: {  	_ = 	snop  }
0x20: {  	s8 =	sshra.s32 s0, $0x2  }
0x21: {  	[tilespmem:s8+$0x1BD80] =	vst v0  }
0x22: {  	s0 =	sadd.s32 $0x80, s0;
	[tilespmem:s8+$0x1BD90] =	vst v0  }
0x23: {  	s0 =	sadd.s32 $0x0, s21  }
0x24: {  	[spmem:s0] =	stream.linear.scatter [tilespmem:s22], [sflag:$0x2], $0xE00, $0x38;
	[tilespmem:$0x1CB80] =	vst v63  }
0x25: {  	s0 =	simm.s32 $0x3800;
	_ =	swait.ge [sflag:s23], $0xE00  }
.LBB2_4:
0x26: {  	s8 =	sshra.s32 s0, $0x2;
	[sflag:s23] =	ssyncset.done $0x0;
	p1 =	sne.s32 s0, $0x5E800  }
.Ltmp3:
0x27: {  	s8 =	sadd.s32 s8, s21;
	[sflag:s23] =	ssyncadd.s32 $0xFFFFF200;
	(pc) =	sbr.rel @p1 .LBB2_4-.Ltmp3, $3  }
0x28: {  	[spmem:s8] =	stream.linear.scatter [tilespmem:s22], [sflag:$0x2], $0xE00, $0x38;
	[tilespmem:$0x1CB80] =	vst v63  }
0x29: {  	s0 =	sadd.s32 $0x3800, s0;
	_ =	sdelay $0x1  }
0x2a: {  	_ =	swait.ge [sflag:s23], $0xE00  }
.Ltmp4:
0x2b: {  	(pc) =	sbr.rel @!p0 .LBB2_6-.Ltmp4, $4  }
0x2c: {  	[sflag:s23] =	ssyncset.done $0x0  }
0x2d: {  	[sflag:s23] =	ssyncadd.s32 $0xFFFFF200  }
0x2e: {  	[bflag:$0x0] =	sbarrier.arrive $0xFFFF  }
0x2f: {  	s30 =	simm.s32 $0x0;
	s31 =	simm.s32 $0x0;
	s0 =	simm.s32 $0x0  }
.LBB2_20:
0x30: {  	s8 =	smul.u32 $0xC80, s0;
	_ =	sdelay $0x1  }
0x31: {  	s8 =	sadd.s32 s16, s8  }
0x32: {  	s8 =	sshrl.u32 s8, $0x3  }
0x33: {  	s12 =	sadd.s32 s7, s8  }
0x34: {  	[tilespmem:s24], [sflag:$0x2] =	stream.linear.gather [hbm4b:s12+s30], $0xC80, $0x38;
	[tilespmem:$0x1CB80] =	vst v63  }
0x35: {  	_ =	swait.ge [sflag:s23], $0xC80  }
0x36: {  	[sflag:s23] =	ssyncset.done $0x0  }
0x37: {  	s31 =	sadd.s32 s9, s8;
	[sflag:s23] =	ssyncadd.s32 $0xFFFFF380  }
0x38: {  	[tilespmem:s25], [sflag:$0x2] =	stream.linear.gather [hbm4b:s31+s30], $0xC80, $0x38;
	[tilespmem:$0x1CB80] =	vst v63  }
0x39: {  	_ =	swait.ge [sflag:s23], $0xC80  }
0x3a: {  	[sflag:s23] =	ssyncset.done $0x0  }
0x3b: {  	s17 =	simm.s32 $0x1B100;
	s8 =	sadd.s32 s10, s8;
	[sflag:s23] =	ssyncadd.s32 $0xFFFFF380  }
0x3c: {  	[tilespmem:s17], [sflag:$0x2] =	stream.linear.gather [hbm4b:s8+s30], $0xC80, $0x38;
	[tilespmem:$0x1CB80] =	vst v63  }
0x3d: {  	_ =	swait.ge [sflag:s23], $0xC80  }
0x3e: {  	[sflag:s23] =	ssyncset.done $0x0  }
0x3f: {  	s19 =	simm.s32 $0x0;
	[sflag:s23] =	ssyncadd.s32 $0xFFFFF380  }
.LBB2_21:
0x40: {  	s12 =	sshll.u32 s19, $0x7  }
0x41: {  	s8 =	sadd.s32 $0x1A480, s12  }
0x42: {  	[tilespmem:s28], [sflag:$0x1] =	stream.indirect.gather [hbm4b:s4+s26], $0x20, s8, s26, $0xb8;
	[tilespmem:$0x1CB80] =	vst v63  }
0x43: {  	_ =	swait.ge [sflag:s29], $0x1000  }
0x44: {  	[sflag:s29] =	ssyncset.done $0x0  }
0x45: {  	s14 =	simm.s32 $0x19580;
	[sflag:s29] =	ssyncadd.s32 $0xFFFFF000  }
0x46: {  	v7 =	vld [tilespmem:s14+$0xFFFFFFA0]  }
0x47: {  	v4 =	vld [tilespmem:s14+$0xFFFFFFF0]  }
0x48: {  	v1 =	vld [tilespmem:s14+$0xFFFFFF60]  }
0x49: {  	v5 =	vmov s17;
	v8 =	vld [tilespmem:s14+$0xFFFFFFD0]  }
0x4a: {  	v9 =	vld [tilespmem:s14+$0x80]  }
0x4b: {  	v12 =	vld [tilespmem:s14+$0xFFFFFF10]  }
0x4c: {  	v16 =	vld [tilespmem:s14+$0xE0]  }
0x4d: {  	s31 =	simm.s32 $0x0;
	v11 =	vld [tilespmem:s14+$0xFFFFFF40]  }
0x4e: {  	v2 =	vld.idx.msk [tilespmem:v5+s31+$0x0 ss:$0x1], $0xffff  }
0x4f: {  	v3 =	vld [tilespmem:s14+$0xFFFFFF90]  }
0x50: {  	v10 =	vld [tilespmem:s14+$0xFFFFFFC0]  }
0x51: {  	v13 =	vld [tilespmem:s14+$0xFFFFFF00]  }
0x52: {  	v14 =	vld [tilespmem:s14+$0xD0]  }
0x53: {  	v23 =	vld [tilespmem:s14+$0xC0]  }
0x54: {  	v21 =	vld [tilespmem:s14+$0x90];
	v19 =	vbroadcast v2, $0x0;
	v6 =	vbroadcast v2, $0xF  }
0x55: {  	v22 =	vld [tilespmem:s14+$0xFFFFFF50];
	v20 =	vbroadcast v2, $0x2;
	v18 =	vbroadcast v2, $0xE  }
0x56: {  	v17 =	vld [tilespmem:s14+$0xB0];
	v15 =	vbroadcast v2, $0xC;
	v25 =	vmul.f32 v19, v13  }
0x57: {  	s20 =	simm.s32 $0x19580;
	s8 =	simm.s32 $0x40;
	v13 =	vbroadcast v2, $0xD;
	v24 =	vmul.f32 v11, v20;
	v11 =	vld [tilespmem:s14+$0x60]  }
.LBB2_22:
0x58: {  	p1 =	sne.s32 s8, $0x1C0  }
0x59: {  	[tilespmem:s14+$0xFFFFFF00] =	vst v25;
	v25 =	vld [tilespmem:s14+$0xFFFFFFB0];
	v23 =	vmul.f32 v23, v18;
	v16 =	vmul.f32 v16, v6;
	s20 =	sadd.s32 $0x200, s20;
	s15 =	smov.u32 s8;
	s8 =	sadd.s32 $0x40, s8  }
0x5a: {  	[tilespmem:s14+$0xFFFFFF40] =	vst v24;
	v24 =	vbroadcast v2, $0xA;
	v21 =	vmul.f32 v21, v15;
	v26 =	vld [tilespmem:s14+$0xA0]  }
0x5b: {  	v12 =	vmul.f32 v12, v19;
	v19 =	vmul.f32 v22, v20;
	v20 =	vld [tilespmem:s14+$0x70];
	[tilespmem:s14+$0xE0] =	vst v16  }
0x5c: {  	v16 =	vbroadcast v2, $0x5;
	v22 =	vld [tilespmem:s14+$0xFFFFFFE0];
	v17 =	vmul.f32 v17, v13;
	[tilespmem:s14+$0xC0] =	vst v23  }
0x5d: {  	v14 =	vmul.f32 v14, v18;
	[tilespmem:s14+$0xFFFFFF10] =	vst v12;
	v12 =	vbroadcast v2, $0x6;
	v23 =	vld [tilespmem:s14+$0x40]  }
0x5e: {  	v27 =	vbroadcast v2, $0xB;
	v7 =	vmul.f32 v7, v16;
	v18 =	vld [tilespmem:s14+$0xFFFFFF20];
	[tilespmem:s14+$0x90] =	vst v21  }
0x5f: {  	v21 =	vbroadcast v2, $0x9;
	[tilespmem:s14+$0xFFFFFF50] =	vst v19;
	v19 =	vld [tilespmem:s14+$0x20];
	v13 =	vmul.f32 v26, v13  }
0x60: {  	v16 =	vmul.f32 v25, v16;
	v25 =	vld [tilespmem:s14+$0x50];
	v20 =	vmul.f32 v20, v27;
	[tilespmem:s14+$0xD0] =	vst v14  }
0x61: {  	v9 =	vmul.f32 v9, v15;
	v14 =	vbroadcast v2, $0x7;
	v26 =	vld [tilespmem:s14+$0x30];
	[tilespmem:s14+$0xA0] =	vst v13  }
0x62: {  	v10 =	vmul.f32 v10, v12;
	v13 =	vbroadcast v2, $0x3;
	v15 =	vld [tilespmem:s14+$0x0];
	[tilespmem:s14+$0x70] =	vst v20  }
0x63: {  	v11 =	vmul.f32 v11, v27;
	v8 =	vmul.f32 v8, v12;
	v12 =	vld [tilespmem:s14+$0x10];
	[tilespmem:s14+$0x80] =	vst v9  }
0x64: {  	v20 =	vbroadcast v2, $0x8;
	v23 =	vmul.f32 v23, v24;
	v9 =	vld [tilespmem:s14+$0xFFFFFF30];
	[tilespmem:s14+$0xB0] =	vst v17  }
0x65: {  	v17 =	vbroadcast v2, $0x1;
	v27 =	vld [tilespmem:s14+$0xFFFFFF70];
	[tilespmem:s14+$0xFFFFFFD0] =	vst v8;
	v24 =	vmul.f32 v25, v24  }
0x66: {  	v4 =	vmul.f32 v4, v14;
	v8 =	vmul.f32 v22, v14;
	[tilespmem:s14+$0xFFFFFFC0] =	vst v10;
	v10 =	vld [tilespmem:s14+$0xF0]  }
0x67: {  	v22 =	vmul.f32 v26, v21;
	v14 =	vld [tilespmem:s14+$0xFFFFFF80];
	[tilespmem:s14+$0xFFFFFFA0] =	vst v7;
	v15 =	vmul.f32 v15, v20  }
0x68: {  	v7 =	vld [tilespmem:s20+$0xFFFFFFA0];
	[tilespmem:s14+$0xFFFFFFF0] =	vst v4;
	v20 =	vmul.f32 v12, v20;
	v12 =	vmul.f32 v19, v21  }
0x69: {  	v4 =	vmul.f32 v18, v17;
	v17 =	vmul.f32 v9, v17;
	[tilespmem:s14+$0x60] =	vst v11  }
0x6a: {  	v1 =	vmul.f32 v1, v13;
	v9 =	vmul.f32 v27, v13;
	[tilespmem:s14+$0xFFFFFFB0] =	vst v16  }
0x6b: {  	v2 =	vbroadcast v2, $0x4;
	[tilespmem:s14+$0xFFFFFF20] =	vst v4;
	v4 =	vmul.f32 v10, v6  }
0x6c: {  	[tilespmem:s14+$0xFFFFFF60] =	vst v1  }
0x6d: {  	v6 =	vmul.f32 v14, v2;
	v1 =	vmul.f32 v3, v2;
	[tilespmem:s14+$0x40] =	vst v23  }
0x6e: {  	[tilespmem:s14+$0xFFFFFFE0] =	vst v8  }
0x6f: {  	[tilespmem:s14+$0xF0] =	vst v4  }
0x70: {  	[tilespmem:s14+$0xFFFFFF90] =	vst v1  }
0x71: {  	[tilespmem:s14+$0xFFFFFF70] =	vst v9  }
0x72: {  	v4 =	vld [tilespmem:s20+$0xFFFFFFF0];
	[tilespmem:s14+$0x20] =	vst v12  }
0x73: {  	v1 =	vld [tilespmem:s20+$0xFFFFFF60];
	[tilespmem:s14+$0x30] =	vst v22  }
0x74: {  	v8 =	vld [tilespmem:s20+$0xFFFFFFD0];
	[tilespmem:s14+$0xFFFFFF80] =	vst v6  }
0x75: {  	v9 =	vld [tilespmem:s20+$0x80];
	[tilespmem:s14+$0x50] =	vst v24  }
0x76: {  	v12 =	vld [tilespmem:s20+$0xFFFFFF10];
	[tilespmem:s14+$0x0] =	vst v15  }
0x77: {  	v16 =	vld [tilespmem:s20+$0xE0];
	[tilespmem:s14+$0xFFFFFF30] =	vst v17  }
0x78: {  	s15 =	sshra.s32 s15, $0x2;
	v11 =	vld [tilespmem:s20+$0xFFFFFF40];
	[tilespmem:s14+$0x10] =	vst v20;
	s14 =	smov.u32 s20  }
0x79: {  	v2 =	vld.idx.msk [tilespmem:v5+s15+$0x0 ss:$0x1], $0xffff  }
0x7a: {  	v3 =	vld [tilespmem:s20+$0xFFFFFF90]  }
0x7b: {  	v10 =	vld [tilespmem:s20+$0xFFFFFFC0]  }
0x7c: {  	v13 =	vld [tilespmem:s20+$0xFFFFFF00]  }
0x7d: {  	v14 =	vld [tilespmem:s20+$0xD0]  }
.Ltmp5:
0x7e: {  	v23 =	vld [tilespmem:s20+$0xC0];
	(pc) =	sbr.rel @p1 .LBB2_22-.Ltmp5, $4  }
0x7f: {  	v19 =	vbroadcast v2, $0x0;
	v6 =	vbroadcast v2, $0xF;
	v21 =	vld [tilespmem:s20+$0x90]  }
0x80: {  	v20 =	vbroadcast v2, $0x2;
	v18 =	vbroadcast v2, $0xE;
	v22 =	vld [tilespmem:s20+$0xFFFFFF50]  }
0x81: {  	v25 =	vmul.f32 v19, v13;
	v13 =	vbroadcast v2, $0xD;
	v17 =	vld [tilespmem:s20+$0xB0]  }
0x82: {  	v15 =	vbroadcast v2, $0xC;
	v24 =	vmul.f32 v11, v20;
	v11 =	vld [tilespmem:s20+$0x60]  }
0x83: {  	[tilespmem:s14+$0xFFFFFF00] =	vst v25;
	v5 =	vmul.f32 v16, v6  }
0x84: {  	v30 =	vmul.f32 v23, v18;
	[tilespmem:s14+$0xFFFFFF40] =	vst v24  }
0x85: {  	v12 =	vmul.f32 v12, v19;
	[tilespmem:s14+$0xE0] =	vst v5  }
0x86: {  	v35 =	vmul.f32 v14, v18;
	[tilespmem:s14+$0xC0] =	vst v30  }
0x87: {  	v33 =	vmul.f32 v21, v15;
	[tilespmem:s14+$0xFFFFFF10] =	vst v12  }
0x88: {  	v41 =	vbroadcast v2, $0x6;
	v9 =	vmul.f32 v9, v15;
	[tilespmem:s14+$0xD0] =	vst v35  }
0x89: {  	v20 =	vmul.f32 v22, v20;
	[tilespmem:s14+$0x90] =	vst v33  }
0x8a: {  	v45 =	vbroadcast v2, $0x5;
	v8 =	vmul.f32 v8, v41;
	[tilespmem:s14+$0x80] =	vst v9  }
0x8b: {  	v47 =	vbroadcast v2, $0x7;
	v10 =	vmul.f32 v10, v41;
	[tilespmem:s14+$0xFFFFFF50] =	vst v20  }
0x8c: {  	v54 =	vbroadcast v2, $0x3;
	v7 =	vmul.f32 v7, v45;
	[tilespmem:s14+$0xFFFFFFD0] =	vst v8  }
0x8d: {  	v31 =	vld [tilespmem:s14+$0xA0];
	v59 =	vbroadcast v2, $0x4;
	v4 =	vmul.f32 v4, v47;
	[tilespmem:s14+$0xFFFFFFC0] =	vst v10  }
0x8e: {  	v32 =	vld [tilespmem:s14+$0x70];
	v1 =	vmul.f32 v1, v54;
	[tilespmem:s14+$0xFFFFFFA0] =	vst v7  }
0x8f: {  	v34 =	vld [tilespmem:s14+$0xFFFFFFB0];
	v37 =	vbroadcast v2, $0xB;
	v3 =	vmul.f32 v3, v59;
	[tilespmem:s14+$0xFFFFFFF0] =	vst v4  }
0x90: {  	v36 =	vld [tilespmem:s14+$0xFFFFFF20];
	v43 =	vmul.f32 v17, v13;
	[tilespmem:s14+$0xFFFFFF60] =	vst v1  }
0x91: {  	v40 =	vld [tilespmem:s14+$0x40];
	v11 =	vmul.f32 v11, v37;
	[tilespmem:s14+$0xFFFFFF90] =	vst v3  }
0x92: {  	v38 =	vld [tilespmem:s14+$0xFFFFFFE0];
	v39 =	vmul.f32 v31, v13;
	[tilespmem:s14+$0xB0] =	vst v43  }
0x93: {  	v52 =	vbroadcast v2, $0x1;
	v55 =	vld [tilespmem:s14+$0xF0];
	v19 =	vmul.f32 v32, v37;
	[tilespmem:s14+$0x60] =	vst v11  }
0x94: {  	v49 =	vld [tilespmem:s14+$0xFFFFFF70];
	v56 =	vbroadcast v2, $0xA;
	v53 =	vmul.f32 v34, v45;
	[tilespmem:s14+$0xA0] =	vst v39  }
0x95: {  	v46 =	vld [tilespmem:s14+$0x30];
	v14 =	vmul.f32 v36, v52;
	[tilespmem:s14+$0x70] =	vst v19  }
0x96: {  	v50 =	vld [tilespmem:s14+$0xFFFFFF80];
	v58 =	vmul.f32 v40, v56;
	[tilespmem:s14+$0xFFFFFFB0] =	vst v53  }
0x97: {  	v44 =	vld [tilespmem:s14+$0x20];
	v5 =	vmul.f32 v38, v47;
	[tilespmem:s14+$0xFFFFFF20] =	vst v14  }
0x98: {  	v57 =	vld [tilespmem:s14+$0xFFFFFF30];
	v60 =	vbroadcast v2, $0x9;
	v1 =	vmul.f32 v55, v6;
	[tilespmem:s14+$0x40] =	vst v58  }
0x99: {  	v42 =	vld [tilespmem:s14+$0x50];
	v61 =	vmul.f32 v49, v54;
	[tilespmem:s14+$0xFFFFFFE0] =	vst v5  }
0x9a: {  	v48 =	vld [tilespmem:s14+$0x0];
	v3 =	vmul.f32 v46, v60;
	[tilespmem:s14+$0xF0] =	vst v1  }
0x9b: {  	v51 =	vld [tilespmem:s14+$0x10];
	v62 =	vmul.f32 v50, v59;
	[tilespmem:s14+$0xFFFFFF70] =	vst v61  }
0x9c: {  	v1 =	vmul.f32 v44, v60;
	[tilespmem:s14+$0x30] =	vst v3  }
0x9d: {  	v2 =	vbroadcast v2, $0x8;
	v63 =	vmul.f32 v57, v52;
	[tilespmem:s14+$0xFFFFFF80] =	vst v62  }
0x9e: {  	[tilespmem:s14+$0x20] =	vst v1;
	v1 =	vmul.f32 v42, v56  }
0x9f: {  	v3 =	vmul.f32 v48, v2;
	[tilespmem:s14+$0xFFFFFF30] =	vst v63  }
0xa0: {  	s19 =	sadd.s32 $0x1, s19;
	[tilespmem:s14+$0x50] =	vst v1;
	v1 =	vmul.f32 v51, v2  }
0xa1: {  	p1 =	sne.s32 s19, $0x19;
	[tilespmem:s14+$0x0] =	vst v3  }
.Ltmp6:
0xa2: {  	s8 =	sadd.s32 $0x18800, s12;
	[tilespmem:s14+$0x10] =	vst v1;
	(pc) =	sbr.rel @p1 .LBB2_21-.Ltmp6, $4  }
0xa3: {  	[spmem:s2] =	stream.indirect.scatter.add.f32 [tilespmem:s28], [sflag:$0x2], $0x20, s8, s26, $0xb8;
	[tilespmem:$0x1CB80] =	vst v63  }
0xa4: {  	_ =	swait.ge [sflag:s23], $0x1000  }
0xa5: {  	[sflag:s23] =	ssyncset.done $0x0  }
0xa6: {  	s17 =	sadd.s32 $0x80, s17;
	[sflag:s23] =	ssyncadd.s32 $0xFFFFF000  }
0xa7: {  	s0 =	sadd.s32 $0x1, s0  }
0xa8: {  	p1 =	sne.s32 s0, $0x10  }
.Ltmp7:
0xa9: {  	_ = 	snop;
	(pc) =	sbr.rel @p1 .LBB2_20-.Ltmp7, $1  }
0xaa: {  	_ =	sdelay $0x3  }
0xab: {  	s0 =	stileid.u32  }
0xac: {  	[bflag:$0x0] =	sbarrier.arrive $0xFFFF;
	s0 =	sshll.u32 s0, $0x6  }
0xad: {  	s20 =	sshrl.u32 s18, $0x3;
	s8 =	rddreg [dreg:$0x8];
	s30 =	sor.u32 $0x1C02, s0  }
0xae: {  	[hbm:s8], [sflag:s30] =	dma.local [spmem:s20], $0x3100  }
0xaf: {  	_ =	swait.ge [sflag:s23], $0x3100  }
0xb0: {  	[sflag:s23] =	ssyncset.done $0x0  }
0xb1: {  	s31 =	sadd.s32 $0x0, s21;
	[sflag:s23] =	ssyncadd.s32 $0xFFFFCF00  }
0xb2: {  	[spmem:s31] =	stream.linear.scatter [tilespmem:s22], [sflag:$0x2], $0xE00, $0x38;
	[tilespmem:$0x1CB80] =	vst v63  }
0xb3: {  	s0 =	simm.s32 $0x3800;
	_ =	swait.ge [sflag:s23], $0xE00  }
.LBB2_26:
0xb4: {  	s8 =	sshra.s32 s0, $0x2;
	[sflag:s23] =	ssyncset.done $0x0;
	p1 =	sne.s32 s0, $0x5E800  }
.Ltmp8:
0xb5: {  	s8 =	sadd.s32 s8, s21;
	[sflag:s23] =	ssyncadd.s32 $0xFFFFF200;
	(pc) =	sbr.rel @p1 .LBB2_26-.Ltmp8, $3  }
0xb6: {  	[spmem:s8] =	stream.linear.scatter [tilespmem:s22], [sflag:$0x2], $0xE00, $0x38;
	[tilespmem:$0x1CB80] =	vst v63  }
0xb7: {  	s0 =	sadd.s32 $0x3800, s0;
	_ =	sdelay $0x1  }
0xb8: {  	_ =	swait.ge [sflag:s23], $0xE00  }
0xb9: {  	[sflag:s23] =	ssyncset.done $0x0  }
0xba: {  	[sflag:s23] =	ssyncadd.s32 $0xFFFFF200  }
0xbb: {  	s0 =	simm.s32 $0x0;
	s31 =	simm.s32 $0x0;
	[bflag:$0x0] =	sbarrier.arrive $0xFFFF  }
.LBB2_28:
0xbc: {  	s8 =	smul.u32 $0xC80, s31;
	_ =	sdelay $0x1  }
0xbd: {  	s8 =	sadd.s32 s16, s8  }
0xbe: {  	s8 =	sshrl.u32 s8, $0x3  }
0xbf: {  	s12 =	sadd.s32 s7, s8  }
0xc0: {  	[tilespmem:s24], [sflag:$0x2] =	stream.linear.gather [hbm4b:s12+s0], $0xC80, $0x38;
	[tilespmem:$0x1CB80] =	vst v63  }
0xc1: {  	_ =	swait.ge [sflag:s23], $0xC80  }
0xc2: {  	[sflag:s23] =	ssyncset.done $0x0  }
0xc3: {  	s20 =	sadd.s32 s9, s8;
	[sflag:s23] =	ssyncadd.s32 $0xFFFFF380  }
0xc4: {  	[tilespmem:s25], [sflag:$0x2] =	stream.linear.gather [hbm4b:s20+s0], $0xC80, $0x38;
	[tilespmem:$0x1CB80] =	vst v63  }
0xc5: {  	_ =	swait.ge [sflag:s23], $0xC80  }
0xc6: {  	[sflag:s23] =	ssyncset.done $0x0  }
0xc7: {  	s17 =	simm.s32 $0x1B100;
	s8 =	sadd.s32 s10, s8;
	[sflag:s23] =	ssyncadd.s32 $0xFFFFF380  }
0xc8: {  	[tilespmem:s17], [sflag:$0x2] =	stream.linear.gather [hbm4b:s8+s0], $0xC80, $0x38;
	[tilespmem:$0x1CB80] =	vst v63  }
0xc9: {  	_ =	swait.ge [sflag:s23], $0xC80  }
0xca: {  	[sflag:s23] =	ssyncset.done $0x0  }
0xcb: {  	s19 =	simm.s32 $0x0;
	[sflag:s23] =	ssyncadd.s32 $0xFFFFF380  }
.LBB2_29:
0xcc: {  	s12 =	sshll.u32 s19, $0x7  }
0xcd: {  	s8 =	sadd.s32 $0x1A480, s12  }
0xce: {  	[tilespmem:s28], [sflag:$0x1] =	stream.indirect.gather [hbm4b:s13+s26], $0x20, s8, s26, $0xb8;
	[tilespmem:$0x1CB80] =	vst v63  }
0xcf: {  	_ =	swait.ge [sflag:s29], $0x1000  }
0xd0: {  	[sflag:s29] =	ssyncset.done $0x0  }
0xd1: {  	s14 =	simm.s32 $0x19580;
	[sflag:s29] =	ssyncadd.s32 $0xFFFFF000  }
0xd2: {  	v7 =	vld [tilespmem:s14+$0xFFFFFFA0]  }
0xd3: {  	v4 =	vld [tilespmem:s14+$0xFFFFFFF0]  }
0xd4: {  	v1 =	vld [tilespmem:s14+$0xFFFFFF60]  }
0xd5: {  	v5 =	vmov s17;
	v8 =	vld [tilespmem:s14+$0xFFFFFFD0]  }
0xd6: {  	v9 =	vld [tilespmem:s14+$0x80]  }
0xd7: {  	v12 =	vld [tilespmem:s14+$0xFFFFFF10]  }
0xd8: {  	v16 =	vld [tilespmem:s14+$0xE0]  }
0xd9: {  	s20 =	simm.s32 $0x0;
	v11 =	vld [tilespmem:s14+$0xFFFFFF40]  }
0xda: {  	v2 =	vld.idx.msk [tilespmem:v5+s20+$0x0 ss:$0x1], $0xffff  }
0xdb: {  	v3 =	vld [tilespmem:s14+$0xFFFFFF90]  }
0xdc: {  	v10 =	vld [tilespmem:s14+$0xFFFFFFC0]  }
0xdd: {  	v13 =	vld [tilespmem:s14+$0xFFFFFF00]  }
0xde: {  	v14 =	vld [tilespmem:s14+$0xD0]  }
0xdf: {  	v23 =	vld [tilespmem:s14+$0xC0]  }
0xe0: {  	v21 =	vld [tilespmem:s14+$0x90];
	v19 =	vbroadcast v2, $0x0;
	v6 =	vbroadcast v2, $0xF  }
0xe1: {  	v22 =	vld [tilespmem:s14+$0xFFFFFF50];
	v20 =	vbroadcast v2, $0x2;
	v18 =	vbroadcast v2, $0xE  }
0xe2: {  	v17 =	vld [tilespmem:s14+$0xB0];
	v15 =	vbroadcast v2, $0xC;
	v25 =	vmul.f32 v19, v13  }
0xe3: {  	s8 =	simm.s32 $0x40;
	s20 =	simm.s32 $0x19580;
	v13 =	vbroadcast v2, $0xD;
	v24 =	vmul.f32 v11, v20;
	v11 =	vld [tilespmem:s14+$0x60]  }
.LBB2_30:
0xe4: {  	p1 =	sne.s32 s8, $0x1C0  }
0xe5: {  	[tilespmem:s14+$0xFFFFFF00] =	vst v25;
	v25 =	vld [tilespmem:s14+$0xFFFFFFB0];
	v23 =	vmul.f32 v23, v18;
	v16 =	vmul.f32 v16, v6;
	s20 =	sadd.s32 $0x200, s20;
	s15 =	smov.u32 s8;
	s8 =	sadd.s32 $0x40, s8  }
0xe6: {  	[tilespmem:s14+$0xFFFFFF40] =	vst v24;
	v24 =	vbroadcast v2, $0xA;
	v21 =	vmul.f32 v21, v15;
	v26 =	vld [tilespmem:s14+$0xA0]  }
0xe7: {  	v12 =	vmul.f32 v12, v19;
	v19 =	vmul.f32 v22, v20;
	v20 =	vld [tilespmem:s14+$0x70];
	[tilespmem:s14+$0xE0] =	vst v16  }
0xe8: {  	v16 =	vbroadcast v2, $0x5;
	v22 =	vld [tilespmem:s14+$0xFFFFFFE0];
	v17 =	vmul.f32 v17, v13;
	[tilespmem:s14+$0xC0] =	vst v23  }
0xe9: {  	v14 =	vmul.f32 v14, v18;
	[tilespmem:s14+$0xFFFFFF10] =	vst v12;
	v12 =	vbroadcast v2, $0x6;
	v23 =	vld [tilespmem:s14+$0x40]  }
0xea: {  	v27 =	vbroadcast v2, $0xB;
	v7 =	vmul.f32 v7, v16;
	v18 =	vld [tilespmem:s14+$0xFFFFFF20];
	[tilespmem:s14+$0x90] =	vst v21  }
0xeb: {  	v21 =	vbroadcast v2, $0x9;
	[tilespmem:s14+$0xFFFFFF50] =	vst v19;
	v19 =	vld [tilespmem:s14+$0x20];
	v13 =	vmul.f32 v26, v13  }
0xec: {  	v16 =	vmul.f32 v25, v16;
	v25 =	vld [tilespmem:s14+$0x50];
	v20 =	vmul.f32 v20, v27;
	[tilespmem:s14+$0xD0] =	vst v14  }
0xed: {  	v9 =	vmul.f32 v9, v15;
	v14 =	vbroadcast v2, $0x7;
	v26 =	vld [tilespmem:s14+$0x30];
	[tilespmem:s14+$0xA0] =	vst v13  }
0xee: {  	v10 =	vmul.f32 v10, v12;
	v13 =	vbroadcast v2, $0x3;
	v15 =	vld [tilespmem:s14+$0x0];
	[tilespmem:s14+$0x70] =	vst v20  }
0xef: {  	v11 =	vmul.f32 v11, v27;
	v8 =	vmul.f32 v8, v12;
	v12 =	vld [tilespmem:s14+$0x10];
	[tilespmem:s14+$0x80] =	vst v9  }
0xf0: {  	v20 =	vbroadcast v2, $0x8;
	v23 =	vmul.f32 v23, v24;
	v9 =	vld [tilespmem:s14+$0xFFFFFF30];
	[tilespmem:s14+$0xB0] =	vst v17  }
0xf1: {  	v17 =	vbroadcast v2, $0x1;
	v27 =	vld [tilespmem:s14+$0xFFFFFF70];
	[tilespmem:s14+$0xFFFFFFD0] =	vst v8;
	v24 =	vmul.f32 v25, v24  }
0xf2: {  	v4 =	vmul.f32 v4, v14;
	v8 =	vmul.f32 v22, v14;
	[tilespmem:s14+$0xFFFFFFC0] =	vst v10;
	v10 =	vld [tilespmem:s14+$0xF0]  }
0xf3: {  	v22 =	vmul.f32 v26, v21;
	v14 =	vld [tilespmem:s14+$0xFFFFFF80];
	[tilespmem:s14+$0xFFFFFFA0] =	vst v7;
	v15 =	vmul.f32 v15, v20  }
0xf4: {  	v7 =	vld [tilespmem:s20+$0xFFFFFFA0];
	[tilespmem:s14+$0xFFFFFFF0] =	vst v4;
	v20 =	vmul.f32 v12, v20;
	v12 =	vmul.f32 v19, v21  }
0xf5: {  	v4 =	vmul.f32 v18, v17;
	v17 =	vmul.f32 v9, v17;
	[tilespmem:s14+$0x60] =	vst v11  }
0xf6: {  	v1 =	vmul.f32 v1, v13;
	v9 =	vmul.f32 v27, v13;
	[tilespmem:s14+$0xFFFFFFB0] =	vst v16  }
0xf7: {  	v2 =	vbroadcast v2, $0x4;
	[tilespmem:s14+$0xFFFFFF20] =	vst v4;
	v4 =	vmul.f32 v10, v6  }
0xf8: {  	[tilespmem:s14+$0xFFFFFF60] =	vst v1  }
0xf9: {  	v6 =	vmul.f32 v14, v2;
	v1 =	vmul.f32 v3, v2;
	[tilespmem:s14+$0x40] =	vst v23  }
0xfa: {  	[tilespmem:s14+$0xFFFFFFE0] =	vst v8  }
0xfb: {  	[tilespmem:s14+$0xF0] =	vst v4  }
0xfc: {  	[tilespmem:s14+$0xFFFFFF90] =	vst v1  }
0xfd: {  	[tilespmem:s14+$0xFFFFFF70] =	vst v9  }
0xfe: {  	v4 =	vld [tilespmem:s20+$0xFFFFFFF0];
	[tilespmem:s14+$0x20] =	vst v12  }
0xff: {  	v1 =	vld [tilespmem:s20+$0xFFFFFF60];
	[tilespmem:s14+$0x30] =	vst v22  }
0x100: {  	v8 =	vld [tilespmem:s20+$0xFFFFFFD0];
	[tilespmem:s14+$0xFFFFFF80] =	vst v6  }
0x101: {  	v9 =	vld [tilespmem:s20+$0x80];
	[tilespmem:s14+$0x50] =	vst v24  }
0x102: {  	v12 =	vld [tilespmem:s20+$0xFFFFFF10];
	[tilespmem:s14+$0x0] =	vst v15  }
0x103: {  	v16 =	vld [tilespmem:s20+$0xE0];
	[tilespmem:s14+$0xFFFFFF30] =	vst v17  }
0x104: {  	s15 =	sshra.s32 s15, $0x2;
	v11 =	vld [tilespmem:s20+$0xFFFFFF40];
	[tilespmem:s14+$0x10] =	vst v20;
	s14 =	smov.u32 s20  }
0x105: {  	v2 =	vld.idx.msk [tilespmem:v5+s15+$0x0 ss:$0x1], $0xffff  }
0x106: {  	v3 =	vld [tilespmem:s20+$0xFFFFFF90]  }
0x107: {  	v10 =	vld [tilespmem:s20+$0xFFFFFFC0]  }
0x108: {  	v13 =	vld [tilespmem:s20+$0xFFFFFF00]  }
0x109: {  	v14 =	vld [tilespmem:s20+$0xD0]  }
.Ltmp9:
0x10a: {  	v23 =	vld [tilespmem:s20+$0xC0];
	(pc) =	sbr.rel @p1 .LBB2_30-.Ltmp9, $4  }
0x10b: {  	v19 =	vbroadcast v2, $0x0;
	v6 =	vbroadcast v2, $0xF;
	v21 =	vld [tilespmem:s20+$0x90]  }
0x10c: {  	v20 =	vbroadcast v2, $0x2;
	v18 =	vbroadcast v2, $0xE;
	v22 =	vld [tilespmem:s20+$0xFFFFFF50]  }
0x10d: {  	v25 =	vmul.f32 v19, v13;
	v13 =	vbroadcast v2, $0xD;
	v17 =	vld [tilespmem:s20+$0xB0]  }
0x10e: {  	v15 =	vbroadcast v2, $0xC;
	v24 =	vmul.f32 v11, v20;
	v11 =	vld [tilespmem:s20+$0x60]  }
0x10f: {  	[tilespmem:s14+$0xFFFFFF00] =	vst v25;
	v5 =	vmul.f32 v16, v6  }
0x110: {  	v30 =	vmul.f32 v23, v18;
	[tilespmem:s14+$0xFFFFFF40] =	vst v24  }
0x111: {  	v12 =	vmul.f32 v12, v19;
	[tilespmem:s14+$0xE0] =	vst v5  }
0x112: {  	v35 =	vmul.f32 v14, v18;
	[tilespmem:s14+$0xC0] =	vst v30  }
0x113: {  	v33 =	vmul.f32 v21, v15;
	[tilespmem:s14+$0xFFFFFF10] =	vst v12  }
0x114: {  	v41 =	vbroadcast v2, $0x6;
	v9 =	vmul.f32 v9, v15;
	[tilespmem:s14+$0xD0] =	vst v35  }
0x115: {  	v20 =	vmul.f32 v22, v20;
	[tilespmem:s14+$0x90] =	vst v33  }
0x116: {  	v45 =	vbroadcast v2, $0x5;
	v8 =	vmul.f32 v8, v41;
	[tilespmem:s14+$0x80] =	vst v9  }
0x117: {  	v47 =	vbroadcast v2, $0x7;
	v10 =	vmul.f32 v10, v41;
	[tilespmem:s14+$0xFFFFFF50] =	vst v20  }
0x118: {  	v54 =	vbroadcast v2, $0x3;
	v7 =	vmul.f32 v7, v45;
	[tilespmem:s14+$0xFFFFFFD0] =	vst v8  }
0x119: {  	v31 =	vld [tilespmem:s14+$0xA0];
	v59 =	vbroadcast v2, $0x4;
	v4 =	vmul.f32 v4, v47;
	[tilespmem:s14+$0xFFFFFFC0] =	vst v10  }
0x11a: {  	v32 =	vld [tilespmem:s14+$0x70];
	v1 =	vmul.f32 v1, v54;
	[tilespmem:s14+$0xFFFFFFA0] =	vst v7  }
0x11b: {  	v34 =	vld [tilespmem:s14+$0xFFFFFFB0];
	v37 =	vbroadcast v2, $0xB;
	v3 =	vmul.f32 v3, v59;
	[tilespmem:s14+$0xFFFFFFF0] =	vst v4  }
0x11c: {  	v36 =	vld [tilespmem:s14+$0xFFFFFF20];
	v43 =	vmul.f32 v17, v13;
	[tilespmem:s14+$0xFFFFFF60] =	vst v1  }
0x11d: {  	v40 =	vld [tilespmem:s14+$0x40];
	v11 =	vmul.f32 v11, v37;
	[tilespmem:s14+$0xFFFFFF90] =	vst v3  }
0x11e: {  	v38 =	vld [tilespmem:s14+$0xFFFFFFE0];
	v39 =	vmul.f32 v31, v13;
	[tilespmem:s14+$0xB0] =	vst v43  }
0x11f: {  	v52 =	vbroadcast v2, $0x1;
	v55 =	vld [tilespmem:s14+$0xF0];
	v19 =	vmul.f32 v32, v37;
	[tilespmem:s14+$0x60] =	vst v11  }
0x120: {  	v49 =	vld [tilespmem:s14+$0xFFFFFF70];
	v56 =	vbroadcast v2, $0xA;
	v53 =	vmul.f32 v34, v45;
	[tilespmem:s14+$0xA0] =	vst v39  }
0x121: {  	v46 =	vld [tilespmem:s14+$0x30];
	v14 =	vmul.f32 v36, v52;
	[tilespmem:s14+$0x70] =	vst v19  }
0x122: {  	v50 =	vld [tilespmem:s14+$0xFFFFFF80];
	v58 =	vmul.f32 v40, v56;
	[tilespmem:s14+$0xFFFFFFB0] =	vst v53  }
0x123: {  	v44 =	vld [tilespmem:s14+$0x20];
	v5 =	vmul.f32 v38, v47;
	[tilespmem:s14+$0xFFFFFF20] =	vst v14  }
0x124: {  	v57 =	vld [tilespmem:s14+$0xFFFFFF30];
	v60 =	vbroadcast v2, $0x9;
	v1 =	vmul.f32 v55, v6;
	[tilespmem:s14+$0x40] =	vst v58  }
0x125: {  	v42 =	vld [tilespmem:s14+$0x50];
	v61 =	vmul.f32 v49, v54;
	[tilespmem:s14+$0xFFFFFFE0] =	vst v5  }
0x126: {  	v48 =	vld [tilespmem:s14+$0x0];
	v3 =	vmul.f32 v46, v60;
	[tilespmem:s14+$0xF0] =	vst v1  }
0x127: {  	v51 =	vld [tilespmem:s14+$0x10];
	v62 =	vmul.f32 v50, v59;
	[tilespmem:s14+$0xFFFFFF70] =	vst v61  }
0x128: {  	v1 =	vmul.f32 v44, v60;
	[tilespmem:s14+$0x30] =	vst v3  }
0x129: {  	v2 =	vbroadcast v2, $0x8;
	v63 =	vmul.f32 v57, v52;
	[tilespmem:s14+$0xFFFFFF80] =	vst v62  }
0x12a: {  	[tilespmem:s14+$0x20] =	vst v1;
	v1 =	vmul.f32 v42, v56  }
0x12b: {  	v3 =	vmul.f32 v48, v2;
	[tilespmem:s14+$0xFFFFFF30] =	vst v63  }
0x12c: {  	s19 =	sadd.s32 $0x1, s19;
	[tilespmem:s14+$0x50] =	vst v1;
	v1 =	vmul.f32 v51, v2  }
0x12d: {  	p1 =	sne.s32 s19, $0x19;
	[tilespmem:s14+$0x0] =	vst v3  }
.Ltmp10:
0x12e: {  	s8 =	sadd.s32 $0x18800, s12;
	[tilespmem:s14+$0x10] =	vst v1;
	(pc) =	sbr.rel @p1 .LBB2_29-.Ltmp10, $4  }
0x12f: {  	[spmem:s2] =	stream.indirect.scatter.add.f32 [tilespmem:s28], [sflag:$0x2], $0x20, s8, s26, $0xb8;
	[tilespmem:$0x1CB80] =	vst v63  }
0x130: {  	_ =	swait.ge [sflag:s23], $0x1000  }
0x131: {  	[sflag:s23] =	ssyncset.done $0x0  }
0x132: {  	s17 =	sadd.s32 $0x80, s17;
	[sflag:s23] =	ssyncadd.s32 $0xFFFFF000  }
0x133: {  	s31 =	sadd.s32 $0x1, s31  }
0x134: {  	p1 =	sne.s32 s31, $0x10  }
.Ltmp11:
0x135: {  	_ = 	snop;
	(pc) =	sbr.rel @p1 .LBB2_28-.Ltmp11, $1  }
0x136: {  	_ =	sdelay $0x3  }
.Ltmp12:
0x137: {  	(pc) =	sbr.rel .LBB2_34-.Ltmp12, $2  }
0x138: {  	_ =	sdelay $0x2  }
0x139: {  	s0 =	rddreg [dreg:$0x5]  }
.LBB2_6:
0x13a: {  	s0 =	smul.u32 $0xC80, s31;
	_ =	sdelay $0x1  }
0x13b: {  	s0 =	sadd.s32 s16, s0  }
0x13c: {  	s0 =	sshrl.u32 s0, $0x3  }
0x13d: {  	s8 =	sadd.s32 s1, s0  }
0x13e: {  	[tilespmem:s24], [sflag:$0x2] =	stream.linear.gather [hbm4b:s8+s30], $0xC80, $0x38;
	[tilespmem:$0x1CB80] =	vst v63  }
0x13f: {  	_ =	swait.ge [sflag:s23], $0xC80  }
0x140: {  	[sflag:s23] =	ssyncset.done $0x0  }
0x141: {  	s19 =	sadd.s32 s5, s0;
	[sflag:s23] =	ssyncadd.s32 $0xFFFFF380  }
0x142: {  	[tilespmem:s25], [sflag:$0x2] =	stream.linear.gather [hbm4b:s19+s30], $0xC80, $0x38;
	[tilespmem:$0x1CB80] =	vst v63  }
0x143: {  	_ =	swait.ge [sflag:s23], $0xC80  }
0x144: {  	[sflag:s23] =	ssyncset.done $0x0  }
0x145: {  	s20 =	sadd.s32 s6, s0;
	s0 =	simm.s32 $0x1B100;
	[sflag:s23] =	ssyncadd.s32 $0xFFFFF380  }
0x146: {  	[tilespmem:s0], [sflag:$0x2] =	stream.linear.gather [hbm4b:s20+s30], $0xC80, $0x38;
	[tilespmem:$0x1CB80] =	vst v63  }
0x147: {  	_ =	swait.ge [sflag:s23], $0xC80  }
0x148: {  	[sflag:s23] =	ssyncset.done $0x0  }
0x149: {  	s17 =	simm.s32 $0x0;
	[sflag:s23] =	ssyncadd.s32 $0xFFFFF380  }
.LBB2_7:
0x14a: {  	s19 =	sshll.u32 s17, $0x7  }
0x14b: {  	s8 =	sadd.s32 $0x1A480, s19  }
0x14c: {  	[tilespmem:s28], [sflag:$0x1] =	stream.indirect.gather [hbm4b:s4+s26], $0x20, s8, s26, $0xb8;
	[tilespmem:$0x1CB80] =	vst v63  }
0x14d: {  	_ =	swait.ge [sflag:s29], $0x1000  }
0x14e: {  	[sflag:s29] =	ssyncset.done $0x0  }
0x14f: {  	s12 =	simm.s32 $0x19580;
	[sflag:s29] =	ssyncadd.s32 $0xFFFFF000  }
0x150: {  	v7 =	vld [tilespmem:s12+$0xFFFFFFA0]  }
0x151: {  	v4 =	vld [tilespmem:s12+$0xFFFFFFF0]  }
0x152: {  	v1 =	vld [tilespmem:s12+$0xFFFFFF60]  }
0x153: {  	v5 =	vmov s0;
	v8 =	vld [tilespmem:s12+$0xFFFFFFD0]  }
0x154: {  	v9 =	vld [tilespmem:s12+$0x80]  }
0x155: {  	v12 =	vld [tilespmem:s12+$0xFFFFFF10]  }
0x156: {  	v16 =	vld [tilespmem:s12+$0xE0]  }
0x157: {  	s20 =	simm.s32 $0x0;
	v11 =	vld [tilespmem:s12+$0xFFFFFF40]  }
0x158: {  	v2 =	vld.idx.msk [tilespmem:v5+s20+$0x0 ss:$0x1], $0xffff  }
0x159: {  	v3 =	vld [tilespmem:s12+$0xFFFFFF90]  }
0x15a: {  	v10 =	vld [tilespmem:s12+$0xFFFFFFC0]  }
0x15b: {  	v13 =	vld [tilespmem:s12+$0xFFFFFF00]  }
0x15c: {  	v14 =	vld [tilespmem:s12+$0xD0]  }
0x15d: {  	v23 =	vld [tilespmem:s12+$0xC0]  }
0x15e: {  	v21 =	vld [tilespmem:s12+$0x90];
	v19 =	vbroadcast v2, $0x0;
	v6 =	vbroadcast v2, $0xF  }
0x15f: {  	v22 =	vld [tilespmem:s12+$0xFFFFFF50];
	v20 =	vbroadcast v2, $0x2;
	v18 =	vbroadcast v2, $0xE  }
0x160: {  	v17 =	vld [tilespmem:s12+$0xB0];
	v15 =	vbroadcast v2, $0xC;
	v25 =	vmul.f32 v19, v13  }
0x161: {  	s14 =	simm.s32 $0x40;
	s8 =	simm.s32 $0x19580;
	v13 =	vbroadcast v2, $0xD;
	v24 =	vmul.f32 v11, v20;
	v11 =	vld [tilespmem:s12+$0x60]  }
.LBB2_8:
0x162: {  	p1 =	sne.s32 s14, $0x1C0  }
0x163: {  	[tilespmem:s12+$0xFFFFFF00] =	vst v25;
	v25 =	vld [tilespmem:s12+$0xFFFFFFB0];
	v23 =	vmul.f32 v23, v18;
	v16 =	vmul.f32 v16, v6;
	s8 =	sadd.s32 $0x200, s8;
	s20 =	smov.u32 s14;
	s14 =	sadd.s32 $0x40, s14  }
0x164: {  	[tilespmem:s12+$0xFFFFFF40] =	vst v24;
	v24 =	vbroadcast v2, $0xA;
	v21 =	vmul.f32 v21, v15;
	v26 =	vld [tilespmem:s12+$0xA0]  }
0x165: {  	v12 =	vmul.f32 v12, v19;
	v19 =	vmul.f32 v22, v20;
	v20 =	vld [tilespmem:s12+$0x70];
	[tilespmem:s12+$0xE0] =	vst v16  }
0x166: {  	v16 =	vbroadcast v2, $0x5;
	v22 =	vld [tilespmem:s12+$0xFFFFFFE0];
	v17 =	vmul.f32 v17, v13;
	[tilespmem:s12+$0xC0] =	vst v23  }
0x167: {  	v14 =	vmul.f32 v14, v18;
	[tilespmem:s12+$0xFFFFFF10] =	vst v12;
	v12 =	vbroadcast v2, $0x6;
	v23 =	vld [tilespmem:s12+$0x40]  }
0x168: {  	v27 =	vbroadcast v2, $0xB;
	v7 =	vmul.f32 v7, v16;
	v18 =	vld [tilespmem:s12+$0xFFFFFF20];
	[tilespmem:s12+$0x90] =	vst v21  }
0x169: {  	v21 =	vbroadcast v2, $0x9;
	[tilespmem:s12+$0xFFFFFF50] =	vst v19;
	v19 =	vld [tilespmem:s12+$0x20];
	v13 =	vmul.f32 v26, v13  }
0x16a: {  	v16 =	vmul.f32 v25, v16;
	v25 =	vld [tilespmem:s12+$0x50];
	v20 =	vmul.f32 v20, v27;
	[tilespmem:s12+$0xD0] =	vst v14  }
0x16b: {  	v9 =	vmul.f32 v9, v15;
	v14 =	vbroadcast v2, $0x7;
	v26 =	vld [tilespmem:s12+$0x30];
	[tilespmem:s12+$0xA0] =	vst v13  }
0x16c: {  	v10 =	vmul.f32 v10, v12;
	v13 =	vbroadcast v2, $0x3;
	v15 =	vld [tilespmem:s12+$0x0];
	[tilespmem:s12+$0x70] =	vst v20  }
0x16d: {  	v11 =	vmul.f32 v11, v27;
	v8 =	vmul.f32 v8, v12;
	v12 =	vld [tilespmem:s12+$0x10];
	[tilespmem:s12+$0x80] =	vst v9  }
0x16e: {  	v20 =	vbroadcast v2, $0x8;
	v23 =	vmul.f32 v23, v24;
	v9 =	vld [tilespmem:s12+$0xFFFFFF30];
	[tilespmem:s12+$0xB0] =	vst v17  }
0x16f: {  	v17 =	vbroadcast v2, $0x1;
	v27 =	vld [tilespmem:s12+$0xFFFFFF70];
	[tilespmem:s12+$0xFFFFFFD0] =	vst v8;
	v24 =	vmul.f32 v25, v24  }
0x170: {  	v4 =	vmul.f32 v4, v14;
	v8 =	vmul.f32 v22, v14;
	[tilespmem:s12+$0xFFFFFFC0] =	vst v10;
	v10 =	vld [tilespmem:s12+$0xF0]  }
0x171: {  	v22 =	vmul.f32 v26, v21;
	v14 =	vld [tilespmem:s12+$0xFFFFFF80];
	[tilespmem:s12+$0xFFFFFFA0] =	vst v7;
	v15 =	vmul.f32 v15, v20  }
0x172: {  	v7 =	vld [tilespmem:s8+$0xFFFFFFA0];
	[tilespmem:s12+$0xFFFFFFF0] =	vst v4;
	v20 =	vmul.f32 v12, v20;
	v12 =	vmul.f32 v19, v21  }
0x173: {  	v4 =	vmul.f32 v18, v17;
	v17 =	vmul.f32 v9, v17;
	[tilespmem:s12+$0x60] =	vst v11  }
0x174: {  	v1 =	vmul.f32 v1, v13;
	v9 =	vmul.f32 v27, v13;
	[tilespmem:s12+$0xFFFFFFB0] =	vst v16  }
0x175: {  	v2 =	vbroadcast v2, $0x4;
	[tilespmem:s12+$0xFFFFFF20] =	vst v4;
	v4 =	vmul.f32 v10, v6  }
0x176: {  	[tilespmem:s12+$0xFFFFFF60] =	vst v1  }
0x177: {  	v6 =	vmul.f32 v14, v2;
	v1 =	vmul.f32 v3, v2;
	[tilespmem:s12+$0x40] =	vst v23  }
0x178: {  	[tilespmem:s12+$0xFFFFFFE0] =	vst v8  }
0x179: {  	[tilespmem:s12+$0xF0] =	vst v4  }
0x17a: {  	[tilespmem:s12+$0xFFFFFF90] =	vst v1  }
0x17b: {  	[tilespmem:s12+$0xFFFFFF70] =	vst v9  }
0x17c: {  	v4 =	vld [tilespmem:s8+$0xFFFFFFF0];
	[tilespmem:s12+$0x20] =	vst v12  }
0x17d: {  	v1 =	vld [tilespmem:s8+$0xFFFFFF60];
	[tilespmem:s12+$0x30] =	vst v22  }
0x17e: {  	v8 =	vld [tilespmem:s8+$0xFFFFFFD0];
	[tilespmem:s12+$0xFFFFFF80] =	vst v6  }
0x17f: {  	v9 =	vld [tilespmem:s8+$0x80];
	[tilespmem:s12+$0x50] =	vst v24  }
0x180: {  	v12 =	vld [tilespmem:s8+$0xFFFFFF10];
	[tilespmem:s12+$0x0] =	vst v15  }
0x181: {  	v16 =	vld [tilespmem:s8+$0xE0];
	[tilespmem:s12+$0xFFFFFF30] =	vst v17  }
0x182: {  	s15 =	sshra.s32 s20, $0x2;
	v11 =	vld [tilespmem:s8+$0xFFFFFF40];
	[tilespmem:s12+$0x10] =	vst v20;
	s12 =	smov.u32 s8  }
0x183: {  	v2 =	vld.idx.msk [tilespmem:v5+s15+$0x0 ss:$0x1], $0xffff  }
0x184: {  	v3 =	vld [tilespmem:s8+$0xFFFFFF90]  }
0x185: {  	v10 =	vld [tilespmem:s8+$0xFFFFFFC0]  }
0x186: {  	v13 =	vld [tilespmem:s8+$0xFFFFFF00]  }
0x187: {  	v14 =	vld [tilespmem:s8+$0xD0]  }
.Ltmp13:
0x188: {  	v23 =	vld [tilespmem:s8+$0xC0];
	(pc) =	sbr.rel @p1 .LBB2_8-.Ltmp13, $4  }
0x189: {  	v19 =	vbroadcast v2, $0x0;
	v6 =	vbroadcast v2, $0xF;
	v21 =	vld [tilespmem:s8+$0x90]  }
0x18a: {  	v20 =	vbroadcast v2, $0x2;
	v18 =	vbroadcast v2, $0xE;
	v22 =	vld [tilespmem:s8+$0xFFFFFF50]  }
0x18b: {  	v25 =	vmul.f32 v19, v13;
	v13 =	vbroadcast v2, $0xD;
	v17 =	vld [tilespmem:s8+$0xB0]  }
0x18c: {  	v15 =	vbroadcast v2, $0xC;
	v24 =	vmul.f32 v11, v20;
	v11 =	vld [tilespmem:s8+$0x60]  }
0x18d: {  	[tilespmem:s12+$0xFFFFFF00] =	vst v25;
	v5 =	vmul.f32 v16, v6  }
0x18e: {  	v30 =	vmul.f32 v23, v18;
	[tilespmem:s12+$0xFFFFFF40] =	vst v24  }
0x18f: {  	v12 =	vmul.f32 v12, v19;
	[tilespmem:s12+$0xE0] =	vst v5  }
0x190: {  	v35 =	vmul.f32 v14, v18;
	[tilespmem:s12+$0xC0] =	vst v30  }
0x191: {  	v33 =	vmul.f32 v21, v15;
	[tilespmem:s12+$0xFFFFFF10] =	vst v12  }
0x192: {  	v41 =	vbroadcast v2, $0x6;
	v9 =	vmul.f32 v9, v15;
	[tilespmem:s12+$0xD0] =	vst v35  }
0x193: {  	v20 =	vmul.f32 v22, v20;
	[tilespmem:s12+$0x90] =	vst v33  }
0x194: {  	v45 =	vbroadcast v2, $0x5;
	v8 =	vmul.f32 v8, v41;
	[tilespmem:s12+$0x80] =	vst v9  }
0x195: {  	v47 =	vbroadcast v2, $0x7;
	v10 =	vmul.f32 v10, v41;
	[tilespmem:s12+$0xFFFFFF50] =	vst v20  }
0x196: {  	v54 =	vbroadcast v2, $0x3;
	v7 =	vmul.f32 v7, v45;
	[tilespmem:s12+$0xFFFFFFD0] =	vst v8  }
0x197: {  	v31 =	vld [tilespmem:s12+$0xA0];
	v59 =	vbroadcast v2, $0x4;
	v4 =	vmul.f32 v4, v47;
	[tilespmem:s12+$0xFFFFFFC0] =	vst v10  }
0x198: {  	v32 =	vld [tilespmem:s12+$0x70];
	v1 =	vmul.f32 v1, v54;
	[tilespmem:s12+$0xFFFFFFA0] =	vst v7  }
0x199: {  	v34 =	vld [tilespmem:s12+$0xFFFFFFB0];
	v37 =	vbroadcast v2, $0xB;
	v3 =	vmul.f32 v3, v59;
	[tilespmem:s12+$0xFFFFFFF0] =	vst v4  }
0x19a: {  	v36 =	vld [tilespmem:s12+$0xFFFFFF20];
	v43 =	vmul.f32 v17, v13;
	[tilespmem:s12+$0xFFFFFF60] =	vst v1  }
0x19b: {  	v40 =	vld [tilespmem:s12+$0x40];
	v11 =	vmul.f32 v11, v37;
	[tilespmem:s12+$0xFFFFFF90] =	vst v3  }
0x19c: {  	v38 =	vld [tilespmem:s12+$0xFFFFFFE0];
	v39 =	vmul.f32 v31, v13;
	[tilespmem:s12+$0xB0] =	vst v43  }
0x19d: {  	v52 =	vbroadcast v2, $0x1;
	v55 =	vld [tilespmem:s12+$0xF0];
	v19 =	vmul.f32 v32, v37;
	[tilespmem:s12+$0x60] =	vst v11  }
0x19e: {  	v49 =	vld [tilespmem:s12+$0xFFFFFF70];
	v56 =	vbroadcast v2, $0xA;
	v53 =	vmul.f32 v34, v45;
	[tilespmem:s12+$0xA0] =	vst v39  }
0x19f: {  	v46 =	vld [tilespmem:s12+$0x30];
	v14 =	vmul.f32 v36, v52;
	[tilespmem:s12+$0x70] =	vst v19  }
0x1a0: {  	v50 =	vld [tilespmem:s12+$0xFFFFFF80];
	v58 =	vmul.f32 v40, v56;
	[tilespmem:s12+$0xFFFFFFB0] =	vst v53  }
0x1a1: {  	v44 =	vld [tilespmem:s12+$0x20];
	v5 =	vmul.f32 v38, v47;
	[tilespmem:s12+$0xFFFFFF20] =	vst v14  }
0x1a2: {  	v57 =	vld [tilespmem:s12+$0xFFFFFF30];
	v60 =	vbroadcast v2, $0x9;
	v1 =	vmul.f32 v55, v6;
	[tilespmem:s12+$0x40] =	vst v58  }
0x1a3: {  	v42 =	vld [tilespmem:s12+$0x50];
	v61 =	vmul.f32 v49, v54;
	[tilespmem:s12+$0xFFFFFFE0] =	vst v5  }
0x1a4: {  	v48 =	vld [tilespmem:s12+$0x0];
	v3 =	vmul.f32 v46, v60;
	[tilespmem:s12+$0xF0] =	vst v1  }
0x1a5: {  	v51 =	vld [tilespmem:s12+$0x10];
	v62 =	vmul.f32 v50, v59;
	[tilespmem:s12+$0xFFFFFF70] =	vst v61  }
0x1a6: {  	v1 =	vmul.f32 v44, v60;
	[tilespmem:s12+$0x30] =	vst v3  }
0x1a7: {  	v2 =	vbroadcast v2, $0x8;
	v63 =	vmul.f32 v57, v52;
	[tilespmem:s12+$0xFFFFFF80] =	vst v62  }
0x1a8: {  	[tilespmem:s12+$0x20] =	vst v1;
	v1 =	vmul.f32 v42, v56  }
0x1a9: {  	v3 =	vmul.f32 v48, v2;
	[tilespmem:s12+$0xFFFFFF30] =	vst v63  }
0x1aa: {  	s17 =	sadd.s32 $0x1, s17;
	[tilespmem:s12+$0x50] =	vst v1;
	v1 =	vmul.f32 v51, v2  }
0x1ab: {  	p1 =	sne.s32 s17, $0x19;
	[tilespmem:s12+$0x0] =	vst v3  }
.Ltmp14:
0x1ac: {  	s8 =	sadd.s32 $0x18800, s19;
	[tilespmem:s12+$0x10] =	vst v1;
	(pc) =	sbr.rel @p1 .LBB2_7-.Ltmp14, $4  }
0x1ad: {  	[spmem:s2] =	stream.indirect.scatter.add.f32 [tilespmem:s28], [sflag:$0x2], $0x20, s8, s26, $0xb8;
	[tilespmem:$0x1CB80] =	vst v63  }
0x1ae: {  	_ =	swait.ge [sflag:s23], $0x1000  }
0x1af: {  	[sflag:s23] =	ssyncset.done $0x0  }
0x1b0: {  	s0 =	sadd.s32 $0x80, s0;
	[sflag:s23] =	ssyncadd.s32 $0xFFFFF000  }
0x1b1: {  	s31 =	sadd.s32 $0x1, s31  }
0x1b2: {  	p1 =	sne.s32 s31, $0x10  }
.Ltmp15:
0x1b3: {  	_ = 	snop;
	(pc) =	sbr.rel @p1 .LBB2_6-.Ltmp15, $1  }
0x1b4: {  	_ =	sdelay $0x3  }
0x1b5: {  	s0 =	stileid.u32  }
0x1b6: {  	[bflag:$0x0] =	sbarrier.arrive $0xFFFF;
	s0 =	sshll.u32 s0, $0x6  }
0x1b7: {  	s20 =	sshrl.u32 s18, $0x3;
	s8 =	rddreg [dreg:$0x7];
	s30 =	sor.u32 $0x1C02, s0  }
0x1b8: {  	[hbm:s8], [sflag:s30] =	dma.local [spmem:s20], $0x3100  }
0x1b9: {  	_ =	swait.ge [sflag:s23], $0x3100  }
0x1ba: {  	[sflag:s23] =	ssyncset.done $0x0  }
0x1bb: {  	s31 =	sadd.s32 $0x0, s21;
	[sflag:s23] =	ssyncadd.s32 $0xFFFFCF00  }
0x1bc: {  	[spmem:s31] =	stream.linear.scatter [tilespmem:s22], [sflag:$0x2], $0xE00, $0x38;
	[tilespmem:$0x1CB80] =	vst v63  }
0x1bd: {  	s0 =	simm.s32 $0x3800;
	_ =	swait.ge [sflag:s23], $0xE00  }
.LBB2_12:
0x1be: {  	s8 =	sshra.s32 s0, $0x2;
	[sflag:s23] =	ssyncset.done $0x0;
	p1 =	sne.s32 s0, $0x5E800  }
.Ltmp16:
0x1bf: {  	s8 =	sadd.s32 s8, s21;
	[sflag:s23] =	ssyncadd.s32 $0xFFFFF200;
	(pc) =	sbr.rel @p1 .LBB2_12-.Ltmp16, $3  }
0x1c0: {  	[spmem:s8] =	stream.linear.scatter [tilespmem:s22], [sflag:$0x2], $0xE00, $0x38;
	[tilespmem:$0x1CB80] =	vst v63  }
0x1c1: {  	s0 =	sadd.s32 $0x3800, s0;
	_ =	sdelay $0x1  }
0x1c2: {  	_ =	swait.ge [sflag:s23], $0xE00  }
0x1c3: {  	[sflag:s23] =	ssyncset.done $0x0  }
0x1c4: {  	[sflag:s23] =	ssyncadd.s32 $0xFFFFF200  }
0x1c5: {  	s0 =	simm.s32 $0x0;
	s31 =	simm.s32 $0x0;
	[bflag:$0x0] =	sbarrier.arrive $0xFFFF  }
.LBB2_14:
0x1c6: {  	s8 =	smul.u32 $0xC80, s31;
	_ =	sdelay $0x1  }
0x1c7: {  	s8 =	sadd.s32 s16, s8  }
0x1c8: {  	s8 =	sshrl.u32 s8, $0x3  }
0x1c9: {  	s12 =	sadd.s32 s1, s8  }
0x1ca: {  	[tilespmem:s24], [sflag:$0x2] =	stream.linear.gather [hbm4b:s12+s0], $0xC80, $0x38;
	[tilespmem:$0x1CB80] =	vst v63  }
0x1cb: {  	_ =	swait.ge [sflag:s23], $0xC80  }
0x1cc: {  	[sflag:s23] =	ssyncset.done $0x0  }
0x1cd: {  	s20 =	sadd.s32 s5, s8;
	[sflag:s23] =	ssyncadd.s32 $0xFFFFF380  }
0x1ce: {  	[tilespmem:s25], [sflag:$0x2] =	stream.linear.gather [hbm4b:s20+s0], $0xC80, $0x38;
	[tilespmem:$0x1CB80] =	vst v63  }
0x1cf: {  	_ =	swait.ge [sflag:s23], $0xC80  }
0x1d0: {  	[sflag:s23] =	ssyncset.done $0x0  }
0x1d1: {  	s17 =	simm.s32 $0x1B100;
	s8 =	sadd.s32 s6, s8;
	[sflag:s23] =	ssyncadd.s32 $0xFFFFF380  }
0x1d2: {  	[tilespmem:s17], [sflag:$0x2] =	stream.linear.gather [hbm4b:s8+s0], $0xC80, $0x38;
	[tilespmem:$0x1CB80] =	vst v63  }
0x1d3: {  	_ =	swait.ge [sflag:s23], $0xC80  }
0x1d4: {  	[sflag:s23] =	ssyncset.done $0x0  }
0x1d5: {  	s19 =	simm.s32 $0x0;
	[sflag:s23] =	ssyncadd.s32 $0xFFFFF380  }
.LBB2_15:
0x1d6: {  	s12 =	sshll.u32 s19, $0x7  }
0x1d7: {  	s8 =	sadd.s32 $0x1A480, s12  }
0x1d8: {  	[tilespmem:s28], [sflag:$0x1] =	stream.indirect.gather [hbm4b:s11+s26], $0x20, s8, s26, $0xb8;
	[tilespmem:$0x1CB80] =	vst v63  }
0x1d9: {  	_ =	swait.ge [sflag:s29], $0x1000  }
0x1da: {  	[sflag:s29] =	ssyncset.done $0x0  }
0x1db: {  	s14 =	simm.s32 $0x19580;
	[sflag:s29] =	ssyncadd.s32 $0xFFFFF000  }
0x1dc: {  	v7 =	vld [tilespmem:s14+$0xFFFFFFA0]  }
0x1dd: {  	v4 =	vld [tilespmem:s14+$0xFFFFFFF0]  }
0x1de: {  	v1 =	vld [tilespmem:s14+$0xFFFFFF60]  }
0x1df: {  	v5 =	vmov s17;
	v8 =	vld [tilespmem:s14+$0xFFFFFFD0]  }
0x1e0: {  	v9 =	vld [tilespmem:s14+$0x80]  }
0x1e1: {  	v12 =	vld [tilespmem:s14+$0xFFFFFF10]  }
0x1e2: {  	v16 =	vld [tilespmem:s14+$0xE0]  }
0x1e3: {  	s20 =	simm.s32 $0x0;
	v11 =	vld [tilespmem:s14+$0xFFFFFF40]  }
0x1e4: {  	v2 =	vld.idx.msk [tilespmem:v5+s20+$0x0 ss:$0x1], $0xffff  }
0x1e5: {  	v3 =	vld [tilespmem:s14+$0xFFFFFF90]  }
0x1e6: {  	v10 =	vld [tilespmem:s14+$0xFFFFFFC0]  }
0x1e7: {  	v13 =	vld [tilespmem:s14+$0xFFFFFF00]  }
0x1e8: {  	v14 =	vld [tilespmem:s14+$0xD0]  }
0x1e9: {  	v23 =	vld [tilespmem:s14+$0xC0]  }
0x1ea: {  	v21 =	vld [tilespmem:s14+$0x90];
	v19 =	vbroadcast v2, $0x0;
	v6 =	vbroadcast v2, $0xF  }
0x1eb: {  	v22 =	vld [tilespmem:s14+$0xFFFFFF50];
	v20 =	vbroadcast v2, $0x2;
	v18 =	vbroadcast v2, $0xE  }
0x1ec: {  	v17 =	vld [tilespmem:s14+$0xB0];
	v15 =	vbroadcast v2, $0xC;
	v25 =	vmul.f32 v19, v13  }
0x1ed: {  	s8 =	simm.s32 $0x40;
	s20 =	simm.s32 $0x19580;
	v13 =	vbroadcast v2, $0xD;
	v24 =	vmul.f32 v11, v20;
	v11 =	vld [tilespmem:s14+$0x60]  }
.LBB2_16:
0x1ee: {  	p1 =	sne.s32 s8, $0x1C0  }
0x1ef: {  	[tilespmem:s14+$0xFFFFFF00] =	vst v25;
	v25 =	vld [tilespmem:s14+$0xFFFFFFB0];
	v23 =	vmul.f32 v23, v18;
	v16 =	vmul.f32 v16, v6;
	s20 =	sadd.s32 $0x200, s20;
	s15 =	smov.u32 s8;
	s8 =	sadd.s32 $0x40, s8  }
0x1f0: {  	[tilespmem:s14+$0xFFFFFF40] =	vst v24;
	v24 =	vbroadcast v2, $0xA;
	v21 =	vmul.f32 v21, v15;
	v26 =	vld [tilespmem:s14+$0xA0]  }
0x1f1: {  	v12 =	vmul.f32 v12, v19;
	v19 =	vmul.f32 v22, v20;
	v20 =	vld [tilespmem:s14+$0x70];
	[tilespmem:s14+$0xE0] =	vst v16  }
0x1f2: {  	v16 =	vbroadcast v2, $0x5;
	v22 =	vld [tilespmem:s14+$0xFFFFFFE0];
	v17 =	vmul.f32 v17, v13;
	[tilespmem:s14+$0xC0] =	vst v23  }
0x1f3: {  	v14 =	vmul.f32 v14, v18;
	[tilespmem:s14+$0xFFFFFF10] =	vst v12;
	v12 =	vbroadcast v2, $0x6;
	v23 =	vld [tilespmem:s14+$0x40]  }
0x1f4: {  	v27 =	vbroadcast v2, $0xB;
	v7 =	vmul.f32 v7, v16;
	v18 =	vld [tilespmem:s14+$0xFFFFFF20];
	[tilespmem:s14+$0x90] =	vst v21  }
0x1f5: {  	v21 =	vbroadcast v2, $0x9;
	[tilespmem:s14+$0xFFFFFF50] =	vst v19;
	v19 =	vld [tilespmem:s14+$0x20];
	v13 =	vmul.f32 v26, v13  }
0x1f6: {  	v16 =	vmul.f32 v25, v16;
	v25 =	vld [tilespmem:s14+$0x50];
	v20 =	vmul.f32 v20, v27;
	[tilespmem:s14+$0xD0] =	vst v14  }
0x1f7: {  	v9 =	vmul.f32 v9, v15;
	v14 =	vbroadcast v2, $0x7;
	v26 =	vld [tilespmem:s14+$0x30];
	[tilespmem:s14+$0xA0] =	vst v13  }
0x1f8: {  	v10 =	vmul.f32 v10, v12;
	v13 =	vbroadcast v2, $0x3;
	v15 =	vld [tilespmem:s14+$0x0];
	[tilespmem:s14+$0x70] =	vst v20  }
0x1f9: {  	v11 =	vmul.f32 v11, v27;
	v8 =	vmul.f32 v8, v12;
	v12 =	vld [tilespmem:s14+$0x10];
	[tilespmem:s14+$0x80] =	vst v9  }
0x1fa: {  	v20 =	vbroadcast v2, $0x8;
	v23 =	vmul.f32 v23, v24;
	v9 =	vld [tilespmem:s14+$0xFFFFFF30];
	[tilespmem:s14+$0xB0] =	vst v17  }
0x1fb: {  	v17 =	vbroadcast v2, $0x1;
	v27 =	vld [tilespmem:s14+$0xFFFFFF70];
	[tilespmem:s14+$0xFFFFFFD0] =	vst v8;
	v24 =	vmul.f32 v25, v24  }
0x1fc: {  	v4 =	vmul.f32 v4, v14;
	v8 =	vmul.f32 v22, v14;
	[tilespmem:s14+$0xFFFFFFC0] =	vst v10;
	v10 =	vld [tilespmem:s14+$0xF0]  }
0x1fd: {  	v22 =	vmul.f32 v26, v21;
	v14 =	vld [tilespmem:s14+$0xFFFFFF80];
	[tilespmem:s14+$0xFFFFFFA0] =	vst v7;
	v15 =	vmul.f32 v15, v20  }
0x1fe: {  	v7 =	vld [tilespmem:s20+$0xFFFFFFA0];
	[tilespmem:s14+$0xFFFFFFF0] =	vst v4;
	v20 =	vmul.f32 v12, v20;
	v12 =	vmul.f32 v19, v21  }
0x1ff: {  	v4 =	vmul.f32 v18, v17;
	v17 =	vmul.f32 v9, v17;
	[tilespmem:s14+$0x60] =	vst v11  }
0x200: {  	v1 =	vmul.f32 v1, v13;
	v9 =	vmul.f32 v27, v13;
	[tilespmem:s14+$0xFFFFFFB0] =	vst v16  }
0x201: {  	v2 =	vbroadcast v2, $0x4;
	[tilespmem:s14+$0xFFFFFF20] =	vst v4;
	v4 =	vmul.f32 v10, v6  }
0x202: {  	[tilespmem:s14+$0xFFFFFF60] =	vst v1  }
0x203: {  	v6 =	vmul.f32 v14, v2;
	v1 =	vmul.f32 v3, v2;
	[tilespmem:s14+$0x40] =	vst v23  }
0x204: {  	[tilespmem:s14+$0xFFFFFFE0] =	vst v8  }
0x205: {  	[tilespmem:s14+$0xF0] =	vst v4  }
0x206: {  	[tilespmem:s14+$0xFFFFFF90] =	vst v1  }
0x207: {  	[tilespmem:s14+$0xFFFFFF70] =	vst v9  }
0x208: {  	v4 =	vld [tilespmem:s20+$0xFFFFFFF0];
	[tilespmem:s14+$0x20] =	vst v12  }
0x209: {  	v1 =	vld [tilespmem:s20+$0xFFFFFF60];
	[tilespmem:s14+$0x30] =	vst v22  }
0x20a: {  	v8 =	vld [tilespmem:s20+$0xFFFFFFD0];
	[tilespmem:s14+$0xFFFFFF80] =	vst v6  }
0x20b: {  	v9 =	vld [tilespmem:s20+$0x80];
	[tilespmem:s14+$0x50] =	vst v24  }
0x20c: {  	v12 =	vld [tilespmem:s20+$0xFFFFFF10];
	[tilespmem:s14+$0x0] =	vst v15  }
0x20d: {  	v16 =	vld [tilespmem:s20+$0xE0];
	[tilespmem:s14+$0xFFFFFF30] =	vst v17  }
0x20e: {  	s15 =	sshra.s32 s15, $0x2;
	v11 =	vld [tilespmem:s20+$0xFFFFFF40];
	[tilespmem:s14+$0x10] =	vst v20;
	s14 =	smov.u32 s20  }
0x20f: {  	v2 =	vld.idx.msk [tilespmem:v5+s15+$0x0 ss:$0x1], $0xffff  }
0x210: {  	v3 =	vld [tilespmem:s20+$0xFFFFFF90]  }
0x211: {  	v10 =	vld [tilespmem:s20+$0xFFFFFFC0]  }
0x212: {  	v13 =	vld [tilespmem:s20+$0xFFFFFF00]  }
0x213: {  	v14 =	vld [tilespmem:s20+$0xD0]  }
.Ltmp17:
0x214: {  	v23 =	vld [tilespmem:s20+$0xC0];
	(pc) =	sbr.rel @p1 .LBB2_16-.Ltmp17, $4  }
0x215: {  	v19 =	vbroadcast v2, $0x0;
	v6 =	vbroadcast v2, $0xF;
	v21 =	vld [tilespmem:s20+$0x90]  }
0x216: {  	v20 =	vbroadcast v2, $0x2;
	v18 =	vbroadcast v2, $0xE;
	v22 =	vld [tilespmem:s20+$0xFFFFFF50]  }
0x217: {  	v25 =	vmul.f32 v19, v13;
	v13 =	vbroadcast v2, $0xD;
	v17 =	vld [tilespmem:s20+$0xB0]  }
0x218: {  	v15 =	vbroadcast v2, $0xC;
	v24 =	vmul.f32 v11, v20;
	v11 =	vld [tilespmem:s20+$0x60]  }
0x219: {  	[tilespmem:s14+$0xFFFFFF00] =	vst v25;
	v5 =	vmul.f32 v16, v6  }
0x21a: {  	v30 =	vmul.f32 v23, v18;
	[tilespmem:s14+$0xFFFFFF40] =	vst v24  }
0x21b: {  	v12 =	vmul.f32 v12, v19;
	[tilespmem:s14+$0xE0] =	vst v5  }
0x21c: {  	v35 =	vmul.f32 v14, v18;
	[tilespmem:s14+$0xC0] =	vst v30  }
0x21d: {  	v33 =	vmul.f32 v21, v15;
	[tilespmem:s14+$0xFFFFFF10] =	vst v12  }
0x21e: {  	v41 =	vbroadcast v2, $0x6;
	v9 =	vmul.f32 v9, v15;
	[tilespmem:s14+$0xD0] =	vst v35  }
0x21f: {  	v20 =	vmul.f32 v22, v20;
	[tilespmem:s14+$0x90] =	vst v33  }
0x220: {  	v45 =	vbroadcast v2, $0x5;
	v8 =	vmul.f32 v8, v41;
	[tilespmem:s14+$0x80] =	vst v9  }
0x221: {  	v47 =	vbroadcast v2, $0x7;
	v10 =	vmul.f32 v10, v41;
	[tilespmem:s14+$0xFFFFFF50] =	vst v20  }
0x222: {  	v54 =	vbroadcast v2, $0x3;
	v7 =	vmul.f32 v7, v45;
	[tilespmem:s14+$0xFFFFFFD0] =	vst v8  }
0x223: {  	v31 =	vld [tilespmem:s14+$0xA0];
	v59 =	vbroadcast v2, $0x4;
	v4 =	vmul.f32 v4, v47;
	[tilespmem:s14+$0xFFFFFFC0] =	vst v10  }
0x224: {  	v32 =	vld [tilespmem:s14+$0x70];
	v1 =	vmul.f32 v1, v54;
	[tilespmem:s14+$0xFFFFFFA0] =	vst v7  }
0x225: {  	v34 =	vld [tilespmem:s14+$0xFFFFFFB0];
	v37 =	vbroadcast v2, $0xB;
	v3 =	vmul.f32 v3, v59;
	[tilespmem:s14+$0xFFFFFFF0] =	vst v4  }
0x226: {  	v36 =	vld [tilespmem:s14+$0xFFFFFF20];
	v43 =	vmul.f32 v17, v13;
	[tilespmem:s14+$0xFFFFFF60] =	vst v1  }
0x227: {  	v40 =	vld [tilespmem:s14+$0x40];
	v11 =	vmul.f32 v11, v37;
	[tilespmem:s14+$0xFFFFFF90] =	vst v3  }
0x228: {  	v38 =	vld [tilespmem:s14+$0xFFFFFFE0];
	v39 =	vmul.f32 v31, v13;
	[tilespmem:s14+$0xB0] =	vst v43  }
0x229: {  	v52 =	vbroadcast v2, $0x1;
	v55 =	vld [tilespmem:s14+$0xF0];
	v19 =	vmul.f32 v32, v37;
	[tilespmem:s14+$0x60] =	vst v11  }
0x22a: {  	v49 =	vld [tilespmem:s14+$0xFFFFFF70];
	v56 =	vbroadcast v2, $0xA;
	v53 =	vmul.f32 v34, v45;
	[tilespmem:s14+$0xA0] =	vst v39  }
0x22b: {  	v46 =	vld [tilespmem:s14+$0x30];
	v14 =	vmul.f32 v36, v52;
	[tilespmem:s14+$0x70] =	vst v19  }
0x22c: {  	v50 =	vld [tilespmem:s14+$0xFFFFFF80];
	v58 =	vmul.f32 v40, v56;
	[tilespmem:s14+$0xFFFFFFB0] =	vst v53  }
0x22d: {  	v44 =	vld [tilespmem:s14+$0x20];
	v5 =	vmul.f32 v38, v47;
	[tilespmem:s14+$0xFFFFFF20] =	vst v14  }
0x22e: {  	v57 =	vld [tilespmem:s14+$0xFFFFFF30];
	v60 =	vbroadcast v2, $0x9;
	v1 =	vmul.f32 v55, v6;
	[tilespmem:s14+$0x40] =	vst v58  }
0x22f: {  	v42 =	vld [tilespmem:s14+$0x50];
	v61 =	vmul.f32 v49, v54;
	[tilespmem:s14+$0xFFFFFFE0] =	vst v5  }
0x230: {  	v48 =	vld [tilespmem:s14+$0x0];
	v3 =	vmul.f32 v46, v60;
	[tilespmem:s14+$0xF0] =	vst v1  }
0x231: {  	v51 =	vld [tilespmem:s14+$0x10];
	v62 =	vmul.f32 v50, v59;
	[tilespmem:s14+$0xFFFFFF70] =	vst v61  }
0x232: {  	v1 =	vmul.f32 v44, v60;
	[tilespmem:s14+$0x30] =	vst v3  }
0x233: {  	v2 =	vbroadcast v2, $0x8;
	v63 =	vmul.f32 v57, v52;
	[tilespmem:s14+$0xFFFFFF80] =	vst v62  }
0x234: {  	[tilespmem:s14+$0x20] =	vst v1;
	v1 =	vmul.f32 v42, v56  }
0x235: {  	v3 =	vmul.f32 v48, v2;
	[tilespmem:s14+$0xFFFFFF30] =	vst v63  }
0x236: {  	s19 =	sadd.s32 $0x1, s19;
	[tilespmem:s14+$0x50] =	vst v1;
	v1 =	vmul.f32 v51, v2  }
0x237: {  	p1 =	sne.s32 s19, $0x19;
	[tilespmem:s14+$0x0] =	vst v3  }
.Ltmp18:
0x238: {  	s8 =	sadd.s32 $0x18800, s12;
	[tilespmem:s14+$0x10] =	vst v1;
	(pc) =	sbr.rel @p1 .LBB2_15-.Ltmp18, $4  }
0x239: {  	[spmem:s2] =	stream.indirect.scatter.add.f32 [tilespmem:s28], [sflag:$0x2], $0x20, s8, s26, $0xb8;
	[tilespmem:$0x1CB80] =	vst v63  }
0x23a: {  	_ =	swait.ge [sflag:s23], $0x1000  }
0x23b: {  	[sflag:s23] =	ssyncset.done $0x0  }
0x23c: {  	s17 =	sadd.s32 $0x80, s17;
	[sflag:s23] =	ssyncadd.s32 $0xFFFFF000  }
0x23d: {  	s31 =	sadd.s32 $0x1, s31  }
0x23e: {  	p1 =	seq.s32 s31, $0x10  }
.Ltmp19:
0x23f: {  	_ = 	snop;
	(pc) =	sbr.rel @!p1 .LBB2_14-.Ltmp19, $1  }
0x240: {  	_ =	sdelay $0x3  }
.Ltmp20:
0x241: {  	(pc) =	sbr.rel .LBB2_34-.Ltmp20, $2  }
0x242: {  	_ =	sdelay $0x2  }
0x243: {  	s0 =	rddreg [dreg:$0x4]  }
.LBB2_35:
0x244: {  	_ =	sfence.sel $0x180000  }
0x245: {  	[bflag:$0x0] =	sbarrier.arrive $0xFFFF  }
0x246: {  	_ =	strace $0x90000047  }
0x247: {  	s0 =	stileid.u32;
	[bflag:$0x2] =	sbarrier.arrive $0xFFFF  }
0x248: {  	p0 =	sne.s32 s0, $0x0;
	s0 =	rddreg [dreg:$0x3]  }
0x249: {  	s0 =	sadd.s32 @!p0 $0x100000, s0  }
0x24a: {  	[sflag:s0] =	ssyncadd.tile.s32 @!p0 $0x1;
	_ =	shalt  }
.Lfunc_end2:
_tile_overlayer_lowered:
.L_overlay_start_2:
0x24b: {  	(tag) =	ssettag $0x2  }
0x24c: {  	s0 =	rddreg [dreg:$0x0];
	s2 =	stileid.u32  }
0x24d: {  	s1 =	rddreg [dreg:$0x1];
	p0 =	sne.s32 s2, $0x0  }
0x24e: {  	s3 =	rddreg [dreg:$0x2];
	[bflag:$0x3] =	sbarrier.arrive $0xFFFF;
	s2 =	simm.s32 @!p0 $0x1C02  }
0x24f: {  	[timem:s3], [sflag:s2] =	dma.local @!p0 [hbm:s0], s1  }
0x250: {  	s0 =	simm.s32 @!p0 $0x2  }
0x251: {  	_ =	swait.ge @!p0 [sflag:s0], s1  }
0x252: {  	s1 =	ssub.s32 @!p0 $0x0, s1;
	[sflag:s0] =	ssyncset.done @!p0 $0x0  }
0x253: {  	[sflag:s0] =	ssyncadd.s32 @!p0 s1  }
0x254: {  	[bflag:$0x3] =	sbarrier.arrive $0xFFFF  }
0x255: {  	_ =	shalt  }

</sc_bundles>
